<compile_context>
chip_gen: v7x
topology: tpu7x:2x2x1
jax: 0.10.2.dev20260603
libtpu: 0.0.44.dev20260713+nightly
codegen_flags: <defaults>
</compile_context>

<pallas_src>
import functools

import jax
import jax.numpy as jnp
from jax import lax
from jax.experimental import pallas as pl
from jax.experimental.pallas import tpu as pltpu
from jax.experimental.pallas import tpu_sc as plsc

N = 10000
D = 128
E = 320000
K = 10
KP = 128
NLAYERS = 2
NC = 2
NS = 16
EP = E // NS
CW = 80
CH2 = EP // CW + 2
EPP = CH2 * CW
NH = N // 2
AROWS = NH + 8
SRT = 320
BN = 5000
NBLK = N // BN



def _seg_body(h2n, srcs, dsts, zeros, out,
              src_c, dst_c, rows, acc, sem_g, sem_s):
    c = lax.axis_index("c")
    s = lax.axis_index("s")
    pltpu.sync_copy(srcs.at[s], src_c)
    pltpu.sync_copy(dsts.at[c * NS + s], dst_c)

    def _compact(v, off):
        dvec = dst_c[pl.ds(v * 16, 16)]
        svec = src_c[pl.ds(v * 16, 16)]
        m = dvec != NH
        plsc.store_compressed(dst_c.at[pl.ds(off, 16)], dvec, mask=m)
        plsc.store_compressed(src_c.at[pl.ds(off, 16)], svec, mask=m)
        return off + jnp.sum(jnp.where(m, 1, 0), axis=0)

    cnt = lax.fori_loop(0, EPP // 16, _compact, jnp.int32(0))
    dump_d = jnp.full((16,), NH, jnp.int32)
    dump_s = jnp.zeros((16,), jnp.int32)
    for t in range(2 * CW // 16):
        dst_c[pl.ds(cnt + 16 * t, 16)] = dump_d
        src_c[pl.ds(cnt + 16 * t, 16)] = dump_s
    nch = ((cnt + 2 * CW - 1) // (2 * CW)) * 2

    def g_start(tab, jj, b):
        pltpu.async_copy(tab.at[src_c.at[pl.ds(jj * CW, CW)]], rows.at[b],
                         sem_g.at[b])

    def g_wait(tab, jj, b):
        pltpu.make_async_copy(tab.at[src_c.at[pl.ds(jj * CW, CW)]], rows.at[b],
                              sem_g.at[b]).wait()

    def s_start(jj, b):
        for k in range(CW // 16):
            idxv = dst_c[pl.ds(jj * CW + 16 * k, 16)]
            pltpu.async_copy(rows.at[b].at[pl.ds(16 * k, 16)], acc.at[idxv],
                             sem_s.at[b], add=True)

    def s_wait(jj, b):
        pltpu.make_async_copy(h2n.at[pl.ds(0, CW)], rows.at[b],
                              sem_s.at[b]).wait()

    for p in range(2):
        tab = h2n.at[pl.ds(p * N, N)]
        zoff = jnp.minimum(s * SRT, AROWS - SRT)
        pltpu.sync_copy(zeros, acc.at[pl.ds(zoff, SRT)])
        plsc.subcore_barrier()

        @pl.when(nch > 0)
        def _():
            g_start(tab, 0, 0)

        @pl.when(nch > 1)
        def _():
            g_start(tab, 1, 1)

        @pl.loop(0, CH2, step=4)
        def _(j):
            for b in range(4):
                jj = j + b

                @pl.when(jj < nch)
                def _():
                    g_wait(tab, jj, b)
                    s_start(jj, b)

                @pl.when((jj >= 2) & (jj - 2 < nch))
                def _():
                    s_wait(jj - 2, (b + 2) % 4)

                @pl.when(jj + 2 < nch)
                def _():
                    g_start(tab, jj + 2, (b + 2) % 4)

        @pl.when(nch >= CH2 - 1)
        def _():
            s_wait(CH2 - 2, (CH2 - 2) % 4)

        @pl.when(nch == CH2)
        def _():
            s_wait(CH2 - 1, (CH2 - 1) % 4)

        plsc.subcore_barrier()
        woff = jnp.minimum(s * SRT, NH - SRT)
        pltpu.sync_copy(acc.at[pl.ds(woff, SRT)],
                        out.at[pl.ds(p * N + c * NH + woff, SRT)])
        plsc.subcore_barrier()


@functools.cache
def _build_seg_sum():
    return pl.kernel(
        _seg_body,
        out_type=jax.ShapeDtypeStruct((2 * N, D), jnp.float32),
        name="gin_segment_sum",
        mesh=plsc.VectorSubcoreMesh(core_axis_name="c", subcore_axis_name="s",
                                    num_cores=NC, num_subcores=NS),
        compiler_params=pltpu.CompilerParams(needs_layout_passes=False),
        scratch_types=[
            pltpu.VMEM((EPP,), jnp.int32),
            pltpu.VMEM((EPP,), jnp.int32),
            pltpu.VMEM((4, CW, D), jnp.float32),
            pltpu.VMEM_SHARED((AROWS, D), jnp.float32),
            pltpu.SemaphoreType.DMA((4,)),
            pltpu.SemaphoreType.DMA((4,)),
        ],
    )


def _seg_sum(h2n, srcs, dsts, zeros):
    return _build_seg_sum()(h2n, srcs, dsts, zeros)



def _stats_update(st_ref, yy, j):
    @pl.when(j == 0)
    def _():
        st_ref[...] = jnp.zeros_like(st_ref)

    st_ref[...] += jnp.stack(
        [jnp.sum(yy, axis=0), jnp.sum(yy * yy, axis=0)])[None]


def _bn(x, st, g, be):
    mean = st[0, 0:1, :] * (1.0 / N)
    var = st[0, 1:2, :] * (1.0 / N) - mean * mean
    inv = lax.rsqrt(var + 1e-5)
    return (x - mean) * (inv * g) + be


def _mlp_in_body(pooled_ref, h_ref, eps_ref, w_ref, b_ref, y_ref, st_ref):
    x = (pooled_ref[...].astype(jnp.float32)
         + (1.0 + eps_ref[0, 0]) * h_ref[...].astype(jnp.float32))
    yy = jnp.dot(x, w_ref[...], preferred_element_type=jnp.float32) + b_ref[...]
    y_ref[...] = yy
    _stats_update(st_ref, yy, pl.program_id(1))


def _mlp_mid_body(x_ref, st_ref, g_ref, be_ref, w_ref, b_ref, y_ref, sto_ref):
    xa = jnp.maximum(_bn(x_ref[...], st_ref[...], g_ref[...], be_ref[...]), 0.0)
    yy = jnp.dot(xa, w_ref[...], preferred_element_type=jnp.float32) + b_ref[...]
    y_ref[...] = yy
    _stats_update(sto_ref, yy, pl.program_id(1))


def _bnrelu_body(x_ref, st_ref, g_ref, be_ref, y_ref):
    y_ref[...] = jnp.maximum(
        _bn(x_ref[...], st_ref[...], g_ref[...], be_ref[...]), 0.0)


def _readout_body(x_ref, st_ref, g_ref, be_ref, m_ref, h_ref, csum_ref, cnt_ref):
    hh = jnp.maximum(_bn(x_ref[...], st_ref[...], g_ref[...], be_ref[...]), 0.0)
    h_ref[...] = hh
    p, j = pl.program_id(0), pl.program_id(1)

    @pl.when((p == 0) & (j == 0))
    def _():
        csum_ref[...] = jnp.zeros_like(csum_ref)
        cnt_ref[...] = jnp.zeros_like(cnt_ref)

    @pl.when(p == 0)
    def _():
        mm = m_ref[...]
        csum_ref[...] += lax.dot_general(
            hh, mm, (((0,), (0,)), ((), ())), preferred_element_type=jnp.float32)
        cnt_ref[...] += jnp.sum(mm, axis=0, keepdims=True)


def _loss_body(h_ref, m_ref, csum_ref, cnt_ref, wb_ref, bb_ref, acc_ref, loss_ref):
    p, j = pl.program_id(0), pl.program_id(1)
    cnt = cnt_ref[...]
    cm = csum_ref[...] / cnt
    summ = 1.0 / (1.0 + jnp.exp(-cm))
    s = jnp.dot(h_ref[...], wb_ref[...], preferred_element_type=jnp.float32)
    sc = jnp.dot(s, summ, preferred_element_type=jnp.float32) + bb_ref[0, 0]
    x = jnp.where(p == 0, -sc, sc)
    t = jnp.maximum(x, 0.0) + jnp.log(1.0 + jnp.exp(-jnp.abs(x)))
    contrib = jnp.sum(m_ref[...] * t, axis=0, keepdims=True)

    @pl.when((p == 0) & (j == 0))
    def _():
        acc_ref[...] = jnp.zeros_like(acc_ref)

    @pl.when(p == 0)
    def _():
        acc_ref[0:1, :] += contrib

    @pl.when(p == 1)
    def _():
        acc_ref[1:2, :] += contrib

    @pl.when((p == 1) & (j == NBLK - 1))
    def _():
        a = acc_ref[...]
        lk = (a[0:1, :] + a[1:2, :]) / (2.0 * cnt)
        mask = lax.broadcasted_iota(jnp.int32, (1, KP), 1) < K
        loss_ref[0, 0] = jnp.sum(jnp.where(mask, lk, 0.0)) * (1.0 / K)


_row_spec = pl.BlockSpec((BN, D), lambda p, j: (p * NBLK + j, 0))
_st_spec = pl.BlockSpec((1, 2, D), lambda p, j: (p, 0, 0))
_w_spec = pl.BlockSpec((D, D), lambda p, j: (0, 0))
_v_spec = pl.BlockSpec((1, D), lambda p, j: (0, 0))
_m_spec = pl.BlockSpec((BN, KP), lambda p, j: (j, 0))
_smem_spec = pl.BlockSpec(memory_space=pltpu.SMEM)

_x_shape = jax.ShapeDtypeStruct((2 * N, D), jnp.float32)
_st_shape = jax.ShapeDtypeStruct((2, 2, D), jnp.float32)


def _mlp_in(pooled, h, eps_l, w, b):
    return pl.pallas_call(
        _mlp_in_body, grid=(2, NBLK),
        in_specs=[_row_spec, _row_spec, _smem_spec, _w_spec, _v_spec],
        out_specs=[_row_spec, _st_spec],
        out_shape=[_x_shape, _st_shape],
    )(pooled, h, eps_l, w, b)


def _mlp_mid(x, st, g, be, w, b):
    return pl.pallas_call(
        _mlp_mid_body, grid=(2, NBLK),
        in_specs=[_row_spec, _st_spec, _v_spec, _v_spec, _w_spec, _v_spec],
        out_specs=[_row_spec, _st_spec],
        out_shape=[_x_shape, _st_shape],
    )(x, st, g, be, w, b)


def _bnrelu(x, st, g, be):
    return pl.pallas_call(
        _bnrelu_body, grid=(2, NBLK),
        in_specs=[_row_spec, _st_spec, _v_spec, _v_spec],
        out_specs=_row_spec,
        out_shape=_x_shape,
    )(x, st, g, be)


def _readout(x, st, g, be, m):
    return pl.pallas_call(
        _readout_body, grid=(2, NBLK),
        in_specs=[_row_spec, _st_spec, _v_spec, _v_spec, _m_spec],
        out_specs=[_row_spec,
                   pl.BlockSpec((D, KP), lambda p, j: (0, 0)),
                   pl.BlockSpec((1, KP), lambda p, j: (0, 0))],
        out_shape=[_x_shape,
                   jax.ShapeDtypeStruct((D, KP), jnp.float32),
                   jax.ShapeDtypeStruct((1, KP), jnp.float32)],
    )(x, st, g, be, m)


def _loss(h, m, csum, cnt, wb, bb):
    return pl.pallas_call(
        _loss_body, grid=(2, NBLK),
        in_specs=[_row_spec, _m_spec,
                  pl.BlockSpec((D, KP), lambda p, j: (0, 0)),
                  pl.BlockSpec((1, KP), lambda p, j: (0, 0)),
                  _w_spec, _smem_spec],
        out_specs=[pl.BlockSpec((2, KP), lambda p, j: (0, 0)), _smem_spec],
        out_shape=[jax.ShapeDtypeStruct((2, KP), jnp.float32),
                   jax.ShapeDtypeStruct((1, 1), jnp.float32)],
    )(h, m, csum, cnt, wb, bb)



def kernel(seq1, seq2, edge_index, loc, eps, W1s, b1s, g1s, be1s, W2s, b2s,
           g2s, be2s, Wb, bb):
    srcs = jnp.pad(edge_index[0].astype(jnp.int32).reshape(NS, EP),
                   ((0, 0), (0, EPP - EP)))
    dst = edge_index[1].astype(jnp.int32).reshape(NS, EP)
    dsts = jnp.pad(jnp.concatenate([jnp.where(dst < NH, dst, NH),
                                    jnp.where(dst >= NH, dst - NH, NH)],
                                   axis=0),
                   ((0, 0), (0, EPP - EP)), constant_values=NH)
    zeros = jnp.zeros((SRT, D), jnp.float32)
    locp = jnp.pad(loc.astype(jnp.float32), ((0, 0), (0, KP - K)))
    h = jnp.concatenate([seq1, seq2], axis=0)

    x2 = st2 = None
    for l in range(NLAYERS):
        pooled = _seg_sum(h, srcs, dsts, zeros)
        eps_l = eps[l].reshape(1, 1)
        x1, st1 = _mlp_in(pooled, h, eps_l, W1s[l], b1s[l].reshape(1, D))
        x2, st2 = _mlp_mid(x1, st1, g1s[l].reshape(1, D), be1s[l].reshape(1, D),
                           W2s[l], b2s[l].reshape(1, D))
        if l < NLAYERS - 1:
            h = _bnrelu(x2, st2, g2s[l].reshape(1, D), be2s[l].reshape(1, D))

    hf, csum, cnt = _readout(x2, st2, g2s[-1].reshape(1, D),
                             be2s[-1].reshape(1, D), locp)
    _, loss = _loss(hf, locp, csum, cnt, Wb, bb.reshape(1, 1))
    return loss.reshape(())

# --- scband reference (transcript-rebuilt; emitter-appended) ---
"""Pipeline reference for scband-dci-87376814670198 (READ-ONLY COPY).

The authoritative reference and input builder live on the scoring server;
editing this copy changes nothing except your own understanding.
"""

import jax, jax.numpy as jnp
import numpy as np

N = 10000
D = 128
E = 320000
NUM_CONV_LAYERS = 2  # num_layers - 1 in the torch GIN
K_CLUSTERS = 10


def _batch_norm(x, gamma, beta):
    # training-mode batch norm (biased variance), as in torch BatchNorm1d forward
    mean = jnp.mean(x, axis=0, keepdims=True)
    var = jnp.var(x, axis=0, keepdims=True)
    return (x - mean) / jnp.sqrt(var + 1e-5) * gamma + beta


def _gin(h, src, dst, eps, W1s, b1s, g1s, be1s, W2s, b2s, g2s, be2s):
    # GraphCNN with learn_eps=True, neighbor_pooling_type='sum'
    for l in range(NUM_CONV_LAYERS):
        # torch.spmm(Adj_block, h) with binary adjacency == scatter-add of neighbor feats
        pooled = jax.ops.segment_sum(h[src], dst, num_segments=N)
        pooled = pooled + (1.0 + eps[l]) * h
        # MLP (num_mlp_layers=2): Linear -> BN -> ReLU -> Linear
        x = pooled @ W1s[l] + b1s[l]
        x = jax.nn.relu(_batch_norm(x, g1s[l], be1s[l]))
        x = x @ W2s[l] + b2s[l]
        # per-layer BN + ReLU as in GraphCNN.next_layer_eps
        h = jax.nn.relu(_batch_norm(x, g2s[l], be2s[l]))
    return h


def _bce_with_logits_mean(logits, labels):
    # faithful BCEWithLogitsLoss (mean reduction)
    return jnp.mean(jnp.maximum(logits, 0.0) - logits * labels + jnp.log1p(jnp.exp(-jnp.abs(logits))))


def setup_inputs(seed: int = 0):
    key = jax.random.key(seed)
    ks = jax.random.split(key, 8)
    seq1 = jax.random.normal(ks[0], (N, D), dtype=jnp.float32)
    seq2 = jax.random.normal(ks[1], (N, D), dtype=jnp.float32)  # corrupted/shuffled features
    edge_index = jax.random.randint(ks[2], (2, E), 0, N)
    rng = np.random.default_rng(0)
    loc = rng.integers(0, 2, size=(N, K_CLUSTERS)).astype(np.int64)  # binary cluster membership
    W1s = jax.random.normal(ks[3], (NUM_CONV_LAYERS, D, D), dtype=jnp.float32) * 0.05
    b1s = jnp.zeros((NUM_CONV_LAYERS, D), dtype=jnp.float32)
    g1s = jnp.ones((NUM_CONV_LAYERS, D), dtype=jnp.float32)
    be1s = jnp.zeros((NUM_CONV_LAYERS, D), dtype=jnp.float32)
    W2s = jax.random.normal(ks[4], (NUM_CONV_LAYERS, D, D), dtype=jnp.float32) * 0.05
    b2s = jnp.zeros((NUM_CONV_LAYERS, D), dtype=jnp.float32)
    g2s = jnp.ones((NUM_CONV_LAYERS, D), dtype=jnp.float32)
    be2s = jnp.zeros((NUM_CONV_LAYERS, D), dtype=jnp.float32)
    eps = jnp.zeros((NUM_CONV_LAYERS,), dtype=jnp.float32)
    Wb = jax.random.normal(ks[5], (D, D), dtype=jnp.float32) * 0.05  # nn.Bilinear weight [1, D, D]
    bb = jnp.zeros((), dtype=jnp.float32)  # nn.Bilinear bias
    return {"seq1": seq1, "seq2": seq2, "edge_index": edge_index, "loc": loc,
            "eps": eps, "W1s": W1s, "b1s": b1s, "g1s": g1s, "be1s": be1s,
            "W2s": W2s, "b2s": b2s, "g2s": g2s, "be2s": be2s, "Wb": Wb, "bb": bb}


def reference(seq1, seq2, edge_index, loc, eps, W1s, b1s, g1s, be1s, W2s, b2s, g2s, be2s, Wb, bb):
    src = edge_index[0]
    dst = edge_index[1]
    h1 = _gin(seq1, src, dst, eps, W1s, b1s, g1s, be1s, W2s, b2s, g2s, be2s)
    h2 = _gin(seq2, src, dst, eps, W1s, b1s, g1s, be1s, W2s, b2s, g2s, be2s)
    locf = loc.astype(jnp.float32)
    loss = 0.0
    for i in range(loc.shape[1]):
        m = locf[:, i]
        cnt = jnp.sum(m)
        # AvgReadout with msk=None, then sigmoid
        c = jax.nn.sigmoid(jnp.sum(h1 * m[:, None], axis=0) / cnt)
        # Discriminator: bilinear scores vs summary c (samp_bias None)
        sc1 = (h1 @ Wb) @ c + bb
        sc2 = (h2 @ Wb) @ c + bb
        t1 = jnp.maximum(sc1, 0.0) - sc1 + jnp.log1p(jnp.exp(-jnp.abs(sc1)))
        t2 = jnp.maximum(sc2, 0.0) + jnp.log1p(jnp.exp(-jnp.abs(sc2)))
        loss = loss + (jnp.sum(m * t1) + jnp.sum(m * t2)) / (2.0 * cnt)
    return loss / loc.shape[1]

if __name__ == "__main__":
    import jax
    _d = setup_inputs()
    print(jax.jit(kernel)(*tuple(_d.values())))

</pallas_src>

<mosaic_0001>
#map = affine_map<(d0, d1) -> (0, 0)>
module attributes {stable_mosaic.version = 14 : i64} {
  func.func @gin_segment_sum(%arg0: i32, %arg1: i32, %arg2: memref<20000x128xf32, #tpu.memory_space<hbm>>, %arg3: memref<16x20160xi32, #tpu.memory_space<hbm>>, %arg4: memref<32x20160xi32, #tpu.memory_space<hbm>>, %arg5: memref<320x128xf32, #tpu.memory_space<hbm>>, %arg6: memref<20000x128xf32, #tpu.memory_space<hbm>>, %arg7: memref<20160xi32, #tpu.memory_space<vmem>>, %arg8: memref<20160xi32, #tpu.memory_space<vmem>>, %arg9: memref<4x80x128xf32, #tpu.memory_space<vmem>>, %arg10: memref<5008x128xf32, #tpu.memory_space<vmem_shared>>, %arg11: memref<4x!tpu.dma_semaphore, #tpu.memory_space<semaphore_mem>>, %arg12: memref<4x!tpu.dma_semaphore, #tpu.memory_space<semaphore_mem>>) attributes {dimension_semantics = [#tpu.dimension_semantics<core_parallel>, #tpu.dimension_semantics<subcore_parallel>], iteration_bounds = array<i64: 2, 16>, scalar_prefetch = 0 : i64, scratch_operands = 6 : i64, tpu.core_type = #tpu.core_type<sc_vector_subcore>, window_params = [{transform_indices = #map}, {transform_indices = #map}, {transform_indices = #map}, {transform_indices = #map}, {transform_indices = #map}]} {
    "tpu.region"() ({
      %run_scoped3A = tpu.sem_alloc : memref<!tpu.dma_semaphore, #tpu.memory_space<semaphore_mem>>
      %dma_start3A = arith.constant 0 : i32
      %dma_start3A_186 = tpu.memref_slice %arg3[%arg1, %dma_start3A] : memref<16x20160xi32, #tpu.memory_space<hbm>> -> memref<1x20160xi32, #tpu.memory_space<hbm>>
      %dma_start3A_187 = tpu.memref_squeeze %dma_start3A_186 : memref<1x20160xi32, #tpu.memory_space<hbm>> -> memref<20160xi32, #tpu.memory_space<hbm>>
      %dma_start3A_188 = arith.constant 0 : i32
      %dma_start3A_189 = tpu.memref_slice %arg3[%arg1, %dma_start3A_188] : memref<16x20160xi32, #tpu.memory_space<hbm>> -> memref<1x20160xi32, #tpu.memory_space<hbm>>
      %dma_start3A_190 = tpu.memref_squeeze %dma_start3A_189 : memref<1x20160xi32, #tpu.memory_space<hbm>> -> memref<20160xi32, #tpu.memory_space<hbm>>
      tpu.enqueue_dma source(%dma_start3A_190 : memref<20160xi32, #tpu.memory_space<hbm>>) target(%arg7 : memref<20160xi32, #tpu.memory_space<vmem>>) target_semaphore(%run_scoped3A : memref<!tpu.dma_semaphore, #tpu.memory_space<semaphore_mem>>)
      %dma_wait3A = arith.constant 0 : i32
      %dma_wait3A_191 = tpu.memref_slice %arg3[%arg1, %dma_wait3A] : memref<16x20160xi32, #tpu.memory_space<hbm>> -> memref<1x20160xi32, #tpu.memory_space<hbm>>
      %dma_wait3A_192 = tpu.memref_squeeze %dma_wait3A_191 : memref<1x20160xi32, #tpu.memory_space<hbm>> -> memref<20160xi32, #tpu.memory_space<hbm>>
      %dma_wait3A_193 = arith.constant 0 : i32
      %dma_wait3A_194 = tpu.memref_slice %arg3[%arg1, %dma_wait3A_193] : memref<16x20160xi32, #tpu.memory_space<hbm>> -> memref<1x20160xi32, #tpu.memory_space<hbm>>
      %dma_wait3A_195 = tpu.memref_squeeze %dma_wait3A_194 : memref<1x20160xi32, #tpu.memory_space<hbm>> -> memref<20160xi32, #tpu.memory_space<hbm>>
      tpu.wait_dma2 semaphore(%run_scoped3A : memref<!tpu.dma_semaphore, #tpu.memory_space<semaphore_mem>>) src(%dma_wait3A_195 : memref<20160xi32, #tpu.memory_space<hbm>>) dst(%arg7 : memref<20160xi32, #tpu.memory_space<vmem>>)
      tpu.yield
    }) : () -> ()
    %mul3A = arith.constant 16 : i32
    %mul3A_0 = arith.muli %arg0, %mul3A : i32
    %add3A = arith.addi %mul3A_0, %arg1 : i32
    "tpu.region"() ({
      %run_scoped3A = tpu.sem_alloc : memref<!tpu.dma_semaphore, #tpu.memory_space<semaphore_mem>>
      %dma_start3A = arith.constant 0 : i32
      %dma_start3A_186 = tpu.memref_slice %arg4[%add3A, %dma_start3A] : memref<32x20160xi32, #tpu.memory_space<hbm>> -> memref<1x20160xi32, #tpu.memory_space<hbm>>
      %dma_start3A_187 = tpu.memref_squeeze %dma_start3A_186 : memref<1x20160xi32, #tpu.memory_space<hbm>> -> memref<20160xi32, #tpu.memory_space<hbm>>
      %dma_start3A_188 = arith.constant 0 : i32
      %dma_start3A_189 = tpu.memref_slice %arg4[%add3A, %dma_start3A_188] : memref<32x20160xi32, #tpu.memory_space<hbm>> -> memref<1x20160xi32, #tpu.memory_space<hbm>>
      %dma_start3A_190 = tpu.memref_squeeze %dma_start3A_189 : memref<1x20160xi32, #tpu.memory_space<hbm>> -> memref<20160xi32, #tpu.memory_space<hbm>>
      tpu.enqueue_dma source(%dma_start3A_190 : memref<20160xi32, #tpu.memory_space<hbm>>) target(%arg8 : memref<20160xi32, #tpu.memory_space<vmem>>) target_semaphore(%run_scoped3A : memref<!tpu.dma_semaphore, #tpu.memory_space<semaphore_mem>>)
      %dma_wait3A = arith.constant 0 : i32
      %dma_wait3A_191 = tpu.memref_slice %arg4[%add3A, %dma_wait3A] : memref<32x20160xi32, #tpu.memory_space<hbm>> -> memref<1x20160xi32, #tpu.memory_space<hbm>>
      %dma_wait3A_192 = tpu.memref_squeeze %dma_wait3A_191 : memref<1x20160xi32, #tpu.memory_space<hbm>> -> memref<20160xi32, #tpu.memory_space<hbm>>
      %dma_wait3A_193 = arith.constant 0 : i32
      %dma_wait3A_194 = tpu.memref_slice %arg4[%add3A, %dma_wait3A_193] : memref<32x20160xi32, #tpu.memory_space<hbm>> -> memref<1x20160xi32, #tpu.memory_space<hbm>>
      %dma_wait3A_195 = tpu.memref_squeeze %dma_wait3A_194 : memref<1x20160xi32, #tpu.memory_space<hbm>> -> memref<20160xi32, #tpu.memory_space<hbm>>
      tpu.wait_dma2 semaphore(%run_scoped3A : memref<!tpu.dma_semaphore, #tpu.memory_space<semaphore_mem>>) src(%dma_wait3A_195 : memref<20160xi32, #tpu.memory_space<hbm>>) dst(%arg8 : memref<20160xi32, #tpu.memory_space<vmem>>)
      tpu.yield
    }) : () -> ()
    %scan3A = arith.constant 0 : i32
    %scan3A_1 = arith.constant 0 : i32
    %scan3A_2 = arith.constant 1260 : i32
    %scan3A_3 = arith.addi %scan3A_1, %scan3A_2 : i32
    %scan3A_4 = arith.constant 1 : i32
    %scan3A_5 = scf.for %scan3A_186 = %scan3A_1 to %scan3A_3 step %scan3A_4 iter_args(%scan3A_187 = %scan3A) -> (i32)  : i32 {
      %mul3A_188 = arith.constant 16 : i32
      %mul3A_189 = arith.muli %scan3A_186, %mul3A_188 : i32
      %get3A = arith.index_cast %mul3A_189 : i32 to index
      %get3A_190 = tpu.vector_load %arg8[%get3A] {strides = array<i32>} : memref<20160xi32, #tpu.memory_space<vmem>>, vector<16xi32>,
      %mul3A_191 = arith.constant 16 : i32
      %mul3A_192 = arith.muli %scan3A_186, %mul3A_191 : i32
      %get3A_193 = arith.index_cast %mul3A_192 : i32 to index
      %get3A_194 = tpu.vector_load %arg7[%get3A_193] {strides = array<i32>} : memref<20160xi32, #tpu.memory_space<vmem>>, vector<16xi32>,
      %ne3A_195 = arith.constant 5000 : i32
      %ne3A_196 = vector.broadcast %ne3A_195 : i32 to vector<16xi32>
      %ne3A_197 = arith.cmpi ne, %get3A_190, %ne3A_196 : vector<16xi32>
      %swap3A_198 = arith.index_cast %scan3A_187 : i32 to index
      %swap3A_199 = tpu.vector_load %arg8[%swap3A_198] masked %ne3A_197 {strides = array<i32>} : memref<20160xi32, #tpu.memory_space<vmem>>, vector<16xi32>, vector<16xi1>
      tpu.vector_store %arg8[%swap3A_198], %get3A_190 masked %ne3A_197 {strides = array<i32>} : memref<20160xi32, #tpu.memory_space<vmem>>, vector<16xi32>, vector<16xi1>
      %swap3A_200 = arith.index_cast %scan3A_187 : i32 to index
      %swap3A_201 = tpu.vector_load %arg7[%swap3A_200] masked %ne3A_197 {strides = array<i32>} : memref<20160xi32, #tpu.memory_space<vmem>>, vector<16xi32>, vector<16xi1>
      tpu.vector_store %arg7[%swap3A_200], %get3A_194 masked %ne3A_197 {strides = array<i32>} : memref<20160xi32, #tpu.memory_space<vmem>>, vector<16xi32>, vector<16xi1>
      %jit3A_202 = arith.constant 1 : i32
      %jit3A_203 = arith.constant 0 : i32
      %broadcast_in_dim3A_204 = vector.broadcast %jit3A_202 : i32 to vector<16xi32>
      %broadcast_in_dim3A_205 = vector.broadcast %jit3A_203 : i32 to vector<16xi32>
      %select_n3A_206 = arith.select %ne3A_197, %broadcast_in_dim3A_204, %broadcast_in_dim3A_205 : vector<16xi1>, vector<16xi32>
      %reduce_sum3A = arith.constant true
      %reduce_sum3A_207 = vector.broadcast %reduce_sum3A : i1 to vector<16xi1>
      %reduce_sum3A_208 = tpu.scan <sum>, %select_n3A_206 masked %reduce_sum3A_207 : vector<16xi32>, vector<16xi1> -> vector<16xi32>
      %reduce_sum3A_209 = vector.extract %reduce_sum3A_208[15] : i32 from vector<16xi32>
      %add3A_210 = arith.addi %scan3A_187, %reduce_sum3A_209 : i32
      scf.yield %add3A_210 : i32
    }
    %scan3A_6 = arith.constant 1260 : i32
    %broadcast_in_dim3A = arith.constant 5000 : i32
    %broadcast_in_dim3A_7 = vector.broadcast %broadcast_in_dim3A : i32 to vector<16xi32>
    %broadcast_in_dim3A_8 = arith.constant 0 : i32
    %broadcast_in_dim3A_9 = vector.broadcast %broadcast_in_dim3A_8 : i32 to vector<16xi32>
    %add3A_10 = arith.constant 0 : i32
    %add3A_11 = arith.addi %scan3A_5, %add3A_10 : i32
    %swap3A = arith.index_cast %add3A_11 : i32 to index
    %swap3A_12 = tpu.vector_load %arg8[%swap3A] {strides = array<i32>} : memref<20160xi32, #tpu.memory_space<vmem>>, vector<16xi32>,
    tpu.vector_store %arg8[%swap3A], %broadcast_in_dim3A_7 {strides = array<i32>} : memref<20160xi32, #tpu.memory_space<vmem>>, vector<16xi32>,
    %add3A_13 = arith.constant 0 : i32
    %add3A_14 = arith.addi %scan3A_5, %add3A_13 : i32
    %swap3A_15 = arith.index_cast %add3A_14 : i32 to index
    %swap3A_16 = tpu.vector_load %arg7[%swap3A_15] {strides = array<i32>} : memref<20160xi32, #tpu.memory_space<vmem>>, vector<16xi32>,
    tpu.vector_store %arg7[%swap3A_15], %broadcast_in_dim3A_9 {strides = array<i32>} : memref<20160xi32, #tpu.memory_space<vmem>>, vector<16xi32>,
    %add3A_17 = arith.constant 16 : i32
    %add3A_18 = arith.addi %scan3A_5, %add3A_17 : i32
    %swap3A_19 = arith.index_cast %add3A_18 : i32 to index
    %swap3A_20 = tpu.vector_load %arg8[%swap3A_19] {strides = array<i32>} : memref<20160xi32, #tpu.memory_space<vmem>>, vector<16xi32>,
    tpu.vector_store %arg8[%swap3A_19], %broadcast_in_dim3A_7 {strides = array<i32>} : memref<20160xi32, #tpu.memory_space<vmem>>, vector<16xi32>,
    %add3A_21 = arith.constant 16 : i32
    %add3A_22 = arith.addi %scan3A_5, %add3A_21 : i32
    %swap3A_23 = arith.index_cast %add3A_22 : i32 to index
    %swap3A_24 = tpu.vector_load %arg7[%swap3A_23] {strides = array<i32>} : memref<20160xi32, #tpu.memory_space<vmem>>, vector<16xi32>,
    tpu.vector_store %arg7[%swap3A_23], %broadcast_in_dim3A_9 {strides = array<i32>} : memref<20160xi32, #tpu.memory_space<vmem>>, vector<16xi32>,
    %add3A_25 = arith.constant 32 : i32
    %add3A_26 = arith.addi %scan3A_5, %add3A_25 : i32
    %swap3A_27 = arith.index_cast %add3A_26 : i32 to index
    %swap3A_28 = tpu.vector_load %arg8[%swap3A_27] {strides = array<i32>} : memref<20160xi32, #tpu.memory_space<vmem>>, vector<16xi32>,
    tpu.vector_store %arg8[%swap3A_27], %broadcast_in_dim3A_7 {strides = array<i32>} : memref<20160xi32, #tpu.memory_space<vmem>>, vector<16xi32>,
    %add3A_29 = arith.constant 32 : i32
    %add3A_30 = arith.addi %scan3A_5, %add3A_29 : i32
    %swap3A_31 = arith.index_cast %add3A_30 : i32 to index
    %swap3A_32 = tpu.vector_load %arg7[%swap3A_31] {strides = array<i32>} : memref<20160xi32, #tpu.memory_space<vmem>>, vector<16xi32>,
    tpu.vector_store %arg7[%swap3A_31], %broadcast_in_dim3A_9 {strides = array<i32>} : memref<20160xi32, #tpu.memory_space<vmem>>, vector<16xi32>,
    %add3A_33 = arith.constant 48 : i32
    %add3A_34 = arith.addi %scan3A_5, %add3A_33 : i32
    %swap3A_35 = arith.index_cast %add3A_34 : i32 to index
    %swap3A_36 = tpu.vector_load %arg8[%swap3A_35] {strides = array<i32>} : memref<20160xi32, #tpu.memory_space<vmem>>, vector<16xi32>,
    tpu.vector_store %arg8[%swap3A_35], %broadcast_in_dim3A_7 {strides = array<i32>} : memref<20160xi32, #tpu.memory_space<vmem>>, vector<16xi32>,
    %add3A_37 = arith.constant 48 : i32
    %add3A_38 = arith.addi %scan3A_5, %add3A_37 : i32
    %swap3A_39 = arith.index_cast %add3A_38 : i32 to index
    %swap3A_40 = tpu.vector_load %arg7[%swap3A_39] {strides = array<i32>} : memref<20160xi32, #tpu.memory_space<vmem>>, vector<16xi32>,
    tpu.vector_store %arg7[%swap3A_39], %broadcast_in_dim3A_9 {strides = array<i32>} : memref<20160xi32, #tpu.memory_space<vmem>>, vector<16xi32>,
    %add3A_41 = arith.constant 64 : i32
    %add3A_42 = arith.addi %scan3A_5, %add3A_41 : i32
    %swap3A_43 = arith.index_cast %add3A_42 : i32 to index
    %swap3A_44 = tpu.vector_load %arg8[%swap3A_43] {strides = array<i32>} : memref<20160xi32, #tpu.memory_space<vmem>>, vector<16xi32>,
    tpu.vector_store %arg8[%swap3A_43], %broadcast_in_dim3A_7 {strides = array<i32>} : memref<20160xi32, #tpu.memory_space<vmem>>, vector<16xi32>,
    %add3A_45 = arith.constant 64 : i32
    %add3A_46 = arith.addi %scan3A_5, %add3A_45 : i32
    %swap3A_47 = arith.index_cast %add3A_46 : i32 to index
    %swap3A_48 = tpu.vector_load %arg7[%swap3A_47] {strides = array<i32>} : memref<20160xi32, #tpu.memory_space<vmem>>, vector<16xi32>,
    tpu.vector_store %arg7[%swap3A_47], %broadcast_in_dim3A_9 {strides = array<i32>} : memref<20160xi32, #tpu.memory_space<vmem>>, vector<16xi32>,
    %add3A_49 = arith.constant 80 : i32
    %add3A_50 = arith.addi %scan3A_5, %add3A_49 : i32
    %swap3A_51 = arith.index_cast %add3A_50 : i32 to index
    %swap3A_52 = tpu.vector_load %arg8[%swap3A_51] {strides = array<i32>} : memref<20160xi32, #tpu.memory_space<vmem>>, vector<16xi32>,
    tpu.vector_store %arg8[%swap3A_51], %broadcast_in_dim3A_7 {strides = array<i32>} : memref<20160xi32, #tpu.memory_space<vmem>>, vector<16xi32>,
    %add3A_53 = arith.constant 80 : i32
    %add3A_54 = arith.addi %scan3A_5, %add3A_53 : i32
    %swap3A_55 = arith.index_cast %add3A_54 : i32 to index
    %swap3A_56 = tpu.vector_load %arg7[%swap3A_55] {strides = array<i32>} : memref<20160xi32, #tpu.memory_space<vmem>>, vector<16xi32>,
    tpu.vector_store %arg7[%swap3A_55], %broadcast_in_dim3A_9 {strides = array<i32>} : memref<20160xi32, #tpu.memory_space<vmem>>, vector<16xi32>,
    %add3A_57 = arith.constant 96 : i32
    %add3A_58 = arith.addi %scan3A_5, %add3A_57 : i32
    %swap3A_59 = arith.index_cast %add3A_58 : i32 to index
    %swap3A_60 = tpu.vector_load %arg8[%swap3A_59] {strides = array<i32>} : memref<20160xi32, #tpu.memory_space<vmem>>, vector<16xi32>,
    tpu.vector_store %arg8[%swap3A_59], %broadcast_in_dim3A_7 {strides = array<i32>} : memref<20160xi32, #tpu.memory_space<vmem>>, vector<16xi32>,
    %add3A_61 = arith.constant 96 : i32
    %add3A_62 = arith.addi %scan3A_5, %add3A_61 : i32
    %swap3A_63 = arith.index_cast %add3A_62 : i32 to index
    %swap3A_64 = tpu.vector_load %arg7[%swap3A_63] {strides = array<i32>} : memref<20160xi32, #tpu.memory_space<vmem>>, vector<16xi32>,
    tpu.vector_store %arg7[%swap3A_63], %broadcast_in_dim3A_9 {strides = array<i32>} : memref<20160xi32, #tpu.memory_space<vmem>>, vector<16xi32>,
    %add3A_65 = arith.constant 112 : i32
    %add3A_66 = arith.addi %scan3A_5, %add3A_65 : i32
    %swap3A_67 = arith.index_cast %add3A_66 : i32 to index
    %swap3A_68 = tpu.vector_load %arg8[%swap3A_67] {strides = array<i32>} : memref<20160xi32, #tpu.memory_space<vmem>>, vector<16xi32>,
    tpu.vector_store %arg8[%swap3A_67], %broadcast_in_dim3A_7 {strides = array<i32>} : memref<20160xi32, #tpu.memory_space<vmem>>, vector<16xi32>,
    %add3A_69 = arith.constant 112 : i32
    %add3A_70 = arith.addi %scan3A_5, %add3A_69 : i32
    %swap3A_71 = arith.index_cast %add3A_70 : i32 to index
    %swap3A_72 = tpu.vector_load %arg7[%swap3A_71] {strides = array<i32>} : memref<20160xi32, #tpu.memory_space<vmem>>, vector<16xi32>,
    tpu.vector_store %arg7[%swap3A_71], %broadcast_in_dim3A_9 {strides = array<i32>} : memref<20160xi32, #tpu.memory_space<vmem>>, vector<16xi32>,
    %add3A_73 = arith.constant 128 : i32
    %add3A_74 = arith.addi %scan3A_5, %add3A_73 : i32
    %swap3A_75 = arith.index_cast %add3A_74 : i32 to index
    %swap3A_76 = tpu.vector_load %arg8[%swap3A_75] {strides = array<i32>} : memref<20160xi32, #tpu.memory_space<vmem>>, vector<16xi32>,
    tpu.vector_store %arg8[%swap3A_75], %broadcast_in_dim3A_7 {strides = array<i32>} : memref<20160xi32, #tpu.memory_space<vmem>>, vector<16xi32>,
    %add3A_77 = arith.constant 128 : i32
    %add3A_78 = arith.addi %scan3A_5, %add3A_77 : i32
    %swap3A_79 = arith.index_cast %add3A_78 : i32 to index
    %swap3A_80 = tpu.vector_load %arg7[%swap3A_79] {strides = array<i32>} : memref<20160xi32, #tpu.memory_space<vmem>>, vector<16xi32>,
    tpu.vector_store %arg7[%swap3A_79], %broadcast_in_dim3A_9 {strides = array<i32>} : memref<20160xi32, #tpu.memory_space<vmem>>, vector<16xi32>,
    %add3A_81 = arith.constant 144 : i32
    %add3A_82 = arith.addi %scan3A_5, %add3A_81 : i32
    %swap3A_83 = arith.index_cast %add3A_82 : i32 to index
    %swap3A_84 = tpu.vector_load %arg8[%swap3A_83] {strides = array<i32>} : memref<20160xi32, #tpu.memory_space<vmem>>, vector<16xi32>,
    tpu.vector_store %arg8[%swap3A_83], %broadcast_in_dim3A_7 {strides = array<i32>} : memref<20160xi32, #tpu.memory_space<vmem>>, vector<16xi32>,
    %add3A_85 = arith.constant 144 : i32
    %add3A_86 = arith.addi %scan3A_5, %add3A_85 : i32
    %swap3A_87 = arith.index_cast %add3A_86 : i32 to index
    %swap3A_88 = tpu.vector_load %arg7[%swap3A_87] {strides = array<i32>} : memref<20160xi32, #tpu.memory_space<vmem>>, vector<16xi32>,
    tpu.vector_store %arg7[%swap3A_87], %broadcast_in_dim3A_9 {strides = array<i32>} : memref<20160xi32, #tpu.memory_space<vmem>>, vector<16xi32>,
    %add3A_89 = arith.constant 160 : i32
    %add3A_90 = arith.addi %scan3A_5, %add3A_89 : i32
    %sub3A = arith.constant 1 : i32
    %sub3A_91 = arith.subi %add3A_90, %sub3A : i32
    %jit3A = arith.constant 160 : i32
    %div3A = arith.divsi %sub3A_91, %jit3A : i32
    %sign3A = arith.constant 0 : i32
    %sign3A_92 = arith.cmpi sgt, %sub3A_91, %sign3A : i32
    %sign3A_93 = arith.extui %sign3A_92 : i1 to i32
    %sign3A_94 = arith.constant 0 : i32
    %sign3A_95 = arith.cmpi slt, %sub3A_91, %sign3A_94 : i32
    %sign3A_96 = arith.extui %sign3A_95 : i1 to i32
    %sign3A_97 = arith.subi %sign3A_93, %sign3A_96 : i32
    %sign3A_98 = arith.constant 0 : i32
    %sign3A_99 = arith.cmpi sgt, %jit3A, %sign3A_98 : i32
    %sign3A_100 = arith.extui %sign3A_99 : i1 to i32
    %sign3A_101 = arith.constant 0 : i32
    %sign3A_102 = arith.cmpi slt, %jit3A, %sign3A_101 : i32
    %sign3A_103 = arith.extui %sign3A_102 : i1 to i32
    %sign3A_104 = arith.subi %sign3A_100, %sign3A_103 : i32
    %ne3A = arith.cmpi ne, %sign3A_97, %sign3A_104 : i32
    %rem3A = arith.remsi %sub3A_91, %jit3A : i32
    %ne3A_105 = arith.constant 0 : i32
    %ne3A_106 = arith.cmpi ne, %rem3A, %ne3A_105 : i32
    %and3A = arith.andi %ne3A, %ne3A_106 : i1
    %sub3A_107 = arith.constant 1 : i32
    %sub3A_108 = arith.subi %div3A, %sub3A_107 : i32
    %select_n3A = arith.select %and3A, %sub3A_108, %div3A : i32
    %mul3A_109 = arith.constant 2 : i32
    %mul3A_110 = arith.muli %select_n3A, %mul3A_109 : i32
    %mul3A_111 = arith.constant 320 : i32
    %mul3A_112 = arith.muli %arg1, %mul3A_111 : i32
    %min3A = arith.constant 4688 : i32
    %min3A_113 = arith.minsi %mul3A_112, %min3A : i32
    "tpu.region"() ({
      %run_scoped3A = tpu.sem_alloc : memref<!tpu.dma_semaphore, #tpu.memory_space<semaphore_mem>>
      %dma_start3A = arith.constant 0 : i32
      %dma_start3A_186 = tpu.memref_slice %arg10[%min3A_113, %dma_start3A] : memref<5008x128xf32, #tpu.memory_space<vmem_shared>> -> memref<320x128xf32, #tpu.memory_space<vmem_shared>>
      tpu.enqueue_dma source(%arg5 : memref<320x128xf32, #tpu.memory_space<hbm>>) target(%dma_start3A_186 : memref<320x128xf32, #tpu.memory_space<vmem_shared>>) target_semaphore(%run_scoped3A : memref<!tpu.dma_semaphore, #tpu.memory_space<semaphore_mem>>)
      %dma_wait3A = arith.constant 0 : i32
      %dma_wait3A_187 = tpu.memref_slice %arg10[%min3A_113, %dma_wait3A] : memref<5008x128xf32, #tpu.memory_space<vmem_shared>> -> memref<320x128xf32, #tpu.memory_space<vmem_shared>>
      tpu.wait_dma2 semaphore(%run_scoped3A : memref<!tpu.dma_semaphore, #tpu.memory_space<semaphore_mem>>) src(%arg5 : memref<320x128xf32, #tpu.memory_space<hbm>>) dst(%dma_wait3A_187 : memref<320x128xf32, #tpu.memory_space<vmem_shared>>)
      tpu.yield
    }) : () -> ()
    %barrier3A = arith.constant 0 : index
    tpu.barrier barrier_id(%barrier3A)
    %gt3A = arith.constant 0 : i32
    %gt3A_114 = arith.cmpi sgt, %mul3A_110, %gt3A : i32
    %convert_element_type3A = arith.extui %gt3A_114 : i1 to i32
    %cond3A = arith.constant 0 : i32
    %cond3A_115 = arith.cmpi ne, %convert_element_type3A, %cond3A : i32
    scf.if %cond3A_115 {
      %dma_start3A = arith.constant 0 : i32
      %dma_start3A_186 = arith.constant 0 : i32
      %dma_start3A_187 = arith.constant 0 : i32
      %dma_start3A_188 = arith.constant 0 : i32
      %dma_start3A_189 = tpu.memref_slice %arg9[%dma_start3A, %dma_start3A_187, %dma_start3A_188] : memref<4x80x128xf32, #tpu.memory_space<vmem>> -> memref<1x80x128xf32, #tpu.memory_space<vmem>>
      %dma_start3A_190 = tpu.memref_squeeze %dma_start3A_189 : memref<1x80x128xf32, #tpu.memory_space<vmem>> -> memref<80x128xf32, #tpu.memory_space<vmem>>
      %dma_start3A_191 = arith.constant 0 : i32
      %dma_start3A_192 = tpu.memref_slice %arg7[%dma_start3A_191] : memref<20160xi32, #tpu.memory_space<vmem>> -> memref<80xi32, #tpu.memory_space<vmem>>
      %dma_start3A_193 = arith.constant 0 : i32
      %dma_start3A_194 = arith.constant 0 : i32
      %dma_start3A_195 = tpu.memref_slice %arg2[%dma_start3A_193, %dma_start3A_194] : memref<20000x128xf32, #tpu.memory_space<hbm>> -> memref<10000x128xf32, #tpu.memory_space<hbm>>
      %dma_start3A_196 = arith.constant 0 : i32
      %dma_start3A_197 = arith.constant 0 : i32
      %dma_start3A_198 = tpu.memref_slice %dma_start3A_195[%dma_start3A_196, %dma_start3A_197] : memref<10000x128xf32, #tpu.memory_space<hbm>> -> memref<10000x128xf32, #tpu.memory_space<hbm>>
      %dma_start3A_199 = tpu.memref_slice %arg11[%dma_start3A_186] : memref<4x!tpu.dma_semaphore, #tpu.memory_space<semaphore_mem>> -> memref<1x!tpu.dma_semaphore, #tpu.memory_space<semaphore_mem>>
      %dma_start3A_200 = tpu.memref_squeeze %dma_start3A_199 : memref<1x!tpu.dma_semaphore, #tpu.memory_space<semaphore_mem>> -> memref<!tpu.dma_semaphore, #tpu.memory_space<semaphore_mem>>
      tpu.enqueue_indirect_dma source(%dma_start3A_198 : memref<10000x128xf32, #tpu.memory_space<hbm>>) target(%dma_start3A_190 : memref<80x128xf32, #tpu.memory_space<vmem>>) offsets(%dma_start3A_192 : memref<80xi32, #tpu.memory_space<vmem>>) semaphore(%dma_start3A_200 : memref<!tpu.dma_semaphore, #tpu.memory_space<semaphore_mem>>)
    } else {
    }
    %gt3A_116 = arith.constant 1 : i32
    %gt3A_117 = arith.cmpi sgt, %mul3A_110, %gt3A_116 : i32
    %convert_element_type3A_118 = arith.extui %gt3A_117 : i1 to i32
    %cond3A_119 = arith.constant 0 : i32
    %cond3A_120 = arith.cmpi ne, %convert_element_type3A_118, %cond3A_119 : i32
    scf.if %cond3A_120 {
      %dma_start3A = arith.constant 1 : i32
      %dma_start3A_186 = arith.constant 1 : i32
      %dma_start3A_187 = arith.constant 0 : i32
      %dma_start3A_188 = arith.constant 0 : i32
      %dma_start3A_189 = tpu.memref_slice %arg9[%dma_start3A, %dma_start3A_187, %dma_start3A_188] : memref<4x80x128xf32, #tpu.memory_space<vmem>> -> memref<1x80x128xf32, #tpu.memory_space<vmem>>
      %dma_start3A_190 = tpu.memref_squeeze %dma_start3A_189 : memref<1x80x128xf32, #tpu.memory_space<vmem>> -> memref<80x128xf32, #tpu.memory_space<vmem>>
      %dma_start3A_191 = arith.constant 80 : i32
      %dma_start3A_192 = tpu.memref_slice %arg7[%dma_start3A_191] : memref<20160xi32, #tpu.memory_space<vmem>> -> memref<80xi32, #tpu.memory_space<vmem>>
      %dma_start3A_193 = arith.constant 0 : i32
      %dma_start3A_194 = arith.constant 0 : i32
      %dma_start3A_195 = tpu.memref_slice %arg2[%dma_start3A_193, %dma_start3A_194] : memref<20000x128xf32, #tpu.memory_space<hbm>> -> memref<10000x128xf32, #tpu.memory_space<hbm>>
      %dma_start3A_196 = arith.constant 0 : i32
      %dma_start3A_197 = arith.constant 0 : i32
      %dma_start3A_198 = tpu.memref_slice %dma_start3A_195[%dma_start3A_196, %dma_start3A_197] : memref<10000x128xf32, #tpu.memory_space<hbm>> -> memref<10000x128xf32, #tpu.memory_space<hbm>>
      %dma_start3A_199 = tpu.memref_slice %arg11[%dma_start3A_186] : memref<4x!tpu.dma_semaphore, #tpu.memory_space<semaphore_mem>> -> memref<1x!tpu.dma_semaphore, #tpu.memory_space<semaphore_mem>>
      %dma_start3A_200 = tpu.memref_squeeze %dma_start3A_199 : memref<1x!tpu.dma_semaphore, #tpu.memory_space<semaphore_mem>> -> memref<!tpu.dma_semaphore, #tpu.memory_space<semaphore_mem>>
      tpu.enqueue_indirect_dma source(%dma_start3A_198 : memref<10000x128xf32, #tpu.memory_space<hbm>>) target(%dma_start3A_190 : memref<80x128xf32, #tpu.memory_space<vmem>>) offsets(%dma_start3A_192 : memref<80xi32, #tpu.memory_space<vmem>>) semaphore(%dma_start3A_200 : memref<!tpu.dma_semaphore, #tpu.memory_space<semaphore_mem>>)
    } else {
    }
    %scan3A_121 = arith.constant 0 : i32
    %scan3A_122 = arith.constant 63 : i32
    %scan3A_123 = arith.addi %scan3A_121, %scan3A_122 : i32
    %scan3A_124 = arith.constant 1 : i32
    scf.for %scan3A_186 = %scan3A_121 to %scan3A_123 step %scan3A_124  : i32 {
      %mul3A_187 = arith.constant 4 : i32
      %mul3A_188 = arith.muli %scan3A_186, %mul3A_187 : i32
      %add3A_189 = arith.constant 0 : i32
      %add3A_190 = arith.addi %add3A_189, %mul3A_188 : i32
      %add3A_191 = arith.constant 0 : i32
      %add3A_192 = arith.addi %add3A_190, %add3A_191 : i32
      %lt3A = arith.cmpi slt, %add3A_192, %mul3A_110 : i32
      %convert_element_type3A_193 = arith.extui %lt3A : i1 to i32
      %cond3A_194 = arith.constant 0 : i32
      %cond3A_195 = arith.cmpi ne, %convert_element_type3A_193, %cond3A_194 : i32
      scf.if %cond3A_195 {
        %mul3A_274 = arith.constant 80 : i32
        %mul3A_275 = arith.muli %add3A_192, %mul3A_274 : i32
        %dma_wait3A = arith.constant 0 : i32
        %dma_wait3A_276 = arith.constant 0 : i32
        %dma_wait3A_277 = arith.constant 0 : i32
        %dma_wait3A_278 = arith.constant 0 : i32
        %dma_wait3A_279 = tpu.memref_slice %arg9[%dma_wait3A, %dma_wait3A_277, %dma_wait3A_278] : memref<4x80x128xf32, #tpu.memory_space<vmem>> -> memref<1x80x128xf32, #tpu.memory_space<vmem>>
        %dma_wait3A_280 = tpu.memref_squeeze %dma_wait3A_279 : memref<1x80x128xf32, #tpu.memory_space<vmem>> -> memref<80x128xf32, #tpu.memory_space<vmem>>
        %dma_wait3A_281 = tpu.memref_slice %arg7[%mul3A_275] : memref<20160xi32, #tpu.memory_space<vmem>> -> memref<80xi32, #tpu.memory_space<vmem>>
        %dma_wait3A_282 = arith.constant 0 : i32
        %dma_wait3A_283 = arith.constant 0 : i32
        %dma_wait3A_284 = tpu.memref_slice %arg2[%dma_wait3A_282, %dma_wait3A_283] : memref<20000x128xf32, #tpu.memory_space<hbm>> -> memref<10000x128xf32, #tpu.memory_space<hbm>>
        %dma_wait3A_285 = arith.constant 0 : i32
        %dma_wait3A_286 = arith.constant 0 : i32
        %dma_wait3A_287 = tpu.memref_slice %dma_wait3A_284[%dma_wait3A_285, %dma_wait3A_286] : memref<10000x128xf32, #tpu.memory_space<hbm>> -> memref<10000x128xf32, #tpu.memory_space<hbm>>
        %dma_wait3A_288 = tpu.memref_slice %arg11[%dma_wait3A_276] : memref<4x!tpu.dma_semaphore, #tpu.memory_space<semaphore_mem>> -> memref<1x!tpu.dma_semaphore, #tpu.memory_space<semaphore_mem>>
        %dma_wait3A_289 = tpu.memref_squeeze %dma_wait3A_288 : memref<1x!tpu.dma_semaphore, #tpu.memory_space<semaphore_mem>> -> memref<!tpu.dma_semaphore, #tpu.memory_space<semaphore_mem>>
        tpu.wait_indirect_dma semaphore(%dma_wait3A_289 : memref<!tpu.dma_semaphore, #tpu.memory_space<semaphore_mem>>) src(%dma_wait3A_287 : memref<10000x128xf32, #tpu.memory_space<hbm>>) dst(%dma_wait3A_280 : memref<80x128xf32, #tpu.memory_space<vmem>>)
        %mul3A_290 = arith.constant 80 : i32
        %mul3A_291 = arith.muli %add3A_192, %mul3A_290 : i32
        %add3A_292 = arith.constant 0 : i32
        %add3A_293 = arith.addi %mul3A_291, %add3A_292 : i32
        %get3A = arith.index_cast %add3A_293 : i32 to index
        %get3A_294 = tpu.vector_load %arg8[%get3A] {strides = array<i32>} : memref<20160xi32, #tpu.memory_space<vmem>>, vector<16xi32>,
        %dma_start3A = arith.constant 0 : i32
        %dma_start3A_295 = arith.constant 0 : i32
        %dma_start3A_296 = arith.constant 0 : i32
        %dma_start3A_297 = arith.constant 0 : i32
        %dma_start3A_298 = tpu.memref_slice %arg9[%dma_start3A, %dma_start3A_296, %dma_start3A_297] : memref<4x80x128xf32, #tpu.memory_space<vmem>> -> memref<1x80x128xf32, #tpu.memory_space<vmem>>
        %dma_start3A_299 = tpu.memref_squeeze %dma_start3A_298 : memref<1x80x128xf32, #tpu.memory_space<vmem>> -> memref<80x128xf32, #tpu.memory_space<vmem>>
        %dma_start3A_300 = arith.constant 0 : i32
        %dma_start3A_301 = arith.constant 0 : i32
        %dma_start3A_302 = tpu.memref_slice %dma_start3A_299[%dma_start3A_300, %dma_start3A_301] : memref<80x128xf32, #tpu.memory_space<vmem>> -> memref<16x128xf32, #tpu.memory_space<vmem>>
        %dma_start3A_303 = arith.constant 0 : i32
        %dma_start3A_304 = arith.constant 0 : i32
        %dma_start3A_305 = tpu.memref_slice %arg10[%dma_start3A_303, %dma_start3A_304] : memref<5008x128xf32, #tpu.memory_space<vmem_shared>> -> memref<5008x128xf32, #tpu.memory_space<vmem_shared>>
        %dma_start3A_306 = tpu.memref_slice %arg12[%dma_start3A_295] : memref<4x!tpu.dma_semaphore, #tpu.memory_space<semaphore_mem>> -> memref<1x!tpu.dma_semaphore, #tpu.memory_space<semaphore_mem>>
        %dma_start3A_307 = tpu.memref_squeeze %dma_start3A_306 : memref<1x!tpu.dma_semaphore, #tpu.memory_space<semaphore_mem>> -> memref<!tpu.dma_semaphore, #tpu.memory_space<semaphore_mem>>
        tpu.enqueue_indirect_dma source(%dma_start3A_302 : memref<16x128xf32, #tpu.memory_space<vmem>>) target(%dma_start3A_305 : memref<5008x128xf32, #tpu.memory_space<vmem_shared>>) offsets(%get3A_294 : vector<16xi32>) semaphore(%dma_start3A_307 : memref<!tpu.dma_semaphore, #tpu.memory_space<semaphore_mem>>) {add = true}
        %mul3A_308 = arith.constant 80 : i32
        %mul3A_309 = arith.muli %add3A_192, %mul3A_308 : i32
        %add3A_310 = arith.constant 16 : i32
        %add3A_311 = arith.addi %mul3A_309, %add3A_310 : i32
        %get3A_312 = arith.index_cast %add3A_311 : i32 to index
        %get3A_313 = tpu.vector_load %arg8[%get3A_312] {strides = array<i32>} : memref<20160xi32, #tpu.memory_space<vmem>>, vector<16xi32>,
        %dma_start3A_314 = arith.constant 0 : i32
        %dma_start3A_315 = arith.constant 0 : i32
        %dma_start3A_316 = arith.constant 0 : i32
        %dma_start3A_317 = arith.constant 0 : i32
        %dma_start3A_318 = tpu.memref_slice %arg9[%dma_start3A_314, %dma_start3A_316, %dma_start3A_317] : memref<4x80x128xf32, #tpu.memory_space<vmem>> -> memref<1x80x128xf32, #tpu.memory_space<vmem>>
        %dma_start3A_319 = tpu.memref_squeeze %dma_start3A_318 : memref<1x80x128xf32, #tpu.memory_space<vmem>> -> memref<80x128xf32, #tpu.memory_space<vmem>>
        %dma_start3A_320 = arith.constant 16 : i32
        %dma_start3A_321 = arith.constant 0 : i32
        %dma_start3A_322 = tpu.memref_slice %dma_start3A_319[%dma_start3A_320, %dma_start3A_321] : memref<80x128xf32, #tpu.memory_space<vmem>> -> memref<16x128xf32, #tpu.memory_space<vmem>>
        %dma_start3A_323 = arith.constant 0 : i32
        %dma_start3A_324 = arith.constant 0 : i32
        %dma_start3A_325 = tpu.memref_slice %arg10[%dma_start3A_323, %dma_start3A_324] : memref<5008x128xf32, #tpu.memory_space<vmem_shared>> -> memref<5008x128xf32, #tpu.memory_space<vmem_shared>>
        %dma_start3A_326 = tpu.memref_slice %arg12[%dma_start3A_315] : memref<4x!tpu.dma_semaphore, #tpu.memory_space<semaphore_mem>> -> memref<1x!tpu.dma_semaphore, #tpu.memory_space<semaphore_mem>>
        %dma_start3A_327 = tpu.memref_squeeze %dma_start3A_326 : memref<1x!tpu.dma_semaphore, #tpu.memory_space<semaphore_mem>> -> memref<!tpu.dma_semaphore, #tpu.memory_space<semaphore_mem>>
        tpu.enqueue_indirect_dma source(%dma_start3A_322 : memref<16x128xf32, #tpu.memory_space<vmem>>) target(%dma_start3A_325 : memref<5008x128xf32, #tpu.memory_space<vmem_shared>>) offsets(%get3A_313 : vector<16xi32>) semaphore(%dma_start3A_327 : memref<!tpu.dma_semaphore, #tpu.memory_space<semaphore_mem>>) {add = true}
        %mul3A_328 = arith.constant 80 : i32
        %mul3A_329 = arith.muli %add3A_192, %mul3A_328 : i32
        %add3A_330 = arith.constant 32 : i32
        %add3A_331 = arith.addi %mul3A_329, %add3A_330 : i32
        %get3A_332 = arith.index_cast %add3A_331 : i32 to index
        %get3A_333 = tpu.vector_load %arg8[%get3A_332] {strides = array<i32>} : memref<20160xi32, #tpu.memory_space<vmem>>, vector<16xi32>,
        %dma_start3A_334 = arith.constant 0 : i32
        %dma_start3A_335 = arith.constant 0 : i32
        %dma_start3A_336 = arith.constant 0 : i32
        %dma_start3A_337 = arith.constant 0 : i32
        %dma_start3A_338 = tpu.memref_slice %arg9[%dma_start3A_334, %dma_start3A_336, %dma_start3A_337] : memref<4x80x128xf32, #tpu.memory_space<vmem>> -> memref<1x80x128xf32, #tpu.memory_space<vmem>>
        %dma_start3A_339 = tpu.memref_squeeze %dma_start3A_338 : memref<1x80x128xf32, #tpu.memory_space<vmem>> -> memref<80x128xf32, #tpu.memory_space<vmem>>
        %dma_start3A_340 = arith.constant 32 : i32
        %dma_start3A_341 = arith.constant 0 : i32
        %dma_start3A_342 = tpu.memref_slice %dma_start3A_339[%dma_start3A_340, %dma_start3A_341] : memref<80x128xf32, #tpu.memory_space<vmem>> -> memref<16x128xf32, #tpu.memory_space<vmem>>
        %dma_start3A_343 = arith.constant 0 : i32
        %dma_start3A_344 = arith.constant 0 : i32
        %dma_start3A_345 = tpu.memref_slice %arg10[%dma_start3A_343, %dma_start3A_344] : memref<5008x128xf32, #tpu.memory_space<vmem_shared>> -> memref<5008x128xf32, #tpu.memory_space<vmem_shared>>
        %dma_start3A_346 = tpu.memref_slice %arg12[%dma_start3A_335] : memref<4x!tpu.dma_semaphore, #tpu.memory_space<semaphore_mem>> -> memref<1x!tpu.dma_semaphore, #tpu.memory_space<semaphore_mem>>
        %dma_start3A_347 = tpu.memref_squeeze %dma_start3A_346 : memref<1x!tpu.dma_semaphore, #tpu.memory_space<semaphore_mem>> -> memref<!tpu.dma_semaphore, #tpu.memory_space<semaphore_mem>>
        tpu.enqueue_indirect_dma source(%dma_start3A_342 : memref<16x128xf32, #tpu.memory_space<vmem>>) target(%dma_start3A_345 : memref<5008x128xf32, #tpu.memory_space<vmem_shared>>) offsets(%get3A_333 : vector<16xi32>) semaphore(%dma_start3A_347 : memref<!tpu.dma_semaphore, #tpu.memory_space<semaphore_mem>>) {add = true}
        %mul3A_348 = arith.constant 80 : i32
        %mul3A_349 = arith.muli %add3A_192, %mul3A_348 : i32
        %add3A_350 = arith.constant 48 : i32
        %add3A_351 = arith.addi %mul3A_349, %add3A_350 : i32
        %get3A_352 = arith.index_cast %add3A_351 : i32 to index
        %get3A_353 = tpu.vector_load %arg8[%get3A_352] {strides = array<i32>} : memref<20160xi32, #tpu.memory_space<vmem>>, vector<16xi32>,
        %dma_start3A_354 = arith.constant 0 : i32
        %dma_start3A_355 = arith.constant 0 : i32
        %dma_start3A_356 = arith.constant 0 : i32
        %dma_start3A_357 = arith.constant 0 : i32
        %dma_start3A_358 = tpu.memref_slice %arg9[%dma_start3A_354, %dma_start3A_356, %dma_start3A_357] : memref<4x80x128xf32, #tpu.memory_space<vmem>> -> memref<1x80x128xf32, #tpu.memory_space<vmem>>
        %dma_start3A_359 = tpu.memref_squeeze %dma_start3A_358 : memref<1x80x128xf32, #tpu.memory_space<vmem>> -> memref<80x128xf32, #tpu.memory_space<vmem>>
        %dma_start3A_360 = arith.constant 48 : i32
        %dma_start3A_361 = arith.constant 0 : i32
        %dma_start3A_362 = tpu.memref_slice %dma_start3A_359[%dma_start3A_360, %dma_start3A_361] : memref<80x128xf32, #tpu.memory_space<vmem>> -> memref<16x128xf32, #tpu.memory_space<vmem>>
        %dma_start3A_363 = arith.constant 0 : i32
        %dma_start3A_364 = arith.constant 0 : i32
        %dma_start3A_365 = tpu.memref_slice %arg10[%dma_start3A_363, %dma_start3A_364] : memref<5008x128xf32, #tpu.memory_space<vmem_shared>> -> memref<5008x128xf32, #tpu.memory_space<vmem_shared>>
        %dma_start3A_366 = tpu.memref_slice %arg12[%dma_start3A_355] : memref<4x!tpu.dma_semaphore, #tpu.memory_space<semaphore_mem>> -> memref<1x!tpu.dma_semaphore, #tpu.memory_space<semaphore_mem>>
        %dma_start3A_367 = tpu.memref_squeeze %dma_start3A_366 : memref<1x!tpu.dma_semaphore, #tpu.memory_space<semaphore_mem>> -> memref<!tpu.dma_semaphore, #tpu.memory_space<semaphore_mem>>
        tpu.enqueue_indirect_dma source(%dma_start3A_362 : memref<16x128xf32, #tpu.memory_space<vmem>>) target(%dma_start3A_365 : memref<5008x128xf32, #tpu.memory_space<vmem_shared>>) offsets(%get3A_353 : vector<16xi32>) semaphore(%dma_start3A_367 : memref<!tpu.dma_semaphore, #tpu.memory_space<semaphore_mem>>) {add = true}
        %mul3A_368 = arith.constant 80 : i32
        %mul3A_369 = arith.muli %add3A_192, %mul3A_368 : i32
        %add3A_370 = arith.constant 64 : i32
        %add3A_371 = arith.addi %mul3A_369, %add3A_370 : i32
        %get3A_372 = arith.index_cast %add3A_371 : i32 to index
        %get3A_373 = tpu.vector_load %arg8[%get3A_372] {strides = array<i32>} : memref<20160xi32, #tpu.memory_space<vmem>>, vector<16xi32>,
        %dma_start3A_374 = arith.constant 0 : i32
        %dma_start3A_375 = arith.constant 0 : i32
        %dma_start3A_376 = arith.constant 0 : i32
        %dma_start3A_377 = arith.constant 0 : i32
        %dma_start3A_378 = tpu.memref_slice %arg9[%dma_start3A_374, %dma_start3A_376, %dma_start3A_377] : memref<4x80x128xf32, #tpu.memory_space<vmem>> -> memref<1x80x128xf32, #tpu.memory_space<vmem>>
        %dma_start3A_379 = tpu.memref_squeeze %dma_start3A_378 : memref<1x80x128xf32, #tpu.memory_space<vmem>> -> memref<80x128xf32, #tpu.memory_space<vmem>>
        %dma_start3A_380 = arith.constant 64 : i32
        %dma_start3A_381 = arith.constant 0 : i32
        %dma_start3A_382 = tpu.memref_slice %dma_start3A_379[%dma_start3A_380, %dma_start3A_381] : memref<80x128xf32, #tpu.memory_space<vmem>> -> memref<16x128xf32, #tpu.memory_space<vmem>>
        %dma_start3A_383 = arith.constant 0 : i32
        %dma_start3A_384 = arith.constant 0 : i32
        %dma_start3A_385 = tpu.memref_slice %arg10[%dma_start3A_383, %dma_start3A_384] : memref<5008x128xf32, #tpu.memory_space<vmem_shared>> -> memref<5008x128xf32, #tpu.memory_space<vmem_shared>>
        %dma_start3A_386 = tpu.memref_slice %arg12[%dma_start3A_375] : memref<4x!tpu.dma_semaphore, #tpu.memory_space<semaphore_mem>> -> memref<1x!tpu.dma_semaphore, #tpu.memory_space<semaphore_mem>>
        %dma_start3A_387 = tpu.memref_squeeze %dma_start3A_386 : memref<1x!tpu.dma_semaphore, #tpu.memory_space<semaphore_mem>> -> memref<!tpu.dma_semaphore, #tpu.memory_space<semaphore_mem>>
        tpu.enqueue_indirect_dma source(%dma_start3A_382 : memref<16x128xf32, #tpu.memory_space<vmem>>) target(%dma_start3A_385 : memref<5008x128xf32, #tpu.memory_space<vmem_shared>>) offsets(%get3A_373 : vector<16xi32>) semaphore(%dma_start3A_387 : memref<!tpu.dma_semaphore, #tpu.memory_space<semaphore_mem>>) {add = true}
      } else {
      }
      %ge3A_196 = arith.constant 2 : i32
      %ge3A_197 = arith.cmpi sge, %add3A_192, %ge3A_196 : i32
      %sub3A_198 = arith.constant 2 : i32
      %sub3A_199 = arith.subi %add3A_192, %sub3A_198 : i32
      %lt3A_200 = arith.cmpi slt, %sub3A_199, %mul3A_110 : i32
      %and3A_201 = arith.andi %ge3A_197, %lt3A_200 : i1
      %convert_element_type3A_202 = arith.extui %and3A_201 : i1 to i32
      %cond3A_203 = arith.constant 0 : i32
      %cond3A_204 = arith.cmpi ne, %convert_element_type3A_202, %cond3A_203 : i32
      scf.if %cond3A_204 {
        %sub3A_274 = arith.constant 2 : i32
        %sub3A_275 = arith.subi %add3A_192, %sub3A_274 : i32
        %dma_wait3A = arith.constant 2 : i32
        %dma_wait3A_276 = arith.constant 2 : i32
        %dma_wait3A_277 = arith.constant 0 : i32
        %dma_wait3A_278 = arith.constant 0 : i32
        %dma_wait3A_279 = tpu.memref_slice %arg9[%dma_wait3A, %dma_wait3A_277, %dma_wait3A_278] : memref<4x80x128xf32, #tpu.memory_space<vmem>> -> memref<1x80x128xf32, #tpu.memory_space<vmem>>
        %dma_wait3A_280 = tpu.memref_squeeze %dma_wait3A_279 : memref<1x80x128xf32, #tpu.memory_space<vmem>> -> memref<80x128xf32, #tpu.memory_space<vmem>>
        %dma_wait3A_281 = arith.constant 0 : i32
        %dma_wait3A_282 = arith.constant 0 : i32
        %dma_wait3A_283 = tpu.memref_slice %arg2[%dma_wait3A_281, %dma_wait3A_282] : memref<20000x128xf32, #tpu.memory_space<hbm>> -> memref<80x128xf32, #tpu.memory_space<hbm>>
        %dma_wait3A_284 = tpu.memref_slice %arg12[%dma_wait3A_276] : memref<4x!tpu.dma_semaphore, #tpu.memory_space<semaphore_mem>> -> memref<1x!tpu.dma_semaphore, #tpu.memory_space<semaphore_mem>>
        %dma_wait3A_285 = tpu.memref_squeeze %dma_wait3A_284 : memref<1x!tpu.dma_semaphore, #tpu.memory_space<semaphore_mem>> -> memref<!tpu.dma_semaphore, #tpu.memory_space<semaphore_mem>>
        %dma_wait3A_286 = arith.constant 0 : i32
        %dma_wait3A_287 = arith.constant 0 : i32
        %dma_wait3A_288 = tpu.memref_slice %arg9[%dma_wait3A, %dma_wait3A_286, %dma_wait3A_287] : memref<4x80x128xf32, #tpu.memory_space<vmem>> -> memref<1x80x128xf32, #tpu.memory_space<vmem>>
        %dma_wait3A_289 = tpu.memref_squeeze %dma_wait3A_288 : memref<1x80x128xf32, #tpu.memory_space<vmem>> -> memref<80x128xf32, #tpu.memory_space<vmem>>
        %dma_wait3A_290 = arith.constant 0 : i32
        %dma_wait3A_291 = arith.constant 0 : i32
        %dma_wait3A_292 = tpu.memref_slice %arg2[%dma_wait3A_290, %dma_wait3A_291] : memref<20000x128xf32, #tpu.memory_space<hbm>> -> memref<80x128xf32, #tpu.memory_space<hbm>>
        tpu.wait_dma2 semaphore(%dma_wait3A_285 : memref<!tpu.dma_semaphore, #tpu.memory_space<semaphore_mem>>) src(%dma_wait3A_292 : memref<80x128xf32, #tpu.memory_space<hbm>>) dst(%dma_wait3A_289 : memref<80x128xf32, #tpu.memory_space<vmem>>)
      } else {
      }
      %add3A_205 = arith.constant 2 : i32
      %add3A_206 = arith.addi %add3A_192, %add3A_205 : i32
      %lt3A_207 = arith.cmpi slt, %add3A_206, %mul3A_110 : i32
      %convert_element_type3A_208 = arith.extui %lt3A_207 : i1 to i32
      %cond3A_209 = arith.constant 0 : i32
      %cond3A_210 = arith.cmpi ne, %convert_element_type3A_208, %cond3A_209 : i32
      scf.if %cond3A_210 {
        %add3A_274 = arith.constant 2 : i32
        %add3A_275 = arith.addi %add3A_192, %add3A_274 : i32
        %mul3A_276 = arith.constant 80 : i32
        %mul3A_277 = arith.muli %add3A_275, %mul3A_276 : i32
        %dma_start3A = arith.constant 2 : i32
        %dma_start3A_278 = arith.constant 2 : i32
        %dma_start3A_279 = arith.constant 0 : i32
        %dma_start3A_280 = arith.constant 0 : i32
        %dma_start3A_281 = tpu.memref_slice %arg9[%dma_start3A, %dma_start3A_279, %dma_start3A_280] : memref<4x80x128xf32, #tpu.memory_space<vmem>> -> memref<1x80x128xf32, #tpu.memory_space<vmem>>
        %dma_start3A_282 = tpu.memref_squeeze %dma_start3A_281 : memref<1x80x128xf32, #tpu.memory_space<vmem>> -> memref<80x128xf32, #tpu.memory_space<vmem>>
        %dma_start3A_283 = tpu.memref_slice %arg7[%mul3A_277] : memref<20160xi32, #tpu.memory_space<vmem>> -> memref<80xi32, #tpu.memory_space<vmem>>
        %dma_start3A_284 = arith.constant 0 : i32
        %dma_start3A_285 = arith.constant 0 : i32
        %dma_start3A_286 = tpu.memref_slice %arg2[%dma_start3A_284, %dma_start3A_285] : memref<20000x128xf32, #tpu.memory_space<hbm>> -> memref<10000x128xf32, #tpu.memory_space<hbm>>
        %dma_start3A_287 = arith.constant 0 : i32
        %dma_start3A_288 = arith.constant 0 : i32
        %dma_start3A_289 = tpu.memref_slice %dma_start3A_286[%dma_start3A_287, %dma_start3A_288] : memref<10000x128xf32, #tpu.memory_space<hbm>> -> memref<10000x128xf32, #tpu.memory_space<hbm>>
        %dma_start3A_290 = tpu.memref_slice %arg11[%dma_start3A_278] : memref<4x!tpu.dma_semaphore, #tpu.memory_space<semaphore_mem>> -> memref<1x!tpu.dma_semaphore, #tpu.memory_space<semaphore_mem>>
        %dma_start3A_291 = tpu.memref_squeeze %dma_start3A_290 : memref<1x!tpu.dma_semaphore, #tpu.memory_space<semaphore_mem>> -> memref<!tpu.dma_semaphore, #tpu.memory_space<semaphore_mem>>
        tpu.enqueue_indirect_dma source(%dma_start3A_289 : memref<10000x128xf32, #tpu.memory_space<hbm>>) target(%dma_start3A_282 : memref<80x128xf32, #tpu.memory_space<vmem>>) offsets(%dma_start3A_283 : memref<80xi32, #tpu.memory_space<vmem>>) semaphore(%dma_start3A_291 : memref<!tpu.dma_semaphore, #tpu.memory_space<semaphore_mem>>)
      } else {
      }
      %add3A_211 = arith.constant 1 : i32
      %add3A_212 = arith.addi %add3A_190, %add3A_211 : i32
      %lt3A_213 = arith.cmpi slt, %add3A_212, %mul3A_110 : i32
      %convert_element_type3A_214 = arith.extui %lt3A_213 : i1 to i32
      %cond3A_215 = arith.constant 0 : i32
      %cond3A_216 = arith.cmpi ne, %convert_element_type3A_214, %cond3A_215 : i32
      scf.if %cond3A_216 {
        %mul3A_274 = arith.constant 80 : i32
        %mul3A_275 = arith.muli %add3A_212, %mul3A_274 : i32
        %dma_wait3A = arith.constant 1 : i32
        %dma_wait3A_276 = arith.constant 1 : i32
        %dma_wait3A_277 = arith.constant 0 : i32
        %dma_wait3A_278 = arith.constant 0 : i32
        %dma_wait3A_279 = tpu.memref_slice %arg9[%dma_wait3A, %dma_wait3A_277, %dma_wait3A_278] : memref<4x80x128xf32, #tpu.memory_space<vmem>> -> memref<1x80x128xf32, #tpu.memory_space<vmem>>
        %dma_wait3A_280 = tpu.memref_squeeze %dma_wait3A_279 : memref<1x80x128xf32, #tpu.memory_space<vmem>> -> memref<80x128xf32, #tpu.memory_space<vmem>>
        %dma_wait3A_281 = tpu.memref_slice %arg7[%mul3A_275] : memref<20160xi32, #tpu.memory_space<vmem>> -> memref<80xi32, #tpu.memory_space<vmem>>
        %dma_wait3A_282 = arith.constant 0 : i32
        %dma_wait3A_283 = arith.constant 0 : i32
        %dma_wait3A_284 = tpu.memref_slice %arg2[%dma_wait3A_282, %dma_wait3A_283] : memref<20000x128xf32, #tpu.memory_space<hbm>> -> memref<10000x128xf32, #tpu.memory_space<hbm>>
        %dma_wait3A_285 = arith.constant 0 : i32
        %dma_wait3A_286 = arith.constant 0 : i32
        %dma_wait3A_287 = tpu.memref_slice %dma_wait3A_284[%dma_wait3A_285, %dma_wait3A_286] : memref<10000x128xf32, #tpu.memory_space<hbm>> -> memref<10000x128xf32, #tpu.memory_space<hbm>>
        %dma_wait3A_288 = tpu.memref_slice %arg11[%dma_wait3A_276] : memref<4x!tpu.dma_semaphore, #tpu.memory_space<semaphore_mem>> -> memref<1x!tpu.dma_semaphore, #tpu.memory_space<semaphore_mem>>
        %dma_wait3A_289 = tpu.memref_squeeze %dma_wait3A_288 : memref<1x!tpu.dma_semaphore, #tpu.memory_space<semaphore_mem>> -> memref<!tpu.dma_semaphore, #tpu.memory_space<semaphore_mem>>
        tpu.wait_indirect_dma semaphore(%dma_wait3A_289 : memref<!tpu.dma_semaphore, #tpu.memory_space<semaphore_mem>>) src(%dma_wait3A_287 : memref<10000x128xf32, #tpu.memory_space<hbm>>) dst(%dma_wait3A_280 : memref<80x128xf32, #tpu.memory_space<vmem>>)
        %mul3A_290 = arith.constant 80 : i32
        %mul3A_291 = arith.muli %add3A_212, %mul3A_290 : i32
        %add3A_292 = arith.constant 0 : i32
        %add3A_293 = arith.addi %mul3A_291, %add3A_292 : i32
        %get3A = arith.index_cast %add3A_293 : i32 to index
        %get3A_294 = tpu.vector_load %arg8[%get3A] {strides = array<i32>} : memref<20160xi32, #tpu.memory_space<vmem>>, vector<16xi32>,
        %dma_start3A = arith.constant 1 : i32
        %dma_start3A_295 = arith.constant 1 : i32
        %dma_start3A_296 = arith.constant 0 : i32
        %dma_start3A_297 = arith.constant 0 : i32
        %dma_start3A_298 = tpu.memref_slice %arg9[%dma_start3A, %dma_start3A_296, %dma_start3A_297] : memref<4x80x128xf32, #tpu.memory_space<vmem>> -> memref<1x80x128xf32, #tpu.memory_space<vmem>>
        %dma_start3A_299 = tpu.memref_squeeze %dma_start3A_298 : memref<1x80x128xf32, #tpu.memory_space<vmem>> -> memref<80x128xf32, #tpu.memory_space<vmem>>
        %dma_start3A_300 = arith.constant 0 : i32
        %dma_start3A_301 = arith.constant 0 : i32
        %dma_start3A_302 = tpu.memref_slice %dma_start3A_299[%dma_start3A_300, %dma_start3A_301] : memref<80x128xf32, #tpu.memory_space<vmem>> -> memref<16x128xf32, #tpu.memory_space<vmem>>
        %dma_start3A_303 = arith.constant 0 : i32
        %dma_start3A_304 = arith.constant 0 : i32
        %dma_start3A_305 = tpu.memref_slice %arg10[%dma_start3A_303, %dma_start3A_304] : memref<5008x128xf32, #tpu.memory_space<vmem_shared>> -> memref<5008x128xf32, #tpu.memory_space<vmem_shared>>
        %dma_start3A_306 = tpu.memref_slice %arg12[%dma_start3A_295] : memref<4x!tpu.dma_semaphore, #tpu.memory_space<semaphore_mem>> -> memref<1x!tpu.dma_semaphore, #tpu.memory_space<semaphore_mem>>
        %dma_start3A_307 = tpu.memref_squeeze %dma_start3A_306 : memref<1x!tpu.dma_semaphore, #tpu.memory_space<semaphore_mem>> -> memref<!tpu.dma_semaphore, #tpu.memory_space<semaphore_mem>>
        tpu.enqueue_indirect_dma source(%dma_start3A_302 : memref<16x128xf32, #tpu.memory_space<vmem>>) target(%dma_start3A_305 : memref<5008x128xf32, #tpu.memory_space<vmem_shared>>) offsets(%get3A_294 : vector<16xi32>) semaphore(%dma_start3A_307 : memref<!tpu.dma_semaphore, #tpu.memory_space<semaphore_mem>>) {add = true}
        %mul3A_308 = arith.constant 80 : i32
        %mul3A_309 = arith.muli %add3A_212, %mul3A_308 : i32
        %add3A_310 = arith.constant 16 : i32
        %add3A_311 = arith.addi %mul3A_309, %add3A_310 : i32
        %get3A_312 = arith.index_cast %add3A_311 : i32 to index
        %get3A_313 = tpu.vector_load %arg8[%get3A_312] {strides = array<i32>} : memref<20160xi32, #tpu.memory_space<vmem>>, vector<16xi32>,
        %dma_start3A_314 = arith.constant 1 : i32
        %dma_start3A_315 = arith.constant 1 : i32
        %dma_start3A_316 = arith.constant 0 : i32
        %dma_start3A_317 = arith.constant 0 : i32
        %dma_start3A_318 = tpu.memref_slice %arg9[%dma_start3A_314, %dma_start3A_316, %dma_start3A_317] : memref<4x80x128xf32, #tpu.memory_space<vmem>> -> memref<1x80x128xf32, #tpu.memory_space<vmem>>
        %dma_start3A_319 = tpu.memref_squeeze %dma_start3A_318 : memref<1x80x128xf32, #tpu.memory_space<vmem>> -> memref<80x128xf32, #tpu.memory_space<vmem>>
        %dma_start3A_320 = arith.constant 16 : i32
        %dma_start3A_321 = arith.constant 0 : i32
        %dma_start3A_322 = tpu.memref_slice %dma_start3A_319[%dma_start3A_320, %dma_start3A_321] : memref<80x128xf32, #tpu.memory_space<vmem>> -> memref<16x128xf32, #tpu.memory_space<vmem>>
        %dma_start3A_323 = arith.constant 0 : i32
        %dma_start3A_324 = arith.constant 0 : i32
        %dma_start3A_325 = tpu.memref_slice %arg10[%dma_start3A_323, %dma_start3A_324] : memref<5008x128xf32, #tpu.memory_space<vmem_shared>> -> memref<5008x128xf32, #tpu.memory_space<vmem_shared>>
        %dma_start3A_326 = tpu.memref_slice %arg12[%dma_start3A_315] : memref<4x!tpu.dma_semaphore, #tpu.memory_space<semaphore_mem>> -> memref<1x!tpu.dma_semaphore, #tpu.memory_space<semaphore_mem>>
        %dma_start3A_327 = tpu.memref_squeeze %dma_start3A_326 : memref<1x!tpu.dma_semaphore, #tpu.memory_space<semaphore_mem>> -> memref<!tpu.dma_semaphore, #tpu.memory_space<semaphore_mem>>
        tpu.enqueue_indirect_dma source(%dma_start3A_322 : memref<16x128xf32, #tpu.memory_space<vmem>>) target(%dma_start3A_325 : memref<5008x128xf32, #tpu.memory_space<vmem_shared>>) offsets(%get3A_313 : vector<16xi32>) semaphore(%dma_start3A_327 : memref<!tpu.dma_semaphore, #tpu.memory_space<semaphore_mem>>) {add = true}
        %mul3A_328 = arith.constant 80 : i32
        %mul3A_329 = arith.muli %add3A_212, %mul3A_328 : i32
        %add3A_330 = arith.constant 32 : i32
        %add3A_331 = arith.addi %mul3A_329, %add3A_330 : i32
        %get3A_332 = arith.index_cast %add3A_331 : i32 to index
        %get3A_333 = tpu.vector_load %arg8[%get3A_332] {strides = array<i32>} : memref<20160xi32, #tpu.memory_space<vmem>>, vector<16xi32>,
        %dma_start3A_334 = arith.constant 1 : i32
        %dma_start3A_335 = arith.constant 1 : i32
        %dma_start3A_336 = arith.constant 0 : i32
        %dma_start3A_337 = arith.constant 0 : i32
        %dma_start3A_338 = tpu.memref_slice %arg9[%dma_start3A_334, %dma_start3A_336, %dma_start3A_337] : memref<4x80x128xf32, #tpu.memory_space<vmem>> -> memref<1x80x128xf32, #tpu.memory_space<vmem>>
        %dma_start3A_339 = tpu.memref_squeeze %dma_start3A_338 : memref<1x80x128xf32, #tpu.memory_space<vmem>> -> memref<80x128xf32, #tpu.memory_space<vmem>>
        %dma_start3A_340 = arith.constant 32 : i32
        %dma_start3A_341 = arith.constant 0 : i32
        %dma_start3A_342 = tpu.memref_slice %dma_start3A_339[%dma_start3A_340, %dma_start3A_341] : memref<80x128xf32, #tpu.memory_space<vmem>> -> memref<16x128xf32, #tpu.memory_space<vmem>>
        %dma_start3A_343 = arith.constant 0 : i32
        %dma_start3A_344 = arith.constant 0 : i32
        %dma_start3A_345 = tpu.memref_slice %arg10[%dma_start3A_343, %dma_start3A_344] : memref<5008x128xf32, #tpu.memory_space<vmem_shared>> -> memref<5008x128xf32, #tpu.memory_space<vmem_shared>>
        %dma_start3A_346 = tpu.memref_slice %arg12[%dma_start3A_335] : memref<4x!tpu.dma_semaphore, #tpu.memory_space<semaphore_mem>> -> memref<1x!tpu.dma_semaphore, #tpu.memory_space<semaphore_mem>>
        %dma_start3A_347 = tpu.memref_squeeze %dma_start3A_346 : memref<1x!tpu.dma_semaphore, #tpu.memory_space<semaphore_mem>> -> memref<!tpu.dma_semaphore, #tpu.memory_space<semaphore_mem>>
        tpu.enqueue_indirect_dma source(%dma_start3A_342 : memref<16x128xf32, #tpu.memory_space<vmem>>) target(%dma_start3A_345 : memref<5008x128xf32, #tpu.memory_space<vmem_shared>>) offsets(%get3A_333 : vector<16xi32>) semaphore(%dma_start3A_347 : memref<!tpu.dma_semaphore, #tpu.memory_space<semaphore_mem>>) {add = true}
        %mul3A_348 = arith.constant 80 : i32
        %mul3A_349 = arith.muli %add3A_212, %mul3A_348 : i32
        %add3A_350 = arith.constant 48 : i32
        %add3A_351 = arith.addi %mul3A_349, %add3A_350 : i32
        %get3A_352 = arith.index_cast %add3A_351 : i32 to index
        %get3A_353 = tpu.vector_load %arg8[%get3A_352] {strides = array<i32>} : memref<20160xi32, #tpu.memory_space<vmem>>, vector<16xi32>,
        %dma_start3A_354 = arith.constant 1 : i32
        %dma_start3A_355 = arith.constant 1 : i32
        %dma_start3A_356 = arith.constant 0 : i32
        %dma_start3A_357 = arith.constant 0 : i32
        %dma_start3A_358 = tpu.memref_slice %arg9[%dma_start3A_354, %dma_start3A_356, %dma_start3A_357] : memref<4x80x128xf32, #tpu.memory_space<vmem>> -> memref<1x80x128xf32, #tpu.memory_space<vmem>>
        %dma_start3A_359 = tpu.memref_squeeze %dma_start3A_358 : memref<1x80x128xf32, #tpu.memory_space<vmem>> -> memref<80x128xf32, #tpu.memory_space<vmem>>
        %dma_start3A_360 = arith.constant 48 : i32
        %dma_start3A_361 = arith.constant 0 : i32
        %dma_start3A_362 = tpu.memref_slice %dma_start3A_359[%dma_start3A_360, %dma_start3A_361] : memref<80x128xf32, #tpu.memory_space<vmem>> -> memref<16x128xf32, #tpu.memory_space<vmem>>
        %dma_start3A_363 = arith.constant 0 : i32
        %dma_start3A_364 = arith.constant 0 : i32
        %dma_start3A_365 = tpu.memref_slice %arg10[%dma_start3A_363, %dma_start3A_364] : memref<5008x128xf32, #tpu.memory_space<vmem_shared>> -> memref<5008x128xf32, #tpu.memory_space<vmem_shared>>
        %dma_start3A_366 = tpu.memref_slice %arg12[%dma_start3A_355] : memref<4x!tpu.dma_semaphore, #tpu.memory_space<semaphore_mem>> -> memref<1x!tpu.dma_semaphore, #tpu.memory_space<semaphore_mem>>
        %dma_start3A_367 = tpu.memref_squeeze %dma_start3A_366 : memref<1x!tpu.dma_semaphore, #tpu.memory_space<semaphore_mem>> -> memref<!tpu.dma_semaphore, #tpu.memory_space<semaphore_mem>>
        tpu.enqueue_indirect_dma source(%dma_start3A_362 : memref<16x128xf32, #tpu.memory_space<vmem>>) target(%dma_start3A_365 : memref<5008x128xf32, #tpu.memory_space<vmem_shared>>) offsets(%get3A_353 : vector<16xi32>) semaphore(%dma_start3A_367 : memref<!tpu.dma_semaphore, #tpu.memory_space<semaphore_mem>>) {add = true}
        %mul3A_368 = arith.constant 80 : i32
        %mul3A_369 = arith.muli %add3A_212, %mul3A_368 : i32
        %add3A_370 = arith.constant 64 : i32
        %add3A_371 = arith.addi %mul3A_369, %add3A_370 : i32
        %get3A_372 = arith.index_cast %add3A_371 : i32 to index
        %get3A_373 = tpu.vector_load %arg8[%get3A_372] {strides = array<i32>} : memref<20160xi32, #tpu.memory_space<vmem>>, vector<16xi32>,
        %dma_start3A_374 = arith.constant 1 : i32
        %dma_start3A_375 = arith.constant 1 : i32
        %dma_start3A_376 = arith.constant 0 : i32
        %dma_start3A_377 = arith.constant 0 : i32
        %dma_start3A_378 = tpu.memref_slice %arg9[%dma_start3A_374, %dma_start3A_376, %dma_start3A_377] : memref<4x80x128xf32, #tpu.memory_space<vmem>> -> memref<1x80x128xf32, #tpu.memory_space<vmem>>
        %dma_start3A_379 = tpu.memref_squeeze %dma_start3A_378 : memref<1x80x128xf32, #tpu.memory_space<vmem>> -> memref<80x128xf32, #tpu.memory_space<vmem>>
        %dma_start3A_380 = arith.constant 64 : i32
        %dma_start3A_381 = arith.constant 0 : i32
        %dma_start3A_382 = tpu.memref_slice %dma_start3A_379[%dma_start3A_380, %dma_start3A_381] : memref<80x128xf32, #tpu.memory_space<vmem>> -> memref<16x128xf32, #tpu.memory_space<vmem>>
        %dma_start3A_383 = arith.constant 0 : i32
        %dma_start3A_384 = arith.constant 0 : i32
        %dma_start3A_385 = tpu.memref_slice %arg10[%dma_start3A_383, %dma_start3A_384] : memref<5008x128xf32, #tpu.memory_space<vmem_shared>> -> memref<5008x128xf32, #tpu.memory_space<vmem_shared>>
        %dma_start3A_386 = tpu.memref_slice %arg12[%dma_start3A_375] : memref<4x!tpu.dma_semaphore, #tpu.memory_space<semaphore_mem>> -> memref<1x!tpu.dma_semaphore, #tpu.memory_space<semaphore_mem>>
        %dma_start3A_387 = tpu.memref_squeeze %dma_start3A_386 : memref<1x!tpu.dma_semaphore, #tpu.memory_space<semaphore_mem>> -> memref<!tpu.dma_semaphore, #tpu.memory_space<semaphore_mem>>
        tpu.enqueue_indirect_dma source(%dma_start3A_382 : memref<16x128xf32, #tpu.memory_space<vmem>>) target(%dma_start3A_385 : memref<5008x128xf32, #tpu.memory_space<vmem_shared>>) offsets(%get3A_373 : vector<16xi32>) semaphore(%dma_start3A_387 : memref<!tpu.dma_semaphore, #tpu.memory_space<semaphore_mem>>) {add = true}
      } else {
      }
      %ge3A_217 = arith.constant 2 : i32
      %ge3A_218 = arith.cmpi sge, %add3A_212, %ge3A_217 : i32
      %sub3A_219 = arith.constant 2 : i32
      %sub3A_220 = arith.subi %add3A_212, %sub3A_219 : i32
      %lt3A_221 = arith.cmpi slt, %sub3A_220, %mul3A_110 : i32
      %and3A_222 = arith.andi %ge3A_218, %lt3A_221 : i1
      %convert_element_type3A_223 = arith.extui %and3A_222 : i1 to i32
      %cond3A_224 = arith.constant 0 : i32
      %cond3A_225 = arith.cmpi ne, %convert_element_type3A_223, %cond3A_224 : i32
      scf.if %cond3A_225 {
        %sub3A_274 = arith.constant 2 : i32
        %sub3A_275 = arith.subi %add3A_212, %sub3A_274 : i32
        %dma_wait3A = arith.constant 3 : i32
        %dma_wait3A_276 = arith.constant 3 : i32
        %dma_wait3A_277 = arith.constant 0 : i32
        %dma_wait3A_278 = arith.constant 0 : i32
        %dma_wait3A_279 = tpu.memref_slice %arg9[%dma_wait3A, %dma_wait3A_277, %dma_wait3A_278] : memref<4x80x128xf32, #tpu.memory_space<vmem>> -> memref<1x80x128xf32, #tpu.memory_space<vmem>>
        %dma_wait3A_280 = tpu.memref_squeeze %dma_wait3A_279 : memref<1x80x128xf32, #tpu.memory_space<vmem>> -> memref<80x128xf32, #tpu.memory_space<vmem>>
        %dma_wait3A_281 = arith.constant 0 : i32
        %dma_wait3A_282 = arith.constant 0 : i32
        %dma_wait3A_283 = tpu.memref_slice %arg2[%dma_wait3A_281, %dma_wait3A_282] : memref<20000x128xf32, #tpu.memory_space<hbm>> -> memref<80x128xf32, #tpu.memory_space<hbm>>
        %dma_wait3A_284 = tpu.memref_slice %arg12[%dma_wait3A_276] : memref<4x!tpu.dma_semaphore, #tpu.memory_space<semaphore_mem>> -> memref<1x!tpu.dma_semaphore, #tpu.memory_space<semaphore_mem>>
        %dma_wait3A_285 = tpu.memref_squeeze %dma_wait3A_284 : memref<1x!tpu.dma_semaphore, #tpu.memory_space<semaphore_mem>> -> memref<!tpu.dma_semaphore, #tpu.memory_space<semaphore_mem>>
        %dma_wait3A_286 = arith.constant 0 : i32
        %dma_wait3A_287 = arith.constant 0 : i32
        %dma_wait3A_288 = tpu.memref_slice %arg9[%dma_wait3A, %dma_wait3A_286, %dma_wait3A_287] : memref<4x80x128xf32, #tpu.memory_space<vmem>> -> memref<1x80x128xf32, #tpu.memory_space<vmem>>
        %dma_wait3A_289 = tpu.memref_squeeze %dma_wait3A_288 : memref<1x80x128xf32, #tpu.memory_space<vmem>> -> memref<80x128xf32, #tpu.memory_space<vmem>>
        %dma_wait3A_290 = arith.constant 0 : i32
        %dma_wait3A_291 = arith.constant 0 : i32
        %dma_wait3A_292 = tpu.memref_slice %arg2[%dma_wait3A_290, %dma_wait3A_291] : memref<20000x128xf32, #tpu.memory_space<hbm>> -> memref<80x128xf32, #tpu.memory_space<hbm>>
        tpu.wait_dma2 semaphore(%dma_wait3A_285 : memref<!tpu.dma_semaphore, #tpu.memory_space<semaphore_mem>>) src(%dma_wait3A_292 : memref<80x128xf32, #tpu.memory_space<hbm>>) dst(%dma_wait3A_289 : memref<80x128xf32, #tpu.memory_space<vmem>>)
      } else {
      }
      %add3A_226 = arith.constant 2 : i32
      %add3A_227 = arith.addi %add3A_212, %add3A_226 : i32
      %lt3A_228 = arith.cmpi slt, %add3A_227, %mul3A_110 : i32
      %convert_element_type3A_229 = arith.extui %lt3A_228 : i1 to i32
      %cond3A_230 = arith.constant 0 : i32
      %cond3A_231 = arith.cmpi ne, %convert_element_type3A_229, %cond3A_230 : i32
      scf.if %cond3A_231 {
        %add3A_274 = arith.constant 2 : i32
        %add3A_275 = arith.addi %add3A_212, %add3A_274 : i32
        %mul3A_276 = arith.constant 80 : i32
        %mul3A_277 = arith.muli %add3A_275, %mul3A_276 : i32
        %dma_start3A = arith.constant 3 : i32
        %dma_start3A_278 = arith.constant 3 : i32
        %dma_start3A_279 = arith.constant 0 : i32
        %dma_start3A_280 = arith.constant 0 : i32
        %dma_start3A_281 = tpu.memref_slice %arg9[%dma_start3A, %dma_start3A_279, %dma_start3A_280] : memref<4x80x128xf32, #tpu.memory_space<vmem>> -> memref<1x80x128xf32, #tpu.memory_space<vmem>>
        %dma_start3A_282 = tpu.memref_squeeze %dma_start3A_281 : memref<1x80x128xf32, #tpu.memory_space<vmem>> -> memref<80x128xf32, #tpu.memory_space<vmem>>
        %dma_start3A_283 = tpu.memref_slice %arg7[%mul3A_277] : memref<20160xi32, #tpu.memory_space<vmem>> -> memref<80xi32, #tpu.memory_space<vmem>>
        %dma_start3A_284 = arith.constant 0 : i32
        %dma_start3A_285 = arith.constant 0 : i32
        %dma_start3A_286 = tpu.memref_slice %arg2[%dma_start3A_284, %dma_start3A_285] : memref<20000x128xf32, #tpu.memory_space<hbm>> -> memref<10000x128xf32, #tpu.memory_space<hbm>>
        %dma_start3A_287 = arith.constant 0 : i32
        %dma_start3A_288 = arith.constant 0 : i32
        %dma_start3A_289 = tpu.memref_slice %dma_start3A_286[%dma_start3A_287, %dma_start3A_288] : memref<10000x128xf32, #tpu.memory_space<hbm>> -> memref<10000x128xf32, #tpu.memory_space<hbm>>
        %dma_start3A_290 = tpu.memref_slice %arg11[%dma_start3A_278] : memref<4x!tpu.dma_semaphore, #tpu.memory_space<semaphore_mem>> -> memref<1x!tpu.dma_semaphore, #tpu.memory_space<semaphore_mem>>
        %dma_start3A_291 = tpu.memref_squeeze %dma_start3A_290 : memref<1x!tpu.dma_semaphore, #tpu.memory_space<semaphore_mem>> -> memref<!tpu.dma_semaphore, #tpu.memory_space<semaphore_mem>>
        tpu.enqueue_indirect_dma source(%dma_start3A_289 : memref<10000x128xf32, #tpu.memory_space<hbm>>) target(%dma_start3A_282 : memref<80x128xf32, #tpu.memory_space<vmem>>) offsets(%dma_start3A_283 : memref<80xi32, #tpu.memory_space<vmem>>) semaphore(%dma_start3A_291 : memref<!tpu.dma_semaphore, #tpu.memory_space<semaphore_mem>>)
      } else {
      }
      %add3A_232 = arith.constant 2 : i32
      %add3A_233 = arith.addi %add3A_190, %add3A_232 : i32
      %lt3A_234 = arith.cmpi slt, %add3A_233, %mul3A_110 : i32
      %convert_element_type3A_235 = arith.extui %lt3A_234 : i1 to i32
      %cond3A_236 = arith.constant 0 : i32
      %cond3A_237 = arith.cmpi ne, %convert_element_type3A_235, %cond3A_236 : i32
      scf.if %cond3A_237 {
        %mul3A_274 = arith.constant 80 : i32
        %mul3A_275 = arith.muli %add3A_233, %mul3A_274 : i32
        %dma_wait3A = arith.constant 2 : i32
        %dma_wait3A_276 = arith.constant 2 : i32
        %dma_wait3A_277 = arith.constant 0 : i32
        %dma_wait3A_278 = arith.constant 0 : i32
        %dma_wait3A_279 = tpu.memref_slice %arg9[%dma_wait3A, %dma_wait3A_277, %dma_wait3A_278] : memref<4x80x128xf32, #tpu.memory_space<vmem>> -> memref<1x80x128xf32, #tpu.memory_space<vmem>>
        %dma_wait3A_280 = tpu.memref_squeeze %dma_wait3A_279 : memref<1x80x128xf32, #tpu.memory_space<vmem>> -> memref<80x128xf32, #tpu.memory_space<vmem>>
        %dma_wait3A_281 = tpu.memref_slice %arg7[%mul3A_275] : memref<20160xi32, #tpu.memory_space<vmem>> -> memref<80xi32, #tpu.memory_space<vmem>>
        %dma_wait3A_282 = arith.constant 0 : i32
        %dma_wait3A_283 = arith.constant 0 : i32
        %dma_wait3A_284 = tpu.memref_slice %arg2[%dma_wait3A_282, %dma_wait3A_283] : memref<20000x128xf32, #tpu.memory_space<hbm>> -> memref<10000x128xf32, #tpu.memory_space<hbm>>
        %dma_wait3A_285 = arith.constant 0 : i32
        %dma_wait3A_286 = arith.constant 0 : i32
        %dma_wait3A_287 = tpu.memref_slice %dma_wait3A_284[%dma_wait3A_285, %dma_wait3A_286] : memref<10000x128xf32, #tpu.memory_space<hbm>> -> memref<10000x128xf32, #tpu.memory_space<hbm>>
        %dma_wait3A_288 = tpu.memref_slice %arg11[%dma_wait3A_276] : memref<4x!tpu.dma_semaphore, #tpu.memory_space<semaphore_mem>> -> memref<1x!tpu.dma_semaphore, #tpu.memory_space<semaphore_mem>>
        %dma_wait3A_289 = tpu.memref_squeeze %dma_wait3A_288 : memref<1x!tpu.dma_semaphore, #tpu.memory_space<semaphore_mem>> -> memref<!tpu.dma_semaphore, #tpu.memory_space<semaphore_mem>>
        tpu.wait_indirect_dma semaphore(%dma_wait3A_289 : memref<!tpu.dma_semaphore, #tpu.memory_space<semaphore_mem>>) src(%dma_wait3A_287 : memref<10000x128xf32, #tpu.memory_space<hbm>>) dst(%dma_wait3A_280 : memref<80x128xf32, #tpu.memory_space<vmem>>)
        %mul3A_290 = arith.constant 80 : i32
        %mul3A_291 = arith.muli %add3A_233, %mul3A_290 : i32
        %add3A_292 = arith.constant 0 : i32
        %add3A_293 = arith.addi %mul3A_291, %add3A_292 : i32
        %get3A = arith.index_cast %add3A_293 : i32 to index
        %get3A_294 = tpu.vector_load %arg8[%get3A] {strides = array<i32>} : memref<20160xi32, #tpu.memory_space<vmem>>, vector<16xi32>,
        %dma_start3A = arith.constant 2 : i32
        %dma_start3A_295 = arith.constant 2 : i32
        %dma_start3A_296 = arith.constant 0 : i32
        %dma_start3A_297 = arith.constant 0 : i32
        %dma_start3A_298 = tpu.memref_slice %arg9[%dma_start3A, %dma_start3A_296, %dma_start3A_297] : memref<4x80x128xf32, #tpu.memory_space<vmem>> -> memref<1x80x128xf32, #tpu.memory_space<vmem>>
        %dma_start3A_299 = tpu.memref_squeeze %dma_start3A_298 : memref<1x80x128xf32, #tpu.memory_space<vmem>> -> memref<80x128xf32, #tpu.memory_space<vmem>>
        %dma_start3A_300 = arith.constant 0 : i32
        %dma_start3A_301 = arith.constant 0 : i32
        %dma_start3A_302 = tpu.memref_slice %dma_start3A_299[%dma_start3A_300, %dma_start3A_301] : memref<80x128xf32, #tpu.memory_space<vmem>> -> memref<16x128xf32, #tpu.memory_space<vmem>>
        %dma_start3A_303 = arith.constant 0 : i32
        %dma_start3A_304 = arith.constant 0 : i32
        %dma_start3A_305 = tpu.memref_slice %arg10[%dma_start3A_303, %dma_start3A_304] : memref<5008x128xf32, #tpu.memory_space<vmem_shared>> -> memref<5008x128xf32, #tpu.memory_space<vmem_shared>>
        %dma_start3A_306 = tpu.memref_slice %arg12[%dma_start3A_295] : memref<4x!tpu.dma_semaphore, #tpu.memory_space<semaphore_mem>> -> memref<1x!tpu.dma_semaphore, #tpu.memory_space<semaphore_mem>>
        %dma_start3A_307 = tpu.memref_squeeze %dma_start3A_306 : memref<1x!tpu.dma_semaphore, #tpu.memory_space<semaphore_mem>> -> memref<!tpu.dma_semaphore, #tpu.memory_space<semaphore_mem>>
        tpu.enqueue_indirect_dma source(%dma_start3A_302 : memref<16x128xf32, #tpu.memory_space<vmem>>) target(%dma_start3A_305 : memref<5008x128xf32, #tpu.memory_space<vmem_shared>>) offsets(%get3A_294 : vector<16xi32>) semaphore(%dma_start3A_307 : memref<!tpu.dma_semaphore, #tpu.memory_space<semaphore_mem>>) {add = true}
        %mul3A_308 = arith.constant 80 : i32
        %mul3A_309 = arith.muli %add3A_233, %mul3A_308 : i32
        %add3A_310 = arith.constant 16 : i32
        %add3A_311 = arith.addi %mul3A_309, %add3A_310 : i32
        %get3A_312 = arith.index_cast %add3A_311 : i32 to index
        %get3A_313 = tpu.vector_load %arg8[%get3A_312] {strides = array<i32>} : memref<20160xi32, #tpu.memory_space<vmem>>, vector<16xi32>,
        %dma_start3A_314 = arith.constant 2 : i32
        %dma_start3A_315 = arith.constant 2 : i32
        %dma_start3A_316 = arith.constant 0 : i32
        %dma_start3A_317 = arith.constant 0 : i32
        %dma_start3A_318 = tpu.memref_slice %arg9[%dma_start3A_314, %dma_start3A_316, %dma_start3A_317] : memref<4x80x128xf32, #tpu.memory_space<vmem>> -> memref<1x80x128xf32, #tpu.memory_space<vmem>>
        %dma_start3A_319 = tpu.memref_squeeze %dma_start3A_318 : memref<1x80x128xf32, #tpu.memory_space<vmem>> -> memref<80x128xf32, #tpu.memory_space<vmem>>
        %dma_start3A_320 = arith.constant 16 : i32
        %dma_start3A_321 = arith.constant 0 : i32
        %dma_start3A_322 = tpu.memref_slice %dma_start3A_319[%dma_start3A_320, %dma_start3A_321] : memref<80x128xf32, #tpu.memory_space<vmem>> -> memref<16x128xf32, #tpu.memory_space<vmem>>
        %dma_start3A_323 = arith.constant 0 : i32
        %dma_start3A_324 = arith.constant 0 : i32
        %dma_start3A_325 = tpu.memref_slice %arg10[%dma_start3A_323, %dma_start3A_324] : memref<5008x128xf32, #tpu.memory_space<vmem_shared>> -> memref<5008x128xf32, #tpu.memory_space<vmem_shared>>
        %dma_start3A_326 = tpu.memref_slice %arg12[%dma_start3A_315] : memref<4x!tpu.dma_semaphore, #tpu.memory_space<semaphore_mem>> -> memref<1x!tpu.dma_semaphore, #tpu.memory_space<semaphore_mem>>
        %dma_start3A_327 = tpu.memref_squeeze %dma_start3A_326 : memref<1x!tpu.dma_semaphore, #tpu.memory_space<semaphore_mem>> -> memref<!tpu.dma_semaphore, #tpu.memory_space<semaphore_mem>>
        tpu.enqueue_indirect_dma source(%dma_start3A_322 : memref<16x128xf32, #tpu.memory_space<vmem>>) target(%dma_start3A_325 : memref<5008x128xf32, #tpu.memory_space<vmem_shared>>) offsets(%get3A_313 : vector<16xi32>) semaphore(%dma_start3A_327 : memref<!tpu.dma_semaphore, #tpu.memory_space<semaphore_mem>>) {add = true}
        %mul3A_328 = arith.constant 80 : i32
        %mul3A_329 = arith.muli %add3A_233, %mul3A_328 : i32
        %add3A_330 = arith.constant 32 : i32
        %add3A_331 = arith.addi %mul3A_329, %add3A_330 : i32
        %get3A_332 = arith.index_cast %add3A_331 : i32 to index
        %get3A_333 = tpu.vector_load %arg8[%get3A_332] {strides = array<i32>} : memref<20160xi32, #tpu.memory_space<vmem>>, vector<16xi32>,
        %dma_start3A_334 = arith.constant 2 : i32
        %dma_start3A_335 = arith.constant 2 : i32
        %dma_start3A_336 = arith.constant 0 : i32
        %dma_start3A_337 = arith.constant 0 : i32
        %dma_start3A_338 = tpu.memref_slice %arg9[%dma_start3A_334, %dma_start3A_336, %dma_start3A_337] : memref<4x80x128xf32, #tpu.memory_space<vmem>> -> memref<1x80x128xf32, #tpu.memory_space<vmem>>
        %dma_start3A_339 = tpu.memref_squeeze %dma_start3A_338 : memref<1x80x128xf32, #tpu.memory_space<vmem>> -> memref<80x128xf32, #tpu.memory_space<vmem>>
        %dma_start3A_340 = arith.constant 32 : i32
        %dma_start3A_341 = arith.constant 0 : i32
        %dma_start3A_342 = tpu.memref_slice %dma_start3A_339[%dma_start3A_340, %dma_start3A_341] : memref<80x128xf32, #tpu.memory_space<vmem>> -> memref<16x128xf32, #tpu.memory_space<vmem>>
        %dma_start3A_343 = arith.constant 0 : i32
        %dma_start3A_344 = arith.constant 0 : i32
        %dma_start3A_345 = tpu.memref_slice %arg10[%dma_start3A_343, %dma_start3A_344] : memref<5008x128xf32, #tpu.memory_space<vmem_shared>> -> memref<5008x128xf32, #tpu.memory_space<vmem_shared>>
        %dma_start3A_346 = tpu.memref_slice %arg12[%dma_start3A_335] : memref<4x!tpu.dma_semaphore, #tpu.memory_space<semaphore_mem>> -> memref<1x!tpu.dma_semaphore, #tpu.memory_space<semaphore_mem>>
        %dma_start3A_347 = tpu.memref_squeeze %dma_start3A_346 : memref<1x!tpu.dma_semaphore, #tpu.memory_space<semaphore_mem>> -> memref<!tpu.dma_semaphore, #tpu.memory_space<semaphore_mem>>
        tpu.enqueue_indirect_dma source(%dma_start3A_342 : memref<16x128xf32, #tpu.memory_space<vmem>>) target(%dma_start3A_345 : memref<5008x128xf32, #tpu.memory_space<vmem_shared>>) offsets(%get3A_333 : vector<16xi32>) semaphore(%dma_start3A_347 : memref<!tpu.dma_semaphore, #tpu.memory_space<semaphore_mem>>) {add = true}
        %mul3A_348 = arith.constant 80 : i32
        %mul3A_349 = arith.muli %add3A_233, %mul3A_348 : i32
        %add3A_350 = arith.constant 48 : i32
        %add3A_351 = arith.addi %mul3A_349, %add3A_350 : i32
        %get3A_352 = arith.index_cast %add3A_351 : i32 to index
        %get3A_353 = tpu.vector_load %arg8[%get3A_352] {strides = array<i32>} : memref<20160xi32, #tpu.memory_space<vmem>>, vector<16xi32>,
        %dma_start3A_354 = arith.constant 2 : i32
        %dma_start3A_355 = arith.constant 2 : i32
        %dma_start3A_356 = arith.constant 0 : i32
        %dma_start3A_357 = arith.constant 0 : i32
        %dma_start3A_358 = tpu.memref_slice %arg9[%dma_start3A_354, %dma_start3A_356, %dma_start3A_357] : memref<4x80x128xf32, #tpu.memory_space<vmem>> -> memref<1x80x128xf32, #tpu.memory_space<vmem>>
        %dma_start3A_359 = tpu.memref_squeeze %dma_start3A_358 : memref<1x80x128xf32, #tpu.memory_space<vmem>> -> memref<80x128xf32, #tpu.memory_space<vmem>>
        %dma_start3A_360 = arith.constant 48 : i32
        %dma_start3A_361 = arith.constant 0 : i32
        %dma_start3A_362 = tpu.memref_slice %dma_start3A_359[%dma_start3A_360, %dma_start3A_361] : memref<80x128xf32, #tpu.memory_space<vmem>> -> memref<16x128xf32, #tpu.memory_space<vmem>>
        %dma_start3A_363 = arith.constant 0 : i32
        %dma_start3A_364 = arith.constant 0 : i32
        %dma_start3A_365 = tpu.memref_slice %arg10[%dma_start3A_363, %dma_start3A_364] : memref<5008x128xf32, #tpu.memory_space<vmem_shared>> -> memref<5008x128xf32, #tpu.memory_space<vmem_shared>>
        %dma_start3A_366 = tpu.memref_slice %arg12[%dma_start3A_355] : memref<4x!tpu.dma_semaphore, #tpu.memory_space<semaphore_mem>> -> memref<1x!tpu.dma_semaphore, #tpu.memory_space<semaphore_mem>>
        %dma_start3A_367 = tpu.memref_squeeze %dma_start3A_366 : memref<1x!tpu.dma_semaphore, #tpu.memory_space<semaphore_mem>> -> memref<!tpu.dma_semaphore, #tpu.memory_space<semaphore_mem>>
        tpu.enqueue_indirect_dma source(%dma_start3A_362 : memref<16x128xf32, #tpu.memory_space<vmem>>) target(%dma_start3A_365 : memref<5008x128xf32, #tpu.memory_space<vmem_shared>>) offsets(%get3A_353 : vector<16xi32>) semaphore(%dma_start3A_367 : memref<!tpu.dma_semaphore, #tpu.memory_space<semaphore_mem>>) {add = true}
        %mul3A_368 = arith.constant 80 : i32
        %mul3A_369 = arith.muli %add3A_233, %mul3A_368 : i32
        %add3A_370 = arith.constant 64 : i32
        %add3A_371 = arith.addi %mul3A_369, %add3A_370 : i32
        %get3A_372 = arith.index_cast %add3A_371 : i32 to index
        %get3A_373 = tpu.vector_load %arg8[%get3A_372] {strides = array<i32>} : memref<20160xi32, #tpu.memory_space<vmem>>, vector<16xi32>,
        %dma_start3A_374 = arith.constant 2 : i32
        %dma_start3A_375 = arith.constant 2 : i32
        %dma_start3A_376 = arith.constant 0 : i32
        %dma_start3A_377 = arith.constant 0 : i32
        %dma_start3A_378 = tpu.memref_slice %arg9[%dma_start3A_374, %dma_start3A_376, %dma_start3A_377] : memref<4x80x128xf32, #tpu.memory_space<vmem>> -> memref<1x80x128xf32, #tpu.memory_space<vmem>>
        %dma_start3A_379 = tpu.memref_squeeze %dma_start3A_378 : memref<1x80x128xf32, #tpu.memory_space<vmem>> -> memref<80x128xf32, #tpu.memory_space<vmem>>
        %dma_start3A_380 = arith.constant 64 : i32
        %dma_start3A_381 = arith.constant 0 : i32
        %dma_start3A_382 = tpu.memref_slice %dma_start3A_379[%dma_start3A_380, %dma_start3A_381] : memref<80x128xf32, #tpu.memory_space<vmem>> -> memref<16x128xf32, #tpu.memory_space<vmem>>
        %dma_start3A_383 = arith.constant 0 : i32
        %dma_start3A_384 = arith.constant 0 : i32
        %dma_start3A_385 = tpu.memref_slice %arg10[%dma_start3A_383, %dma_start3A_384] : memref<5008x128xf32, #tpu.memory_space<vmem_shared>> -> memref<5008x128xf32, #tpu.memory_space<vmem_shared>>
        %dma_start3A_386 = tpu.memref_slice %arg12[%dma_start3A_375] : memref<4x!tpu.dma_semaphore, #tpu.memory_space<semaphore_mem>> -> memref<1x!tpu.dma_semaphore, #tpu.memory_space<semaphore_mem>>
        %dma_start3A_387 = tpu.memref_squeeze %dma_start3A_386 : memref<1x!tpu.dma_semaphore, #tpu.memory_space<semaphore_mem>> -> memref<!tpu.dma_semaphore, #tpu.memory_space<semaphore_mem>>
        tpu.enqueue_indirect_dma source(%dma_start3A_382 : memref<16x128xf32, #tpu.memory_space<vmem>>) target(%dma_start3A_385 : memref<5008x128xf32, #tpu.memory_space<vmem_shared>>) offsets(%get3A_373 : vector<16xi32>) semaphore(%dma_start3A_387 : memref<!tpu.dma_semaphore, #tpu.memory_space<semaphore_mem>>) {add = true}
      } else {
      }
      %ge3A_238 = arith.constant 2 : i32
      %ge3A_239 = arith.cmpi sge, %add3A_233, %ge3A_238 : i32
      %sub3A_240 = arith.constant 2 : i32
      %sub3A_241 = arith.subi %add3A_233, %sub3A_240 : i32
      %lt3A_242 = arith.cmpi slt, %sub3A_241, %mul3A_110 : i32
      %and3A_243 = arith.andi %ge3A_239, %lt3A_242 : i1
      %convert_element_type3A_244 = arith.extui %and3A_243 : i1 to i32
      %cond3A_245 = arith.constant 0 : i32
      %cond3A_246 = arith.cmpi ne, %convert_element_type3A_244, %cond3A_245 : i32
      scf.if %cond3A_246 {
        %sub3A_274 = arith.constant 2 : i32
        %sub3A_275 = arith.subi %add3A_233, %sub3A_274 : i32
        %dma_wait3A = arith.constant 0 : i32
        %dma_wait3A_276 = arith.constant 0 : i32
        %dma_wait3A_277 = arith.constant 0 : i32
        %dma_wait3A_278 = arith.constant 0 : i32
        %dma_wait3A_279 = tpu.memref_slice %arg9[%dma_wait3A, %dma_wait3A_277, %dma_wait3A_278] : memref<4x80x128xf32, #tpu.memory_space<vmem>> -> memref<1x80x128xf32, #tpu.memory_space<vmem>>
        %dma_wait3A_280 = tpu.memref_squeeze %dma_wait3A_279 : memref<1x80x128xf32, #tpu.memory_space<vmem>> -> memref<80x128xf32, #tpu.memory_space<vmem>>
        %dma_wait3A_281 = arith.constant 0 : i32
        %dma_wait3A_282 = arith.constant 0 : i32
        %dma_wait3A_283 = tpu.memref_slice %arg2[%dma_wait3A_281, %dma_wait3A_282] : memref<20000x128xf32, #tpu.memory_space<hbm>> -> memref<80x128xf32, #tpu.memory_space<hbm>>
        %dma_wait3A_284 = tpu.memref_slice %arg12[%dma_wait3A_276] : memref<4x!tpu.dma_semaphore, #tpu.memory_space<semaphore_mem>> -> memref<1x!tpu.dma_semaphore, #tpu.memory_space<semaphore_mem>>
        %dma_wait3A_285 = tpu.memref_squeeze %dma_wait3A_284 : memref<1x!tpu.dma_semaphore, #tpu.memory_space<semaphore_mem>> -> memref<!tpu.dma_semaphore, #tpu.memory_space<semaphore_mem>>
        %dma_wait3A_286 = arith.constant 0 : i32
        %dma_wait3A_287 = arith.constant 0 : i32
        %dma_wait3A_288 = tpu.memref_slice %arg9[%dma_wait3A, %dma_wait3A_286, %dma_wait3A_287] : memref<4x80x128xf32, #tpu.memory_space<vmem>> -> memref<1x80x128xf32, #tpu.memory_space<vmem>>
        %dma_wait3A_289 = tpu.memref_squeeze %dma_wait3A_288 : memref<1x80x128xf32, #tpu.memory_space<vmem>> -> memref<80x128xf32, #tpu.memory_space<vmem>>
        %dma_wait3A_290 = arith.constant 0 : i32
        %dma_wait3A_291 = arith.constant 0 : i32
        %dma_wait3A_292 = tpu.memref_slice %arg2[%dma_wait3A_290, %dma_wait3A_291] : memref<20000x128xf32, #tpu.memory_space<hbm>> -> memref<80x128xf32, #tpu.memory_space<hbm>>
        tpu.wait_dma2 semaphore(%dma_wait3A_285 : memref<!tpu.dma_semaphore, #tpu.memory_space<semaphore_mem>>) src(%dma_wait3A_292 : memref<80x128xf32, #tpu.memory_space<hbm>>) dst(%dma_wait3A_289 : memref<80x128xf32, #tpu.memory_space<vmem>>)
      } else {
      }
      %add3A_247 = arith.constant 2 : i32
      %add3A_248 = arith.addi %add3A_233, %add3A_247 : i32
      %lt3A_249 = arith.cmpi slt, %add3A_248, %mul3A_110 : i32
      %convert_element_type3A_250 = arith.extui %lt3A_249 : i1 to i32
      %cond3A_251 = arith.constant 0 : i32
      %cond3A_252 = arith.cmpi ne, %convert_element_type3A_250, %cond3A_251 : i32
      scf.if %cond3A_252 {
        %add3A_274 = arith.constant 2 : i32
        %add3A_275 = arith.addi %add3A_233, %add3A_274 : i32
        %mul3A_276 = arith.constant 80 : i32
        %mul3A_277 = arith.muli %add3A_275, %mul3A_276 : i32
        %dma_start3A = arith.constant 0 : i32
        %dma_start3A_278 = arith.constant 0 : i32
        %dma_start3A_279 = arith.constant 0 : i32
        %dma_start3A_280 = arith.constant 0 : i32
        %dma_start3A_281 = tpu.memref_slice %arg9[%dma_start3A, %dma_start3A_279, %dma_start3A_280] : memref<4x80x128xf32, #tpu.memory_space<vmem>> -> memref<1x80x128xf32, #tpu.memory_space<vmem>>
        %dma_start3A_282 = tpu.memref_squeeze %dma_start3A_281 : memref<1x80x128xf32, #tpu.memory_space<vmem>> -> memref<80x128xf32, #tpu.memory_space<vmem>>
        %dma_start3A_283 = tpu.memref_slice %arg7[%mul3A_277] : memref<20160xi32, #tpu.memory_space<vmem>> -> memref<80xi32, #tpu.memory_space<vmem>>
        %dma_start3A_284 = arith.constant 0 : i32
        %dma_start3A_285 = arith.constant 0 : i32
        %dma_start3A_286 = tpu.memref_slice %arg2[%dma_start3A_284, %dma_start3A_285] : memref<20000x128xf32, #tpu.memory_space<hbm>> -> memref<10000x128xf32, #tpu.memory_space<hbm>>
        %dma_start3A_287 = arith.constant 0 : i32
        %dma_start3A_288 = arith.constant 0 : i32
        %dma_start3A_289 = tpu.memref_slice %dma_start3A_286[%dma_start3A_287, %dma_start3A_288] : memref<10000x128xf32, #tpu.memory_space<hbm>> -> memref<10000x128xf32, #tpu.memory_space<hbm>>
        %dma_start3A_290 = tpu.memref_slice %arg11[%dma_start3A_278] : memref<4x!tpu.dma_semaphore, #tpu.memory_space<semaphore_mem>> -> memref<1x!tpu.dma_semaphore, #tpu.memory_space<semaphore_mem>>
        %dma_start3A_291 = tpu.memref_squeeze %dma_start3A_290 : memref<1x!tpu.dma_semaphore, #tpu.memory_space<semaphore_mem>> -> memref<!tpu.dma_semaphore, #tpu.memory_space<semaphore_mem>>
        tpu.enqueue_indirect_dma source(%dma_start3A_289 : memref<10000x128xf32, #tpu.memory_space<hbm>>) target(%dma_start3A_282 : memref<80x128xf32, #tpu.memory_space<vmem>>) offsets(%dma_start3A_283 : memref<80xi32, #tpu.memory_space<vmem>>) semaphore(%dma_start3A_291 : memref<!tpu.dma_semaphore, #tpu.memory_space<semaphore_mem>>)
      } else {
      }
      %add3A_253 = arith.constant 3 : i32
      %add3A_254 = arith.addi %add3A_190, %add3A_253 : i32
      %lt3A_255 = arith.cmpi slt, %add3A_254, %mul3A_110 : i32
      %convert_element_type3A_256 = arith.extui %lt3A_255 : i1 to i32
      %cond3A_257 = arith.constant 0 : i32
      %cond3A_258 = arith.cmpi ne, %convert_element_type3A_256, %cond3A_257 : i32
      scf.if %cond3A_258 {
        %mul3A_274 = arith.constant 80 : i32
        %mul3A_275 = arith.muli %add3A_254, %mul3A_274 : i32
        %dma_wait3A = arith.constant 3 : i32
        %dma_wait3A_276 = arith.constant 3 : i32
        %dma_wait3A_277 = arith.constant 0 : i32
        %dma_wait3A_278 = arith.constant 0 : i32
        %dma_wait3A_279 = tpu.memref_slice %arg9[%dma_wait3A, %dma_wait3A_277, %dma_wait3A_278] : memref<4x80x128xf32, #tpu.memory_space<vmem>> -> memref<1x80x128xf32, #tpu.memory_space<vmem>>
        %dma_wait3A_280 = tpu.memref_squeeze %dma_wait3A_279 : memref<1x80x128xf32, #tpu.memory_space<vmem>> -> memref<80x128xf32, #tpu.memory_space<vmem>>
        %dma_wait3A_281 = tpu.memref_slice %arg7[%mul3A_275] : memref<20160xi32, #tpu.memory_space<vmem>> -> memref<80xi32, #tpu.memory_space<vmem>>
        %dma_wait3A_282 = arith.constant 0 : i32
        %dma_wait3A_283 = arith.constant 0 : i32
        %dma_wait3A_284 = tpu.memref_slice %arg2[%dma_wait3A_282, %dma_wait3A_283] : memref<20000x128xf32, #tpu.memory_space<hbm>> -> memref<10000x128xf32, #tpu.memory_space<hbm>>
        %dma_wait3A_285 = arith.constant 0 : i32
        %dma_wait3A_286 = arith.constant 0 : i32
        %dma_wait3A_287 = tpu.memref_slice %dma_wait3A_284[%dma_wait3A_285, %dma_wait3A_286] : memref<10000x128xf32, #tpu.memory_space<hbm>> -> memref<10000x128xf32, #tpu.memory_space<hbm>>
        %dma_wait3A_288 = tpu.memref_slice %arg11[%dma_wait3A_276] : memref<4x!tpu.dma_semaphore, #tpu.memory_space<semaphore_mem>> -> memref<1x!tpu.dma_semaphore, #tpu.memory_space<semaphore_mem>>
        %dma_wait3A_289 = tpu.memref_squeeze %dma_wait3A_288 : memref<1x!tpu.dma_semaphore, #tpu.memory_space<semaphore_mem>> -> memref<!tpu.dma_semaphore, #tpu.memory_space<semaphore_mem>>
        tpu.wait_indirect_dma semaphore(%dma_wait3A_289 : memref<!tpu.dma_semaphore, #tpu.memory_space<semaphore_mem>>) src(%dma_wait3A_287 : memref<10000x128xf32, #tpu.memory_space<hbm>>) dst(%dma_wait3A_280 : memref<80x128xf32, #tpu.memory_space<vmem>>)
        %mul3A_290 = arith.constant 80 : i32
        %mul3A_291 = arith.muli %add3A_254, %mul3A_290 : i32
        %add3A_292 = arith.constant 0 : i32
        %add3A_293 = arith.addi %mul3A_291, %add3A_292 : i32
        %get3A = arith.index_cast %add3A_293 : i32 to index
        %get3A_294 = tpu.vector_load %arg8[%get3A] {strides = array<i32>} : memref<20160xi32, #tpu.memory_space<vmem>>, vector<16xi32>,
        %dma_start3A = arith.constant 3 : i32
        %dma_start3A_295 = arith.constant 3 : i32
        %dma_start3A_296 = arith.constant 0 : i32
        %dma_start3A_297 = arith.constant 0 : i32
        %dma_start3A_298 = tpu.memref_slice %arg9[%dma_start3A, %dma_start3A_296, %dma_start3A_297] : memref<4x80x128xf32, #tpu.memory_space<vmem>> -> memref<1x80x128xf32, #tpu.memory_space<vmem>>
        %dma_start3A_299 = tpu.memref_squeeze %dma_start3A_298 : memref<1x80x128xf32, #tpu.memory_space<vmem>> -> memref<80x128xf32, #tpu.memory_space<vmem>>
        %dma_start3A_300 = arith.constant 0 : i32
        %dma_start3A_301 = arith.constant 0 : i32
        %dma_start3A_302 = tpu.memref_slice %dma_start3A_299[%dma_start3A_300, %dma_start3A_301] : memref<80x128xf32, #tpu.memory_space<vmem>> -> memref<16x128xf32, #tpu.memory_space<vmem>>
        %dma_start3A_303 = arith.constant 0 : i32
        %dma_start3A_304 = arith.constant 0 : i32
        %dma_start3A_305 = tpu.memref_slice %arg10[%dma_start3A_303, %dma_start3A_304] : memref<5008x128xf32, #tpu.memory_space<vmem_shared>> -> memref<5008x128xf32, #tpu.memory_space<vmem_shared>>
        %dma_start3A_306 = tpu.memref_slice %arg12[%dma_start3A_295] : memref<4x!tpu.dma_semaphore, #tpu.memory_space<semaphore_mem>> -> memref<1x!tpu.dma_semaphore, #tpu.memory_space<semaphore_mem>>
        %dma_start3A_307 = tpu.memref_squeeze %dma_start3A_306 : memref<1x!tpu.dma_semaphore, #tpu.memory_space<semaphore_mem>> -> memref<!tpu.dma_semaphore, #tpu.memory_space<semaphore_mem>>
        tpu.enqueue_indirect_dma source(%dma_start3A_302 : memref<16x128xf32, #tpu.memory_space<vmem>>) target(%dma_start3A_305 : memref<5008x128xf32, #tpu.memory_space<vmem_shared>>) offsets(%get3A_294 : vector<16xi32>) semaphore(%dma_start3A_307 : memref<!tpu.dma_semaphore, #tpu.memory_space<semaphore_mem>>) {add = true}
        %mul3A_308 = arith.constant 80 : i32
        %mul3A_309 = arith.muli %add3A_254, %mul3A_308 : i32
        %add3A_310 = arith.constant 16 : i32
        %add3A_311 = arith.addi %mul3A_309, %add3A_310 : i32
        %get3A_312 = arith.index_cast %add3A_311 : i32 to index
        %get3A_313 = tpu.vector_load %arg8[%get3A_312] {strides = array<i32>} : memref<20160xi32, #tpu.memory_space<vmem>>, vector<16xi32>,
        %dma_start3A_314 = arith.constant 3 : i32
        %dma_start3A_315 = arith.constant 3 : i32
        %dma_start3A_316 = arith.constant 0 : i32
        %dma_start3A_317 = arith.constant 0 : i32
        %dma_start3A_318 = tpu.memref_slice %arg9[%dma_start3A_314, %dma_start3A_316, %dma_start3A_317] : memref<4x80x128xf32, #tpu.memory_space<vmem>> -> memref<1x80x128xf32, #tpu.memory_space<vmem>>
        %dma_start3A_319 = tpu.memref_squeeze %dma_start3A_318 : memref<1x80x128xf32, #tpu.memory_space<vmem>> -> memref<80x128xf32, #tpu.memory_space<vmem>>
        %dma_start3A_320 = arith.constant 16 : i32
        %dma_start3A_321 = arith.constant 0 : i32
        %dma_start3A_322 = tpu.memref_slice %dma_start3A_319[%dma_start3A_320, %dma_start3A_321] : memref<80x128xf32, #tpu.memory_space<vmem>> -> memref<16x128xf32, #tpu.memory_space<vmem>>
        %dma_start3A_323 = arith.constant 0 : i32
        %dma_start3A_324 = arith.constant 0 : i32
        %dma_start3A_325 = tpu.memref_slice %arg10[%dma_start3A_323, %dma_start3A_324] : memref<5008x128xf32, #tpu.memory_space<vmem_shared>> -> memref<5008x128xf32, #tpu.memory_space<vmem_shared>>
        %dma_start3A_326 = tpu.memref_slice %arg12[%dma_start3A_315] : memref<4x!tpu.dma_semaphore, #tpu.memory_space<semaphore_mem>> -> memref<1x!tpu.dma_semaphore, #tpu.memory_space<semaphore_mem>>
        %dma_start3A_327 = tpu.memref_squeeze %dma_start3A_326 : memref<1x!tpu.dma_semaphore, #tpu.memory_space<semaphore_mem>> -> memref<!tpu.dma_semaphore, #tpu.memory_space<semaphore_mem>>
        tpu.enqueue_indirect_dma source(%dma_start3A_322 : memref<16x128xf32, #tpu.memory_space<vmem>>) target(%dma_start3A_325 : memref<5008x128xf32, #tpu.memory_space<vmem_shared>>) offsets(%get3A_313 : vector<16xi32>) semaphore(%dma_start3A_327 : memref<!tpu.dma_semaphore, #tpu.memory_space<semaphore_mem>>) {add = true}
        %mul3A_328 = arith.constant 80 : i32
        %mul3A_329 = arith.muli %add3A_254, %mul3A_328 : i32
        %add3A_330 = arith.constant 32 : i32
        %add3A_331 = arith.addi %mul3A_329, %add3A_330 : i32
        %get3A_332 = arith.index_cast %add3A_331 : i32 to index
        %get3A_333 = tpu.vector_load %arg8[%get3A_332] {strides = array<i32>} : memref<20160xi32, #tpu.memory_space<vmem>>, vector<16xi32>,
        %dma_start3A_334 = arith.constant 3 : i32
        %dma_start3A_335 = arith.constant 3 : i32
        %dma_start3A_336 = arith.constant 0 : i32
        %dma_start3A_337 = arith.constant 0 : i32
        %dma_start3A_338 = tpu.memref_slice %arg9[%dma_start3A_334, %dma_start3A_336, %dma_start3A_337] : memref<4x80x128xf32, #tpu.memory_space<vmem>> -> memref<1x80x128xf32, #tpu.memory_space<vmem>>
        %dma_start3A_339 = tpu.memref_squeeze %dma_start3A_338 : memref<1x80x128xf32, #tpu.memory_space<vmem>> -> memref<80x128xf32, #tpu.memory_space<vmem>>
        %dma_start3A_340 = arith.constant 32 : i32
        %dma_start3A_341 = arith.constant 0 : i32
        %dma_start3A_342 = tpu.memref_slice %dma_start3A_339[%dma_start3A_340, %dma_start3A_341] : memref<80x128xf32, #tpu.memory_space<vmem>> -> memref<16x128xf32, #tpu.memory_space<vmem>>
        %dma_start3A_343 = arith.constant 0 : i32
        %dma_start3A_344 = arith.constant 0 : i32
        %dma_start3A_345 = tpu.memref_slice %arg10[%dma_start3A_343, %dma_start3A_344] : memref<5008x128xf32, #tpu.memory_space<vmem_shared>> -> memref<5008x128xf32, #tpu.memory_space<vmem_shared>>
        %dma_start3A_346 = tpu.memref_slice %arg12[%dma_start3A_335] : memref<4x!tpu.dma_semaphore, #tpu.memory_space<semaphore_mem>> -> memref<1x!tpu.dma_semaphore, #tpu.memory_space<semaphore_mem>>
        %dma_start3A_347 = tpu.memref_squeeze %dma_start3A_346 : memref<1x!tpu.dma_semaphore, #tpu.memory_space<semaphore_mem>> -> memref<!tpu.dma_semaphore, #tpu.memory_space<semaphore_mem>>
        tpu.enqueue_indirect_dma source(%dma_start3A_342 : memref<16x128xf32, #tpu.memory_space<vmem>>) target(%dma_start3A_345 : memref<5008x128xf32, #tpu.memory_space<vmem_shared>>) offsets(%get3A_333 : vector<16xi32>) semaphore(%dma_start3A_347 : memref<!tpu.dma_semaphore, #tpu.memory_space<semaphore_mem>>) {add = true}
        %mul3A_348 = arith.constant 80 : i32
        %mul3A_349 = arith.muli %add3A_254, %mul3A_348 : i32
        %add3A_350 = arith.constant 48 : i32
        %add3A_351 = arith.addi %mul3A_349, %add3A_350 : i32
        %get3A_352 = arith.index_cast %add3A_351 : i32 to index
        %get3A_353 = tpu.vector_load %arg8[%get3A_352] {strides = array<i32>} : memref<20160xi32, #tpu.memory_space<vmem>>, vector<16xi32>,
        %dma_start3A_354 = arith.constant 3 : i32
        %dma_start3A_355 = arith.constant 3 : i32
        %dma_start3A_356 = arith.constant 0 : i32
        %dma_start3A_357 = arith.constant 0 : i32
        %dma_start3A_358 = tpu.memref_slice %arg9[%dma_start3A_354, %dma_start3A_356, %dma_start3A_357] : memref<4x80x128xf32, #tpu.memory_space<vmem>> -> memref<1x80x128xf32, #tpu.memory_space<vmem>>
        %dma_start3A_359 = tpu.memref_squeeze %dma_start3A_358 : memref<1x80x128xf32, #tpu.memory_space<vmem>> -> memref<80x128xf32, #tpu.memory_space<vmem>>
        %dma_start3A_360 = arith.constant 48 : i32
        %dma_start3A_361 = arith.constant 0 : i32
        %dma_start3A_362 = tpu.memref_slice %dma_start3A_359[%dma_start3A_360, %dma_start3A_361] : memref<80x128xf32, #tpu.memory_space<vmem>> -> memref<16x128xf32, #tpu.memory_space<vmem>>
        %dma_start3A_363 = arith.constant 0 : i32
        %dma_start3A_364 = arith.constant 0 : i32
        %dma_start3A_365 = tpu.memref_slice %arg10[%dma_start3A_363, %dma_start3A_364] : memref<5008x128xf32, #tpu.memory_space<vmem_shared>> -> memref<5008x128xf32, #tpu.memory_space<vmem_shared>>
        %dma_start3A_366 = tpu.memref_slice %arg12[%dma_start3A_355] : memref<4x!tpu.dma_semaphore, #tpu.memory_space<semaphore_mem>> -> memref<1x!tpu.dma_semaphore, #tpu.memory_space<semaphore_mem>>
        %dma_start3A_367 = tpu.memref_squeeze %dma_start3A_366 : memref<1x!tpu.dma_semaphore, #tpu.memory_space<semaphore_mem>> -> memref<!tpu.dma_semaphore, #tpu.memory_space<semaphore_mem>>
        tpu.enqueue_indirect_dma source(%dma_start3A_362 : memref<16x128xf32, #tpu.memory_space<vmem>>) target(%dma_start3A_365 : memref<5008x128xf32, #tpu.memory_space<vmem_shared>>) offsets(%get3A_353 : vector<16xi32>) semaphore(%dma_start3A_367 : memref<!tpu.dma_semaphore, #tpu.memory_space<semaphore_mem>>) {add = true}
        %mul3A_368 = arith.constant 80 : i32
        %mul3A_369 = arith.muli %add3A_254, %mul3A_368 : i32
        %add3A_370 = arith.constant 64 : i32
        %add3A_371 = arith.addi %mul3A_369, %add3A_370 : i32
        %get3A_372 = arith.index_cast %add3A_371 : i32 to index
        %get3A_373 = tpu.vector_load %arg8[%get3A_372] {strides = array<i32>} : memref<20160xi32, #tpu.memory_space<vmem>>, vector<16xi32>,
        %dma_start3A_374 = arith.constant 3 : i32
        %dma_start3A_375 = arith.constant 3 : i32
        %dma_start3A_376 = arith.constant 0 : i32
        %dma_start3A_377 = arith.constant 0 : i32
        %dma_start3A_378 = tpu.memref_slice %arg9[%dma_start3A_374, %dma_start3A_376, %dma_start3A_377] : memref<4x80x128xf32, #tpu.memory_space<vmem>> -> memref<1x80x128xf32, #tpu.memory_space<vmem>>
        %dma_start3A_379 = tpu.memref_squeeze %dma_start3A_378 : memref<1x80x128xf32, #tpu.memory_space<vmem>> -> memref<80x128xf32, #tpu.memory_space<vmem>>
        %dma_start3A_380 = arith.constant 64 : i32
        %dma_start3A_381 = arith.constant 0 : i32
        %dma_start3A_382 = tpu.memref_slice %dma_start3A_379[%dma_start3A_380, %dma_start3A_381] : memref<80x128xf32, #tpu.memory_space<vmem>> -> memref<16x128xf32, #tpu.memory_space<vmem>>
        %dma_start3A_383 = arith.constant 0 : i32
        %dma_start3A_384 = arith.constant 0 : i32
        %dma_start3A_385 = tpu.memref_slice %arg10[%dma_start3A_383, %dma_start3A_384] : memref<5008x128xf32, #tpu.memory_space<vmem_shared>> -> memref<5008x128xf32, #tpu.memory_space<vmem_shared>>
        %dma_start3A_386 = tpu.memref_slice %arg12[%dma_start3A_375] : memref<4x!tpu.dma_semaphore, #tpu.memory_space<semaphore_mem>> -> memref<1x!tpu.dma_semaphore, #tpu.memory_space<semaphore_mem>>
        %dma_start3A_387 = tpu.memref_squeeze %dma_start3A_386 : memref<1x!tpu.dma_semaphore, #tpu.memory_space<semaphore_mem>> -> memref<!tpu.dma_semaphore, #tpu.memory_space<semaphore_mem>>
        tpu.enqueue_indirect_dma source(%dma_start3A_382 : memref<16x128xf32, #tpu.memory_space<vmem>>) target(%dma_start3A_385 : memref<5008x128xf32, #tpu.memory_space<vmem_shared>>) offsets(%get3A_373 : vector<16xi32>) semaphore(%dma_start3A_387 : memref<!tpu.dma_semaphore, #tpu.memory_space<semaphore_mem>>) {add = true}
      } else {
      }
      %ge3A_259 = arith.constant 2 : i32
      %ge3A_260 = arith.cmpi sge, %add3A_254, %ge3A_259 : i32
      %sub3A_261 = arith.constant 2 : i32
      %sub3A_262 = arith.subi %add3A_254, %sub3A_261 : i32
      %lt3A_263 = arith.cmpi slt, %sub3A_262, %mul3A_110 : i32
      %and3A_264 = arith.andi %ge3A_260, %lt3A_263 : i1
      %convert_element_type3A_265 = arith.extui %and3A_264 : i1 to i32
      %cond3A_266 = arith.constant 0 : i32
      %cond3A_267 = arith.cmpi ne, %convert_element_type3A_265, %cond3A_266 : i32
      scf.if %cond3A_267 {
        %sub3A_274 = arith.constant 2 : i32
        %sub3A_275 = arith.subi %add3A_254, %sub3A_274 : i32
        %dma_wait3A = arith.constant 1 : i32
        %dma_wait3A_276 = arith.constant 1 : i32
        %dma_wait3A_277 = arith.constant 0 : i32
        %dma_wait3A_278 = arith.constant 0 : i32
        %dma_wait3A_279 = tpu.memref_slice %arg9[%dma_wait3A, %dma_wait3A_277, %dma_wait3A_278] : memref<4x80x128xf32, #tpu.memory_space<vmem>> -> memref<1x80x128xf32, #tpu.memory_space<vmem>>
        %dma_wait3A_280 = tpu.memref_squeeze %dma_wait3A_279 : memref<1x80x128xf32, #tpu.memory_space<vmem>> -> memref<80x128xf32, #tpu.memory_space<vmem>>
        %dma_wait3A_281 = arith.constant 0 : i32
        %dma_wait3A_282 = arith.constant 0 : i32
        %dma_wait3A_283 = tpu.memref_slice %arg2[%dma_wait3A_281, %dma_wait3A_282] : memref<20000x128xf32, #tpu.memory_space<hbm>> -> memref<80x128xf32, #tpu.memory_space<hbm>>
        %dma_wait3A_284 = tpu.memref_slice %arg12[%dma_wait3A_276] : memref<4x!tpu.dma_semaphore, #tpu.memory_space<semaphore_mem>> -> memref<1x!tpu.dma_semaphore, #tpu.memory_space<semaphore_mem>>
        %dma_wait3A_285 = tpu.memref_squeeze %dma_wait3A_284 : memref<1x!tpu.dma_semaphore, #tpu.memory_space<semaphore_mem>> -> memref<!tpu.dma_semaphore, #tpu.memory_space<semaphore_mem>>
        %dma_wait3A_286 = arith.constant 0 : i32
        %dma_wait3A_287 = arith.constant 0 : i32
        %dma_wait3A_288 = tpu.memref_slice %arg9[%dma_wait3A, %dma_wait3A_286, %dma_wait3A_287] : memref<4x80x128xf32, #tpu.memory_space<vmem>> -> memref<1x80x128xf32, #tpu.memory_space<vmem>>
        %dma_wait3A_289 = tpu.memref_squeeze %dma_wait3A_288 : memref<1x80x128xf32, #tpu.memory_space<vmem>> -> memref<80x128xf32, #tpu.memory_space<vmem>>
        %dma_wait3A_290 = arith.constant 0 : i32
        %dma_wait3A_291 = arith.constant 0 : i32
        %dma_wait3A_292 = tpu.memref_slice %arg2[%dma_wait3A_290, %dma_wait3A_291] : memref<20000x128xf32, #tpu.memory_space<hbm>> -> memref<80x128xf32, #tpu.memory_space<hbm>>
        tpu.wait_dma2 semaphore(%dma_wait3A_285 : memref<!tpu.dma_semaphore, #tpu.memory_space<semaphore_mem>>) src(%dma_wait3A_292 : memref<80x128xf32, #tpu.memory_space<hbm>>) dst(%dma_wait3A_289 : memref<80x128xf32, #tpu.memory_space<vmem>>)
      } else {
      }
      %add3A_268 = arith.constant 2 : i32
      %add3A_269 = arith.addi %add3A_254, %add3A_268 : i32
      %lt3A_270 = arith.cmpi slt, %add3A_269, %mul3A_110 : i32
      %convert_element_type3A_271 = arith.extui %lt3A_270 : i1 to i32
      %cond3A_272 = arith.constant 0 : i32
      %cond3A_273 = arith.cmpi ne, %convert_element_type3A_271, %cond3A_272 : i32
      scf.if %cond3A_273 {
        %add3A_274 = arith.constant 2 : i32
        %add3A_275 = arith.addi %add3A_254, %add3A_274 : i32
        %mul3A_276 = arith.constant 80 : i32
        %mul3A_277 = arith.muli %add3A_275, %mul3A_276 : i32
        %dma_start3A = arith.constant 1 : i32
        %dma_start3A_278 = arith.constant 1 : i32
        %dma_start3A_279 = arith.constant 0 : i32
        %dma_start3A_280 = arith.constant 0 : i32
        %dma_start3A_281 = tpu.memref_slice %arg9[%dma_start3A, %dma_start3A_279, %dma_start3A_280] : memref<4x80x128xf32, #tpu.memory_space<vmem>> -> memref<1x80x128xf32, #tpu.memory_space<vmem>>
        %dma_start3A_282 = tpu.memref_squeeze %dma_start3A_281 : memref<1x80x128xf32, #tpu.memory_space<vmem>> -> memref<80x128xf32, #tpu.memory_space<vmem>>
        %dma_start3A_283 = tpu.memref_slice %arg7[%mul3A_277] : memref<20160xi32, #tpu.memory_space<vmem>> -> memref<80xi32, #tpu.memory_space<vmem>>
        %dma_start3A_284 = arith.constant 0 : i32
        %dma_start3A_285 = arith.constant 0 : i32
        %dma_start3A_286 = tpu.memref_slice %arg2[%dma_start3A_284, %dma_start3A_285] : memref<20000x128xf32, #tpu.memory_space<hbm>> -> memref<10000x128xf32, #tpu.memory_space<hbm>>
        %dma_start3A_287 = arith.constant 0 : i32
        %dma_start3A_288 = arith.constant 0 : i32
        %dma_start3A_289 = tpu.memref_slice %dma_start3A_286[%dma_start3A_287, %dma_start3A_288] : memref<10000x128xf32, #tpu.memory_space<hbm>> -> memref<10000x128xf32, #tpu.memory_space<hbm>>
        %dma_start3A_290 = tpu.memref_slice %arg11[%dma_start3A_278] : memref<4x!tpu.dma_semaphore, #tpu.memory_space<semaphore_mem>> -> memref<1x!tpu.dma_semaphore, #tpu.memory_space<semaphore_mem>>
        %dma_start3A_291 = tpu.memref_squeeze %dma_start3A_290 : memref<1x!tpu.dma_semaphore, #tpu.memory_space<semaphore_mem>> -> memref<!tpu.dma_semaphore, #tpu.memory_space<semaphore_mem>>
        tpu.enqueue_indirect_dma source(%dma_start3A_289 : memref<10000x128xf32, #tpu.memory_space<hbm>>) target(%dma_start3A_282 : memref<80x128xf32, #tpu.memory_space<vmem>>) offsets(%dma_start3A_283 : memref<80xi32, #tpu.memory_space<vmem>>) semaphore(%dma_start3A_291 : memref<!tpu.dma_semaphore, #tpu.memory_space<semaphore_mem>>)
      } else {
      }
    }
    %scan3A_125 = arith.constant 63 : i32
    %ge3A = arith.constant 251 : i32
    %ge3A_126 = arith.cmpi sge, %mul3A_110, %ge3A : i32
    %convert_element_type3A_127 = arith.extui %ge3A_126 : i1 to i32
    %cond3A_128 = arith.constant 0 : i32
    %cond3A_129 = arith.cmpi ne, %convert_element_type3A_127, %cond3A_128 : i32
    scf.if %cond3A_129 {
      %dma_wait3A = arith.constant 2 : i32
      %dma_wait3A_186 = arith.constant 2 : i32
      %dma_wait3A_187 = arith.constant 0 : i32
      %dma_wait3A_188 = arith.constant 0 : i32
      %dma_wait3A_189 = tpu.memref_slice %arg9[%dma_wait3A, %dma_wait3A_187, %dma_wait3A_188] : memref<4x80x128xf32, #tpu.memory_space<vmem>> -> memref<1x80x128xf32, #tpu.memory_space<vmem>>
      %dma_wait3A_190 = tpu.memref_squeeze %dma_wait3A_189 : memref<1x80x128xf32, #tpu.memory_space<vmem>> -> memref<80x128xf32, #tpu.memory_space<vmem>>
      %dma_wait3A_191 = arith.constant 0 : i32
      %dma_wait3A_192 = arith.constant 0 : i32
      %dma_wait3A_193 = tpu.memref_slice %arg2[%dma_wait3A_191, %dma_wait3A_192] : memref<20000x128xf32, #tpu.memory_space<hbm>> -> memref<80x128xf32, #tpu.memory_space<hbm>>
      %dma_wait3A_194 = tpu.memref_slice %arg12[%dma_wait3A_186] : memref<4x!tpu.dma_semaphore, #tpu.memory_space<semaphore_mem>> -> memref<1x!tpu.dma_semaphore, #tpu.memory_space<semaphore_mem>>
      %dma_wait3A_195 = tpu.memref_squeeze %dma_wait3A_194 : memref<1x!tpu.dma_semaphore, #tpu.memory_space<semaphore_mem>> -> memref<!tpu.dma_semaphore, #tpu.memory_space<semaphore_mem>>
      %dma_wait3A_196 = arith.constant 0 : i32
      %dma_wait3A_197 = arith.constant 0 : i32
      %dma_wait3A_198 = tpu.memref_slice %arg9[%dma_wait3A, %dma_wait3A_196, %dma_wait3A_197] : memref<4x80x128xf32, #tpu.memory_space<vmem>> -> memref<1x80x128xf32, #tpu.memory_space<vmem>>
      %dma_wait3A_199 = tpu.memref_squeeze %dma_wait3A_198 : memref<1x80x128xf32, #tpu.memory_space<vmem>> -> memref<80x128xf32, #tpu.memory_space<vmem>>
      %dma_wait3A_200 = arith.constant 0 : i32
      %dma_wait3A_201 = arith.constant 0 : i32
      %dma_wait3A_202 = tpu.memref_slice %arg2[%dma_wait3A_200, %dma_wait3A_201] : memref<20000x128xf32, #tpu.memory_space<hbm>> -> memref<80x128xf32, #tpu.memory_space<hbm>>
      tpu.wait_dma2 semaphore(%dma_wait3A_195 : memref<!tpu.dma_semaphore, #tpu.memory_space<semaphore_mem>>) src(%dma_wait3A_202 : memref<80x128xf32, #tpu.memory_space<hbm>>) dst(%dma_wait3A_199 : memref<80x128xf32, #tpu.memory_space<vmem>>)
    } else {
    }
    %eq3A = arith.constant 252 : i32
    %eq3A_130 = arith.cmpi eq, %mul3A_110, %eq3A : i32
    %convert_element_type3A_131 = arith.extui %eq3A_130 : i1 to i32
    %cond3A_132 = arith.constant 0 : i32
    %cond3A_133 = arith.cmpi ne, %convert_element_type3A_131, %cond3A_132 : i32
    scf.if %cond3A_133 {
      %dma_wait3A = arith.constant 3 : i32
      %dma_wait3A_186 = arith.constant 3 : i32
      %dma_wait3A_187 = arith.constant 0 : i32
      %dma_wait3A_188 = arith.constant 0 : i32
      %dma_wait3A_189 = tpu.memref_slice %arg9[%dma_wait3A, %dma_wait3A_187, %dma_wait3A_188] : memref<4x80x128xf32, #tpu.memory_space<vmem>> -> memref<1x80x128xf32, #tpu.memory_space<vmem>>
      %dma_wait3A_190 = tpu.memref_squeeze %dma_wait3A_189 : memref<1x80x128xf32, #tpu.memory_space<vmem>> -> memref<80x128xf32, #tpu.memory_space<vmem>>
      %dma_wait3A_191 = arith.constant 0 : i32
      %dma_wait3A_192 = arith.constant 0 : i32
      %dma_wait3A_193 = tpu.memref_slice %arg2[%dma_wait3A_191, %dma_wait3A_192] : memref<20000x128xf32, #tpu.memory_space<hbm>> -> memref<80x128xf32, #tpu.memory_space<hbm>>
      %dma_wait3A_194 = tpu.memref_slice %arg12[%dma_wait3A_186] : memref<4x!tpu.dma_semaphore, #tpu.memory_space<semaphore_mem>> -> memref<1x!tpu.dma_semaphore, #tpu.memory_space<semaphore_mem>>
      %dma_wait3A_195 = tpu.memref_squeeze %dma_wait3A_194 : memref<1x!tpu.dma_semaphore, #tpu.memory_space<semaphore_mem>> -> memref<!tpu.dma_semaphore, #tpu.memory_space<semaphore_mem>>
      %dma_wait3A_196 = arith.constant 0 : i32
      %dma_wait3A_197 = arith.constant 0 : i32
      %dma_wait3A_198 = tpu.memref_slice %arg9[%dma_wait3A, %dma_wait3A_196, %dma_wait3A_197] : memref<4x80x128xf32, #tpu.memory_space<vmem>> -> memref<1x80x128xf32, #tpu.memory_space<vmem>>
      %dma_wait3A_199 = tpu.memref_squeeze %dma_wait3A_198 : memref<1x80x128xf32, #tpu.memory_space<vmem>> -> memref<80x128xf32, #tpu.memory_space<vmem>>
      %dma_wait3A_200 = arith.constant 0 : i32
      %dma_wait3A_201 = arith.constant 0 : i32
      %dma_wait3A_202 = tpu.memref_slice %arg2[%dma_wait3A_200, %dma_wait3A_201] : memref<20000x128xf32, #tpu.memory_space<hbm>> -> memref<80x128xf32, #tpu.memory_space<hbm>>
      tpu.wait_dma2 semaphore(%dma_wait3A_195 : memref<!tpu.dma_semaphore, #tpu.memory_space<semaphore_mem>>) src(%dma_wait3A_202 : memref<80x128xf32, #tpu.memory_space<hbm>>) dst(%dma_wait3A_199 : memref<80x128xf32, #tpu.memory_space<vmem>>)
    } else {
    }
    %barrier3A_134 = arith.constant 0 : index
    tpu.barrier barrier_id(%barrier3A_134)
    %mul3A_135 = arith.constant 320 : i32
    %mul3A_136 = arith.muli %arg1, %mul3A_135 : i32
    %min3A_137 = arith.constant 4680 : i32
    %min3A_138 = arith.minsi %mul3A_136, %min3A_137 : i32
    %mul3A_139 = arith.constant 5000 : i32
    %mul3A_140 = arith.muli %arg0, %mul3A_139 : i32
    %add3A_141 = arith.constant 0 : i32
    %add3A_142 = arith.addi %add3A_141, %mul3A_140 : i32
    %add3A_143 = arith.addi %add3A_142, %min3A_138 : i32
    "tpu.region"() ({
      %run_scoped3A = tpu.sem_alloc : memref<!tpu.dma_semaphore, #tpu.memory_space<semaphore_mem>>
      %dma_start3A = arith.constant 0 : i32
      %dma_start3A_186 = tpu.memref_slice %arg6[%add3A_143, %dma_start3A] : memref<20000x128xf32, #tpu.memory_space<hbm>> -> memref<320x128xf32, #tpu.memory_space<hbm>>
      %dma_start3A_187 = arith.constant 0 : i32
      %dma_start3A_188 = tpu.memref_slice %arg10[%min3A_138, %dma_start3A_187] : memref<5008x128xf32, #tpu.memory_space<vmem_shared>> -> memref<320x128xf32, #tpu.memory_space<vmem_shared>>
      tpu.enqueue_dma source(%dma_start3A_188 : memref<320x128xf32, #tpu.memory_space<vmem_shared>>) target(%dma_start3A_186 : memref<320x128xf32, #tpu.memory_space<hbm>>) target_semaphore(%run_scoped3A : memref<!tpu.dma_semaphore, #tpu.memory_space<semaphore_mem>>)
      %dma_wait3A = arith.constant 0 : i32
      %dma_wait3A_189 = tpu.memref_slice %arg6[%add3A_143, %dma_wait3A] : memref<20000x128xf32, #tpu.memory_space<hbm>> -> memref<320x128xf32, #tpu.memory_space<hbm>>
      %dma_wait3A_190 = arith.constant 0 : i32
      %dma_wait3A_191 = tpu.memref_slice %arg10[%min3A_138, %dma_wait3A_190] : memref<5008x128xf32, #tpu.memory_space<vmem_shared>> -> memref<320x128xf32, #tpu.memory_space<vmem_shared>>
      tpu.wait_dma2 semaphore(%run_scoped3A : memref<!tpu.dma_semaphore, #tpu.memory_space<semaphore_mem>>) src(%dma_wait3A_191 : memref<320x128xf32, #tpu.memory_space<vmem_shared>>) dst(%dma_wait3A_189 : memref<320x128xf32, #tpu.memory_space<hbm>>)
      tpu.yield
    }) : () -> ()
    %barrier3A_144 = arith.constant 0 : index
    tpu.barrier barrier_id(%barrier3A_144)
    %mul3A_145 = arith.constant 320 : i32
    %mul3A_146 = arith.muli %arg1, %mul3A_145 : i32
    %min3A_147 = arith.constant 4688 : i32
    %min3A_148 = arith.minsi %mul3A_146, %min3A_147 : i32
    "tpu.region"() ({
      %run_scoped3A = tpu.sem_alloc : memref<!tpu.dma_semaphore, #tpu.memory_space<semaphore_mem>>
      %dma_start3A = arith.constant 0 : i32
      %dma_start3A_186 = tpu.memref_slice %arg10[%min3A_148, %dma_start3A] : memref<5008x128xf32, #tpu.memory_space<vmem_shared>> -> memref<320x128xf32, #tpu.memory_space<vmem_shared>>
      tpu.enqueue_dma source(%arg5 : memref<320x128xf32, #tpu.memory_space<hbm>>) target(%dma_start3A_186 : memref<320x128xf32, #tpu.memory_space<vmem_shared>>) target_semaphore(%run_scoped3A : memref<!tpu.dma_semaphore, #tpu.memory_space<semaphore_mem>>)
      %dma_wait3A = arith.constant 0 : i32
      %dma_wait3A_187 = tpu.memref_slice %arg10[%min3A_148, %dma_wait3A] : memref<5008x128xf32, #tpu.memory_space<vmem_shared>> -> memref<320x128xf32, #tpu.memory_space<vmem_shared>>
      tpu.wait_dma2 semaphore(%run_scoped3A : memref<!tpu.dma_semaphore, #tpu.memory_space<semaphore_mem>>) src(%arg5 : memref<320x128xf32, #tpu.memory_space<hbm>>) dst(%dma_wait3A_187 : memref<320x128xf32, #tpu.memory_space<vmem_shared>>)
      tpu.yield
    }) : () -> ()
    %barrier3A_149 = arith.constant 0 : index
    tpu.barrier barrier_id(%barrier3A_149)
    %gt3A_150 = arith.constant 0 : i32
    %gt3A_151 = arith.cmpi sgt, %mul3A_110, %gt3A_150 : i32
    %convert_element_type3A_152 = arith.extui %gt3A_151 : i1 to i32
    %cond3A_153 = arith.constant 0 : i32
    %cond3A_154 = arith.cmpi ne, %convert_element_type3A_152, %cond3A_153 : i32
    scf.if %cond3A_154 {
      %dma_start3A = arith.constant 0 : i32
      %dma_start3A_186 = arith.constant 0 : i32
      %dma_start3A_187 = arith.constant 0 : i32
      %dma_start3A_188 = arith.constant 0 : i32
      %dma_start3A_189 = tpu.memref_slice %arg9[%dma_start3A, %dma_start3A_187, %dma_start3A_188] : memref<4x80x128xf32, #tpu.memory_space<vmem>> -> memref<1x80x128xf32, #tpu.memory_space<vmem>>
      %dma_start3A_190 = tpu.memref_squeeze %dma_start3A_189 : memref<1x80x128xf32, #tpu.memory_space<vmem>> -> memref<80x128xf32, #tpu.memory_space<vmem>>
      %dma_start3A_191 = arith.constant 0 : i32
      %dma_start3A_192 = tpu.memref_slice %arg7[%dma_start3A_191] : memref<20160xi32, #tpu.memory_space<vmem>> -> memref<80xi32, #tpu.memory_space<vmem>>
      %dma_start3A_193 = arith.constant 10000 : i32
      %dma_start3A_194 = arith.constant 0 : i32
      %dma_start3A_195 = tpu.memref_slice %arg2[%dma_start3A_193, %dma_start3A_194] : memref<20000x128xf32, #tpu.memory_space<hbm>> -> memref<10000x128xf32, #tpu.memory_space<hbm>>
      %dma_start3A_196 = arith.constant 0 : i32
      %dma_start3A_197 = arith.constant 0 : i32
      %dma_start3A_198 = tpu.memref_slice %dma_start3A_195[%dma_start3A_196, %dma_start3A_197] : memref<10000x128xf32, #tpu.memory_space<hbm>> -> memref<10000x128xf32, #tpu.memory_space<hbm>>
      %dma_start3A_199 = tpu.memref_slice %arg11[%dma_start3A_186] : memref<4x!tpu.dma_semaphore, #tpu.memory_space<semaphore_mem>> -> memref<1x!tpu.dma_semaphore, #tpu.memory_space<semaphore_mem>>
      %dma_start3A_200 = tpu.memref_squeeze %dma_start3A_199 : memref<1x!tpu.dma_semaphore, #tpu.memory_space<semaphore_mem>> -> memref<!tpu.dma_semaphore, #tpu.memory_space<semaphore_mem>>
      tpu.enqueue_indirect_dma source(%dma_start3A_198 : memref<10000x128xf32, #tpu.memory_space<hbm>>) target(%dma_start3A_190 : memref<80x128xf32, #tpu.memory_space<vmem>>) offsets(%dma_start3A_192 : memref<80xi32, #tpu.memory_space<vmem>>) semaphore(%dma_start3A_200 : memref<!tpu.dma_semaphore, #tpu.memory_space<semaphore_mem>>)
    } else {
    }
    %gt3A_155 = arith.constant 1 : i32
    %gt3A_156 = arith.cmpi sgt, %mul3A_110, %gt3A_155 : i32
    %convert_element_type3A_157 = arith.extui %gt3A_156 : i1 to i32
    %cond3A_158 = arith.constant 0 : i32
    %cond3A_159 = arith.cmpi ne, %convert_element_type3A_157, %cond3A_158 : i32
    scf.if %cond3A_159 {
      %dma_start3A = arith.constant 1 : i32
      %dma_start3A_186 = arith.constant 1 : i32
      %dma_start3A_187 = arith.constant 0 : i32
      %dma_start3A_188 = arith.constant 0 : i32
      %dma_start3A_189 = tpu.memref_slice %arg9[%dma_start3A, %dma_start3A_187, %dma_start3A_188] : memref<4x80x128xf32, #tpu.memory_space<vmem>> -> memref<1x80x128xf32, #tpu.memory_space<vmem>>
      %dma_start3A_190 = tpu.memref_squeeze %dma_start3A_189 : memref<1x80x128xf32, #tpu.memory_space<vmem>> -> memref<80x128xf32, #tpu.memory_space<vmem>>
      %dma_start3A_191 = arith.constant 80 : i32
      %dma_start3A_192 = tpu.memref_slice %arg7[%dma_start3A_191] : memref<20160xi32, #tpu.memory_space<vmem>> -> memref<80xi32, #tpu.memory_space<vmem>>
      %dma_start3A_193 = arith.constant 10000 : i32
      %dma_start3A_194 = arith.constant 0 : i32
      %dma_start3A_195 = tpu.memref_slice %arg2[%dma_start3A_193, %dma_start3A_194] : memref<20000x128xf32, #tpu.memory_space<hbm>> -> memref<10000x128xf32, #tpu.memory_space<hbm>>
      %dma_start3A_196 = arith.constant 0 : i32
      %dma_start3A_197 = arith.constant 0 : i32
      %dma_start3A_198 = tpu.memref_slice %dma_start3A_195[%dma_start3A_196, %dma_start3A_197] : memref<10000x128xf32, #tpu.memory_space<hbm>> -> memref<10000x128xf32, #tpu.memory_space<hbm>>
      %dma_start3A_199 = tpu.memref_slice %arg11[%dma_start3A_186] : memref<4x!tpu.dma_semaphore, #tpu.memory_space<semaphore_mem>> -> memref<1x!tpu.dma_semaphore, #tpu.memory_space<semaphore_mem>>
      %dma_start3A_200 = tpu.memref_squeeze %dma_start3A_199 : memref<1x!tpu.dma_semaphore, #tpu.memory_space<semaphore_mem>> -> memref<!tpu.dma_semaphore, #tpu.memory_space<semaphore_mem>>
      tpu.enqueue_indirect_dma source(%dma_start3A_198 : memref<10000x128xf32, #tpu.memory_space<hbm>>) target(%dma_start3A_190 : memref<80x128xf32, #tpu.memory_space<vmem>>) offsets(%dma_start3A_192 : memref<80xi32, #tpu.memory_space<vmem>>) semaphore(%dma_start3A_200 : memref<!tpu.dma_semaphore, #tpu.memory_space<semaphore_mem>>)
    } else {
    }
    %scan3A_160 = arith.constant 0 : i32
    %scan3A_161 = arith.constant 63 : i32
    %scan3A_162 = arith.addi %scan3A_160, %scan3A_161 : i32
    %scan3A_163 = arith.constant 1 : i32
    scf.for %scan3A_186 = %scan3A_160 to %scan3A_162 step %scan3A_163  : i32 {
      %mul3A_187 = arith.constant 4 : i32
      %mul3A_188 = arith.muli %scan3A_186, %mul3A_187 : i32
      %add3A_189 = arith.constant 0 : i32
      %add3A_190 = arith.addi %add3A_189, %mul3A_188 : i32
      %add3A_191 = arith.constant 0 : i32
      %add3A_192 = arith.addi %add3A_190, %add3A_191 : i32
      %lt3A = arith.cmpi slt, %add3A_192, %mul3A_110 : i32
      %convert_element_type3A_193 = arith.extui %lt3A : i1 to i32
      %cond3A_194 = arith.constant 0 : i32
      %cond3A_195 = arith.cmpi ne, %convert_element_type3A_193, %cond3A_194 : i32
      scf.if %cond3A_195 {
        %mul3A_274 = arith.constant 80 : i32
        %mul3A_275 = arith.muli %add3A_192, %mul3A_274 : i32
        %dma_wait3A = arith.constant 0 : i32
        %dma_wait3A_276 = arith.constant 0 : i32
        %dma_wait3A_277 = arith.constant 0 : i32
        %dma_wait3A_278 = arith.constant 0 : i32
        %dma_wait3A_279 = tpu.memref_slice %arg9[%dma_wait3A, %dma_wait3A_277, %dma_wait3A_278] : memref<4x80x128xf32, #tpu.memory_space<vmem>> -> memref<1x80x128xf32, #tpu.memory_space<vmem>>
        %dma_wait3A_280 = tpu.memref_squeeze %dma_wait3A_279 : memref<1x80x128xf32, #tpu.memory_space<vmem>> -> memref<80x128xf32, #tpu.memory_space<vmem>>
        %dma_wait3A_281 = tpu.memref_slice %arg7[%mul3A_275] : memref<20160xi32, #tpu.memory_space<vmem>> -> memref<80xi32, #tpu.memory_space<vmem>>
        %dma_wait3A_282 = arith.constant 10000 : i32
        %dma_wait3A_283 = arith.constant 0 : i32
        %dma_wait3A_284 = tpu.memref_slice %arg2[%dma_wait3A_282, %dma_wait3A_283] : memref<20000x128xf32, #tpu.memory_space<hbm>> -> memref<10000x128xf32, #tpu.memory_space<hbm>>
        %dma_wait3A_285 = arith.constant 0 : i32
        %dma_wait3A_286 = arith.constant 0 : i32
        %dma_wait3A_287 = tpu.memref_slice %dma_wait3A_284[%dma_wait3A_285, %dma_wait3A_286] : memref<10000x128xf32, #tpu.memory_space<hbm>> -> memref<10000x128xf32, #tpu.memory_space<hbm>>
        %dma_wait3A_288 = tpu.memref_slice %arg11[%dma_wait3A_276] : memref<4x!tpu.dma_semaphore, #tpu.memory_space<semaphore_mem>> -> memref<1x!tpu.dma_semaphore, #tpu.memory_space<semaphore_mem>>
        %dma_wait3A_289 = tpu.memref_squeeze %dma_wait3A_288 : memref<1x!tpu.dma_semaphore, #tpu.memory_space<semaphore_mem>> -> memref<!tpu.dma_semaphore, #tpu.memory_space<semaphore_mem>>
        tpu.wait_indirect_dma semaphore(%dma_wait3A_289 : memref<!tpu.dma_semaphore, #tpu.memory_space<semaphore_mem>>) src(%dma_wait3A_287 : memref<10000x128xf32, #tpu.memory_space<hbm>>) dst(%dma_wait3A_280 : memref<80x128xf32, #tpu.memory_space<vmem>>)
        %mul3A_290 = arith.constant 80 : i32
        %mul3A_291 = arith.muli %add3A_192, %mul3A_290 : i32
        %add3A_292 = arith.constant 0 : i32
        %add3A_293 = arith.addi %mul3A_291, %add3A_292 : i32
        %get3A = arith.index_cast %add3A_293 : i32 to index
        %get3A_294 = tpu.vector_load %arg8[%get3A] {strides = array<i32>} : memref<20160xi32, #tpu.memory_space<vmem>>, vector<16xi32>,
        %dma_start3A = arith.constant 0 : i32
        %dma_start3A_295 = arith.constant 0 : i32
        %dma_start3A_296 = arith.constant 0 : i32
        %dma_start3A_297 = arith.constant 0 : i32
        %dma_start3A_298 = tpu.memref_slice %arg9[%dma_start3A, %dma_start3A_296, %dma_start3A_297] : memref<4x80x128xf32, #tpu.memory_space<vmem>> -> memref<1x80x128xf32, #tpu.memory_space<vmem>>
        %dma_start3A_299 = tpu.memref_squeeze %dma_start3A_298 : memref<1x80x128xf32, #tpu.memory_space<vmem>> -> memref<80x128xf32, #tpu.memory_space<vmem>>
        %dma_start3A_300 = arith.constant 0 : i32
        %dma_start3A_301 = arith.constant 0 : i32
        %dma_start3A_302 = tpu.memref_slice %dma_start3A_299[%dma_start3A_300, %dma_start3A_301] : memref<80x128xf32, #tpu.memory_space<vmem>> -> memref<16x128xf32, #tpu.memory_space<vmem>>
        %dma_start3A_303 = arith.constant 0 : i32
        %dma_start3A_304 = arith.constant 0 : i32
        %dma_start3A_305 = tpu.memref_slice %arg10[%dma_start3A_303, %dma_start3A_304] : memref<5008x128xf32, #tpu.memory_space<vmem_shared>> -> memref<5008x128xf32, #tpu.memory_space<vmem_shared>>
        %dma_start3A_306 = tpu.memref_slice %arg12[%dma_start3A_295] : memref<4x!tpu.dma_semaphore, #tpu.memory_space<semaphore_mem>> -> memref<1x!tpu.dma_semaphore, #tpu.memory_space<semaphore_mem>>
        %dma_start3A_307 = tpu.memref_squeeze %dma_start3A_306 : memref<1x!tpu.dma_semaphore, #tpu.memory_space<semaphore_mem>> -> memref<!tpu.dma_semaphore, #tpu.memory_space<semaphore_mem>>
        tpu.enqueue_indirect_dma source(%dma_start3A_302 : memref<16x128xf32, #tpu.memory_space<vmem>>) target(%dma_start3A_305 : memref<5008x128xf32, #tpu.memory_space<vmem_shared>>) offsets(%get3A_294 : vector<16xi32>) semaphore(%dma_start3A_307 : memref<!tpu.dma_semaphore, #tpu.memory_space<semaphore_mem>>) {add = true}
        %mul3A_308 = arith.constant 80 : i32
        %mul3A_309 = arith.muli %add3A_192, %mul3A_308 : i32
        %add3A_310 = arith.constant 16 : i32
        %add3A_311 = arith.addi %mul3A_309, %add3A_310 : i32
        %get3A_312 = arith.index_cast %add3A_311 : i32 to index
        %get3A_313 = tpu.vector_load %arg8[%get3A_312] {strides = array<i32>} : memref<20160xi32, #tpu.memory_space<vmem>>, vector<16xi32>,
        %dma_start3A_314 = arith.constant 0 : i32
        %dma_start3A_315 = arith.constant 0 : i32
        %dma_start3A_316 = arith.constant 0 : i32
        %dma_start3A_317 = arith.constant 0 : i32
        %dma_start3A_318 = tpu.memref_slice %arg9[%dma_start3A_314, %dma_start3A_316, %dma_start3A_317] : memref<4x80x128xf32, #tpu.memory_space<vmem>> -> memref<1x80x128xf32, #tpu.memory_space<vmem>>
        %dma_start3A_319 = tpu.memref_squeeze %dma_start3A_318 : memref<1x80x128xf32, #tpu.memory_space<vmem>> -> memref<80x128xf32, #tpu.memory_space<vmem>>
        %dma_start3A_320 = arith.constant 16 : i32
        %dma_start3A_321 = arith.constant 0 : i32
        %dma_start3A_322 = tpu.memref_slice %dma_start3A_319[%dma_start3A_320, %dma_start3A_321] : memref<80x128xf32, #tpu.memory_space<vmem>> -> memref<16x128xf32, #tpu.memory_space<vmem>>
        %dma_start3A_323 = arith.constant 0 : i32
        %dma_start3A_324 = arith.constant 0 : i32
        %dma_start3A_325 = tpu.memref_slice %arg10[%dma_start3A_323, %dma_start3A_324] : memref<5008x128xf32, #tpu.memory_space<vmem_shared>> -> memref<5008x128xf32, #tpu.memory_space<vmem_shared>>
        %dma_start3A_326 = tpu.memref_slice %arg12[%dma_start3A_315] : memref<4x!tpu.dma_semaphore, #tpu.memory_space<semaphore_mem>> -> memref<1x!tpu.dma_semaphore, #tpu.memory_space<semaphore_mem>>
        %dma_start3A_327 = tpu.memref_squeeze %dma_start3A_326 : memref<1x!tpu.dma_semaphore, #tpu.memory_space<semaphore_mem>> -> memref<!tpu.dma_semaphore, #tpu.memory_space<semaphore_mem>>
        tpu.enqueue_indirect_dma source(%dma_start3A_322 : memref<16x128xf32, #tpu.memory_space<vmem>>) target(%dma_start3A_325 : memref<5008x128xf32, #tpu.memory_space<vmem_shared>>) offsets(%get3A_313 : vector<16xi32>) semaphore(%dma_start3A_327 : memref<!tpu.dma_semaphore, #tpu.memory_space<semaphore_mem>>) {add = true}
        %mul3A_328 = arith.constant 80 : i32
        %mul3A_329 = arith.muli %add3A_192, %mul3A_328 : i32
        %add3A_330 = arith.constant 32 : i32
        %add3A_331 = arith.addi %mul3A_329, %add3A_330 : i32
        %get3A_332 = arith.index_cast %add3A_331 : i32 to index
        %get3A_333 = tpu.vector_load %arg8[%get3A_332] {strides = array<i32>} : memref<20160xi32, #tpu.memory_space<vmem>>, vector<16xi32>,
        %dma_start3A_334 = arith.constant 0 : i32
        %dma_start3A_335 = arith.constant 0 : i32
        %dma_start3A_336 = arith.constant 0 : i32
        %dma_start3A_337 = arith.constant 0 : i32
        %dma_start3A_338 = tpu.memref_slice %arg9[%dma_start3A_334, %dma_start3A_336, %dma_start3A_337] : memref<4x80x128xf32, #tpu.memory_space<vmem>> -> memref<1x80x128xf32, #tpu.memory_space<vmem>>
        %dma_start3A_339 = tpu.memref_squeeze %dma_start3A_338 : memref<1x80x128xf32, #tpu.memory_space<vmem>> -> memref<80x128xf32, #tpu.memory_space<vmem>>
        %dma_start3A_340 = arith.constant 32 : i32
        %dma_start3A_341 = arith.constant 0 : i32
        %dma_start3A_342 = tpu.memref_slice %dma_start3A_339[%dma_start3A_340, %dma_start3A_341] : memref<80x128xf32, #tpu.memory_space<vmem>> -> memref<16x128xf32, #tpu.memory_space<vmem>>
        %dma_start3A_343 = arith.constant 0 : i32
        %dma_start3A_344 = arith.constant 0 : i32
        %dma_start3A_345 = tpu.memref_slice %arg10[%dma_start3A_343, %dma_start3A_344] : memref<5008x128xf32, #tpu.memory_space<vmem_shared>> -> memref<5008x128xf32, #tpu.memory_space<vmem_shared>>
        %dma_start3A_346 = tpu.memref_slice %arg12[%dma_start3A_335] : memref<4x!tpu.dma_semaphore, #tpu.memory_space<semaphore_mem>> -> memref<1x!tpu.dma_semaphore, #tpu.memory_space<semaphore_mem>>
        %dma_start3A_347 = tpu.memref_squeeze %dma_start3A_346 : memref<1x!tpu.dma_semaphore, #tpu.memory_space<semaphore_mem>> -> memref<!tpu.dma_semaphore, #tpu.memory_space<semaphore_mem>>
        tpu.enqueue_indirect_dma source(%dma_start3A_342 : memref<16x128xf32, #tpu.memory_space<vmem>>) target(%dma_start3A_345 : memref<5008x128xf32, #tpu.memory_space<vmem_shared>>) offsets(%get3A_333 : vector<16xi32>) semaphore(%dma_start3A_347 : memref<!tpu.dma_semaphore, #tpu.memory_space<semaphore_mem>>) {add = true}
        %mul3A_348 = arith.constant 80 : i32
        %mul3A_349 = arith.muli %add3A_192, %mul3A_348 : i32
        %add3A_350 = arith.constant 48 : i32
        %add3A_351 = arith.addi %mul3A_349, %add3A_350 : i32
        %get3A_352 = arith.index_cast %add3A_351 : i32 to index
        %get3A_353 = tpu.vector_load %arg8[%get3A_352] {strides = array<i32>} : memref<20160xi32, #tpu.memory_space<vmem>>, vector<16xi32>,
        %dma_start3A_354 = arith.constant 0 : i32
        %dma_start3A_355 = arith.constant 0 : i32
        %dma_start3A_356 = arith.constant 0 : i32
        %dma_start3A_357 = arith.constant 0 : i32
        %dma_start3A_358 = tpu.memref_slice %arg9[%dma_start3A_354, %dma_start3A_356, %dma_start3A_357] : memref<4x80x128xf32, #tpu.memory_space<vmem>> -> memref<1x80x128xf32, #tpu.memory_space<vmem>>
        %dma_start3A_359 = tpu.memref_squeeze %dma_start3A_358 : memref<1x80x128xf32, #tpu.memory_space<vmem>> -> memref<80x128xf32, #tpu.memory_space<vmem>>
        %dma_start3A_360 = arith.constant 48 : i32
        %dma_start3A_361 = arith.constant 0 : i32
        %dma_start3A_362 = tpu.memref_slice %dma_start3A_359[%dma_start3A_360, %dma_start3A_361] : memref<80x128xf32, #tpu.memory_space<vmem>> -> memref<16x128xf32, #tpu.memory_space<vmem>>
        %dma_start3A_363 = arith.constant 0 : i32
        %dma_start3A_364 = arith.constant 0 : i32
        %dma_start3A_365 = tpu.memref_slice %arg10[%dma_start3A_363, %dma_start3A_364] : memref<5008x128xf32, #tpu.memory_space<vmem_shared>> -> memref<5008x128xf32, #tpu.memory_space<vmem_shared>>
        %dma_start3A_366 = tpu.memref_slice %arg12[%dma_start3A_355] : memref<4x!tpu.dma_semaphore, #tpu.memory_space<semaphore_mem>> -> memref<1x!tpu.dma_semaphore, #tpu.memory_space<semaphore_mem>>
        %dma_start3A_367 = tpu.memref_squeeze %dma_start3A_366 : memref<1x!tpu.dma_semaphore, #tpu.memory_space<semaphore_mem>> -> memref<!tpu.dma_semaphore, #tpu.memory_space<semaphore_mem>>
        tpu.enqueue_indirect_dma source(%dma_start3A_362 : memref<16x128xf32, #tpu.memory_space<vmem>>) target(%dma_start3A_365 : memref<5008x128xf32, #tpu.memory_space<vmem_shared>>) offsets(%get3A_353 : vector<16xi32>) semaphore(%dma_start3A_367 : memref<!tpu.dma_semaphore, #tpu.memory_space<semaphore_mem>>) {add = true}
        %mul3A_368 = arith.constant 80 : i32
        %mul3A_369 = arith.muli %add3A_192, %mul3A_368 : i32
        %add3A_370 = arith.constant 64 : i32
        %add3A_371 = arith.addi %mul3A_369, %add3A_370 : i32
        %get3A_372 = arith.index_cast %add3A_371 : i32 to index
        %get3A_373 = tpu.vector_load %arg8[%get3A_372] {strides = array<i32>} : memref<20160xi32, #tpu.memory_space<vmem>>, vector<16xi32>,
        %dma_start3A_374 = arith.constant 0 : i32
        %dma_start3A_375 = arith.constant 0 : i32
        %dma_start3A_376 = arith.constant 0 : i32
        %dma_start3A_377 = arith.constant 0 : i32
        %dma_start3A_378 = tpu.memref_slice %arg9[%dma_start3A_374, %dma_start3A_376, %dma_start3A_377] : memref<4x80x128xf32, #tpu.memory_space<vmem>> -> memref<1x80x128xf32, #tpu.memory_space<vmem>>
        %dma_start3A_379 = tpu.memref_squeeze %dma_start3A_378 : memref<1x80x128xf32, #tpu.memory_space<vmem>> -> memref<80x128xf32, #tpu.memory_space<vmem>>
        %dma_start3A_380 = arith.constant 64 : i32
        %dma_start3A_381 = arith.constant 0 : i32
        %dma_start3A_382 = tpu.memref_slice %dma_start3A_379[%dma_start3A_380, %dma_start3A_381] : memref<80x128xf32, #tpu.memory_space<vmem>> -> memref<16x128xf32, #tpu.memory_space<vmem>>
        %dma_start3A_383 = arith.constant 0 : i32
        %dma_start3A_384 = arith.constant 0 : i32
        %dma_start3A_385 = tpu.memref_slice %arg10[%dma_start3A_383, %dma_start3A_384] : memref<5008x128xf32, #tpu.memory_space<vmem_shared>> -> memref<5008x128xf32, #tpu.memory_space<vmem_shared>>
        %dma_start3A_386 = tpu.memref_slice %arg12[%dma_start3A_375] : memref<4x!tpu.dma_semaphore, #tpu.memory_space<semaphore_mem>> -> memref<1x!tpu.dma_semaphore, #tpu.memory_space<semaphore_mem>>
        %dma_start3A_387 = tpu.memref_squeeze %dma_start3A_386 : memref<1x!tpu.dma_semaphore, #tpu.memory_space<semaphore_mem>> -> memref<!tpu.dma_semaphore, #tpu.memory_space<semaphore_mem>>
        tpu.enqueue_indirect_dma source(%dma_start3A_382 : memref<16x128xf32, #tpu.memory_space<vmem>>) target(%dma_start3A_385 : memref<5008x128xf32, #tpu.memory_space<vmem_shared>>) offsets(%get3A_373 : vector<16xi32>) semaphore(%dma_start3A_387 : memref<!tpu.dma_semaphore, #tpu.memory_space<semaphore_mem>>) {add = true}
      } else {
      }
      %ge3A_196 = arith.constant 2 : i32
      %ge3A_197 = arith.cmpi sge, %add3A_192, %ge3A_196 : i32
      %sub3A_198 = arith.constant 2 : i32
      %sub3A_199 = arith.subi %add3A_192, %sub3A_198 : i32
      %lt3A_200 = arith.cmpi slt, %sub3A_199, %mul3A_110 : i32
      %and3A_201 = arith.andi %ge3A_197, %lt3A_200 : i1
      %convert_element_type3A_202 = arith.extui %and3A_201 : i1 to i32
      %cond3A_203 = arith.constant 0 : i32
      %cond3A_204 = arith.cmpi ne, %convert_element_type3A_202, %cond3A_203 : i32
      scf.if %cond3A_204 {
        %sub3A_274 = arith.constant 2 : i32
        %sub3A_275 = arith.subi %add3A_192, %sub3A_274 : i32
        %dma_wait3A = arith.constant 2 : i32
        %dma_wait3A_276 = arith.constant 2 : i32
        %dma_wait3A_277 = arith.constant 0 : i32
        %dma_wait3A_278 = arith.constant 0 : i32
        %dma_wait3A_279 = tpu.memref_slice %arg9[%dma_wait3A, %dma_wait3A_277, %dma_wait3A_278] : memref<4x80x128xf32, #tpu.memory_space<vmem>> -> memref<1x80x128xf32, #tpu.memory_space<vmem>>
        %dma_wait3A_280 = tpu.memref_squeeze %dma_wait3A_279 : memref<1x80x128xf32, #tpu.memory_space<vmem>> -> memref<80x128xf32, #tpu.memory_space<vmem>>
        %dma_wait3A_281 = arith.constant 0 : i32
        %dma_wait3A_282 = arith.constant 0 : i32
        %dma_wait3A_283 = tpu.memref_slice %arg2[%dma_wait3A_281, %dma_wait3A_282] : memref<20000x128xf32, #tpu.memory_space<hbm>> -> memref<80x128xf32, #tpu.memory_space<hbm>>
        %dma_wait3A_284 = tpu.memref_slice %arg12[%dma_wait3A_276] : memref<4x!tpu.dma_semaphore, #tpu.memory_space<semaphore_mem>> -> memref<1x!tpu.dma_semaphore, #tpu.memory_space<semaphore_mem>>
        %dma_wait3A_285 = tpu.memref_squeeze %dma_wait3A_284 : memref<1x!tpu.dma_semaphore, #tpu.memory_space<semaphore_mem>> -> memref<!tpu.dma_semaphore, #tpu.memory_space<semaphore_mem>>
        %dma_wait3A_286 = arith.constant 0 : i32
        %dma_wait3A_287 = arith.constant 0 : i32
        %dma_wait3A_288 = tpu.memref_slice %arg9[%dma_wait3A, %dma_wait3A_286, %dma_wait3A_287] : memref<4x80x128xf32, #tpu.memory_space<vmem>> -> memref<1x80x128xf32, #tpu.memory_space<vmem>>
        %dma_wait3A_289 = tpu.memref_squeeze %dma_wait3A_288 : memref<1x80x128xf32, #tpu.memory_space<vmem>> -> memref<80x128xf32, #tpu.memory_space<vmem>>
        %dma_wait3A_290 = arith.constant 0 : i32
        %dma_wait3A_291 = arith.constant 0 : i32
        %dma_wait3A_292 = tpu.memref_slice %arg2[%dma_wait3A_290, %dma_wait3A_291] : memref<20000x128xf32, #tpu.memory_space<hbm>> -> memref<80x128xf32, #tpu.memory_space<hbm>>
        tpu.wait_dma2 semaphore(%dma_wait3A_285 : memref<!tpu.dma_semaphore, #tpu.memory_space<semaphore_mem>>) src(%dma_wait3A_292 : memref<80x128xf32, #tpu.memory_space<hbm>>) dst(%dma_wait3A_289 : memref<80x128xf32, #tpu.memory_space<vmem>>)
      } else {
      }
      %add3A_205 = arith.constant 2 : i32
      %add3A_206 = arith.addi %add3A_192, %add3A_205 : i32
      %lt3A_207 = arith.cmpi slt, %add3A_206, %mul3A_110 : i32
      %convert_element_type3A_208 = arith.extui %lt3A_207 : i1 to i32
      %cond3A_209 = arith.constant 0 : i32
      %cond3A_210 = arith.cmpi ne, %convert_element_type3A_208, %cond3A_209 : i32
      scf.if %cond3A_210 {
        %add3A_274 = arith.constant 2 : i32
        %add3A_275 = arith.addi %add3A_192, %add3A_274 : i32
        %mul3A_276 = arith.constant 80 : i32
        %mul3A_277 = arith.muli %add3A_275, %mul3A_276 : i32
        %dma_start3A = arith.constant 2 : i32
        %dma_start3A_278 = arith.constant 2 : i32
        %dma_start3A_279 = arith.constant 0 : i32
        %dma_start3A_280 = arith.constant 0 : i32
        %dma_start3A_281 = tpu.memref_slice %arg9[%dma_start3A, %dma_start3A_279, %dma_start3A_280] : memref<4x80x128xf32, #tpu.memory_space<vmem>> -> memref<1x80x128xf32, #tpu.memory_space<vmem>>
        %dma_start3A_282 = tpu.memref_squeeze %dma_start3A_281 : memref<1x80x128xf32, #tpu.memory_space<vmem>> -> memref<80x128xf32, #tpu.memory_space<vmem>>
        %dma_start3A_283 = tpu.memref_slice %arg7[%mul3A_277] : memref<20160xi32, #tpu.memory_space<vmem>> -> memref<80xi32, #tpu.memory_space<vmem>>
        %dma_start3A_284 = arith.constant 10000 : i32
        %dma_start3A_285 = arith.constant 0 : i32
        %dma_start3A_286 = tpu.memref_slice %arg2[%dma_start3A_284, %dma_start3A_285] : memref<20000x128xf32, #tpu.memory_space<hbm>> -> memref<10000x128xf32, #tpu.memory_space<hbm>>
        %dma_start3A_287 = arith.constant 0 : i32
        %dma_start3A_288 = arith.constant 0 : i32
        %dma_start3A_289 = tpu.memref_slice %dma_start3A_286[%dma_start3A_287, %dma_start3A_288] : memref<10000x128xf32, #tpu.memory_space<hbm>> -> memref<10000x128xf32, #tpu.memory_space<hbm>>
        %dma_start3A_290 = tpu.memref_slice %arg11[%dma_start3A_278] : memref<4x!tpu.dma_semaphore, #tpu.memory_space<semaphore_mem>> -> memref<1x!tpu.dma_semaphore, #tpu.memory_space<semaphore_mem>>
        %dma_start3A_291 = tpu.memref_squeeze %dma_start3A_290 : memref<1x!tpu.dma_semaphore, #tpu.memory_space<semaphore_mem>> -> memref<!tpu.dma_semaphore, #tpu.memory_space<semaphore_mem>>
        tpu.enqueue_indirect_dma source(%dma_start3A_289 : memref<10000x128xf32, #tpu.memory_space<hbm>>) target(%dma_start3A_282 : memref<80x128xf32, #tpu.memory_space<vmem>>) offsets(%dma_start3A_283 : memref<80xi32, #tpu.memory_space<vmem>>) semaphore(%dma_start3A_291 : memref<!tpu.dma_semaphore, #tpu.memory_space<semaphore_mem>>)
      } else {
      }
      %add3A_211 = arith.constant 1 : i32
      %add3A_212 = arith.addi %add3A_190, %add3A_211 : i32
      %lt3A_213 = arith.cmpi slt, %add3A_212, %mul3A_110 : i32
      %convert_element_type3A_214 = arith.extui %lt3A_213 : i1 to i32
      %cond3A_215 = arith.constant 0 : i32
      %cond3A_216 = arith.cmpi ne, %convert_element_type3A_214, %cond3A_215 : i32
      scf.if %cond3A_216 {
        %mul3A_274 = arith.constant 80 : i32
        %mul3A_275 = arith.muli %add3A_212, %mul3A_274 : i32
        %dma_wait3A = arith.constant 1 : i32
        %dma_wait3A_276 = arith.constant 1 : i32
        %dma_wait3A_277 = arith.constant 0 : i32
        %dma_wait3A_278 = arith.constant 0 : i32
        %dma_wait3A_279 = tpu.memref_slice %arg9[%dma_wait3A, %dma_wait3A_277, %dma_wait3A_278] : memref<4x80x128xf32, #tpu.memory_space<vmem>> -> memref<1x80x128xf32, #tpu.memory_space<vmem>>
        %dma_wait3A_280 = tpu.memref_squeeze %dma_wait3A_279 : memref<1x80x128xf32, #tpu.memory_space<vmem>> -> memref<80x128xf32, #tpu.memory_space<vmem>>
        %dma_wait3A_281 = tpu.memref_slice %arg7[%mul3A_275] : memref<20160xi32, #tpu.memory_space<vmem>> -> memref<80xi32, #tpu.memory_space<vmem>>
        %dma_wait3A_282 = arith.constant 10000 : i32
        %dma_wait3A_283 = arith.constant 0 : i32
        %dma_wait3A_284 = tpu.memref_slice %arg2[%dma_wait3A_282, %dma_wait3A_283] : memref<20000x128xf32, #tpu.memory_space<hbm>> -> memref<10000x128xf32, #tpu.memory_space<hbm>>
        %dma_wait3A_285 = arith.constant 0 : i32
        %dma_wait3A_286 = arith.constant 0 : i32
        %dma_wait3A_287 = tpu.memref_slice %dma_wait3A_284[%dma_wait3A_285, %dma_wait3A_286] : memref<10000x128xf32, #tpu.memory_space<hbm>> -> memref<10000x128xf32, #tpu.memory_space<hbm>>
        %dma_wait3A_288 = tpu.memref_slice %arg11[%dma_wait3A_276] : memref<4x!tpu.dma_semaphore, #tpu.memory_space<semaphore_mem>> -> memref<1x!tpu.dma_semaphore, #tpu.memory_space<semaphore_mem>>
        %dma_wait3A_289 = tpu.memref_squeeze %dma_wait3A_288 : memref<1x!tpu.dma_semaphore, #tpu.memory_space<semaphore_mem>> -> memref<!tpu.dma_semaphore, #tpu.memory_space<semaphore_mem>>
        tpu.wait_indirect_dma semaphore(%dma_wait3A_289 : memref<!tpu.dma_semaphore, #tpu.memory_space<semaphore_mem>>) src(%dma_wait3A_287 : memref<10000x128xf32, #tpu.memory_space<hbm>>) dst(%dma_wait3A_280 : memref<80x128xf32, #tpu.memory_space<vmem>>)
        %mul3A_290 = arith.constant 80 : i32
        %mul3A_291 = arith.muli %add3A_212, %mul3A_290 : i32
        %add3A_292 = arith.constant 0 : i32
        %add3A_293 = arith.addi %mul3A_291, %add3A_292 : i32
        %get3A = arith.index_cast %add3A_293 : i32 to index
        %get3A_294 = tpu.vector_load %arg8[%get3A] {strides = array<i32>} : memref<20160xi32, #tpu.memory_space<vmem>>, vector<16xi32>,
        %dma_start3A = arith.constant 1 : i32
        %dma_start3A_295 = arith.constant 1 : i32
        %dma_start3A_296 = arith.constant 0 : i32
        %dma_start3A_297 = arith.constant 0 : i32
        %dma_start3A_298 = tpu.memref_slice %arg9[%dma_start3A, %dma_start3A_296, %dma_start3A_297] : memref<4x80x128xf32, #tpu.memory_space<vmem>> -> memref<1x80x128xf32, #tpu.memory_space<vmem>>
        %dma_start3A_299 = tpu.memref_squeeze %dma_start3A_298 : memref<1x80x128xf32, #tpu.memory_space<vmem>> -> memref<80x128xf32, #tpu.memory_space<vmem>>
        %dma_start3A_300 = arith.constant 0 : i32
        %dma_start3A_301 = arith.constant 0 : i32
        %dma_start3A_302 = tpu.memref_slice %dma_start3A_299[%dma_start3A_300, %dma_start3A_301] : memref<80x128xf32, #tpu.memory_space<vmem>> -> memref<16x128xf32, #tpu.memory_space<vmem>>
        %dma_start3A_303 = arith.constant 0 : i32
        %dma_start3A_304 = arith.constant 0 : i32
        %dma_start3A_305 = tpu.memref_slice %arg10[%dma_start3A_303, %dma_start3A_304] : memref<5008x128xf32, #tpu.memory_space<vmem_shared>> -> memref<5008x128xf32, #tpu.memory_space<vmem_shared>>
        %dma_start3A_306 = tpu.memref_slice %arg12[%dma_start3A_295] : memref<4x!tpu.dma_semaphore, #tpu.memory_space<semaphore_mem>> -> memref<1x!tpu.dma_semaphore, #tpu.memory_space<semaphore_mem>>
        %dma_start3A_307 = tpu.memref_squeeze %dma_start3A_306 : memref<1x!tpu.dma_semaphore, #tpu.memory_space<semaphore_mem>> -> memref<!tpu.dma_semaphore, #tpu.memory_space<semaphore_mem>>
        tpu.enqueue_indirect_dma source(%dma_start3A_302 : memref<16x128xf32, #tpu.memory_space<vmem>>) target(%dma_start3A_305 : memref<5008x128xf32, #tpu.memory_space<vmem_shared>>) offsets(%get3A_294 : vector<16xi32>) semaphore(%dma_start3A_307 : memref<!tpu.dma_semaphore, #tpu.memory_space<semaphore_mem>>) {add = true}
        %mul3A_308 = arith.constant 80 : i32
        %mul3A_309 = arith.muli %add3A_212, %mul3A_308 : i32
        %add3A_310 = arith.constant 16 : i32
        %add3A_311 = arith.addi %mul3A_309, %add3A_310 : i32
        %get3A_312 = arith.index_cast %add3A_311 : i32 to index
        %get3A_313 = tpu.vector_load %arg8[%get3A_312] {strides = array<i32>} : memref<20160xi32, #tpu.memory_space<vmem>>, vector<16xi32>,
        %dma_start3A_314 = arith.constant 1 : i32
        %dma_start3A_315 = arith.constant 1 : i32
        %dma_start3A_316 = arith.constant 0 : i32
        %dma_start3A_317 = arith.constant 0 : i32
        %dma_start3A_318 = tpu.memref_slice %arg9[%dma_start3A_314, %dma_start3A_316, %dma_start3A_317] : memref<4x80x128xf32, #tpu.memory_space<vmem>> -> memref<1x80x128xf32, #tpu.memory_space<vmem>>
        %dma_start3A_319 = tpu.memref_squeeze %dma_start3A_318 : memref<1x80x128xf32, #tpu.memory_space<vmem>> -> memref<80x128xf32, #tpu.memory_space<vmem>>
        %dma_start3A_320 = arith.constant 16 : i32
        %dma_start3A_321 = arith.constant 0 : i32
        %dma_start3A_322 = tpu.memref_slice %dma_start3A_319[%dma_start3A_320, %dma_start3A_321] : memref<80x128xf32, #tpu.memory_space<vmem>> -> memref<16x128xf32, #tpu.memory_space<vmem>>
        %dma_start3A_323 = arith.constant 0 : i32
        %dma_start3A_324 = arith.constant 0 : i32
        %dma_start3A_325 = tpu.memref_slice %arg10[%dma_start3A_323, %dma_start3A_324] : memref<5008x128xf32, #tpu.memory_space<vmem_shared>> -> memref<5008x128xf32, #tpu.memory_space<vmem_shared>>
        %dma_start3A_326 = tpu.memref_slice %arg12[%dma_start3A_315] : memref<4x!tpu.dma_semaphore, #tpu.memory_space<semaphore_mem>> -> memref<1x!tpu.dma_semaphore, #tpu.memory_space<semaphore_mem>>
        %dma_start3A_327 = tpu.memref_squeeze %dma_start3A_326 : memref<1x!tpu.dma_semaphore, #tpu.memory_space<semaphore_mem>> -> memref<!tpu.dma_semaphore, #tpu.memory_space<semaphore_mem>>
        tpu.enqueue_indirect_dma source(%dma_start3A_322 : memref<16x128xf32, #tpu.memory_space<vmem>>) target(%dma_start3A_325 : memref<5008x128xf32, #tpu.memory_space<vmem_shared>>) offsets(%get3A_313 : vector<16xi32>) semaphore(%dma_start3A_327 : memref<!tpu.dma_semaphore, #tpu.memory_space<semaphore_mem>>) {add = true}
        %mul3A_328 = arith.constant 80 : i32
        %mul3A_329 = arith.muli %add3A_212, %mul3A_328 : i32
        %add3A_330 = arith.constant 32 : i32
        %add3A_331 = arith.addi %mul3A_329, %add3A_330 : i32
        %get3A_332 = arith.index_cast %add3A_331 : i32 to index
        %get3A_333 = tpu.vector_load %arg8[%get3A_332] {strides = array<i32>} : memref<20160xi32, #tpu.memory_space<vmem>>, vector<16xi32>,
        %dma_start3A_334 = arith.constant 1 : i32
        %dma_start3A_335 = arith.constant 1 : i32
        %dma_start3A_336 = arith.constant 0 : i32
        %dma_start3A_337 = arith.constant 0 : i32
        %dma_start3A_338 = tpu.memref_slice %arg9[%dma_start3A_334, %dma_start3A_336, %dma_start3A_337] : memref<4x80x128xf32, #tpu.memory_space<vmem>> -> memref<1x80x128xf32, #tpu.memory_space<vmem>>
        %dma_start3A_339 = tpu.memref_squeeze %dma_start3A_338 : memref<1x80x128xf32, #tpu.memory_space<vmem>> -> memref<80x128xf32, #tpu.memory_space<vmem>>
        %dma_start3A_340 = arith.constant 32 : i32
        %dma_start3A_341 = arith.constant 0 : i32
        %dma_start3A_342 = tpu.memref_slice %dma_start3A_339[%dma_start3A_340, %dma_start3A_341] : memref<80x128xf32, #tpu.memory_space<vmem>> -> memref<16x128xf32, #tpu.memory_space<vmem>>
        %dma_start3A_343 = arith.constant 0 : i32
        %dma_start3A_344 = arith.constant 0 : i32
        %dma_start3A_345 = tpu.memref_slice %arg10[%dma_start3A_343, %dma_start3A_344] : memref<5008x128xf32, #tpu.memory_space<vmem_shared>> -> memref<5008x128xf32, #tpu.memory_space<vmem_shared>>
        %dma_start3A_346 = tpu.memref_slice %arg12[%dma_start3A_335] : memref<4x!tpu.dma_semaphore, #tpu.memory_space<semaphore_mem>> -> memref<1x!tpu.dma_semaphore, #tpu.memory_space<semaphore_mem>>
        %dma_start3A_347 = tpu.memref_squeeze %dma_start3A_346 : memref<1x!tpu.dma_semaphore, #tpu.memory_space<semaphore_mem>> -> memref<!tpu.dma_semaphore, #tpu.memory_space<semaphore_mem>>
        tpu.enqueue_indirect_dma source(%dma_start3A_342 : memref<16x128xf32, #tpu.memory_space<vmem>>) target(%dma_start3A_345 : memref<5008x128xf32, #tpu.memory_space<vmem_shared>>) offsets(%get3A_333 : vector<16xi32>) semaphore(%dma_start3A_347 : memref<!tpu.dma_semaphore, #tpu.memory_space<semaphore_mem>>) {add = true}
        %mul3A_348 = arith.constant 80 : i32
        %mul3A_349 = arith.muli %add3A_212, %mul3A_348 : i32
        %add3A_350 = arith.constant 48 : i32
        %add3A_351 = arith.addi %mul3A_349, %add3A_350 : i32
        %get3A_352 = arith.index_cast %add3A_351 : i32 to index
        %get3A_353 = tpu.vector_load %arg8[%get3A_352] {strides = array<i32>} : memref<20160xi32, #tpu.memory_space<vmem>>, vector<16xi32>,
        %dma_start3A_354 = arith.constant 1 : i32
        %dma_start3A_355 = arith.constant 1 : i32
        %dma_start3A_356 = arith.constant 0 : i32
        %dma_start3A_357 = arith.constant 0 : i32
        %dma_start3A_358 = tpu.memref_slice %arg9[%dma_start3A_354, %dma_start3A_356, %dma_start3A_357] : memref<4x80x128xf32, #tpu.memory_space<vmem>> -> memref<1x80x128xf32, #tpu.memory_space<vmem>>
        %dma_start3A_359 = tpu.memref_squeeze %dma_start3A_358 : memref<1x80x128xf32, #tpu.memory_space<vmem>> -> memref<80x128xf32, #tpu.memory_space<vmem>>
        %dma_start3A_360 = arith.constant 48 : i32
        %dma_start3A_361 = arith.constant 0 : i32
        %dma_start3A_362 = tpu.memref_slice %dma_start3A_359[%dma_start3A_360, %dma_start3A_361] : memref<80x128xf32, #tpu.memory_space<vmem>> -> memref<16x128xf32, #tpu.memory_space<vmem>>
        %dma_start3A_363 = arith.constant 0 : i32
        %dma_start3A_364 = arith.constant 0 : i32
        %dma_start3A_365 = tpu.memref_slice %arg10[%dma_start3A_363, %dma_start3A_364] : memref<5008x128xf32, #tpu.memory_space<vmem_shared>> -> memref<5008x128xf32, #tpu.memory_space<vmem_shared>>
        %dma_start3A_366 = tpu.memref_slice %arg12[%dma_start3A_355] : memref<4x!tpu.dma_semaphore, #tpu.memory_space<semaphore_mem>> -> memref<1x!tpu.dma_semaphore, #tpu.memory_space<semaphore_mem>>
        %dma_start3A_367 = tpu.memref_squeeze %dma_start3A_366 : memref<1x!tpu.dma_semaphore, #tpu.memory_space<semaphore_mem>> -> memref<!tpu.dma_semaphore, #tpu.memory_space<semaphore_mem>>
        tpu.enqueue_indirect_dma source(%dma_start3A_362 : memref<16x128xf32, #tpu.memory_space<vmem>>) target(%dma_start3A_365 : memref<5008x128xf32, #tpu.memory_space<vmem_shared>>) offsets(%get3A_353 : vector<16xi32>) semaphore(%dma_start3A_367 : memref<!tpu.dma_semaphore, #tpu.memory_space<semaphore_mem>>) {add = true}
        %mul3A_368 = arith.constant 80 : i32
        %mul3A_369 = arith.muli %add3A_212, %mul3A_368 : i32
        %add3A_370 = arith.constant 64 : i32
        %add3A_371 = arith.addi %mul3A_369, %add3A_370 : i32
        %get3A_372 = arith.index_cast %add3A_371 : i32 to index
        %get3A_373 = tpu.vector_load %arg8[%get3A_372] {strides = array<i32>} : memref<20160xi32, #tpu.memory_space<vmem>>, vector<16xi32>,
        %dma_start3A_374 = arith.constant 1 : i32
        %dma_start3A_375 = arith.constant 1 : i32
        %dma_start3A_376 = arith.constant 0 : i32
        %dma_start3A_377 = arith.constant 0 : i32
        %dma_start3A_378 = tpu.memref_slice %arg9[%dma_start3A_374, %dma_start3A_376, %dma_start3A_377] : memref<4x80x128xf32, #tpu.memory_space<vmem>> -> memref<1x80x128xf32, #tpu.memory_space<vmem>>
        %dma_start3A_379 = tpu.memref_squeeze %dma_start3A_378 : memref<1x80x128xf32, #tpu.memory_space<vmem>> -> memref<80x128xf32, #tpu.memory_space<vmem>>
        %dma_start3A_380 = arith.constant 64 : i32
        %dma_start3A_381 = arith.constant 0 : i32
        %dma_start3A_382 = tpu.memref_slice %dma_start3A_379[%dma_start3A_380, %dma_start3A_381] : memref<80x128xf32, #tpu.memory_space<vmem>> -> memref<16x128xf32, #tpu.memory_space<vmem>>
        %dma_start3A_383 = arith.constant 0 : i32
        %dma_start3A_384 = arith.constant 0 : i32
        %dma_start3A_385 = tpu.memref_slice %arg10[%dma_start3A_383, %dma_start3A_384] : memref<5008x128xf32, #tpu.memory_space<vmem_shared>> -> memref<5008x128xf32, #tpu.memory_space<vmem_shared>>
        %dma_start3A_386 = tpu.memref_slice %arg12[%dma_start3A_375] : memref<4x!tpu.dma_semaphore, #tpu.memory_space<semaphore_mem>> -> memref<1x!tpu.dma_semaphore, #tpu.memory_space<semaphore_mem>>
        %dma_start3A_387 = tpu.memref_squeeze %dma_start3A_386 : memref<1x!tpu.dma_semaphore, #tpu.memory_space<semaphore_mem>> -> memref<!tpu.dma_semaphore, #tpu.memory_space<semaphore_mem>>
        tpu.enqueue_indirect_dma source(%dma_start3A_382 : memref<16x128xf32, #tpu.memory_space<vmem>>) target(%dma_start3A_385 : memref<5008x128xf32, #tpu.memory_space<vmem_shared>>) offsets(%get3A_373 : vector<16xi32>) semaphore(%dma_start3A_387 : memref<!tpu.dma_semaphore, #tpu.memory_space<semaphore_mem>>) {add = true}
      } else {
      }
      %ge3A_217 = arith.constant 2 : i32
      %ge3A_218 = arith.cmpi sge, %add3A_212, %ge3A_217 : i32
      %sub3A_219 = arith.constant 2 : i32
      %sub3A_220 = arith.subi %add3A_212, %sub3A_219 : i32
      %lt3A_221 = arith.cmpi slt, %sub3A_220, %mul3A_110 : i32
      %and3A_222 = arith.andi %ge3A_218, %lt3A_221 : i1
      %convert_element_type3A_223 = arith.extui %and3A_222 : i1 to i32
      %cond3A_224 = arith.constant 0 : i32
      %cond3A_225 = arith.cmpi ne, %convert_element_type3A_223, %cond3A_224 : i32
      scf.if %cond3A_225 {
        %sub3A_274 = arith.constant 2 : i32
        %sub3A_275 = arith.subi %add3A_212, %sub3A_274 : i32
        %dma_wait3A = arith.constant 3 : i32
        %dma_wait3A_276 = arith.constant 3 : i32
        %dma_wait3A_277 = arith.constant 0 : i32
        %dma_wait3A_278 = arith.constant 0 : i32
        %dma_wait3A_279 = tpu.memref_slice %arg9[%dma_wait3A, %dma_wait3A_277, %dma_wait3A_278] : memref<4x80x128xf32, #tpu.memory_space<vmem>> -> memref<1x80x128xf32, #tpu.memory_space<vmem>>
        %dma_wait3A_280 = tpu.memref_squeeze %dma_wait3A_279 : memref<1x80x128xf32, #tpu.memory_space<vmem>> -> memref<80x128xf32, #tpu.memory_space<vmem>>
        %dma_wait3A_281 = arith.constant 0 : i32
        %dma_wait3A_282 = arith.constant 0 : i32
        %dma_wait3A_283 = tpu.memref_slice %arg2[%dma_wait3A_281, %dma_wait3A_282] : memref<20000x128xf32, #tpu.memory_space<hbm>> -> memref<80x128xf32, #tpu.memory_space<hbm>>
        %dma_wait3A_284 = tpu.memref_slice %arg12[%dma_wait3A_276] : memref<4x!tpu.dma_semaphore, #tpu.memory_space<semaphore_mem>> -> memref<1x!tpu.dma_semaphore, #tpu.memory_space<semaphore_mem>>
        %dma_wait3A_285 = tpu.memref_squeeze %dma_wait3A_284 : memref<1x!tpu.dma_semaphore, #tpu.memory_space<semaphore_mem>> -> memref<!tpu.dma_semaphore, #tpu.memory_space<semaphore_mem>>
        %dma_wait3A_286 = arith.constant 0 : i32
        %dma_wait3A_287 = arith.constant 0 : i32
        %dma_wait3A_288 = tpu.memref_slice %arg9[%dma_wait3A, %dma_wait3A_286, %dma_wait3A_287] : memref<4x80x128xf32, #tpu.memory_space<vmem>> -> memref<1x80x128xf32, #tpu.memory_space<vmem>>
        %dma_wait3A_289 = tpu.memref_squeeze %dma_wait3A_288 : memref<1x80x128xf32, #tpu.memory_space<vmem>> -> memref<80x128xf32, #tpu.memory_space<vmem>>
        %dma_wait3A_290 = arith.constant 0 : i32
        %dma_wait3A_291 = arith.constant 0 : i32
        %dma_wait3A_292 = tpu.memref_slice %arg2[%dma_wait3A_290, %dma_wait3A_291] : memref<20000x128xf32, #tpu.memory_space<hbm>> -> memref<80x128xf32, #tpu.memory_space<hbm>>
        tpu.wait_dma2 semaphore(%dma_wait3A_285 : memref<!tpu.dma_semaphore, #tpu.memory_space<semaphore_mem>>) src(%dma_wait3A_292 : memref<80x128xf32, #tpu.memory_space<hbm>>) dst(%dma_wait3A_289 : memref<80x128xf32, #tpu.memory_space<vmem>>)
      } else {
      }
      %add3A_226 = arith.constant 2 : i32
      %add3A_227 = arith.addi %add3A_212, %add3A_226 : i32
      %lt3A_228 = arith.cmpi slt, %add3A_227, %mul3A_110 : i32
      %convert_element_type3A_229 = arith.extui %lt3A_228 : i1 to i32
      %cond3A_230 = arith.constant 0 : i32
      %cond3A_231 = arith.cmpi ne, %convert_element_type3A_229, %cond3A_230 : i32
      scf.if %cond3A_231 {
        %add3A_274 = arith.constant 2 : i32
        %add3A_275 = arith.addi %add3A_212, %add3A_274 : i32
        %mul3A_276 = arith.constant 80 : i32
        %mul3A_277 = arith.muli %add3A_275, %mul3A_276 : i32
        %dma_start3A = arith.constant 3 : i32
        %dma_start3A_278 = arith.constant 3 : i32
        %dma_start3A_279 = arith.constant 0 : i32
        %dma_start3A_280 = arith.constant 0 : i32
        %dma_start3A_281 = tpu.memref_slice %arg9[%dma_start3A, %dma_start3A_279, %dma_start3A_280] : memref<4x80x128xf32, #tpu.memory_space<vmem>> -> memref<1x80x128xf32, #tpu.memory_space<vmem>>
        %dma_start3A_282 = tpu.memref_squeeze %dma_start3A_281 : memref<1x80x128xf32, #tpu.memory_space<vmem>> -> memref<80x128xf32, #tpu.memory_space<vmem>>
        %dma_start3A_283 = tpu.memref_slice %arg7[%mul3A_277] : memref<20160xi32, #tpu.memory_space<vmem>> -> memref<80xi32, #tpu.memory_space<vmem>>
        %dma_start3A_284 = arith.constant 10000 : i32
        %dma_start3A_285 = arith.constant 0 : i32
        %dma_start3A_286 = tpu.memref_slice %arg2[%dma_start3A_284, %dma_start3A_285] : memref<20000x128xf32, #tpu.memory_space<hbm>> -> memref<10000x128xf32, #tpu.memory_space<hbm>>
        %dma_start3A_287 = arith.constant 0 : i32
        %dma_start3A_288 = arith.constant 0 : i32
        %dma_start3A_289 = tpu.memref_slice %dma_start3A_286[%dma_start3A_287, %dma_start3A_288] : memref<10000x128xf32, #tpu.memory_space<hbm>> -> memref<10000x128xf32, #tpu.memory_space<hbm>>
        %dma_start3A_290 = tpu.memref_slice %arg11[%dma_start3A_278] : memref<4x!tpu.dma_semaphore, #tpu.memory_space<semaphore_mem>> -> memref<1x!tpu.dma_semaphore, #tpu.memory_space<semaphore_mem>>
        %dma_start3A_291 = tpu.memref_squeeze %dma_start3A_290 : memref<1x!tpu.dma_semaphore, #tpu.memory_space<semaphore_mem>> -> memref<!tpu.dma_semaphore, #tpu.memory_space<semaphore_mem>>
        tpu.enqueue_indirect_dma source(%dma_start3A_289 : memref<10000x128xf32, #tpu.memory_space<hbm>>) target(%dma_start3A_282 : memref<80x128xf32, #tpu.memory_space<vmem>>) offsets(%dma_start3A_283 : memref<80xi32, #tpu.memory_space<vmem>>) semaphore(%dma_start3A_291 : memref<!tpu.dma_semaphore, #tpu.memory_space<semaphore_mem>>)
      } else {
      }
      %add3A_232 = arith.constant 2 : i32
      %add3A_233 = arith.addi %add3A_190, %add3A_232 : i32
      %lt3A_234 = arith.cmpi slt, %add3A_233, %mul3A_110 : i32
      %convert_element_type3A_235 = arith.extui %lt3A_234 : i1 to i32
      %cond3A_236 = arith.constant 0 : i32
      %cond3A_237 = arith.cmpi ne, %convert_element_type3A_235, %cond3A_236 : i32
      scf.if %cond3A_237 {
        %mul3A_274 = arith.constant 80 : i32
        %mul3A_275 = arith.muli %add3A_233, %mul3A_274 : i32
        %dma_wait3A = arith.constant 2 : i32
        %dma_wait3A_276 = arith.constant 2 : i32
        %dma_wait3A_277 = arith.constant 0 : i32
        %dma_wait3A_278 = arith.constant 0 : i32
        %dma_wait3A_279 = tpu.memref_slice %arg9[%dma_wait3A, %dma_wait3A_277, %dma_wait3A_278] : memref<4x80x128xf32, #tpu.memory_space<vmem>> -> memref<1x80x128xf32, #tpu.memory_space<vmem>>
        %dma_wait3A_280 = tpu.memref_squeeze %dma_wait3A_279 : memref<1x80x128xf32, #tpu.memory_space<vmem>> -> memref<80x128xf32, #tpu.memory_space<vmem>>
        %dma_wait3A_281 = tpu.memref_slice %arg7[%mul3A_275] : memref<20160xi32, #tpu.memory_space<vmem>> -> memref<80xi32, #tpu.memory_space<vmem>>
        %dma_wait3A_282 = arith.constant 10000 : i32
        %dma_wait3A_283 = arith.constant 0 : i32
        %dma_wait3A_284 = tpu.memref_slice %arg2[%dma_wait3A_282, %dma_wait3A_283] : memref<20000x128xf32, #tpu.memory_space<hbm>> -> memref<10000x128xf32, #tpu.memory_space<hbm>>
        %dma_wait3A_285 = arith.constant 0 : i32
        %dma_wait3A_286 = arith.constant 0 : i32
        %dma_wait3A_287 = tpu.memref_slice %dma_wait3A_284[%dma_wait3A_285, %dma_wait3A_286] : memref<10000x128xf32, #tpu.memory_space<hbm>> -> memref<10000x128xf32, #tpu.memory_space<hbm>>
        %dma_wait3A_288 = tpu.memref_slice %arg11[%dma_wait3A_276] : memref<4x!tpu.dma_semaphore, #tpu.memory_space<semaphore_mem>> -> memref<1x!tpu.dma_semaphore, #tpu.memory_space<semaphore_mem>>
        %dma_wait3A_289 = tpu.memref_squeeze %dma_wait3A_288 : memref<1x!tpu.dma_semaphore, #tpu.memory_space<semaphore_mem>> -> memref<!tpu.dma_semaphore, #tpu.memory_space<semaphore_mem>>
        tpu.wait_indirect_dma semaphore(%dma_wait3A_289 : memref<!tpu.dma_semaphore, #tpu.memory_space<semaphore_mem>>) src(%dma_wait3A_287 : memref<10000x128xf32, #tpu.memory_space<hbm>>) dst(%dma_wait3A_280 : memref<80x128xf32, #tpu.memory_space<vmem>>)
        %mul3A_290 = arith.constant 80 : i32
        %mul3A_291 = arith.muli %add3A_233, %mul3A_290 : i32
        %add3A_292 = arith.constant 0 : i32
        %add3A_293 = arith.addi %mul3A_291, %add3A_292 : i32
        %get3A = arith.index_cast %add3A_293 : i32 to index
        %get3A_294 = tpu.vector_load %arg8[%get3A] {strides = array<i32>} : memref<20160xi32, #tpu.memory_space<vmem>>, vector<16xi32>,
        %dma_start3A = arith.constant 2 : i32
        %dma_start3A_295 = arith.constant 2 : i32
        %dma_start3A_296 = arith.constant 0 : i32
        %dma_start3A_297 = arith.constant 0 : i32
        %dma_start3A_298 = tpu.memref_slice %arg9[%dma_start3A, %dma_start3A_296, %dma_start3A_297] : memref<4x80x128xf32, #tpu.memory_space<vmem>> -> memref<1x80x128xf32, #tpu.memory_space<vmem>>
        %dma_start3A_299 = tpu.memref_squeeze %dma_start3A_298 : memref<1x80x128xf32, #tpu.memory_space<vmem>> -> memref<80x128xf32, #tpu.memory_space<vmem>>
        %dma_start3A_300 = arith.constant 0 : i32
        %dma_start3A_301 = arith.constant 0 : i32
        %dma_start3A_302 = tpu.memref_slice %dma_start3A_299[%dma_start3A_300, %dma_start3A_301] : memref<80x128xf32, #tpu.memory_space<vmem>> -> memref<16x128xf32, #tpu.memory_space<vmem>>
        %dma_start3A_303 = arith.constant 0 : i32
        %dma_start3A_304 = arith.constant 0 : i32
        %dma_start3A_305 = tpu.memref_slice %arg10[%dma_start3A_303, %dma_start3A_304] : memref<5008x128xf32, #tpu.memory_space<vmem_shared>> -> memref<5008x128xf32, #tpu.memory_space<vmem_shared>>
        %dma_start3A_306 = tpu.memref_slice %arg12[%dma_start3A_295] : memref<4x!tpu.dma_semaphore, #tpu.memory_space<semaphore_mem>> -> memref<1x!tpu.dma_semaphore, #tpu.memory_space<semaphore_mem>>
        %dma_start3A_307 = tpu.memref_squeeze %dma_start3A_306 : memref<1x!tpu.dma_semaphore, #tpu.memory_space<semaphore_mem>> -> memref<!tpu.dma_semaphore, #tpu.memory_space<semaphore_mem>>
        tpu.enqueue_indirect_dma source(%dma_start3A_302 : memref<16x128xf32, #tpu.memory_space<vmem>>) target(%dma_start3A_305 : memref<5008x128xf32, #tpu.memory_space<vmem_shared>>) offsets(%get3A_294 : vector<16xi32>) semaphore(%dma_start3A_307 : memref<!tpu.dma_semaphore, #tpu.memory_space<semaphore_mem>>) {add = true}
        %mul3A_308 = arith.constant 80 : i32
        %mul3A_309 = arith.muli %add3A_233, %mul3A_308 : i32
        %add3A_310 = arith.constant 16 : i32
        %add3A_311 = arith.addi %mul3A_309, %add3A_310 : i32
        %get3A_312 = arith.index_cast %add3A_311 : i32 to index
        %get3A_313 = tpu.vector_load %arg8[%get3A_312] {strides = array<i32>} : memref<20160xi32, #tpu.memory_space<vmem>>, vector<16xi32>,
        %dma_start3A_314 = arith.constant 2 : i32
        %dma_start3A_315 = arith.constant 2 : i32
        %dma_start3A_316 = arith.constant 0 : i32
        %dma_start3A_317 = arith.constant 0 : i32
        %dma_start3A_318 = tpu.memref_slice %arg9[%dma_start3A_314, %dma_start3A_316, %dma_start3A_317] : memref<4x80x128xf32, #tpu.memory_space<vmem>> -> memref<1x80x128xf32, #tpu.memory_space<vmem>>
        %dma_start3A_319 = tpu.memref_squeeze %dma_start3A_318 : memref<1x80x128xf32, #tpu.memory_space<vmem>> -> memref<80x128xf32, #tpu.memory_space<vmem>>
        %dma_start3A_320 = arith.constant 16 : i32
        %dma_start3A_321 = arith.constant 0 : i32
        %dma_start3A_322 = tpu.memref_slice %dma_start3A_319[%dma_start3A_320, %dma_start3A_321] : memref<80x128xf32, #tpu.memory_space<vmem>> -> memref<16x128xf32, #tpu.memory_space<vmem>>
        %dma_start3A_323 = arith.constant 0 : i32
        %dma_start3A_324 = arith.constant 0 : i32
        %dma_start3A_325 = tpu.memref_slice %arg10[%dma_start3A_323, %dma_start3A_324] : memref<5008x128xf32, #tpu.memory_space<vmem_shared>> -> memref<5008x128xf32, #tpu.memory_space<vmem_shared>>
        %dma_start3A_326 = tpu.memref_slice %arg12[%dma_start3A_315] : memref<4x!tpu.dma_semaphore, #tpu.memory_space<semaphore_mem>> -> memref<1x!tpu.dma_semaphore, #tpu.memory_space<semaphore_mem>>
        %dma_start3A_327 = tpu.memref_squeeze %dma_start3A_326 : memref<1x!tpu.dma_semaphore, #tpu.memory_space<semaphore_mem>> -> memref<!tpu.dma_semaphore, #tpu.memory_space<semaphore_mem>>
        tpu.enqueue_indirect_dma source(%dma_start3A_322 : memref<16x128xf32, #tpu.memory_space<vmem>>) target(%dma_start3A_325 : memref<5008x128xf32, #tpu.memory_space<vmem_shared>>) offsets(%get3A_313 : vector<16xi32>) semaphore(%dma_start3A_327 : memref<!tpu.dma_semaphore, #tpu.memory_space<semaphore_mem>>) {add = true}
        %mul3A_328 = arith.constant 80 : i32
        %mul3A_329 = arith.muli %add3A_233, %mul3A_328 : i32
        %add3A_330 = arith.constant 32 : i32
        %add3A_331 = arith.addi %mul3A_329, %add3A_330 : i32
        %get3A_332 = arith.index_cast %add3A_331 : i32 to index
        %get3A_333 = tpu.vector_load %arg8[%get3A_332] {strides = array<i32>} : memref<20160xi32, #tpu.memory_space<vmem>>, vector<16xi32>,
        %dma_start3A_334 = arith.constant 2 : i32
        %dma_start3A_335 = arith.constant 2 : i32
        %dma_start3A_336 = arith.constant 0 : i32
        %dma_start3A_337 = arith.constant 0 : i32
        %dma_start3A_338 = tpu.memref_slice %arg9[%dma_start3A_334, %dma_start3A_336, %dma_start3A_337] : memref<4x80x128xf32, #tpu.memory_space<vmem>> -> memref<1x80x128xf32, #tpu.memory_space<vmem>>
        %dma_start3A_339 = tpu.memref_squeeze %dma_start3A_338 : memref<1x80x128xf32, #tpu.memory_space<vmem>> -> memref<80x128xf32, #tpu.memory_space<vmem>>
        %dma_start3A_340 = arith.constant 32 : i32
        %dma_start3A_341 = arith.constant 0 : i32
        %dma_start3A_342 = tpu.memref_slice %dma_start3A_339[%dma_start3A_340, %dma_start3A_341] : memref<80x128xf32, #tpu.memory_space<vmem>> -> memref<16x128xf32, #tpu.memory_space<vmem>>
        %dma_start3A_343 = arith.constant 0 : i32
        %dma_start3A_344 = arith.constant 0 : i32
        %dma_start3A_345 = tpu.memref_slice %arg10[%dma_start3A_343, %dma_start3A_344] : memref<5008x128xf32, #tpu.memory_space<vmem_shared>> -> memref<5008x128xf32, #tpu.memory_space<vmem_shared>>
        %dma_start3A_346 = tpu.memref_slice %arg12[%dma_start3A_335] : memref<4x!tpu.dma_semaphore, #tpu.memory_space<semaphore_mem>> -> memref<1x!tpu.dma_semaphore, #tpu.memory_space<semaphore_mem>>
        %dma_start3A_347 = tpu.memref_squeeze %dma_start3A_346 : memref<1x!tpu.dma_semaphore, #tpu.memory_space<semaphore_mem>> -> memref<!tpu.dma_semaphore, #tpu.memory_space<semaphore_mem>>
        tpu.enqueue_indirect_dma source(%dma_start3A_342 : memref<16x128xf32, #tpu.memory_space<vmem>>) target(%dma_start3A_345 : memref<5008x128xf32, #tpu.memory_space<vmem_shared>>) offsets(%get3A_333 : vector<16xi32>) semaphore(%dma_start3A_347 : memref<!tpu.dma_semaphore, #tpu.memory_space<semaphore_mem>>) {add = true}
        %mul3A_348 = arith.constant 80 : i32
        %mul3A_349 = arith.muli %add3A_233, %mul3A_348 : i32
        %add3A_350 = arith.constant 48 : i32
        %add3A_351 = arith.addi %mul3A_349, %add3A_350 : i32
        %get3A_352 = arith.index_cast %add3A_351 : i32 to index
        %get3A_353 = tpu.vector_load %arg8[%get3A_352] {strides = array<i32>} : memref<20160xi32, #tpu.memory_space<vmem>>, vector<16xi32>,
        %dma_start3A_354 = arith.constant 2 : i32
        %dma_start3A_355 = arith.constant 2 : i32
        %dma_start3A_356 = arith.constant 0 : i32
        %dma_start3A_357 = arith.constant 0 : i32
        %dma_start3A_358 = tpu.memref_slice %arg9[%dma_start3A_354, %dma_start3A_356, %dma_start3A_357] : memref<4x80x128xf32, #tpu.memory_space<vmem>> -> memref<1x80x128xf32, #tpu.memory_space<vmem>>
        %dma_start3A_359 = tpu.memref_squeeze %dma_start3A_358 : memref<1x80x128xf32, #tpu.memory_space<vmem>> -> memref<80x128xf32, #tpu.memory_space<vmem>>
        %dma_start3A_360 = arith.constant 48 : i32
        %dma_start3A_361 = arith.constant 0 : i32
        %dma_start3A_362 = tpu.memref_slice %dma_start3A_359[%dma_start3A_360, %dma_start3A_361] : memref<80x128xf32, #tpu.memory_space<vmem>> -> memref<16x128xf32, #tpu.memory_space<vmem>>
        %dma_start3A_363 = arith.constant 0 : i32
        %dma_start3A_364 = arith.constant 0 : i32
        %dma_start3A_365 = tpu.memref_slice %arg10[%dma_start3A_363, %dma_start3A_364] : memref<5008x128xf32, #tpu.memory_space<vmem_shared>> -> memref<5008x128xf32, #tpu.memory_space<vmem_shared>>
        %dma_start3A_366 = tpu.memref_slice %arg12[%dma_start3A_355] : memref<4x!tpu.dma_semaphore, #tpu.memory_space<semaphore_mem>> -> memref<1x!tpu.dma_semaphore, #tpu.memory_space<semaphore_mem>>
        %dma_start3A_367 = tpu.memref_squeeze %dma_start3A_366 : memref<1x!tpu.dma_semaphore, #tpu.memory_space<semaphore_mem>> -> memref<!tpu.dma_semaphore, #tpu.memory_space<semaphore_mem>>
        tpu.enqueue_indirect_dma source(%dma_start3A_362 : memref<16x128xf32, #tpu.memory_space<vmem>>) target(%dma_start3A_365 : memref<5008x128xf32, #tpu.memory_space<vmem_shared>>) offsets(%get3A_353 : vector<16xi32>) semaphore(%dma_start3A_367 : memref<!tpu.dma_semaphore, #tpu.memory_space<semaphore_mem>>) {add = true}
        %mul3A_368 = arith.constant 80 : i32
        %mul3A_369 = arith.muli %add3A_233, %mul3A_368 : i32
        %add3A_370 = arith.constant 64 : i32
        %add3A_371 = arith.addi %mul3A_369, %add3A_370 : i32
        %get3A_372 = arith.index_cast %add3A_371 : i32 to index
        %get3A_373 = tpu.vector_load %arg8[%get3A_372] {strides = array<i32>} : memref<20160xi32, #tpu.memory_space<vmem>>, vector<16xi32>,
        %dma_start3A_374 = arith.constant 2 : i32
        %dma_start3A_375 = arith.constant 2 : i32
        %dma_start3A_376 = arith.constant 0 : i32
        %dma_start3A_377 = arith.constant 0 : i32
        %dma_start3A_378 = tpu.memref_slice %arg9[%dma_start3A_374, %dma_start3A_376, %dma_start3A_377] : memref<4x80x128xf32, #tpu.memory_space<vmem>> -> memref<1x80x128xf32, #tpu.memory_space<vmem>>
        %dma_start3A_379 = tpu.memref_squeeze %dma_start3A_378 : memref<1x80x128xf32, #tpu.memory_space<vmem>> -> memref<80x128xf32, #tpu.memory_space<vmem>>
        %dma_start3A_380 = arith.constant 64 : i32
        %dma_start3A_381 = arith.constant 0 : i32
        %dma_start3A_382 = tpu.memref_slice %dma_start3A_379[%dma_start3A_380, %dma_start3A_381] : memref<80x128xf32, #tpu.memory_space<vmem>> -> memref<16x128xf32, #tpu.memory_space<vmem>>
        %dma_start3A_383 = arith.constant 0 : i32
        %dma_start3A_384 = arith.constant 0 : i32
        %dma_start3A_385 = tpu.memref_slice %arg10[%dma_start3A_383, %dma_start3A_384] : memref<5008x128xf32, #tpu.memory_space<vmem_shared>> -> memref<5008x128xf32, #tpu.memory_space<vmem_shared>>
        %dma_start3A_386 = tpu.memref_slice %arg12[%dma_start3A_375] : memref<4x!tpu.dma_semaphore, #tpu.memory_space<semaphore_mem>> -> memref<1x!tpu.dma_semaphore, #tpu.memory_space<semaphore_mem>>
        %dma_start3A_387 = tpu.memref_squeeze %dma_start3A_386 : memref<1x!tpu.dma_semaphore, #tpu.memory_space<semaphore_mem>> -> memref<!tpu.dma_semaphore, #tpu.memory_space<semaphore_mem>>
        tpu.enqueue_indirect_dma source(%dma_start3A_382 : memref<16x128xf32, #tpu.memory_space<vmem>>) target(%dma_start3A_385 : memref<5008x128xf32, #tpu.memory_space<vmem_shared>>) offsets(%get3A_373 : vector<16xi32>) semaphore(%dma_start3A_387 : memref<!tpu.dma_semaphore, #tpu.memory_space<semaphore_mem>>) {add = true}
      } else {
      }
      %ge3A_238 = arith.constant 2 : i32
      %ge3A_239 = arith.cmpi sge, %add3A_233, %ge3A_238 : i32
      %sub3A_240 = arith.constant 2 : i32
      %sub3A_241 = arith.subi %add3A_233, %sub3A_240 : i32
      %lt3A_242 = arith.cmpi slt, %sub3A_241, %mul3A_110 : i32
      %and3A_243 = arith.andi %ge3A_239, %lt3A_242 : i1
      %convert_element_type3A_244 = arith.extui %and3A_243 : i1 to i32
      %cond3A_245 = arith.constant 0 : i32
      %cond3A_246 = arith.cmpi ne, %convert_element_type3A_244, %cond3A_245 : i32
      scf.if %cond3A_246 {
        %sub3A_274 = arith.constant 2 : i32
        %sub3A_275 = arith.subi %add3A_233, %sub3A_274 : i32
        %dma_wait3A = arith.constant 0 : i32
        %dma_wait3A_276 = arith.constant 0 : i32
        %dma_wait3A_277 = arith.constant 0 : i32
        %dma_wait3A_278 = arith.constant 0 : i32
        %dma_wait3A_279 = tpu.memref_slice %arg9[%dma_wait3A, %dma_wait3A_277, %dma_wait3A_278] : memref<4x80x128xf32, #tpu.memory_space<vmem>> -> memref<1x80x128xf32, #tpu.memory_space<vmem>>
        %dma_wait3A_280 = tpu.memref_squeeze %dma_wait3A_279 : memref<1x80x128xf32, #tpu.memory_space<vmem>> -> memref<80x128xf32, #tpu.memory_space<vmem>>
        %dma_wait3A_281 = arith.constant 0 : i32
        %dma_wait3A_282 = arith.constant 0 : i32
        %dma_wait3A_283 = tpu.memref_slice %arg2[%dma_wait3A_281, %dma_wait3A_282] : memref<20000x128xf32, #tpu.memory_space<hbm>> -> memref<80x128xf32, #tpu.memory_space<hbm>>
        %dma_wait3A_284 = tpu.memref_slice %arg12[%dma_wait3A_276] : memref<4x!tpu.dma_semaphore, #tpu.memory_space<semaphore_mem>> -> memref<1x!tpu.dma_semaphore, #tpu.memory_space<semaphore_mem>>
        %dma_wait3A_285 = tpu.memref_squeeze %dma_wait3A_284 : memref<1x!tpu.dma_semaphore, #tpu.memory_space<semaphore_mem>> -> memref<!tpu.dma_semaphore, #tpu.memory_space<semaphore_mem>>
        %dma_wait3A_286 = arith.constant 0 : i32
        %dma_wait3A_287 = arith.constant 0 : i32
        %dma_wait3A_288 = tpu.memref_slice %arg9[%dma_wait3A, %dma_wait3A_286, %dma_wait3A_287] : memref<4x80x128xf32, #tpu.memory_space<vmem>> -> memref<1x80x128xf32, #tpu.memory_space<vmem>>
        %dma_wait3A_289 = tpu.memref_squeeze %dma_wait3A_288 : memref<1x80x128xf32, #tpu.memory_space<vmem>> -> memref<80x128xf32, #tpu.memory_space<vmem>>
        %dma_wait3A_290 = arith.constant 0 : i32
        %dma_wait3A_291 = arith.constant 0 : i32
        %dma_wait3A_292 = tpu.memref_slice %arg2[%dma_wait3A_290, %dma_wait3A_291] : memref<20000x128xf32, #tpu.memory_space<hbm>> -> memref<80x128xf32, #tpu.memory_space<hbm>>
        tpu.wait_dma2 semaphore(%dma_wait3A_285 : memref<!tpu.dma_semaphore, #tpu.memory_space<semaphore_mem>>) src(%dma_wait3A_292 : memref<80x128xf32, #tpu.memory_space<hbm>>) dst(%dma_wait3A_289 : memref<80x128xf32, #tpu.memory_space<vmem>>)
      } else {
      }
      %add3A_247 = arith.constant 2 : i32
      %add3A_248 = arith.addi %add3A_233, %add3A_247 : i32
      %lt3A_249 = arith.cmpi slt, %add3A_248, %mul3A_110 : i32
      %convert_element_type3A_250 = arith.extui %lt3A_249 : i1 to i32
      %cond3A_251 = arith.constant 0 : i32
      %cond3A_252 = arith.cmpi ne, %convert_element_type3A_250, %cond3A_251 : i32
      scf.if %cond3A_252 {
        %add3A_274 = arith.constant 2 : i32
        %add3A_275 = arith.addi %add3A_233, %add3A_274 : i32
        %mul3A_276 = arith.constant 80 : i32
        %mul3A_277 = arith.muli %add3A_275, %mul3A_276 : i32
        %dma_start3A = arith.constant 0 : i32
        %dma_start3A_278 = arith.constant 0 : i32
        %dma_start3A_279 = arith.constant 0 : i32
        %dma_start3A_280 = arith.constant 0 : i32
        %dma_start3A_281 = tpu.memref_slice %arg9[%dma_start3A, %dma_start3A_279, %dma_start3A_280] : memref<4x80x128xf32, #tpu.memory_space<vmem>> -> memref<1x80x128xf32, #tpu.memory_space<vmem>>
        %dma_start3A_282 = tpu.memref_squeeze %dma_start3A_281 : memref<1x80x128xf32, #tpu.memory_space<vmem>> -> memref<80x128xf32, #tpu.memory_space<vmem>>
        %dma_start3A_283 = tpu.memref_slice %arg7[%mul3A_277] : memref<20160xi32, #tpu.memory_space<vmem>> -> memref<80xi32, #tpu.memory_space<vmem>>
        %dma_start3A_284 = arith.constant 10000 : i32
        %dma_start3A_285 = arith.constant 0 : i32
        %dma_start3A_286 = tpu.memref_slice %arg2[%dma_start3A_284, %dma_start3A_285] : memref<20000x128xf32, #tpu.memory_space<hbm>> -> memref<10000x128xf32, #tpu.memory_space<hbm>>
        %dma_start3A_287 = arith.constant 0 : i32
        %dma_start3A_288 = arith.constant 0 : i32
        %dma_start3A_289 = tpu.memref_slice %dma_start3A_286[%dma_start3A_287, %dma_start3A_288] : memref<10000x128xf32, #tpu.memory_space<hbm>> -> memref<10000x128xf32, #tpu.memory_space<hbm>>
        %dma_start3A_290 = tpu.memref_slice %arg11[%dma_start3A_278] : memref<4x!tpu.dma_semaphore, #tpu.memory_space<semaphore_mem>> -> memref<1x!tpu.dma_semaphore, #tpu.memory_space<semaphore_mem>>
        %dma_start3A_291 = tpu.memref_squeeze %dma_start3A_290 : memref<1x!tpu.dma_semaphore, #tpu.memory_space<semaphore_mem>> -> memref<!tpu.dma_semaphore, #tpu.memory_space<semaphore_mem>>
        tpu.enqueue_indirect_dma source(%dma_start3A_289 : memref<10000x128xf32, #tpu.memory_space<hbm>>) target(%dma_start3A_282 : memref<80x128xf32, #tpu.memory_space<vmem>>) offsets(%dma_start3A_283 : memref<80xi32, #tpu.memory_space<vmem>>) semaphore(%dma_start3A_291 : memref<!tpu.dma_semaphore, #tpu.memory_space<semaphore_mem>>)
      } else {
      }
      %add3A_253 = arith.constant 3 : i32
      %add3A_254 = arith.addi %add3A_190, %add3A_253 : i32
      %lt3A_255 = arith.cmpi slt, %add3A_254, %mul3A_110 : i32
      %convert_element_type3A_256 = arith.extui %lt3A_255 : i1 to i32
      %cond3A_257 = arith.constant 0 : i32
      %cond3A_258 = arith.cmpi ne, %convert_element_type3A_256, %cond3A_257 : i32
      scf.if %cond3A_258 {
        %mul3A_274 = arith.constant 80 : i32
        %mul3A_275 = arith.muli %add3A_254, %mul3A_274 : i32
        %dma_wait3A = arith.constant 3 : i32
        %dma_wait3A_276 = arith.constant 3 : i32
        %dma_wait3A_277 = arith.constant 0 : i32
        %dma_wait3A_278 = arith.constant 0 : i32
        %dma_wait3A_279 = tpu.memref_slice %arg9[%dma_wait3A, %dma_wait3A_277, %dma_wait3A_278] : memref<4x80x128xf32, #tpu.memory_space<vmem>> -> memref<1x80x128xf32, #tpu.memory_space<vmem>>
        %dma_wait3A_280 = tpu.memref_squeeze %dma_wait3A_279 : memref<1x80x128xf32, #tpu.memory_space<vmem>> -> memref<80x128xf32, #tpu.memory_space<vmem>>
        %dma_wait3A_281 = tpu.memref_slice %arg7[%mul3A_275] : memref<20160xi32, #tpu.memory_space<vmem>> -> memref<80xi32, #tpu.memory_space<vmem>>
        %dma_wait3A_282 = arith.constant 10000 : i32
        %dma_wait3A_283 = arith.constant 0 : i32
        %dma_wait3A_284 = tpu.memref_slice %arg2[%dma_wait3A_282, %dma_wait3A_283] : memref<20000x128xf32, #tpu.memory_space<hbm>> -> memref<10000x128xf32, #tpu.memory_space<hbm>>
        %dma_wait3A_285 = arith.constant 0 : i32
        %dma_wait3A_286 = arith.constant 0 : i32
        %dma_wait3A_287 = tpu.memref_slice %dma_wait3A_284[%dma_wait3A_285, %dma_wait3A_286] : memref<10000x128xf32, #tpu.memory_space<hbm>> -> memref<10000x128xf32, #tpu.memory_space<hbm>>
        %dma_wait3A_288 = tpu.memref_slice %arg11[%dma_wait3A_276] : memref<4x!tpu.dma_semaphore, #tpu.memory_space<semaphore_mem>> -> memref<1x!tpu.dma_semaphore, #tpu.memory_space<semaphore_mem>>
        %dma_wait3A_289 = tpu.memref_squeeze %dma_wait3A_288 : memref<1x!tpu.dma_semaphore, #tpu.memory_space<semaphore_mem>> -> memref<!tpu.dma_semaphore, #tpu.memory_space<semaphore_mem>>
        tpu.wait_indirect_dma semaphore(%dma_wait3A_289 : memref<!tpu.dma_semaphore, #tpu.memory_space<semaphore_mem>>) src(%dma_wait3A_287 : memref<10000x128xf32, #tpu.memory_space<hbm>>) dst(%dma_wait3A_280 : memref<80x128xf32, #tpu.memory_space<vmem>>)
        %mul3A_290 = arith.constant 80 : i32
        %mul3A_291 = arith.muli %add3A_254, %mul3A_290 : i32
        %add3A_292 = arith.constant 0 : i32
        %add3A_293 = arith.addi %mul3A_291, %add3A_292 : i32
        %get3A = arith.index_cast %add3A_293 : i32 to index
        %get3A_294 = tpu.vector_load %arg8[%get3A] {strides = array<i32>} : memref<20160xi32, #tpu.memory_space<vmem>>, vector<16xi32>,
        %dma_start3A = arith.constant 3 : i32
        %dma_start3A_295 = arith.constant 3 : i32
        %dma_start3A_296 = arith.constant 0 : i32
        %dma_start3A_297 = arith.constant 0 : i32
        %dma_start3A_298 = tpu.memref_slice %arg9[%dma_start3A, %dma_start3A_296, %dma_start3A_297] : memref<4x80x128xf32, #tpu.memory_space<vmem>> -> memref<1x80x128xf32, #tpu.memory_space<vmem>>
        %dma_start3A_299 = tpu.memref_squeeze %dma_start3A_298 : memref<1x80x128xf32, #tpu.memory_space<vmem>> -> memref<80x128xf32, #tpu.memory_space<vmem>>
        %dma_start3A_300 = arith.constant 0 : i32
        %dma_start3A_301 = arith.constant 0 : i32
        %dma_start3A_302 = tpu.memref_slice %dma_start3A_299[%dma_start3A_300, %dma_start3A_301] : memref<80x128xf32, #tpu.memory_space<vmem>> -> memref<16x128xf32, #tpu.memory_space<vmem>>
        %dma_start3A_303 = arith.constant 0 : i32
        %dma_start3A_304 = arith.constant 0 : i32
        %dma_start3A_305 = tpu.memref_slice %arg10[%dma_start3A_303, %dma_start3A_304] : memref<5008x128xf32, #tpu.memory_space<vmem_shared>> -> memref<5008x128xf32, #tpu.memory_space<vmem_shared>>
        %dma_start3A_306 = tpu.memref_slice %arg12[%dma_start3A_295] : memref<4x!tpu.dma_semaphore, #tpu.memory_space<semaphore_mem>> -> memref<1x!tpu.dma_semaphore, #tpu.memory_space<semaphore_mem>>
        %dma_start3A_307 = tpu.memref_squeeze %dma_start3A_306 : memref<1x!tpu.dma_semaphore, #tpu.memory_space<semaphore_mem>> -> memref<!tpu.dma_semaphore, #tpu.memory_space<semaphore_mem>>
        tpu.enqueue_indirect_dma source(%dma_start3A_302 : memref<16x128xf32, #tpu.memory_space<vmem>>) target(%dma_start3A_305 : memref<5008x128xf32, #tpu.memory_space<vmem_shared>>) offsets(%get3A_294 : vector<16xi32>) semaphore(%dma_start3A_307 : memref<!tpu.dma_semaphore, #tpu.memory_space<semaphore_mem>>) {add = true}
        %mul3A_308 = arith.constant 80 : i32
        %mul3A_309 = arith.muli %add3A_254, %mul3A_308 : i32
        %add3A_310 = arith.constant 16 : i32
        %add3A_311 = arith.addi %mul3A_309, %add3A_310 : i32
        %get3A_312 = arith.index_cast %add3A_311 : i32 to index
        %get3A_313 = tpu.vector_load %arg8[%get3A_312] {strides = array<i32>} : memref<20160xi32, #tpu.memory_space<vmem>>, vector<16xi32>,
        %dma_start3A_314 = arith.constant 3 : i32
        %dma_start3A_315 = arith.constant 3 : i32
        %dma_start3A_316 = arith.constant 0 : i32
        %dma_start3A_317 = arith.constant 0 : i32
        %dma_start3A_318 = tpu.memref_slice %arg9[%dma_start3A_314, %dma_start3A_316, %dma_start3A_317] : memref<4x80x128xf32, #tpu.memory_space<vmem>> -> memref<1x80x128xf32, #tpu.memory_space<vmem>>
        %dma_start3A_319 = tpu.memref_squeeze %dma_start3A_318 : memref<1x80x128xf32, #tpu.memory_space<vmem>> -> memref<80x128xf32, #tpu.memory_space<vmem>>
        %dma_start3A_320 = arith.constant 16 : i32
        %dma_start3A_321 = arith.constant 0 : i32
        %dma_start3A_322 = tpu.memref_slice %dma_start3A_319[%dma_start3A_320, %dma_start3A_321] : memref<80x128xf32, #tpu.memory_space<vmem>> -> memref<16x128xf32, #tpu.memory_space<vmem>>
        %dma_start3A_323 = arith.constant 0 : i32
        %dma_start3A_324 = arith.constant 0 : i32
        %dma_start3A_325 = tpu.memref_slice %arg10[%dma_start3A_323, %dma_start3A_324] : memref<5008x128xf32, #tpu.memory_space<vmem_shared>> -> memref<5008x128xf32, #tpu.memory_space<vmem_shared>>
        %dma_start3A_326 = tpu.memref_slice %arg12[%dma_start3A_315] : memref<4x!tpu.dma_semaphore, #tpu.memory_space<semaphore_mem>> -> memref<1x!tpu.dma_semaphore, #tpu.memory_space<semaphore_mem>>
        %dma_start3A_327 = tpu.memref_squeeze %dma_start3A_326 : memref<1x!tpu.dma_semaphore, #tpu.memory_space<semaphore_mem>> -> memref<!tpu.dma_semaphore, #tpu.memory_space<semaphore_mem>>
        tpu.enqueue_indirect_dma source(%dma_start3A_322 : memref<16x128xf32, #tpu.memory_space<vmem>>) target(%dma_start3A_325 : memref<5008x128xf32, #tpu.memory_space<vmem_shared>>) offsets(%get3A_313 : vector<16xi32>) semaphore(%dma_start3A_327 : memref<!tpu.dma_semaphore, #tpu.memory_space<semaphore_mem>>) {add = true}
        %mul3A_328 = arith.constant 80 : i32
        %mul3A_329 = arith.muli %add3A_254, %mul3A_328 : i32
        %add3A_330 = arith.constant 32 : i32
        %add3A_331 = arith.addi %mul3A_329, %add3A_330 : i32
        %get3A_332 = arith.index_cast %add3A_331 : i32 to index
        %get3A_333 = tpu.vector_load %arg8[%get3A_332] {strides = array<i32>} : memref<20160xi32, #tpu.memory_space<vmem>>, vector<16xi32>,
        %dma_start3A_334 = arith.constant 3 : i32
        %dma_start3A_335 = arith.constant 3 : i32
        %dma_start3A_336 = arith.constant 0 : i32
        %dma_start3A_337 = arith.constant 0 : i32
        %dma_start3A_338 = tpu.memref_slice %arg9[%dma_start3A_334, %dma_start3A_336, %dma_start3A_337] : memref<4x80x128xf32, #tpu.memory_space<vmem>> -> memref<1x80x128xf32, #tpu.memory_space<vmem>>
        %dma_start3A_339 = tpu.memref_squeeze %dma_start3A_338 : memref<1x80x128xf32, #tpu.memory_space<vmem>> -> memref<80x128xf32, #tpu.memory_space<vmem>>
        %dma_start3A_340 = arith.constant 32 : i32
        %dma_start3A_341 = arith.constant 0 : i32
        %dma_start3A_342 = tpu.memref_slice %dma_start3A_339[%dma_start3A_340, %dma_start3A_341] : memref<80x128xf32, #tpu.memory_space<vmem>> -> memref<16x128xf32, #tpu.memory_space<vmem>>
        %dma_start3A_343 = arith.constant 0 : i32
        %dma_start3A_344 = arith.constant 0 : i32
        %dma_start3A_345 = tpu.memref_slice %arg10[%dma_start3A_343, %dma_start3A_344] : memref<5008x128xf32, #tpu.memory_space<vmem_shared>> -> memref<5008x128xf32, #tpu.memory_space<vmem_shared>>
        %dma_start3A_346 = tpu.memref_slice %arg12[%dma_start3A_335] : memref<4x!tpu.dma_semaphore, #tpu.memory_space<semaphore_mem>> -> memref<1x!tpu.dma_semaphore, #tpu.memory_space<semaphore_mem>>
        %dma_start3A_347 = tpu.memref_squeeze %dma_start3A_346 : memref<1x!tpu.dma_semaphore, #tpu.memory_space<semaphore_mem>> -> memref<!tpu.dma_semaphore, #tpu.memory_space<semaphore_mem>>
        tpu.enqueue_indirect_dma source(%dma_start3A_342 : memref<16x128xf32, #tpu.memory_space<vmem>>) target(%dma_start3A_345 : memref<5008x128xf32, #tpu.memory_space<vmem_shared>>) offsets(%get3A_333 : vector<16xi32>) semaphore(%dma_start3A_347 : memref<!tpu.dma_semaphore, #tpu.memory_space<semaphore_mem>>) {add = true}
        %mul3A_348 = arith.constant 80 : i32
        %mul3A_349 = arith.muli %add3A_254, %mul3A_348 : i32
        %add3A_350 = arith.constant 48 : i32
        %add3A_351 = arith.addi %mul3A_349, %add3A_350 : i32
        %get3A_352 = arith.index_cast %add3A_351 : i32 to index
        %get3A_353 = tpu.vector_load %arg8[%get3A_352] {strides = array<i32>} : memref<20160xi32, #tpu.memory_space<vmem>>, vector<16xi32>,
        %dma_start3A_354 = arith.constant 3 : i32
        %dma_start3A_355 = arith.constant 3 : i32
        %dma_start3A_356 = arith.constant 0 : i32
        %dma_start3A_357 = arith.constant 0 : i32
        %dma_start3A_358 = tpu.memref_slice %arg9[%dma_start3A_354, %dma_start3A_356, %dma_start3A_357] : memref<4x80x128xf32, #tpu.memory_space<vmem>> -> memref<1x80x128xf32, #tpu.memory_space<vmem>>
        %dma_start3A_359 = tpu.memref_squeeze %dma_start3A_358 : memref<1x80x128xf32, #tpu.memory_space<vmem>> -> memref<80x128xf32, #tpu.memory_space<vmem>>
        %dma_start3A_360 = arith.constant 48 : i32
        %dma_start3A_361 = arith.constant 0 : i32
        %dma_start3A_362 = tpu.memref_slice %dma_start3A_359[%dma_start3A_360, %dma_start3A_361] : memref<80x128xf32, #tpu.memory_space<vmem>> -> memref<16x128xf32, #tpu.memory_space<vmem>>
        %dma_start3A_363 = arith.constant 0 : i32
        %dma_start3A_364 = arith.constant 0 : i32
        %dma_start3A_365 = tpu.memref_slice %arg10[%dma_start3A_363, %dma_start3A_364] : memref<5008x128xf32, #tpu.memory_space<vmem_shared>> -> memref<5008x128xf32, #tpu.memory_space<vmem_shared>>
        %dma_start3A_366 = tpu.memref_slice %arg12[%dma_start3A_355] : memref<4x!tpu.dma_semaphore, #tpu.memory_space<semaphore_mem>> -> memref<1x!tpu.dma_semaphore, #tpu.memory_space<semaphore_mem>>
        %dma_start3A_367 = tpu.memref_squeeze %dma_start3A_366 : memref<1x!tpu.dma_semaphore, #tpu.memory_space<semaphore_mem>> -> memref<!tpu.dma_semaphore, #tpu.memory_space<semaphore_mem>>
        tpu.enqueue_indirect_dma source(%dma_start3A_362 : memref<16x128xf32, #tpu.memory_space<vmem>>) target(%dma_start3A_365 : memref<5008x128xf32, #tpu.memory_space<vmem_shared>>) offsets(%get3A_353 : vector<16xi32>) semaphore(%dma_start3A_367 : memref<!tpu.dma_semaphore, #tpu.memory_space<semaphore_mem>>) {add = true}
        %mul3A_368 = arith.constant 80 : i32
        %mul3A_369 = arith.muli %add3A_254, %mul3A_368 : i32
        %add3A_370 = arith.constant 64 : i32
        %add3A_371 = arith.addi %mul3A_369, %add3A_370 : i32
        %get3A_372 = arith.index_cast %add3A_371 : i32 to index
        %get3A_373 = tpu.vector_load %arg8[%get3A_372] {strides = array<i32>} : memref<20160xi32, #tpu.memory_space<vmem>>, vector<16xi32>,
        %dma_start3A_374 = arith.constant 3 : i32
        %dma_start3A_375 = arith.constant 3 : i32
        %dma_start3A_376 = arith.constant 0 : i32
        %dma_start3A_377 = arith.constant 0 : i32
        %dma_start3A_378 = tpu.memref_slice %arg9[%dma_start3A_374, %dma_start3A_376, %dma_start3A_377] : memref<4x80x128xf32, #tpu.memory_space<vmem>> -> memref<1x80x128xf32, #tpu.memory_space<vmem>>
        %dma_start3A_379 = tpu.memref_squeeze %dma_start3A_378 : memref<1x80x128xf32, #tpu.memory_space<vmem>> -> memref<80x128xf32, #tpu.memory_space<vmem>>
        %dma_start3A_380 = arith.constant 64 : i32
        %dma_start3A_381 = arith.constant 0 : i32
        %dma_start3A_382 = tpu.memref_slice %dma_start3A_379[%dma_start3A_380, %dma_start3A_381] : memref<80x128xf32, #tpu.memory_space<vmem>> -> memref<16x128xf32, #tpu.memory_space<vmem>>
        %dma_start3A_383 = arith.constant 0 : i32
        %dma_start3A_384 = arith.constant 0 : i32
        %dma_start3A_385 = tpu.memref_slice %arg10[%dma_start3A_383, %dma_start3A_384] : memref<5008x128xf32, #tpu.memory_space<vmem_shared>> -> memref<5008x128xf32, #tpu.memory_space<vmem_shared>>
        %dma_start3A_386 = tpu.memref_slice %arg12[%dma_start3A_375] : memref<4x!tpu.dma_semaphore, #tpu.memory_space<semaphore_mem>> -> memref<1x!tpu.dma_semaphore, #tpu.memory_space<semaphore_mem>>
        %dma_start3A_387 = tpu.memref_squeeze %dma_start3A_386 : memref<1x!tpu.dma_semaphore, #tpu.memory_space<semaphore_mem>> -> memref<!tpu.dma_semaphore, #tpu.memory_space<semaphore_mem>>
        tpu.enqueue_indirect_dma source(%dma_start3A_382 : memref<16x128xf32, #tpu.memory_space<vmem>>) target(%dma_start3A_385 : memref<5008x128xf32, #tpu.memory_space<vmem_shared>>) offsets(%get3A_373 : vector<16xi32>) semaphore(%dma_start3A_387 : memref<!tpu.dma_semaphore, #tpu.memory_space<semaphore_mem>>) {add = true}
      } else {
      }
      %ge3A_259 = arith.constant 2 : i32
      %ge3A_260 = arith.cmpi sge, %add3A_254, %ge3A_259 : i32
      %sub3A_261 = arith.constant 2 : i32
      %sub3A_262 = arith.subi %add3A_254, %sub3A_261 : i32
      %lt3A_263 = arith.cmpi slt, %sub3A_262, %mul3A_110 : i32
      %and3A_264 = arith.andi %ge3A_260, %lt3A_263 : i1
      %convert_element_type3A_265 = arith.extui %and3A_264 : i1 to i32
      %cond3A_266 = arith.constant 0 : i32
      %cond3A_267 = arith.cmpi ne, %convert_element_type3A_265, %cond3A_266 : i32
      scf.if %cond3A_267 {
        %sub3A_274 = arith.constant 2 : i32
        %sub3A_275 = arith.subi %add3A_254, %sub3A_274 : i32
        %dma_wait3A = arith.constant 1 : i32
        %dma_wait3A_276 = arith.constant 1 : i32
        %dma_wait3A_277 = arith.constant 0 : i32
        %dma_wait3A_278 = arith.constant 0 : i32
        %dma_wait3A_279 = tpu.memref_slice %arg9[%dma_wait3A, %dma_wait3A_277, %dma_wait3A_278] : memref<4x80x128xf32, #tpu.memory_space<vmem>> -> memref<1x80x128xf32, #tpu.memory_space<vmem>>
        %dma_wait3A_280 = tpu.memref_squeeze %dma_wait3A_279 : memref<1x80x128xf32, #tpu.memory_space<vmem>> -> memref<80x128xf32, #tpu.memory_space<vmem>>
        %dma_wait3A_281 = arith.constant 0 : i32
        %dma_wait3A_282 = arith.constant 0 : i32
        %dma_wait3A_283 = tpu.memref_slice %arg2[%dma_wait3A_281, %dma_wait3A_282] : memref<20000x128xf32, #tpu.memory_space<hbm>> -> memref<80x128xf32, #tpu.memory_space<hbm>>
        %dma_wait3A_284 = tpu.memref_slice %arg12[%dma_wait3A_276] : memref<4x!tpu.dma_semaphore, #tpu.memory_space<semaphore_mem>> -> memref<1x!tpu.dma_semaphore, #tpu.memory_space<semaphore_mem>>
        %dma_wait3A_285 = tpu.memref_squeeze %dma_wait3A_284 : memref<1x!tpu.dma_semaphore, #tpu.memory_space<semaphore_mem>> -> memref<!tpu.dma_semaphore, #tpu.memory_space<semaphore_mem>>
        %dma_wait3A_286 = arith.constant 0 : i32
        %dma_wait3A_287 = arith.constant 0 : i32
        %dma_wait3A_288 = tpu.memref_slice %arg9[%dma_wait3A, %dma_wait3A_286, %dma_wait3A_287] : memref<4x80x128xf32, #tpu.memory_space<vmem>> -> memref<1x80x128xf32, #tpu.memory_space<vmem>>
        %dma_wait3A_289 = tpu.memref_squeeze %dma_wait3A_288 : memref<1x80x128xf32, #tpu.memory_space<vmem>> -> memref<80x128xf32, #tpu.memory_space<vmem>>
        %dma_wait3A_290 = arith.constant 0 : i32
        %dma_wait3A_291 = arith.constant 0 : i32
        %dma_wait3A_292 = tpu.memref_slice %arg2[%dma_wait3A_290, %dma_wait3A_291] : memref<20000x128xf32, #tpu.memory_space<hbm>> -> memref<80x128xf32, #tpu.memory_space<hbm>>
        tpu.wait_dma2 semaphore(%dma_wait3A_285 : memref<!tpu.dma_semaphore, #tpu.memory_space<semaphore_mem>>) src(%dma_wait3A_292 : memref<80x128xf32, #tpu.memory_space<hbm>>) dst(%dma_wait3A_289 : memref<80x128xf32, #tpu.memory_space<vmem>>)
      } else {
      }
      %add3A_268 = arith.constant 2 : i32
      %add3A_269 = arith.addi %add3A_254, %add3A_268 : i32
      %lt3A_270 = arith.cmpi slt, %add3A_269, %mul3A_110 : i32
      %convert_element_type3A_271 = arith.extui %lt3A_270 : i1 to i32
      %cond3A_272 = arith.constant 0 : i32
      %cond3A_273 = arith.cmpi ne, %convert_element_type3A_271, %cond3A_272 : i32
      scf.if %cond3A_273 {
        %add3A_274 = arith.constant 2 : i32
        %add3A_275 = arith.addi %add3A_254, %add3A_274 : i32
        %mul3A_276 = arith.constant 80 : i32
        %mul3A_277 = arith.muli %add3A_275, %mul3A_276 : i32
        %dma_start3A = arith.constant 1 : i32
        %dma_start3A_278 = arith.constant 1 : i32
        %dma_start3A_279 = arith.constant 0 : i32
        %dma_start3A_280 = arith.constant 0 : i32
        %dma_start3A_281 = tpu.memref_slice %arg9[%dma_start3A, %dma_start3A_279, %dma_start3A_280] : memref<4x80x128xf32, #tpu.memory_space<vmem>> -> memref<1x80x128xf32, #tpu.memory_space<vmem>>
        %dma_start3A_282 = tpu.memref_squeeze %dma_start3A_281 : memref<1x80x128xf32, #tpu.memory_space<vmem>> -> memref<80x128xf32, #tpu.memory_space<vmem>>
        %dma_start3A_283 = tpu.memref_slice %arg7[%mul3A_277] : memref<20160xi32, #tpu.memory_space<vmem>> -> memref<80xi32, #tpu.memory_space<vmem>>
        %dma_start3A_284 = arith.constant 10000 : i32
        %dma_start3A_285 = arith.constant 0 : i32
        %dma_start3A_286 = tpu.memref_slice %arg2[%dma_start3A_284, %dma_start3A_285] : memref<20000x128xf32, #tpu.memory_space<hbm>> -> memref<10000x128xf32, #tpu.memory_space<hbm>>
        %dma_start3A_287 = arith.constant 0 : i32
        %dma_start3A_288 = arith.constant 0 : i32
        %dma_start3A_289 = tpu.memref_slice %dma_start3A_286[%dma_start3A_287, %dma_start3A_288] : memref<10000x128xf32, #tpu.memory_space<hbm>> -> memref<10000x128xf32, #tpu.memory_space<hbm>>
        %dma_start3A_290 = tpu.memref_slice %arg11[%dma_start3A_278] : memref<4x!tpu.dma_semaphore, #tpu.memory_space<semaphore_mem>> -> memref<1x!tpu.dma_semaphore, #tpu.memory_space<semaphore_mem>>
        %dma_start3A_291 = tpu.memref_squeeze %dma_start3A_290 : memref<1x!tpu.dma_semaphore, #tpu.memory_space<semaphore_mem>> -> memref<!tpu.dma_semaphore, #tpu.memory_space<semaphore_mem>>
        tpu.enqueue_indirect_dma source(%dma_start3A_289 : memref<10000x128xf32, #tpu.memory_space<hbm>>) target(%dma_start3A_282 : memref<80x128xf32, #tpu.memory_space<vmem>>) offsets(%dma_start3A_283 : memref<80xi32, #tpu.memory_space<vmem>>) semaphore(%dma_start3A_291 : memref<!tpu.dma_semaphore, #tpu.memory_space<semaphore_mem>>)
      } else {
      }
    }
    %scan3A_164 = arith.constant 63 : i32
    %ge3A_165 = arith.constant 251 : i32
    %ge3A_166 = arith.cmpi sge, %mul3A_110, %ge3A_165 : i32
    %convert_element_type3A_167 = arith.extui %ge3A_166 : i1 to i32
    %cond3A_168 = arith.constant 0 : i32
    %cond3A_169 = arith.cmpi ne, %convert_element_type3A_167, %cond3A_168 : i32
    scf.if %cond3A_169 {
      %dma_wait3A = arith.constant 2 : i32
      %dma_wait3A_186 = arith.constant 2 : i32
      %dma_wait3A_187 = arith.constant 0 : i32
      %dma_wait3A_188 = arith.constant 0 : i32
      %dma_wait3A_189 = tpu.memref_slice %arg9[%dma_wait3A, %dma_wait3A_187, %dma_wait3A_188] : memref<4x80x128xf32, #tpu.memory_space<vmem>> -> memref<1x80x128xf32, #tpu.memory_space<vmem>>
      %dma_wait3A_190 = tpu.memref_squeeze %dma_wait3A_189 : memref<1x80x128xf32, #tpu.memory_space<vmem>> -> memref<80x128xf32, #tpu.memory_space<vmem>>
      %dma_wait3A_191 = arith.constant 0 : i32
      %dma_wait3A_192 = arith.constant 0 : i32
      %dma_wait3A_193 = tpu.memref_slice %arg2[%dma_wait3A_191, %dma_wait3A_192] : memref<20000x128xf32, #tpu.memory_space<hbm>> -> memref<80x128xf32, #tpu.memory_space<hbm>>
      %dma_wait3A_194 = tpu.memref_slice %arg12[%dma_wait3A_186] : memref<4x!tpu.dma_semaphore, #tpu.memory_space<semaphore_mem>> -> memref<1x!tpu.dma_semaphore, #tpu.memory_space<semaphore_mem>>
      %dma_wait3A_195 = tpu.memref_squeeze %dma_wait3A_194 : memref<1x!tpu.dma_semaphore, #tpu.memory_space<semaphore_mem>> -> memref<!tpu.dma_semaphore, #tpu.memory_space<semaphore_mem>>
      %dma_wait3A_196 = arith.constant 0 : i32
      %dma_wait3A_197 = arith.constant 0 : i32
      %dma_wait3A_198 = tpu.memref_slice %arg9[%dma_wait3A, %dma_wait3A_196, %dma_wait3A_197] : memref<4x80x128xf32, #tpu.memory_space<vmem>> -> memref<1x80x128xf32, #tpu.memory_space<vmem>>
      %dma_wait3A_199 = tpu.memref_squeeze %dma_wait3A_198 : memref<1x80x128xf32, #tpu.memory_space<vmem>> -> memref<80x128xf32, #tpu.memory_space<vmem>>
      %dma_wait3A_200 = arith.constant 0 : i32
      %dma_wait3A_201 = arith.constant 0 : i32
      %dma_wait3A_202 = tpu.memref_slice %arg2[%dma_wait3A_200, %dma_wait3A_201] : memref<20000x128xf32, #tpu.memory_space<hbm>> -> memref<80x128xf32, #tpu.memory_space<hbm>>
      tpu.wait_dma2 semaphore(%dma_wait3A_195 : memref<!tpu.dma_semaphore, #tpu.memory_space<semaphore_mem>>) src(%dma_wait3A_202 : memref<80x128xf32, #tpu.memory_space<hbm>>) dst(%dma_wait3A_199 : memref<80x128xf32, #tpu.memory_space<vmem>>)
    } else {
    }
    %eq3A_170 = arith.constant 252 : i32
    %eq3A_171 = arith.cmpi eq, %mul3A_110, %eq3A_170 : i32
    %convert_element_type3A_172 = arith.extui %eq3A_171 : i1 to i32
    %cond3A_173 = arith.constant 0 : i32
    %cond3A_174 = arith.cmpi ne, %convert_element_type3A_172, %cond3A_173 : i32
    scf.if %cond3A_174 {
      %dma_wait3A = arith.constant 3 : i32
      %dma_wait3A_186 = arith.constant 3 : i32
      %dma_wait3A_187 = arith.constant 0 : i32
      %dma_wait3A_188 = arith.constant 0 : i32
      %dma_wait3A_189 = tpu.memref_slice %arg9[%dma_wait3A, %dma_wait3A_187, %dma_wait3A_188] : memref<4x80x128xf32, #tpu.memory_space<vmem>> -> memref<1x80x128xf32, #tpu.memory_space<vmem>>
      %dma_wait3A_190 = tpu.memref_squeeze %dma_wait3A_189 : memref<1x80x128xf32, #tpu.memory_space<vmem>> -> memref<80x128xf32, #tpu.memory_space<vmem>>
      %dma_wait3A_191 = arith.constant 0 : i32
      %dma_wait3A_192 = arith.constant 0 : i32
      %dma_wait3A_193 = tpu.memref_slice %arg2[%dma_wait3A_191, %dma_wait3A_192] : memref<20000x128xf32, #tpu.memory_space<hbm>> -> memref<80x128xf32, #tpu.memory_space<hbm>>
      %dma_wait3A_194 = tpu.memref_slice %arg12[%dma_wait3A_186] : memref<4x!tpu.dma_semaphore, #tpu.memory_space<semaphore_mem>> -> memref<1x!tpu.dma_semaphore, #tpu.memory_space<semaphore_mem>>
      %dma_wait3A_195 = tpu.memref_squeeze %dma_wait3A_194 : memref<1x!tpu.dma_semaphore, #tpu.memory_space<semaphore_mem>> -> memref<!tpu.dma_semaphore, #tpu.memory_space<semaphore_mem>>
      %dma_wait3A_196 = arith.constant 0 : i32
      %dma_wait3A_197 = arith.constant 0 : i32
      %dma_wait3A_198 = tpu.memref_slice %arg9[%dma_wait3A, %dma_wait3A_196, %dma_wait3A_197] : memref<4x80x128xf32, #tpu.memory_space<vmem>> -> memref<1x80x128xf32, #tpu.memory_space<vmem>>
      %dma_wait3A_199 = tpu.memref_squeeze %dma_wait3A_198 : memref<1x80x128xf32, #tpu.memory_space<vmem>> -> memref<80x128xf32, #tpu.memory_space<vmem>>
      %dma_wait3A_200 = arith.constant 0 : i32
      %dma_wait3A_201 = arith.constant 0 : i32
      %dma_wait3A_202 = tpu.memref_slice %arg2[%dma_wait3A_200, %dma_wait3A_201] : memref<20000x128xf32, #tpu.memory_space<hbm>> -> memref<80x128xf32, #tpu.memory_space<hbm>>
      tpu.wait_dma2 semaphore(%dma_wait3A_195 : memref<!tpu.dma_semaphore, #tpu.memory_space<semaphore_mem>>) src(%dma_wait3A_202 : memref<80x128xf32, #tpu.memory_space<hbm>>) dst(%dma_wait3A_199 : memref<80x128xf32, #tpu.memory_space<vmem>>)
    } else {
    }
    %barrier3A_175 = arith.constant 0 : index
    tpu.barrier barrier_id(%barrier3A_175)
    %mul3A_176 = arith.constant 320 : i32
    %mul3A_177 = arith.muli %arg1, %mul3A_176 : i32
    %min3A_178 = arith.constant 4680 : i32
    %min3A_179 = arith.minsi %mul3A_177, %min3A_178 : i32
    %mul3A_180 = arith.constant 5000 : i32
    %mul3A_181 = arith.muli %arg0, %mul3A_180 : i32
    %add3A_182 = arith.constant 10000 : i32
    %add3A_183 = arith.addi %add3A_182, %mul3A_181 : i32
    %add3A_184 = arith.addi %add3A_183, %min3A_179 : i32
    "tpu.region"() ({
      %run_scoped3A = tpu.sem_alloc : memref<!tpu.dma_semaphore, #tpu.memory_space<semaphore_mem>>
      %dma_start3A = arith.constant 0 : i32
      %dma_start3A_186 = tpu.memref_slice %arg6[%add3A_184, %dma_start3A] : memref<20000x128xf32, #tpu.memory_space<hbm>> -> memref<320x128xf32, #tpu.memory_space<hbm>>
      %dma_start3A_187 = arith.constant 0 : i32
      %dma_start3A_188 = tpu.memref_slice %arg10[%min3A_179, %dma_start3A_187] : memref<5008x128xf32, #tpu.memory_space<vmem_shared>> -> memref<320x128xf32, #tpu.memory_space<vmem_shared>>
      tpu.enqueue_dma source(%dma_start3A_188 : memref<320x128xf32, #tpu.memory_space<vmem_shared>>) target(%dma_start3A_186 : memref<320x128xf32, #tpu.memory_space<hbm>>) target_semaphore(%run_scoped3A : memref<!tpu.dma_semaphore, #tpu.memory_space<semaphore_mem>>)
      %dma_wait3A = arith.constant 0 : i32
      %dma_wait3A_189 = tpu.memref_slice %arg6[%add3A_184, %dma_wait3A] : memref<20000x128xf32, #tpu.memory_space<hbm>> -> memref<320x128xf32, #tpu.memory_space<hbm>>
      %dma_wait3A_190 = arith.constant 0 : i32
      %dma_wait3A_191 = tpu.memref_slice %arg10[%min3A_179, %dma_wait3A_190] : memref<5008x128xf32, #tpu.memory_space<vmem_shared>> -> memref<320x128xf32, #tpu.memory_space<vmem_shared>>
      tpu.wait_dma2 semaphore(%run_scoped3A : memref<!tpu.dma_semaphore, #tpu.memory_space<semaphore_mem>>) src(%dma_wait3A_191 : memref<320x128xf32, #tpu.memory_space<vmem_shared>>) dst(%dma_wait3A_189 : memref<320x128xf32, #tpu.memory_space<hbm>>)
      tpu.yield
    }) : () -> ()
    %barrier3A_185 = arith.constant 0 : index
    tpu.barrier barrier_id(%barrier3A_185)
    return
  }
}

#map = affine_map<(d0, d1) -> (0, 0)>
module attributes {stable_mosaic.version = 14 : i64} {
  func.func @gin_segment_sum(%arg0: i32, %arg1: i32, %arg2: memref<20000x128xf32, #tpu.memory_space<hbm>>, %arg3: memref<16x20160xi32, #tpu.memory_space<hbm>>, %arg4: memref<32x20160xi32, #tpu.memory_space<hbm>>, %arg5: memref<320x128xf32, #tpu.memory_space<hbm>>, %arg6: memref<20000x128xf32, #tpu.memory_space<hbm>>, %arg7: memref<20160xi32, #tpu.memory_space<vmem>>, %arg8: memref<20160xi32, #tpu.memory_space<vmem>>, %arg9: memref<4x80x128xf32, #tpu.memory_space<vmem>>, %arg10: memref<5008x128xf32, #tpu.memory_space<vmem_shared>>, %arg11: memref<4x!tpu.dma_semaphore, #tpu.memory_space<semaphore_mem>>, %arg12: memref<4x!tpu.dma_semaphore, #tpu.memory_space<semaphore_mem>>) attributes {dimension_semantics = [#tpu.dimension_semantics<core_parallel>, #tpu.dimension_semantics<subcore_parallel>], iteration_bounds = array<i64: 2, 16>, scalar_prefetch = 0 : i64, scratch_operands = 6 : i64, tpu.core_type = #tpu.core_type<sc_vector_subcore>, window_params = [{transform_indices = #map}, {transform_indices = #map}, {transform_indices = #map}, {transform_indices = #map}, {transform_indices = #map}]} {
    "tpu.region"() ({
      %run_scoped3A = tpu.sem_alloc : memref<!tpu.dma_semaphore, #tpu.memory_space<semaphore_mem>>
      %dma_start3A = arith.constant 0 : i32
      %dma_start3A_186 = tpu.memref_slice %arg3[%arg1, %dma_start3A] : memref<16x20160xi32, #tpu.memory_space<hbm>> -> memref<1x20160xi32, #tpu.memory_space<hbm>>
      %dma_start3A_187 = tpu.memref_squeeze %dma_start3A_186 : memref<1x20160xi32, #tpu.memory_space<hbm>> -> memref<20160xi32, #tpu.memory_space<hbm>>
      %dma_start3A_188 = arith.constant 0 : i32
      %dma_start3A_189 = tpu.memref_slice %arg3[%arg1, %dma_start3A_188] : memref<16x20160xi32, #tpu.memory_space<hbm>> -> memref<1x20160xi32, #tpu.memory_space<hbm>>
      %dma_start3A_190 = tpu.memref_squeeze %dma_start3A_189 : memref<1x20160xi32, #tpu.memory_space<hbm>> -> memref<20160xi32, #tpu.memory_space<hbm>>
      tpu.enqueue_dma source(%dma_start3A_190 : memref<20160xi32, #tpu.memory_space<hbm>>) target(%arg7 : memref<20160xi32, #tpu.memory_space<vmem>>) target_semaphore(%run_scoped3A : memref<!tpu.dma_semaphore, #tpu.memory_space<semaphore_mem>>)
      %dma_wait3A = arith.constant 0 : i32
      %dma_wait3A_191 = tpu.memref_slice %arg3[%arg1, %dma_wait3A] : memref<16x20160xi32, #tpu.memory_space<hbm>> -> memref<1x20160xi32, #tpu.memory_space<hbm>>
      %dma_wait3A_192 = tpu.memref_squeeze %dma_wait3A_191 : memref<1x20160xi32, #tpu.memory_space<hbm>> -> memref<20160xi32, #tpu.memory_space<hbm>>
      %dma_wait3A_193 = arith.constant 0 : i32
      %dma_wait3A_194 = tpu.memref_slice %arg3[%arg1, %dma_wait3A_193] : memref<16x20160xi32, #tpu.memory_space<hbm>> -> memref<1x20160xi32, #tpu.memory_space<hbm>>
      %dma_wait3A_195 = tpu.memref_squeeze %dma_wait3A_194 : memref<1x20160xi32, #tpu.memory_space<hbm>> -> memref<20160xi32, #tpu.memory_space<hbm>>
      tpu.wait_dma2 semaphore(%run_scoped3A : memref<!tpu.dma_semaphore, #tpu.memory_space<semaphore_mem>>) src(%dma_wait3A_195 : memref<20160xi32, #tpu.memory_space<hbm>>) dst(%arg7 : memref<20160xi32, #tpu.memory_space<vmem>>)
      tpu.yield
    }) : () -> ()
    %mul3A = arith.constant 16 : i32
    %mul3A_0 = arith.muli %arg0, %mul3A : i32
    %add3A = arith.addi %mul3A_0, %arg1 : i32
    "tpu.region"() ({
      %run_scoped3A = tpu.sem_alloc : memref<!tpu.dma_semaphore, #tpu.memory_space<semaphore_mem>>
      %dma_start3A = arith.constant 0 : i32
      %dma_start3A_186 = tpu.memref_slice %arg4[%add3A, %dma_start3A] : memref<32x20160xi32, #tpu.memory_space<hbm>> -> memref<1x20160xi32, #tpu.memory_space<hbm>>
      %dma_start3A_187 = tpu.memref_squeeze %dma_start3A_186 : memref<1x20160xi32, #tpu.memory_space<hbm>> -> memref<20160xi32, #tpu.memory_space<hbm>>
      %dma_start3A_188 = arith.constant 0 : i32
      %dma_start3A_189 = tpu.memref_slice %arg4[%add3A, %dma_start3A_188] : memref<32x20160xi32, #tpu.memory_space<hbm>> -> memref<1x20160xi32, #tpu.memory_space<hbm>>
      %dma_start3A_190 = tpu.memref_squeeze %dma_start3A_189 : memref<1x20160xi32, #tpu.memory_space<hbm>> -> memref<20160xi32, #tpu.memory_space<hbm>>
      tpu.enqueue_dma source(%dma_start3A_190 : memref<20160xi32, #tpu.memory_space<hbm>>) target(%arg8 : memref<20160xi32, #tpu.memory_space<vmem>>) target_semaphore(%run_scoped3A : memref<!tpu.dma_semaphore, #tpu.memory_space<semaphore_mem>>)
      %dma_wait3A = arith.constant 0 : i32
      %dma_wait3A_191 = tpu.memref_slice %arg4[%add3A, %dma_wait3A] : memref<32x20160xi32, #tpu.memory_space<hbm>> -> memref<1x20160xi32, #tpu.memory_space<hbm>>
      %dma_wait3A_192 = tpu.memref_squeeze %dma_wait3A_191 : memref<1x20160xi32, #tpu.memory_space<hbm>> -> memref<20160xi32, #tpu.memory_space<hbm>>
      %dma_wait3A_193 = arith.constant 0 : i32
      %dma_wait3A_194 = tpu.memref_slice %arg4[%add3A, %dma_wait3A_193] : memref<32x20160xi32, #tpu.memory_space<hbm>> -> memref<1x20160xi32, #tpu.memory_space<hbm>>
      %dma_wait3A_195 = tpu.memref_squeeze %dma_wait3A_194 : memref<1x20160xi32, #tpu.memory_space<hbm>> -> memref<20160xi32, #tpu.memory_space<hbm>>
      tpu.wait_dma2 semaphore(%run_scoped3A : memref<!tpu.dma_semaphore, #tpu.memory_space<semaphore_mem>>) src(%dma_wait3A_195 : memref<20160xi32, #tpu.memory_space<hbm>>) dst(%arg8 : memref<20160xi32, #tpu.memory_space<vmem>>)
      tpu.yield
    }) : () -> ()
    %scan3A = arith.constant 0 : i32
    %scan3A_1 = arith.constant 0 : i32
    %scan3A_2 = arith.constant 1260 : i32
    %scan3A_3 = arith.addi %scan3A_1, %scan3A_2 : i32
    %scan3A_4 = arith.constant 1 : i32
    %scan3A_5 = scf.for %scan3A_186 = %scan3A_1 to %scan3A_3 step %scan3A_4 iter_args(%scan3A_187 = %scan3A) -> (i32)  : i32 {
      %mul3A_188 = arith.constant 16 : i32
      %mul3A_189 = arith.muli %scan3A_186, %mul3A_188 : i32
      %get3A = arith.index_cast %mul3A_189 : i32 to index
      %get3A_190 = tpu.vector_load %arg8[%get3A] {strides = array<i32>} : memref<20160xi32, #tpu.memory_space<vmem>>, vector<16xi32>,
      %mul3A_191 = arith.constant 16 : i32
      %mul3A_192 = arith.muli %scan3A_186, %mul3A_191 : i32
      %get3A_193 = arith.index_cast %mul3A_192 : i32 to index
      %get3A_194 = tpu.vector_load %arg7[%get3A_193] {strides = array<i32>} : memref<20160xi32, #tpu.memory_space<vmem>>, vector<16xi32>,
      %ne3A_195 = arith.constant 5000 : i32
      %ne3A_196 = vector.broadcast %ne3A_195 : i32 to vector<16xi32>
      %ne3A_197 = arith.cmpi ne, %get3A_190, %ne3A_196 : vector<16xi32>
      %swap3A_198 = arith.index_cast %scan3A_187 : i32 to index
      %swap3A_199 = tpu.vector_load %arg8[%swap3A_198] masked %ne3A_197 {strides = array<i32>} : memref<20160xi32, #tpu.memory_space<vmem>>, vector<16xi32>, vector<16xi1>
      tpu.vector_store %arg8[%swap3A_198], %get3A_190 masked %ne3A_197 {strides = array<i32>} : memref<20160xi32, #tpu.memory_space<vmem>>, vector<16xi32>, vector<16xi1>
      %swap3A_200 = arith.index_cast %scan3A_187 : i32 to index
      %swap3A_201 = tpu.vector_load %arg7[%swap3A_200] masked %ne3A_197 {strides = array<i32>} : memref<20160xi32, #tpu.memory_space<vmem>>, vector<16xi32>, vector<16xi1>
      tpu.vector_store %arg7[%swap3A_200], %get3A_194 masked %ne3A_197 {strides = array<i32>} : memref<20160xi32, #tpu.memory_space<vmem>>, vector<16xi32>, vector<16xi1>
      %jit3A_202 = arith.constant 1 : i32
      %jit3A_203 = arith.constant 0 : i32
      %broadcast_in_dim3A_204 = vector.broadcast %jit3A_202 : i32 to vector<16xi32>
      %broadcast_in_dim3A_205 = vector.broadcast %jit3A_203 : i32 to vector<16xi32>
      %select_n3A_206 = arith.select %ne3A_197, %broadcast_in_dim3A_204, %broadcast_in_dim3A_205 : vector<16xi1>, vector<16xi32>
      %reduce_sum3A = arith.constant true
      %reduce_sum3A_207 = vector.broadcast %reduce_sum3A : i1 to vector<16xi1>
      %reduce_sum3A_208 = tpu.scan <sum>, %select_n3A_206 masked %reduce_sum3A_207 : vector<16xi32>, vector<16xi1> -> vector<16xi32>
      %reduce_sum3A_209 = vector.extract %reduce_sum3A_208[15] : i32 from vector<16xi32>
      %add3A_210 = arith.addi %scan3A_187, %reduce_sum3A_209 : i32
      scf.yield %add3A_210 : i32
    }
    %scan3A_6 = arith.constant 1260 : i32
    %broadcast_in_dim3A = arith.constant 5000 : i32
    %broadcast_in_dim3A_7 = vector.broadcast %broadcast_in_dim3A : i32 to vector<16xi32>
    %broadcast_in_dim3A_8 = arith.constant 0 : i32
    %broadcast_in_dim3A_9 = vector.broadcast %broadcast_in_dim3A_8 : i32 to vector<16xi32>
    %add3A_10 = arith.constant 0 : i32
    %add3A_11 = arith.addi %scan3A_5, %add3A_10 : i32
    %swap3A = arith.index_cast %add3A_11 : i32 to index
    %swap3A_12 = tpu.vector_load %arg8[%swap3A] {strides = array<i32>} : memref<20160xi32, #tpu.memory_space<vmem>>, vector<16xi32>,
    tpu.vector_store %arg8[%swap3A], %broadcast_in_dim3A_7 {strides = array<i32>} : memref<20160xi32, #tpu.memory_space<vmem>>, vector<16xi32>,
    %add3A_13 = arith.constant 0 : i32
    %add3A_14 = arith.addi %scan3A_5, %add3A_13 : i32
    %swap3A_15 = arith.index_cast %add3A_14 : i32 to index
    %swap3A_16 = tpu.vector_load %arg7[%swap3A_15] {strides = array<i32>} : memref<20160xi32, #tpu.memory_space<vmem>>, vector<16xi32>,
    tpu.vector_store %arg7[%swap3A_15], %broadcast_in_dim3A_9 {strides = array<i32>} : memref<20160xi32, #tpu.memory_space<vmem>>, vector<16xi32>,
    %add3A_17 = arith.constant 16 : i32
    %add3A_18 = arith.addi %scan3A_5, %add3A_17 : i32
    %swap3A_19 = arith.index_cast %add3A_18 : i32 to index
    %swap3A_20 = tpu.vector_load %arg8[%swap3A_19] {strides = array<i32>} : memref<20160xi32, #tpu.memory_space<vmem>>, vector<16xi32>,
    tpu.vector_store %arg8[%swap3A_19], %broadcast_in_dim3A_7 {strides = array<i32>} : memref<20160xi32, #tpu.memory_space<vmem>>, vector<16xi32>,
    %add3A_21 = arith.constant 16 : i32
    %add3A_22 = arith.addi %scan3A_5, %add3A_21 : i32
    %swap3A_23 = arith.index_cast %add3A_22 : i32 to index
    %swap3A_24 = tpu.vector_load %arg7[%swap3A_23] {strides = array<i32>} : memref<20160xi32, #tpu.memory_space<vmem>>, vector<16xi32>,
    tpu.vector_store %arg7[%swap3A_23], %broadcast_in_dim3A_9 {strides = array<i32>} : memref<20160xi32, #tpu.memory_space<vmem>>, vector<16xi32>,
    %add3A_25 = arith.constant 32 : i32
    %add3A_26 = arith.addi %scan3A_5, %add3A_25 : i32
    %swap3A_27 = arith.index_cast %add3A_26 : i32 to index
    %swap3A_28 = tpu.vector_load %arg8[%swap3A_27] {strides = array<i32>} : memref<20160xi32, #tpu.memory_space<vmem>>, vector<16xi32>,
    tpu.vector_store %arg8[%swap3A_27], %broadcast_in_dim3A_7 {strides = array<i32>} : memref<20160xi32, #tpu.memory_space<vmem>>, vector<16xi32>,
    %add3A_29 = arith.constant 32 : i32
    %add3A_30 = arith.addi %scan3A_5, %add3A_29 : i32
    %swap3A_31 = arith.index_cast %add3A_30 : i32 to index
    %swap3A_32 = tpu.vector_load %arg7[%swap3A_31] {strides = array<i32>} : memref<20160xi32, #tpu.memory_space<vmem>>, vector<16xi32>,
    tpu.vector_store %arg7[%swap3A_31], %broadcast_in_dim3A_9 {strides = array<i32>} : memref<20160xi32, #tpu.memory_space<vmem>>, vector<16xi32>,
    %add3A_33 = arith.constant 48 : i32
    %add3A_34 = arith.addi %scan3A_5, %add3A_33 : i32
    %swap3A_35 = arith.index_cast %add3A_34 : i32 to index
    %swap3A_36 = tpu.vector_load %arg8[%swap3A_35] {strides = array<i32>} : memref<20160xi32, #tpu.memory_space<vmem>>, vector<16xi32>,
    tpu.vector_store %arg8[%swap3A_35], %broadcast_in_dim3A_7 {strides = array<i32>} : memref<20160xi32, #tpu.memory_space<vmem>>, vector<16xi32>,
    %add3A_37 = arith.constant 48 : i32
    %add3A_38 = arith.addi %scan3A_5, %add3A_37 : i32
    %swap3A_39 = arith.index_cast %add3A_38 : i32 to index
    %swap3A_40 = tpu.vector_load %arg7[%swap3A_39] {strides = array<i32>} : memref<20160xi32, #tpu.memory_space<vmem>>, vector<16xi32>,
    tpu.vector_store %arg7[%swap3A_39], %broadcast_in_dim3A_9 {strides = array<i32>} : memref<20160xi32, #tpu.memory_space<vmem>>, vector<16xi32>,
    %add3A_41 = arith.constant 64 : i32
    %add3A_42 = arith.addi %scan3A_5, %add3A_41 : i32
    %swap3A_43 = arith.index_cast %add3A_42 : i32 to index
    %swap3A_44 = tpu.vector_load %arg8[%swap3A_43] {strides = array<i32>} : memref<20160xi32, #tpu.memory_space<vmem>>, vector<16xi32>,
    tpu.vector_store %arg8[%swap3A_43], %broadcast_in_dim3A_7 {strides = array<i32>} : memref<20160xi32, #tpu.memory_space<vmem>>, vector<16xi32>,
    %add3A_45 = arith.constant 64 : i32
    %add3A_46 = arith.addi %scan3A_5, %add3A_45 : i32
    %swap3A_47 = arith.index_cast %add3A_46 : i32 to index
    %swap3A_48 = tpu.vector_load %arg7[%swap3A_47] {strides = array<i32>} : memref<20160xi32, #tpu.memory_space<vmem>>, vector<16xi32>,
    tpu.vector_store %arg7[%swap3A_47], %broadcast_in_dim3A_9 {strides = array<i32>} : memref<20160xi32, #tpu.memory_space<vmem>>, vector<16xi32>,
    %add3A_49 = arith.constant 80 : i32
    %add3A_50 = arith.addi %scan3A_5, %add3A_49 : i32
    %swap3A_51 = arith.index_cast %add3A_50 : i32 to index
    %swap3A_52 = tpu.vector_load %arg8[%swap3A_51] {strides = array<i32>} : memref<20160xi32, #tpu.memory_space<vmem>>, vector<16xi32>,
    tpu.vector_store %arg8[%swap3A_51], %broadcast_in_dim3A_7 {strides = array<i32>} : memref<20160xi32, #tpu.memory_space<vmem>>, vector<16xi32>,
    %add3A_53 = arith.constant 80 : i32
    %add3A_54 = arith.addi %scan3A_5, %add3A_53 : i32
    %swap3A_55 = arith.index_cast %add3A_54 : i32 to index
    %swap3A_56 = tpu.vector_load %arg7[%swap3A_55] {strides = array<i32>} : memref<20160xi32, #tpu.memory_space<vmem>>, vector<16xi32>,
    tpu.vector_store %arg7[%swap3A_55], %broadcast_in_dim3A_9 {strides = array<i32>} : memref<20160xi32, #tpu.memory_space<vmem>>, vector<16xi32>,
    %add3A_57 = arith.constant 96 : i32
    %add3A_58 = arith.addi %scan3A_5, %add3A_57 : i32
    %swap3A_59 = arith.index_cast %add3A_58 : i32 to index
    %swap3A_60 = tpu.vector_load %arg8[%swap3A_59] {strides = array<i32>} : memref<20160xi32, #tpu.memory_space<vmem>>, vector<16xi32>,
    tpu.vector_store %arg8[%swap3A_59], %broadcast_in_dim3A_7 {strides = array<i32>} : memref<20160xi32, #tpu.memory_space<vmem>>, vector<16xi32>,
    %add3A_61 = arith.constant 96 : i32
    %add3A_62 = arith.addi %scan3A_5, %add3A_61 : i32
    %swap3A_63 = arith.index_cast %add3A_62 : i32 to index
    %swap3A_64 = tpu.vector_load %arg7[%swap3A_63] {strides = array<i32>} : memref<20160xi32, #tpu.memory_space<vmem>>, vector<16xi32>,
    tpu.vector_store %arg7[%swap3A_63], %broadcast_in_dim3A_9 {strides = array<i32>} : memref<20160xi32, #tpu.memory_space<vmem>>, vector<16xi32>,
    %add3A_65 = arith.constant 112 : i32
    %add3A_66 = arith.addi %scan3A_5, %add3A_65 : i32
    %swap3A_67 = arith.index_cast %add3A_66 : i32 to index
    %swap3A_68 = tpu.vector_load %arg8[%swap3A_67] {strides = array<i32>} : memref<20160xi32, #tpu.memory_space<vmem>>, vector<16xi32>,
    tpu.vector_store %arg8[%swap3A_67], %broadcast_in_dim3A_7 {strides = array<i32>} : memref<20160xi32, #tpu.memory_space<vmem>>, vector<16xi32>,
    %add3A_69 = arith.constant 112 : i32
    %add3A_70 = arith.addi %scan3A_5, %add3A_69 : i32
    %swap3A_71 = arith.index_cast %add3A_70 : i32 to index
    %swap3A_72 = tpu.vector_load %arg7[%swap3A_71] {strides = array<i32>} : memref<20160xi32, #tpu.memory_space<vmem>>, vector<16xi32>,
    tpu.vector_store %arg7[%swap3A_71], %broadcast_in_dim3A_9 {strides = array<i32>} : memref<20160xi32, #tpu.memory_space<vmem>>, vector<16xi32>,
    %add3A_73 = arith.constant 128 : i32
    %add3A_74 = arith.addi %scan3A_5, %add3A_73 : i32
    %swap3A_75 = arith.index_cast %add3A_74 : i32 to index
    %swap3A_76 = tpu.vector_load %arg8[%swap3A_75] {strides = array<i32>} : memref<20160xi32, #tpu.memory_space<vmem>>, vector<16xi32>,
    tpu.vector_store %arg8[%swap3A_75], %broadcast_in_dim3A_7 {strides = array<i32>} : memref<20160xi32, #tpu.memory_space<vmem>>, vector<16xi32>,
    %add3A_77 = arith.constant 128 : i32
    %add3A_78 = arith.addi %scan3A_5, %add3A_77 : i32
    %swap3A_79 = arith.index_cast %add3A_78 : i32 to index
    %swap3A_80 = tpu.vector_load %arg7[%swap3A_79] {strides = array<i32>} : memref<20160xi32, #tpu.memory_space<vmem>>, vector<16xi32>,
    tpu.vector_store %arg7[%swap3A_79], %broadcast_in_dim3A_9 {strides = array<i32>} : memref<20160xi32, #tpu.memory_space<vmem>>, vector<16xi32>,
    %add3A_81 = arith.constant 144 : i32
    %add3A_82 = arith.addi %scan3A_5, %add3A_81 : i32
    %swap3A_83 = arith.index_cast %add3A_82 : i32 to index
    %swap3A_84 = tpu.vector_load %arg8[%swap3A_83] {strides = array<i32>} : memref<20160xi32, #tpu.memory_space<vmem>>, vector<16xi32>,
    tpu.vector_store %arg8[%swap3A_83], %broadcast_in_dim3A_7 {strides = array<i32>} : memref<20160xi32, #tpu.memory_space<vmem>>, vector<16xi32>,
    %add3A_85 = arith.constant 144 : i32
    %add3A_86 = arith.addi %scan3A_5, %add3A_85 : i32
    %swap3A_87 = arith.index_cast %add3A_86 : i32 to index
    %swap3A_88 = tpu.vector_load %arg7[%swap3A_87] {strides = array<i32>} : memref<20160xi32, #tpu.memory_space<vmem>>, vector<16xi32>,
    tpu.vector_store %arg7[%swap3A_87], %broadcast_in_dim3A_9 {strides = array<i32>} : memref<20160xi32, #tpu.memory_space<vmem>>, vector<16xi32>,
    %add3A_89 = arith.constant 160 : i32
    %add3A_90 = arith.addi %scan3A_5, %add3A_89 : i32
    %sub3A = arith.constant 1 : i32
    %sub3A_91 = arith.subi %add3A_90, %sub3A : i32
    %jit3A = arith.constant 160 : i32
    %div3A = arith.divsi %sub3A_91, %jit3A : i32
    %sign3A = arith.constant 0 : i32
    %sign3A_92 = arith.cmpi sgt, %sub3A_91, %sign3A : i32
    %sign3A_93 = arith.extui %sign3A_92 : i1 to i32
    %sign3A_94 = arith.constant 0 : i32
    %sign3A_95 = arith.cmpi slt, %sub3A_91, %sign3A_94 : i32
    %sign3A_96 = arith.extui %sign3A_95 : i1 to i32
    %sign3A_97 = arith.subi %sign3A_93, %sign3A_96 : i32
    %sign3A_98 = arith.constant 0 : i32
    %sign3A_99 = arith.cmpi sgt, %jit3A, %sign3A_98 : i32
    %sign3A_100 = arith.extui %sign3A_99 : i1 to i32
    %sign3A_101 = arith.constant 0 : i32
    %sign3A_102 = arith.cmpi slt, %jit3A, %sign3A_101 : i32
    %sign3A_103 = arith.extui %sign3A_102 : i1 to i32
    %sign3A_104 = arith.subi %sign3A_100, %sign3A_103 : i32
    %ne3A = arith.cmpi ne, %sign3A_97, %sign3A_104 : i32
    %rem3A = arith.remsi %sub3A_91, %jit3A : i32
    %ne3A_105 = arith.constant 0 : i32
    %ne3A_106 = arith.cmpi ne, %rem3A, %ne3A_105 : i32
    %and3A = arith.andi %ne3A, %ne3A_106 : i1
    %sub3A_107 = arith.constant 1 : i32
    %sub3A_108 = arith.subi %div3A, %sub3A_107 : i32
    %select_n3A = arith.select %and3A, %sub3A_108, %div3A : i32
    %mul3A_109 = arith.constant 2 : i32
    %mul3A_110 = arith.muli %select_n3A, %mul3A_109 : i32
    %mul3A_111 = arith.constant 320 : i32
    %mul3A_112 = arith.muli %arg1, %mul3A_111 : i32
    %min3A = arith.constant 4688 : i32
    %min3A_113 = arith.minsi %mul3A_112, %min3A : i32
    "tpu.region"() ({
      %run_scoped3A = tpu.sem_alloc : memref<!tpu.dma_semaphore, #tpu.memory_space<semaphore_mem>>
      %dma_start3A = arith.constant 0 : i32
      %dma_start3A_186 = tpu.memref_slice %arg10[%min3A_113, %dma_start3A] : memref<5008x128xf32, #tpu.memory_space<vmem_shared>> -> memref<320x128xf32, #tpu.memory_space<vmem_shared>>
      tpu.enqueue_dma source(%arg5 : memref<320x128xf32, #tpu.memory_space<hbm>>) target(%dma_start3A_186 : memref<320x128xf32, #tpu.memory_space<vmem_shared>>) target_semaphore(%run_scoped3A : memref<!tpu.dma_semaphore, #tpu.memory_space<semaphore_mem>>)
      %dma_wait3A = arith.constant 0 : i32
      %dma_wait3A_187 = tpu.memref_slice %arg10[%min3A_113, %dma_wait3A] : memref<5008x128xf32, #tpu.memory_space<vmem_shared>> -> memref<320x128xf32, #tpu.memory_space<vmem_shared>>
      tpu.wait_dma2 semaphore(%run_scoped3A : memref<!tpu.dma_semaphore, #tpu.memory_space<semaphore_mem>>) src(%arg5 : memref<320x128xf32, #tpu.memory_space<hbm>>) dst(%dma_wait3A_187 : memref<320x128xf32, #tpu.memory_space<vmem_shared>>)
      tpu.yield
    }) : () -> ()
    %barrier3A = arith.constant 0 : index
    tpu.barrier barrier_id(%barrier3A)
    %gt3A = arith.constant 0 : i32
    %gt3A_114 = arith.cmpi sgt, %mul3A_110, %gt3A : i32
    %convert_element_type3A = arith.extui %gt3A_114 : i1 to i32
    %cond3A = arith.constant 0 : i32
    %cond3A_115 = arith.cmpi ne, %convert_element_type3A, %cond3A : i32
    scf.if %cond3A_115 {
      %dma_start3A = arith.constant 0 : i32
      %dma_start3A_186 = arith.constant 0 : i32
      %dma_start3A_187 = arith.constant 0 : i32
      %dma_start3A_188 = arith.constant 0 : i32
      %dma_start3A_189 = tpu.memref_slice %arg9[%dma_start3A, %dma_start3A_187, %dma_start3A_188] : memref<4x80x128xf32, #tpu.memory_space<vmem>> -> memref<1x80x128xf32, #tpu.memory_space<vmem>>
      %dma_start3A_190 = tpu.memref_squeeze %dma_start3A_189 : memref<1x80x128xf32, #tpu.memory_space<vmem>> -> memref<80x128xf32, #tpu.memory_space<vmem>>
      %dma_start3A_191 = arith.constant 0 : i32
      %dma_start3A_192 = tpu.memref_slice %arg7[%dma_start3A_191] : memref<20160xi32, #tpu.memory_space<vmem>> -> memref<80xi32, #tpu.memory_space<vmem>>
      %dma_start3A_193 = arith.constant 0 : i32
      %dma_start3A_194 = arith.constant 0 : i32
      %dma_start3A_195 = tpu.memref_slice %arg2[%dma_start3A_193, %dma_start3A_194] : memref<20000x128xf32, #tpu.memory_space<hbm>> -> memref<10000x128xf32, #tpu.memory_space<hbm>>
      %dma_start3A_196 = arith.constant 0 : i32
      %dma_start3A_197 = arith.constant 0 : i32
      %dma_start3A_198 = tpu.memref_slice %dma_start3A_195[%dma_start3A_196, %dma_start3A_197] : memref<10000x128xf32, #tpu.memory_space<hbm>> -> memref<10000x128xf32, #tpu.memory_space<hbm>>
      %dma_start3A_199 = tpu.memref_slice %arg11[%dma_start3A_186] : memref<4x!tpu.dma_semaphore, #tpu.memory_space<semaphore_mem>> -> memref<1x!tpu.dma_semaphore, #tpu.memory_space<semaphore_mem>>
      %dma_start3A_200 = tpu.memref_squeeze %dma_start3A_199 : memref<1x!tpu.dma_semaphore, #tpu.memory_space<semaphore_mem>> -> memref<!tpu.dma_semaphore, #tpu.memory_space<semaphore_mem>>
      tpu.enqueue_indirect_dma source(%dma_start3A_198 : memref<10000x128xf32, #tpu.memory_space<hbm>>) target(%dma_start3A_190 : memref<80x128xf32, #tpu.memory_space<vmem>>) offsets(%dma_start3A_192 : memref<80xi32, #tpu.memory_space<vmem>>) semaphore(%dma_start3A_200 : memref<!tpu.dma_semaphore, #tpu.memory_space<semaphore_mem>>)
    } else {
    }
    %gt3A_116 = arith.constant 1 : i32
    %gt3A_117 = arith.cmpi sgt, %mul3A_110, %gt3A_116 : i32
    %convert_element_type3A_118 = arith.extui %gt3A_117 : i1 to i32
    %cond3A_119 = arith.constant 0 : i32
    %cond3A_120 = arith.cmpi ne, %convert_element_type3A_118, %cond3A_119 : i32
    scf.if %cond3A_120 {
      %dma_start3A = arith.constant 1 : i32
      %dma_start3A_186 = arith.constant 1 : i32
      %dma_start3A_187 = arith.constant 0 : i32
      %dma_start3A_188 = arith.constant 0 : i32
      %dma_start3A_189 = tpu.memref_slice %arg9[%dma_start3A, %dma_start3A_187, %dma_start3A_188] : memref<4x80x128xf32, #tpu.memory_space<vmem>> -> memref<1x80x128xf32, #tpu.memory_space<vmem>>
      %dma_start3A_190 = tpu.memref_squeeze %dma_start3A_189 : memref<1x80x128xf32, #tpu.memory_space<vmem>> -> memref<80x128xf32, #tpu.memory_space<vmem>>
      %dma_start3A_191 = arith.constant 80 : i32
      %dma_start3A_192 = tpu.memref_slice %arg7[%dma_start3A_191] : memref<20160xi32, #tpu.memory_space<vmem>> -> memref<80xi32, #tpu.memory_space<vmem>>
      %dma_start3A_193 = arith.constant 0 : i32
      %dma_start3A_194 = arith.constant 0 : i32
      %dma_start3A_195 = tpu.memref_slice %arg2[%dma_start3A_193, %dma_start3A_194] : memref<20000x128xf32, #tpu.memory_space<hbm>> -> memref<10000x128xf32, #tpu.memory_space<hbm>>
      %dma_start3A_196 = arith.constant 0 : i32
      %dma_start3A_197 = arith.constant 0 : i32
      %dma_start3A_198 = tpu.memref_slice %dma_start3A_195[%dma_start3A_196, %dma_start3A_197] : memref<10000x128xf32, #tpu.memory_space<hbm>> -> memref<10000x128xf32, #tpu.memory_space<hbm>>
      %dma_start3A_199 = tpu.memref_slice %arg11[%dma_start3A_186] : memref<4x!tpu.dma_semaphore, #tpu.memory_space<semaphore_mem>> -> memref<1x!tpu.dma_semaphore, #tpu.memory_space<semaphore_mem>>
      %dma_start3A_200 = tpu.memref_squeeze %dma_start3A_199 : memref<1x!tpu.dma_semaphore, #tpu.memory_space<semaphore_mem>> -> memref<!tpu.dma_semaphore, #tpu.memory_space<semaphore_mem>>
      tpu.enqueue_indirect_dma source(%dma_start3A_198 : memref<10000x128xf32, #tpu.memory_space<hbm>>) target(%dma_start3A_190 : memref<80x128xf32, #tpu.memory_space<vmem>>) offsets(%dma_start3A_192 : memref<80xi32, #tpu.memory_space<vmem>>) semaphore(%dma_start3A_200 : memref<!tpu.dma_semaphore, #tpu.memory_space<semaphore_mem>>)
    } else {
    }
    %scan3A_121 = arith.constant 0 : i32
    %scan3A_122 = arith.constant 63 : i32
    %scan3A_123 = arith.addi %scan3A_121, %scan3A_122 : i32
    %scan3A_124 = arith.constant 1 : i32
    scf.for %scan3A_186 = %scan3A_121 to %scan3A_123 step %scan3A_124  : i32 {
      %mul3A_187 = arith.constant 4 : i32
      %mul3A_188 = arith.muli %scan3A_186, %mul3A_187 : i32
      %add3A_189 = arith.constant 0 : i32
      %add3A_190 = arith.addi %add3A_189, %mul3A_188 : i32
      %add3A_191 = arith.constant 0 : i32
      %add3A_192 = arith.addi %add3A_190, %add3A_191 : i32
      %lt3A = arith.cmpi slt, %add3A_192, %mul3A_110 : i32
      %convert_element_type3A_193 = arith.extui %lt3A : i1 to i32
      %cond3A_194 = arith.constant 0 : i32
      %cond3A_195 = arith.cmpi ne, %convert_element_type3A_193, %cond3A_194 : i32
      scf.if %cond3A_195 {
        %mul3A_274 = arith.constant 80 : i32
        %mul3A_275 = arith.muli %add3A_192, %mul3A_274 : i32
        %dma_wait3A = arith.constant 0 : i32
        %dma_wait3A_276 = arith.constant 0 : i32
        %dma_wait3A_277 = arith.constant 0 : i32
        %dma_wait3A_278 = arith.constant 0 : i32
        %dma_wait3A_279 = tpu.memref_slice %arg9[%dma_wait3A, %dma_wait3A_277, %dma_wait3A_278] : memref<4x80x128xf32, #tpu.memory_space<vmem>> -> memref<1x80x128xf32, #tpu.memory_space<vmem>>
        %dma_wait3A_280 = tpu.memref_squeeze %dma_wait3A_279 : memref<1x80x128xf32, #tpu.memory_space<vmem>> -> memref<80x128xf32, #tpu.memory_space<vmem>>
        %dma_wait3A_281 = tpu.memref_slice %arg7[%mul3A_275] : memref<20160xi32, #tpu.memory_space<vmem>> -> memref<80xi32, #tpu.memory_space<vmem>>
        %dma_wait3A_282 = arith.constant 0 : i32
        %dma_wait3A_283 = arith.constant 0 : i32
        %dma_wait3A_284 = tpu.memref_slice %arg2[%dma_wait3A_282, %dma_wait3A_283] : memref<20000x128xf32, #tpu.memory_space<hbm>> -> memref<10000x128xf32, #tpu.memory_space<hbm>>
        %dma_wait3A_285 = arith.constant 0 : i32
        %dma_wait3A_286 = arith.constant 0 : i32
        %dma_wait3A_287 = tpu.memref_slice %dma_wait3A_284[%dma_wait3A_285, %dma_wait3A_286] : memref<10000x128xf32, #tpu.memory_space<hbm>> -> memref<10000x128xf32, #tpu.memory_space<hbm>>
        %dma_wait3A_288 = tpu.memref_slice %arg11[%dma_wait3A_276] : memref<4x!tpu.dma_semaphore, #tpu.memory_space<semaphore_mem>> -> memref<1x!tpu.dma_semaphore, #tpu.memory_space<semaphore_mem>>
        %dma_wait3A_289 = tpu.memref_squeeze %dma_wait3A_288 : memref<1x!tpu.dma_semaphore, #tpu.memory_space<semaphore_mem>> -> memref<!tpu.dma_semaphore, #tpu.memory_space<semaphore_mem>>
        tpu.wait_indirect_dma semaphore(%dma_wait3A_289 : memref<!tpu.dma_semaphore, #tpu.memory_space<semaphore_mem>>) src(%dma_wait3A_287 : memref<10000x128xf32, #tpu.memory_space<hbm>>) dst(%dma_wait3A_280 : memref<80x128xf32, #tpu.memory_space<vmem>>)
        %mul3A_290 = arith.constant 80 : i32
        %mul3A_291 = arith.muli %add3A_192, %mul3A_290 : i32
        %add3A_292 = arith.constant 0 : i32
        %add3A_293 = arith.addi %mul3A_291, %add3A_292 : i32
        %get3A = arith.index_cast %add3A_293 : i32 to index
        %get3A_294 = tpu.vector_load %arg8[%get3A] {strides = array<i32>} : memref<20160xi32, #tpu.memory_space<vmem>>, vector<16xi32>,
        %dma_start3A = arith.constant 0 : i32
        %dma_start3A_295 = arith.constant 0 : i32
        %dma_start3A_296 = arith.constant 0 : i32
        %dma_start3A_297 = arith.constant 0 : i32
        %dma_start3A_298 = tpu.memref_slice %arg9[%dma_start3A, %dma_start3A_296, %dma_start3A_297] : memref<4x80x128xf32, #tpu.memory_space<vmem>> -> memref<1x80x128xf32, #tpu.memory_space<vmem>>
        %dma_start3A_299 = tpu.memref_squeeze %dma_start3A_298 : memref<1x80x128xf32, #tpu.memory_space<vmem>> -> memref<80x128xf32, #tpu.memory_space<vmem>>
        %dma_start3A_300 = arith.constant 0 : i32
        %dma_start3A_301 = arith.constant 0 : i32
        %dma_start3A_302 = tpu.memref_slice %dma_start3A_299[%dma_start3A_300, %dma_start3A_301] : memref<80x128xf32, #tpu.memory_space<vmem>> -> memref<16x128xf32, #tpu.memory_space<vmem>>
        %dma_start3A_303 = arith.constant 0 : i32
        %dma_start3A_304 = arith.constant 0 : i32
        %dma_start3A_305 = tpu.memref_slice %arg10[%dma_start3A_303, %dma_start3A_304] : memref<5008x128xf32, #tpu.memory_space<vmem_shared>> -> memref<5008x128xf32, #tpu.memory_space<vmem_shared>>
        %dma_start3A_306 = tpu.memref_slice %arg12[%dma_start3A_295] : memref<4x!tpu.dma_semaphore, #tpu.memory_space<semaphore_mem>> -> memref<1x!tpu.dma_semaphore, #tpu.memory_space<semaphore_mem>>
        %dma_start3A_307 = tpu.memref_squeeze %dma_start3A_306 : memref<1x!tpu.dma_semaphore, #tpu.memory_space<semaphore_mem>> -> memref<!tpu.dma_semaphore, #tpu.memory_space<semaphore_mem>>
        tpu.enqueue_indirect_dma source(%dma_start3A_302 : memref<16x128xf32, #tpu.memory_space<vmem>>) target(%dma_start3A_305 : memref<5008x128xf32, #tpu.memory_space<vmem_shared>>) offsets(%get3A_294 : vector<16xi32>) semaphore(%dma_start3A_307 : memref<!tpu.dma_semaphore, #tpu.memory_space<semaphore_mem>>) {add = true}
        %mul3A_308 = arith.constant 80 : i32
        %mul3A_309 = arith.muli %add3A_192, %mul3A_308 : i32
        %add3A_310 = arith.constant 16 : i32
        %add3A_311 = arith.addi %mul3A_309, %add3A_310 : i32
        %get3A_312 = arith.index_cast %add3A_311 : i32 to index
        %get3A_313 = tpu.vector_load %arg8[%get3A_312] {strides = array<i32>} : memref<20160xi32, #tpu.memory_space<vmem>>, vector<16xi32>,
        %dma_start3A_314 = arith.constant 0 : i32
        %dma_start3A_315 = arith.constant 0 : i32
        %dma_start3A_316 = arith.constant 0 : i32
        %dma_start3A_317 = arith.constant 0 : i32
        %dma_start3A_318 = tpu.memref_slice %arg9[%dma_start3A_314, %dma_start3A_316, %dma_start3A_317] : memref<4x80x128xf32, #tpu.memory_space<vmem>> -> memref<1x80x128xf32, #tpu.memory_space<vmem>>
        %dma_start3A_319 = tpu.memref_squeeze %dma_start3A_318 : memref<1x80x128xf32, #tpu.memory_space<vmem>> -> memref<80x128xf32, #tpu.memory_space<vmem>>
        %dma_start3A_320 = arith.constant 16 : i32
        %dma_start3A_321 = arith.constant 0 : i32
        %dma_start3A_322 = tpu.memref_slice %dma_start3A_319[%dma_start3A_320, %dma_start3A_321] : memref<80x128xf32, #tpu.memory_space<vmem>> -> memref<16x128xf32, #tpu.memory_space<vmem>>
        %dma_start3A_323 = arith.constant 0 : i32
        %dma_start3A_324 = arith.constant 0 : i32
        %dma_start3A_325 = tpu.memref_slice %arg10[%dma_start3A_323, %dma_start3A_324] : memref<5008x128xf32, #tpu.memory_space<vmem_shared>> -> memref<5008x128xf32, #tpu.memory_space<vmem_shared>>
        %dma_start3A_326 = tpu.memref_slice %arg12[%dma_start3A_315] : memref<4x!tpu.dma_semaphore, #tpu.memory_space<semaphore_mem>> -> memref<1x!tpu.dma_semaphore, #tpu.memory_space<semaphore_mem>>
        %dma_start3A_327 = tpu.memref_squeeze %dma_start3A_326 : memref<1x!tpu.dma_semaphore, #tpu.memory_space<semaphore_mem>> -> memref<!tpu.dma_semaphore, #tpu.memory_space<semaphore_mem>>
        tpu.enqueue_indirect_dma source(%dma_start3A_322 : memref<16x128xf32, #tpu.memory_space<vmem>>) target(%dma_start3A_325 : memref<5008x128xf32, #tpu.memory_space<vmem_shared>>) offsets(%get3A_313 : vector<16xi32>) semaphore(%dma_start3A_327 : memref<!tpu.dma_semaphore, #tpu.memory_space<semaphore_mem>>) {add = true}
        %mul3A_328 = arith.constant 80 : i32
        %mul3A_329 = arith.muli %add3A_192, %mul3A_328 : i32
        %add3A_330 = arith.constant 32 : i32
        %add3A_331 = arith.addi %mul3A_329, %add3A_330 : i32
        %get3A_332 = arith.index_cast %add3A_331 : i32 to index
        %get3A_333 = tpu.vector_load %arg8[%get3A_332] {strides = array<i32>} : memref<20160xi32, #tpu.memory_space<vmem>>, vector<16xi32>,
        %dma_start3A_334 = arith.constant 0 : i32
        %dma_start3A_335 = arith.constant 0 : i32
        %dma_start3A_336 = arith.constant 0 : i32
        %dma_start3A_337 = arith.constant 0 : i32
        %dma_start3A_338 = tpu.memref_slice %arg9[%dma_start3A_334, %dma_start3A_336, %dma_start3A_337] : memref<4x80x128xf32, #tpu.memory_space<vmem>> -> memref<1x80x128xf32, #tpu.memory_space<vmem>>
        %dma_start3A_339 = tpu.memref_squeeze %dma_start3A_338 : memref<1x80x128xf32, #tpu.memory_space<vmem>> -> memref<80x128xf32, #tpu.memory_space<vmem>>
        %dma_start3A_340 = arith.constant 32 : i32
        %dma_start3A_341 = arith.constant 0 : i32
        %dma_start3A_342 = tpu.memref_slice %dma_start3A_339[%dma_start3A_340, %dma_start3A_341] : memref<80x128xf32, #tpu.memory_space<vmem>> -> memref<16x128xf32, #tpu.memory_space<vmem>>
        %dma_start3A_343 = arith.constant 0 : i32
        %dma_start3A_344 = arith.constant 0 : i32
        %dma_start3A_345 = tpu.memref_slice %arg10[%dma_start3A_343, %dma_start3A_344] : memref<5008x128xf32, #tpu.memory_space<vmem_shared>> -> memref<5008x128xf32, #tpu.memory_space<vmem_shared>>
        %dma_start3A_346 = tpu.memref_slice %arg12[%dma_start3A_335] : memref<4x!tpu.dma_semaphore, #tpu.memory_space<semaphore_mem>> -> memref<1x!tpu.dma_semaphore, #tpu.memory_space<semaphore_mem>>
        %dma_start3A_347 = tpu.memref_squeeze %dma_start3A_346 : memref<1x!tpu.dma_semaphore, #tpu.memory_space<semaphore_mem>> -> memref<!tpu.dma_semaphore, #tpu.memory_space<semaphore_mem>>
        tpu.enqueue_indirect_dma source(%dma_start3A_342 : memref<16x128xf32, #tpu.memory_space<vmem>>) target(%dma_start3A_345 : memref<5008x128xf32, #tpu.memory_space<vmem_shared>>) offsets(%get3A_333 : vector<16xi32>) semaphore(%dma_start3A_347 : memref<!tpu.dma_semaphore, #tpu.memory_space<semaphore_mem>>) {add = true}
        %mul3A_348 = arith.constant 80 : i32
        %mul3A_349 = arith.muli %add3A_192, %mul3A_348 : i32
        %add3A_350 = arith.constant 48 : i32
        %add3A_351 = arith.addi %mul3A_349, %add3A_350 : i32
        %get3A_352 = arith.index_cast %add3A_351 : i32 to index
        %get3A_353 = tpu.vector_load %arg8[%get3A_352] {strides = array<i32>} : memref<20160xi32, #tpu.memory_space<vmem>>, vector<16xi32>,
        %dma_start3A_354 = arith.constant 0 : i32
        %dma_start3A_355 = arith.constant 0 : i32
        %dma_start3A_356 = arith.constant 0 : i32
        %dma_start3A_357 = arith.constant 0 : i32
        %dma_start3A_358 = tpu.memref_slice %arg9[%dma_start3A_354, %dma_start3A_356, %dma_start3A_357] : memref<4x80x128xf32, #tpu.memory_space<vmem>> -> memref<1x80x128xf32, #tpu.memory_space<vmem>>
        %dma_start3A_359 = tpu.memref_squeeze %dma_start3A_358 : memref<1x80x128xf32, #tpu.memory_space<vmem>> -> memref<80x128xf32, #tpu.memory_space<vmem>>
        %dma_start3A_360 = arith.constant 48 : i32
        %dma_start3A_361 = arith.constant 0 : i32
        %dma_start3A_362 = tpu.memref_slice %dma_start3A_359[%dma_start3A_360, %dma_start3A_361] : memref<80x128xf32, #tpu.memory_space<vmem>> -> memref<16x128xf32, #tpu.memory_space<vmem>>
        %dma_start3A_363 = arith.constant 0 : i32
        %dma_start3A_364 = arith.constant 0 : i32
        %dma_start3A_365 = tpu.memref_slice %arg10[%dma_start3A_363, %dma_start3A_364] : memref<5008x128xf32, #tpu.memory_space<vmem_shared>> -> memref<5008x128xf32, #tpu.memory_space<vmem_shared>>
        %dma_start3A_366 = tpu.memref_slice %arg12[%dma_start3A_355] : memref<4x!tpu.dma_semaphore, #tpu.memory_space<semaphore_mem>> -> memref<1x!tpu.dma_semaphore, #tpu.memory_space<semaphore_mem>>
        %dma_start3A_367 = tpu.memref_squeeze %dma_start3A_366 : memref<1x!tpu.dma_semaphore, #tpu.memory_space<semaphore_mem>> -> memref<!tpu.dma_semaphore, #tpu.memory_space<semaphore_mem>>
        tpu.enqueue_indirect_dma source(%dma_start3A_362 : memref<16x128xf32, #tpu.memory_space<vmem>>) target(%dma_start3A_365 : memref<5008x128xf32, #tpu.memory_space<vmem_shared>>) offsets(%get3A_353 : vector<16xi32>) semaphore(%dma_start3A_367 : memref<!tpu.dma_semaphore, #tpu.memory_space<semaphore_mem>>) {add = true}
        %mul3A_368 = arith.constant 80 : i32
        %mul3A_369 = arith.muli %add3A_192, %mul3A_368 : i32
        %add3A_370 = arith.constant 64 : i32
        %add3A_371 = arith.addi %mul3A_369, %add3A_370 : i32
        %get3A_372 = arith.index_cast %add3A_371 : i32 to index
        %get3A_373 = tpu.vector_load %arg8[%get3A_372] {strides = array<i32>} : memref<20160xi32, #tpu.memory_space<vmem>>, vector<16xi32>,
        %dma_start3A_374 = arith.constant 0 : i32
        %dma_start3A_375 = arith.constant 0 : i32
        %dma_start3A_376 = arith.constant 0 : i32
        %dma_start3A_377 = arith.constant 0 : i32
        %dma_start3A_378 = tpu.memref_slice %arg9[%dma_start3A_374, %dma_start3A_376, %dma_start3A_377] : memref<4x80x128xf32, #tpu.memory_space<vmem>> -> memref<1x80x128xf32, #tpu.memory_space<vmem>>
        %dma_start3A_379 = tpu.memref_squeeze %dma_start3A_378 : memref<1x80x128xf32, #tpu.memory_space<vmem>> -> memref<80x128xf32, #tpu.memory_space<vmem>>
        %dma_start3A_380 = arith.constant 64 : i32
        %dma_start3A_381 = arith.constant 0 : i32
        %dma_start3A_382 = tpu.memref_slice %dma_start3A_379[%dma_start3A_380, %dma_start3A_381] : memref<80x128xf32, #tpu.memory_space<vmem>> -> memref<16x128xf32, #tpu.memory_space<vmem>>
        %dma_start3A_383 = arith.constant 0 : i32
        %dma_start3A_384 = arith.constant 0 : i32
        %dma_start3A_385 = tpu.memref_slice %arg10[%dma_start3A_383, %dma_start3A_384] : memref<5008x128xf32, #tpu.memory_space<vmem_shared>> -> memref<5008x128xf32, #tpu.memory_space<vmem_shared>>
        %dma_start3A_386 = tpu.memref_slice %arg12[%dma_start3A_375] : memref<4x!tpu.dma_semaphore, #tpu.memory_space<semaphore_mem>> -> memref<1x!tpu.dma_semaphore, #tpu.memory_space<semaphore_mem>>
        %dma_start3A_387 = tpu.memref_squeeze %dma_start3A_386 : memref<1x!tpu.dma_semaphore, #tpu.memory_space<semaphore_mem>> -> memref<!tpu.dma_semaphore, #tpu.memory_space<semaphore_mem>>
        tpu.enqueue_indirect_dma source(%dma_start3A_382 : memref<16x128xf32, #tpu.memory_space<vmem>>) target(%dma_start3A_385 : memref<5008x128xf32, #tpu.memory_space<vmem_shared>>) offsets(%get3A_373 : vector<16xi32>) semaphore(%dma_start3A_387 : memref<!tpu.dma_semaphore, #tpu.memory_space<semaphore_mem>>) {add = true}
      } else {
      }
      %ge3A_196 = arith.constant 2 : i32
      %ge3A_197 = arith.cmpi sge, %add3A_192, %ge3A_196 : i32
      %sub3A_198 = arith.constant 2 : i32
      %sub3A_199 = arith.subi %add3A_192, %sub3A_198 : i32
      %lt3A_200 = arith.cmpi slt, %sub3A_199, %mul3A_110 : i32
      %and3A_201 = arith.andi %ge3A_197, %lt3A_200 : i1
      %convert_element_type3A_202 = arith.extui %and3A_201 : i1 to i32
      %cond3A_203 = arith.constant 0 : i32
      %cond3A_204 = arith.cmpi ne, %convert_element_type3A_202, %cond3A_203 : i32
      scf.if %cond3A_204 {
        %sub3A_274 = arith.constant 2 : i32
        %sub3A_275 = arith.subi %add3A_192, %sub3A_274 : i32
        %dma_wait3A = arith.constant 2 : i32
        %dma_wait3A_276 = arith.constant 2 : i32
        %dma_wait3A_277 = arith.constant 0 : i32
        %dma_wait3A_278 = arith.constant 0 : i32
        %dma_wait3A_279 = tpu.memref_slice %arg9[%dma_wait3A, %dma_wait3A_277, %dma_wait3A_278] : memref<4x80x128xf32, #tpu.memory_space<vmem>> -> memref<1x80x128xf32, #tpu.memory_space<vmem>>
        %dma_wait3A_280 = tpu.memref_squeeze %dma_wait3A_279 : memref<1x80x128xf32, #tpu.memory_space<vmem>> -> memref<80x128xf32, #tpu.memory_space<vmem>>
        %dma_wait3A_281 = arith.constant 0 : i32
        %dma_wait3A_282 = arith.constant 0 : i32
        %dma_wait3A_283 = tpu.memref_slice %arg2[%dma_wait3A_281, %dma_wait3A_282] : memref<20000x128xf32, #tpu.memory_space<hbm>> -> memref<80x128xf32, #tpu.memory_space<hbm>>
        %dma_wait3A_284 = tpu.memref_slice %arg12[%dma_wait3A_276] : memref<4x!tpu.dma_semaphore, #tpu.memory_space<semaphore_mem>> -> memref<1x!tpu.dma_semaphore, #tpu.memory_space<semaphore_mem>>
        %dma_wait3A_285 = tpu.memref_squeeze %dma_wait3A_284 : memref<1x!tpu.dma_semaphore, #tpu.memory_space<semaphore_mem>> -> memref<!tpu.dma_semaphore, #tpu.memory_space<semaphore_mem>>
        %dma_wait3A_286 = arith.constant 0 : i32
        %dma_wait3A_287 = arith.constant 0 : i32
        %dma_wait3A_288 = tpu.memref_slice %arg9[%dma_wait3A, %dma_wait3A_286, %dma_wait3A_287] : memref<4x80x128xf32, #tpu.memory_space<vmem>> -> memref<1x80x128xf32, #tpu.memory_space<vmem>>
        %dma_wait3A_289 = tpu.memref_squeeze %dma_wait3A_288 : memref<1x80x128xf32, #tpu.memory_space<vmem>> -> memref<80x128xf32, #tpu.memory_space<vmem>>
        %dma_wait3A_290 = arith.constant 0 : i32
        %dma_wait3A_291 = arith.constant 0 : i32
        %dma_wait3A_292 = tpu.memref_slice %arg2[%dma_wait3A_290, %dma_wait3A_291] : memref<20000x128xf32, #tpu.memory_space<hbm>> -> memref<80x128xf32, #tpu.memory_space<hbm>>
        tpu.wait_dma2 semaphore(%dma_wait3A_285 : memref<!tpu.dma_semaphore, #tpu.memory_space<semaphore_mem>>) src(%dma_wait3A_292 : memref<80x128xf32, #tpu.memory_space<hbm>>) dst(%dma_wait3A_289 : memref<80x128xf32, #tpu.memory_space<vmem>>)
      } else {
      }
      %add3A_205 = arith.constant 2 : i32
      %add3A_206 = arith.addi %add3A_192, %add3A_205 : i32
      %lt3A_207 = arith.cmpi slt, %add3A_206, %mul3A_110 : i32
      %convert_element_type3A_208 = arith.extui %lt3A_207 : i1 to i32
      %cond3A_209 = arith.constant 0 : i32
      %cond3A_210 = arith.cmpi ne, %convert_element_type3A_208, %cond3A_209 : i32
      scf.if %cond3A_210 {
        %add3A_274 = arith.constant 2 : i32
        %add3A_275 = arith.addi %add3A_192, %add3A_274 : i32
        %mul3A_276 = arith.constant 80 : i32
        %mul3A_277 = arith.muli %add3A_275, %mul3A_276 : i32
        %dma_start3A = arith.constant 2 : i32
        %dma_start3A_278 = arith.constant 2 : i32
        %dma_start3A_279 = arith.constant 0 : i32
        %dma_start3A_280 = arith.constant 0 : i32
        %dma_start3A_281 = tpu.memref_slice %arg9[%dma_start3A, %dma_start3A_279, %dma_start3A_280] : memref<4x80x128xf32, #tpu.memory_space<vmem>> -> memref<1x80x128xf32, #tpu.memory_space<vmem>>
        %dma_start3A_282 = tpu.memref_squeeze %dma_start3A_281 : memref<1x80x128xf32, #tpu.memory_space<vmem>> -> memref<80x128xf32, #tpu.memory_space<vmem>>
        %dma_start3A_283 = tpu.memref_slice %arg7[%mul3A_277] : memref<20160xi32, #tpu.memory_space<vmem>> -> memref<80xi32, #tpu.memory_space<vmem>>
        %dma_start3A_284 = arith.constant 0 : i32
        %dma_start3A_285 = arith.constant 0 : i32
        %dma_start3A_286 = tpu.memref_slice %arg2[%dma_start3A_284, %dma_start3A_285] : memref<20000x128xf32, #tpu.memory_space<hbm>> -> memref<10000x128xf32, #tpu.memory_space<hbm>>
        %dma_start3A_287 = arith.constant 0 : i32
        %dma_start3A_288 = arith.constant 0 : i32
        %dma_start3A_289 = tpu.memref_slice %dma_start3A_286[%dma_start3A_287, %dma_start3A_288] : memref<10000x128xf32, #tpu.memory_space<hbm>> -> memref<10000x128xf32, #tpu.memory_space<hbm>>
        %dma_start3A_290 = tpu.memref_slice %arg11[%dma_start3A_278] : memref<4x!tpu.dma_semaphore, #tpu.memory_space<semaphore_mem>> -> memref<1x!tpu.dma_semaphore, #tpu.memory_space<semaphore_mem>>
        %dma_start3A_291 = tpu.memref_squeeze %dma_start3A_290 : memref<1x!tpu.dma_semaphore, #tpu.memory_space<semaphore_mem>> -> memref<!tpu.dma_semaphore, #tpu.memory_space<semaphore_mem>>
        tpu.enqueue_indirect_dma source(%dma_start3A_289 : memref<10000x128xf32, #tpu.memory_space<hbm>>) target(%dma_start3A_282 : memref<80x128xf32, #tpu.memory_space<vmem>>) offsets(%dma_start3A_283 : memref<80xi32, #tpu.memory_space<vmem>>) semaphore(%dma_start3A_291 : memref<!tpu.dma_semaphore, #tpu.memory_space<semaphore_mem>>)
      } else {
      }
      %add3A_211 = arith.constant 1 : i32
      %add3A_212 = arith.addi %add3A_190, %add3A_211 : i32
      %lt3A_213 = arith.cmpi slt, %add3A_212, %mul3A_110 : i32
      %convert_element_type3A_214 = arith.extui %lt3A_213 : i1 to i32
      %cond3A_215 = arith.constant 0 : i32
      %cond3A_216 = arith.cmpi ne, %convert_element_type3A_214, %cond3A_215 : i32
      scf.if %cond3A_216 {
        %mul3A_274 = arith.constant 80 : i32
        %mul3A_275 = arith.muli %add3A_212, %mul3A_274 : i32
        %dma_wait3A = arith.constant 1 : i32
        %dma_wait3A_276 = arith.constant 1 : i32
        %dma_wait3A_277 = arith.constant 0 : i32
        %dma_wait3A_278 = arith.constant 0 : i32
        %dma_wait3A_279 = tpu.memref_slice %arg9[%dma_wait3A, %dma_wait3A_277, %dma_wait3A_278] : memref<4x80x128xf32, #tpu.memory_space<vmem>> -> memref<1x80x128xf32, #tpu.memory_space<vmem>>
        %dma_wait3A_280 = tpu.memref_squeeze %dma_wait3A_279 : memref<1x80x128xf32, #tpu.memory_space<vmem>> -> memref<80x128xf32, #tpu.memory_space<vmem>>
        %dma_wait3A_281 = tpu.memref_slice %arg7[%mul3A_275] : memref<20160xi32, #tpu.memory_space<vmem>> -> memref<80xi32, #tpu.memory_space<vmem>>
        %dma_wait3A_282 = arith.constant 0 : i32
        %dma_wait3A_283 = arith.constant 0 : i32
        %dma_wait3A_284 = tpu.memref_slice %arg2[%dma_wait3A_282, %dma_wait3A_283] : memref<20000x128xf32, #tpu.memory_space<hbm>> -> memref<10000x128xf32, #tpu.memory_space<hbm>>
        %dma_wait3A_285 = arith.constant 0 : i32
        %dma_wait3A_286 = arith.constant 0 : i32
        %dma_wait3A_287 = tpu.memref_slice %dma_wait3A_284[%dma_wait3A_285, %dma_wait3A_286] : memref<10000x128xf32, #tpu.memory_space<hbm>> -> memref<10000x128xf32, #tpu.memory_space<hbm>>
        %dma_wait3A_288 = tpu.memref_slice %arg11[%dma_wait3A_276] : memref<4x!tpu.dma_semaphore, #tpu.memory_space<semaphore_mem>> -> memref<1x!tpu.dma_semaphore, #tpu.memory_space<semaphore_mem>>
        %dma_wait3A_289 = tpu.memref_squeeze %dma_wait3A_288 : memref<1x!tpu.dma_semaphore, #tpu.memory_space<semaphore_mem>> -> memref<!tpu.dma_semaphore, #tpu.memory_space<semaphore_mem>>
        tpu.wait_indirect_dma semaphore(%dma_wait3A_289 : memref<!tpu.dma_semaphore, #tpu.memory_space<semaphore_mem>>) src(%dma_wait3A_287 : memref<10000x128xf32, #tpu.memory_space<hbm>>) dst(%dma_wait3A_280 : memref<80x128xf32, #tpu.memory_space<vmem>>)
        %mul3A_290 = arith.constant 80 : i32
        %mul3A_291 = arith.muli %add3A_212, %mul3A_290 : i32
        %add3A_292 = arith.constant 0 : i32
        %add3A_293 = arith.addi %mul3A_291, %add3A_292 : i32
        %get3A = arith.index_cast %add3A_293 : i32 to index
        %get3A_294 = tpu.vector_load %arg8[%get3A] {strides = array<i32>} : memref<20160xi32, #tpu.memory_space<vmem>>, vector<16xi32>,
        %dma_start3A = arith.constant 1 : i32
        %dma_start3A_295 = arith.constant 1 : i32
        %dma_start3A_296 = arith.constant 0 : i32
        %dma_start3A_297 = arith.constant 0 : i32
        %dma_start3A_298 = tpu.memref_slice %arg9[%dma_start3A, %dma_start3A_296, %dma_start3A_297] : memref<4x80x128xf32, #tpu.memory_space<vmem>> -> memref<1x80x128xf32, #tpu.memory_space<vmem>>
        %dma_start3A_299 = tpu.memref_squeeze %dma_start3A_298 : memref<1x80x128xf32, #tpu.memory_space<vmem>> -> memref<80x128xf32, #tpu.memory_space<vmem>>
        %dma_start3A_300 = arith.constant 0 : i32
        %dma_start3A_301 = arith.constant 0 : i32
        %dma_start3A_302 = tpu.memref_slice %dma_start3A_299[%dma_start3A_300, %dma_start3A_301] : memref<80x128xf32, #tpu.memory_space<vmem>> -> memref<16x128xf32, #tpu.memory_space<vmem>>
        %dma_start3A_303 = arith.constant 0 : i32
        %dma_start3A_304 = arith.constant 0 : i32
        %dma_start3A_305 = tpu.memref_slice %arg10[%dma_start3A_303, %dma_start3A_304] : memref<5008x128xf32, #tpu.memory_space<vmem_shared>> -> memref<5008x128xf32, #tpu.memory_space<vmem_shared>>
        %dma_start3A_306 = tpu.memref_slice %arg12[%dma_start3A_295] : memref<4x!tpu.dma_semaphore, #tpu.memory_space<semaphore_mem>> -> memref<1x!tpu.dma_semaphore, #tpu.memory_space<semaphore_mem>>
        %dma_start3A_307 = tpu.memref_squeeze %dma_start3A_306 : memref<1x!tpu.dma_semaphore, #tpu.memory_space<semaphore_mem>> -> memref<!tpu.dma_semaphore, #tpu.memory_space<semaphore_mem>>
        tpu.enqueue_indirect_dma source(%dma_start3A_302 : memref<16x128xf32, #tpu.memory_space<vmem>>) target(%dma_start3A_305 : memref<5008x128xf32, #tpu.memory_space<vmem_shared>>) offsets(%get3A_294 : vector<16xi32>) semaphore(%dma_start3A_307 : memref<!tpu.dma_semaphore, #tpu.memory_space<semaphore_mem>>) {add = true}
        %mul3A_308 = arith.constant 80 : i32
        %mul3A_309 = arith.muli %add3A_212, %mul3A_308 : i32
        %add3A_310 = arith.constant 16 : i32
        %add3A_311 = arith.addi %mul3A_309, %add3A_310 : i32
        %get3A_312 = arith.index_cast %add3A_311 : i32 to index
        %get3A_313 = tpu.vector_load %arg8[%get3A_312] {strides = array<i32>} : memref<20160xi32, #tpu.memory_space<vmem>>, vector<16xi32>,
        %dma_start3A_314 = arith.constant 1 : i32
        %dma_start3A_315 = arith.constant 1 : i32
        %dma_start3A_316 = arith.constant 0 : i32
        %dma_start3A_317 = arith.constant 0 : i32
        %dma_start3A_318 = tpu.memref_slice %arg9[%dma_start3A_314, %dma_start3A_316, %dma_start3A_317] : memref<4x80x128xf32, #tpu.memory_space<vmem>> -> memref<1x80x128xf32, #tpu.memory_space<vmem>>
        %dma_start3A_319 = tpu.memref_squeeze %dma_start3A_318 : memref<1x80x128xf32, #tpu.memory_space<vmem>> -> memref<80x128xf32, #tpu.memory_space<vmem>>
        %dma_start3A_320 = arith.constant 16 : i32
        %dma_start3A_321 = arith.constant 0 : i32
        %dma_start3A_322 = tpu.memref_slice %dma_start3A_319[%dma_start3A_320, %dma_start3A_321] : memref<80x128xf32, #tpu.memory_space<vmem>> -> memref<16x128xf32, #tpu.memory_space<vmem>>
        %dma_start3A_323 = arith.constant 0 : i32
        %dma_start3A_324 = arith.constant 0 : i32
        %dma_start3A_325 = tpu.memref_slice %arg10[%dma_start3A_323, %dma_start3A_324] : memref<5008x128xf32, #tpu.memory_space<vmem_shared>> -> memref<5008x128xf32, #tpu.memory_space<vmem_shared>>
        %dma_start3A_326 = tpu.memref_slice %arg12[%dma_start3A_315] : memref<4x!tpu.dma_semaphore, #tpu.memory_space<semaphore_mem>> -> memref<1x!tpu.dma_semaphore, #tpu.memory_space<semaphore_mem>>
        %dma_start3A_327 = tpu.memref_squeeze %dma_start3A_326 : memref<1x!tpu.dma_semaphore, #tpu.memory_space<semaphore_mem>> -> memref<!tpu.dma_semaphore, #tpu.memory_space<semaphore_mem>>
        tpu.enqueue_indirect_dma source(%dma_start3A_322 : memref<16x128xf32, #tpu.memory_space<vmem>>) target(%dma_start3A_325 : memref<5008x128xf32, #tpu.memory_space<vmem_shared>>) offsets(%get3A_313 : vector<16xi32>) semaphore(%dma_start3A_327 : memref<!tpu.dma_semaphore, #tpu.memory_space<semaphore_mem>>) {add = true}
        %mul3A_328 = arith.constant 80 : i32
        %mul3A_329 = arith.muli %add3A_212, %mul3A_328 : i32
        %add3A_330 = arith.constant 32 : i32
        %add3A_331 = arith.addi %mul3A_329, %add3A_330 : i32
        %get3A_332 = arith.index_cast %add3A_331 : i32 to index
        %get3A_333 = tpu.vector_load %arg8[%get3A_332] {strides = array<i32>} : memref<20160xi32, #tpu.memory_space<vmem>>, vector<16xi32>,
        %dma_start3A_334 = arith.constant 1 : i32
        %dma_start3A_335 = arith.constant 1 : i32
        %dma_start3A_336 = arith.constant 0 : i32
        %dma_start3A_337 = arith.constant 0 : i32
        %dma_start3A_338 = tpu.memref_slice %arg9[%dma_start3A_334, %dma_start3A_336, %dma_start3A_337] : memref<4x80x128xf32, #tpu.memory_space<vmem>> -> memref<1x80x128xf32, #tpu.memory_space<vmem>>
        %dma_start3A_339 = tpu.memref_squeeze %dma_start3A_338 : memref<1x80x128xf32, #tpu.memory_space<vmem>> -> memref<80x128xf32, #tpu.memory_space<vmem>>
        %dma_start3A_340 = arith.constant 32 : i32
        %dma_start3A_341 = arith.constant 0 : i32
        %dma_start3A_342 = tpu.memref_slice %dma_start3A_339[%dma_start3A_340, %dma_start3A_341] : memref<80x128xf32, #tpu.memory_space<vmem>> -> memref<16x128xf32, #tpu.memory_space<vmem>>
        %dma_start3A_343 = arith.constant 0 : i32
        %dma_start3A_344 = arith.constant 0 : i32
        %dma_start3A_345 = tpu.memref_slice %arg10[%dma_start3A_343, %dma_start3A_344] : memref<5008x128xf32, #tpu.memory_space<vmem_shared>> -> memref<5008x128xf32, #tpu.memory_space<vmem_shared>>
        %dma_start3A_346 = tpu.memref_slice %arg12[%dma_start3A_335] : memref<4x!tpu.dma_semaphore, #tpu.memory_space<semaphore_mem>> -> memref<1x!tpu.dma_semaphore, #tpu.memory_space<semaphore_mem>>
        %dma_start3A_347 = tpu.memref_squeeze %dma_start3A_346 : memref<1x!tpu.dma_semaphore, #tpu.memory_space<semaphore_mem>> -> memref<!tpu.dma_semaphore, #tpu.memory_space<semaphore_mem>>
        tpu.enqueue_indirect_dma source(%dma_start3A_342 : memref<16x128xf32, #tpu.memory_space<vmem>>) target(%dma_start3A_345 : memref<5008x128xf32, #tpu.memory_space<vmem_shared>>) offsets(%get3A_333 : vector<16xi32>) semaphore(%dma_start3A_347 : memref<!tpu.dma_semaphore, #tpu.memory_space<semaphore_mem>>) {add = true}
        %mul3A_348 = arith.constant 80 : i32
        %mul3A_349 = arith.muli %add3A_212, %mul3A_348 : i32
        %add3A_350 = arith.constant 48 : i32
        %add3A_351 = arith.addi %mul3A_349, %add3A_350 : i32
        %get3A_352 = arith.index_cast %add3A_351 : i32 to index
        %get3A_353 = tpu.vector_load %arg8[%get3A_352] {strides = array<i32>} : memref<20160xi32, #tpu.memory_space<vmem>>, vector<16xi32>,
        %dma_start3A_354 = arith.constant 1 : i32
        %dma_start3A_355 = arith.constant 1 : i32
        %dma_start3A_356 = arith.constant 0 : i32
        %dma_start3A_357 = arith.constant 0 : i32
        %dma_start3A_358 = tpu.memref_slice %arg9[%dma_start3A_354, %dma_start3A_356, %dma_start3A_357] : memref<4x80x128xf32, #tpu.memory_space<vmem>> -> memref<1x80x128xf32, #tpu.memory_space<vmem>>
        %dma_start3A_359 = tpu.memref_squeeze %dma_start3A_358 : memref<1x80x128xf32, #tpu.memory_space<vmem>> -> memref<80x128xf32, #tpu.memory_space<vmem>>
        %dma_start3A_360 = arith.constant 48 : i32
        %dma_start3A_361 = arith.constant 0 : i32
        %dma_start3A_362 = tpu.memref_slice %dma_start3A_359[%dma_start3A_360, %dma_start3A_361] : memref<80x128xf32, #tpu.memory_space<vmem>> -> memref<16x128xf32, #tpu.memory_space<vmem>>
        %dma_start3A_363 = arith.constant 0 : i32
        %dma_start3A_364 = arith.constant 0 : i32
        %dma_start3A_365 = tpu.memref_slice %arg10[%dma_start3A_363, %dma_start3A_364] : memref<5008x128xf32, #tpu.memory_space<vmem_shared>> -> memref<5008x128xf32, #tpu.memory_space<vmem_shared>>
        %dma_start3A_366 = tpu.memref_slice %arg12[%dma_start3A_355] : memref<4x!tpu.dma_semaphore, #tpu.memory_space<semaphore_mem>> -> memref<1x!tpu.dma_semaphore, #tpu.memory_space<semaphore_mem>>
        %dma_start3A_367 = tpu.memref_squeeze %dma_start3A_366 : memref<1x!tpu.dma_semaphore, #tpu.memory_space<semaphore_mem>> -> memref<!tpu.dma_semaphore, #tpu.memory_space<semaphore_mem>>
        tpu.enqueue_indirect_dma source(%dma_start3A_362 : memref<16x128xf32, #tpu.memory_space<vmem>>) target(%dma_start3A_365 : memref<5008x128xf32, #tpu.memory_space<vmem_shared>>) offsets(%get3A_353 : vector<16xi32>) semaphore(%dma_start3A_367 : memref<!tpu.dma_semaphore, #tpu.memory_space<semaphore_mem>>) {add = true}
        %mul3A_368 = arith.constant 80 : i32
        %mul3A_369 = arith.muli %add3A_212, %mul3A_368 : i32
        %add3A_370 = arith.constant 64 : i32
        %add3A_371 = arith.addi %mul3A_369, %add3A_370 : i32
        %get3A_372 = arith.index_cast %add3A_371 : i32 to index
        %get3A_373 = tpu.vector_load %arg8[%get3A_372] {strides = array<i32>} : memref<20160xi32, #tpu.memory_space<vmem>>, vector<16xi32>,
        %dma_start3A_374 = arith.constant 1 : i32
        %dma_start3A_375 = arith.constant 1 : i32
        %dma_start3A_376 = arith.constant 0 : i32
        %dma_start3A_377 = arith.constant 0 : i32
        %dma_start3A_378 = tpu.memref_slice %arg9[%dma_start3A_374, %dma_start3A_376, %dma_start3A_377] : memref<4x80x128xf32, #tpu.memory_space<vmem>> -> memref<1x80x128xf32, #tpu.memory_space<vmem>>
        %dma_start3A_379 = tpu.memref_squeeze %dma_start3A_378 : memref<1x80x128xf32, #tpu.memory_space<vmem>> -> memref<80x128xf32, #tpu.memory_space<vmem>>
        %dma_start3A_380 = arith.constant 64 : i32
        %dma_start3A_381 = arith.constant 0 : i32
        %dma_start3A_382 = tpu.memref_slice %dma_start3A_379[%dma_start3A_380, %dma_start3A_381] : memref<80x128xf32, #tpu.memory_space<vmem>> -> memref<16x128xf32, #tpu.memory_space<vmem>>
        %dma_start3A_383 = arith.constant 0 : i32
        %dma_start3A_384 = arith.constant 0 : i32
        %dma_start3A_385 = tpu.memref_slice %arg10[%dma_start3A_383, %dma_start3A_384] : memref<5008x128xf32, #tpu.memory_space<vmem_shared>> -> memref<5008x128xf32, #tpu.memory_space<vmem_shared>>
        %dma_start3A_386 = tpu.memref_slice %arg12[%dma_start3A_375] : memref<4x!tpu.dma_semaphore, #tpu.memory_space<semaphore_mem>> -> memref<1x!tpu.dma_semaphore, #tpu.memory_space<semaphore_mem>>
        %dma_start3A_387 = tpu.memref_squeeze %dma_start3A_386 : memref<1x!tpu.dma_semaphore, #tpu.memory_space<semaphore_mem>> -> memref<!tpu.dma_semaphore, #tpu.memory_space<semaphore_mem>>
        tpu.enqueue_indirect_dma source(%dma_start3A_382 : memref<16x128xf32, #tpu.memory_space<vmem>>) target(%dma_start3A_385 : memref<5008x128xf32, #tpu.memory_space<vmem_shared>>) offsets(%get3A_373 : vector<16xi32>) semaphore(%dma_start3A_387 : memref<!tpu.dma_semaphore, #tpu.memory_space<semaphore_mem>>) {add = true}
      } else {
      }
      %ge3A_217 = arith.constant 2 : i32
      %ge3A_218 = arith.cmpi sge, %add3A_212, %ge3A_217 : i32
      %sub3A_219 = arith.constant 2 : i32
      %sub3A_220 = arith.subi %add3A_212, %sub3A_219 : i32
      %lt3A_221 = arith.cmpi slt, %sub3A_220, %mul3A_110 : i32
      %and3A_222 = arith.andi %ge3A_218, %lt3A_221 : i1
      %convert_element_type3A_223 = arith.extui %and3A_222 : i1 to i32
      %cond3A_224 = arith.constant 0 : i32
      %cond3A_225 = arith.cmpi ne, %convert_element_type3A_223, %cond3A_224 : i32
      scf.if %cond3A_225 {
        %sub3A_274 = arith.constant 2 : i32
        %sub3A_275 = arith.subi %add3A_212, %sub3A_274 : i32
        %dma_wait3A = arith.constant 3 : i32
        %dma_wait3A_276 = arith.constant 3 : i32
        %dma_wait3A_277 = arith.constant 0 : i32
        %dma_wait3A_278 = arith.constant 0 : i32
        %dma_wait3A_279 = tpu.memref_slice %arg9[%dma_wait3A, %dma_wait3A_277, %dma_wait3A_278] : memref<4x80x128xf32, #tpu.memory_space<vmem>> -> memref<1x80x128xf32, #tpu.memory_space<vmem>>
        %dma_wait3A_280 = tpu.memref_squeeze %dma_wait3A_279 : memref<1x80x128xf32, #tpu.memory_space<vmem>> -> memref<80x128xf32, #tpu.memory_space<vmem>>
        %dma_wait3A_281 = arith.constant 0 : i32
        %dma_wait3A_282 = arith.constant 0 : i32
        %dma_wait3A_283 = tpu.memref_slice %arg2[%dma_wait3A_281, %dma_wait3A_282] : memref<20000x128xf32, #tpu.memory_space<hbm>> -> memref<80x128xf32, #tpu.memory_space<hbm>>
        %dma_wait3A_284 = tpu.memref_slice %arg12[%dma_wait3A_276] : memref<4x!tpu.dma_semaphore, #tpu.memory_space<semaphore_mem>> -> memref<1x!tpu.dma_semaphore, #tpu.memory_space<semaphore_mem>>
        %dma_wait3A_285 = tpu.memref_squeeze %dma_wait3A_284 : memref<1x!tpu.dma_semaphore, #tpu.memory_space<semaphore_mem>> -> memref<!tpu.dma_semaphore, #tpu.memory_space<semaphore_mem>>
        %dma_wait3A_286 = arith.constant 0 : i32
        %dma_wait3A_287 = arith.constant 0 : i32
        %dma_wait3A_288 = tpu.memref_slice %arg9[%dma_wait3A, %dma_wait3A_286, %dma_wait3A_287] : memref<4x80x128xf32, #tpu.memory_space<vmem>> -> memref<1x80x128xf32, #tpu.memory_space<vmem>>
        %dma_wait3A_289 = tpu.memref_squeeze %dma_wait3A_288 : memref<1x80x128xf32, #tpu.memory_space<vmem>> -> memref<80x128xf32, #tpu.memory_space<vmem>>
        %dma_wait3A_290 = arith.constant 0 : i32
        %dma_wait3A_291 = arith.constant 0 : i32
        %dma_wait3A_292 = tpu.memref_slice %arg2[%dma_wait3A_290, %dma_wait3A_291] : memref<20000x128xf32, #tpu.memory_space<hbm>> -> memref<80x128xf32, #tpu.memory_space<hbm>>
        tpu.wait_dma2 semaphore(%dma_wait3A_285 : memref<!tpu.dma_semaphore, #tpu.memory_space<semaphore_mem>>) src(%dma_wait3A_292 : memref<80x128xf32, #tpu.memory_space<hbm>>) dst(%dma_wait3A_289 : memref<80x128xf32, #tpu.memory_space<vmem>>)
      } else {
      }
      %add3A_226 = arith.constant 2 : i32
      %add3A_227 = arith.addi %add3A_212, %add3A_226 : i32
      %lt3A_228 = arith.cmpi slt, %add3A_227, %mul3A_110 : i32
      %convert_element_type3A_229 = arith.extui %lt3A_228 : i1 to i32
      %cond3A_230 = arith.constant 0 : i32
      %cond3A_231 = arith.cmpi ne, %convert_element_type3A_229, %cond3A_230 : i32
      scf.if %cond3A_231 {
        %add3A_274 = arith.constant 2 : i32
        %add3A_275 = arith.addi %add3A_212, %add3A_274 : i32
        %mul3A_276 = arith.constant 80 : i32
        %mul3A_277 = arith.muli %add3A_275, %mul3A_276 : i32
        %dma_start3A = arith.constant 3 : i32
        %dma_start3A_278 = arith.constant 3 : i32
        %dma_start3A_279 = arith.constant 0 : i32
        %dma_start3A_280 = arith.constant 0 : i32
        %dma_start3A_281 = tpu.memref_slice %arg9[%dma_start3A, %dma_start3A_279, %dma_start3A_280] : memref<4x80x128xf32, #tpu.memory_space<vmem>> -> memref<1x80x128xf32, #tpu.memory_space<vmem>>
        %dma_start3A_282 = tpu.memref_squeeze %dma_start3A_281 : memref<1x80x128xf32, #tpu.memory_space<vmem>> -> memref<80x128xf32, #tpu.memory_space<vmem>>
        %dma_start3A_283 = tpu.memref_slice %arg7[%mul3A_277] : memref<20160xi32, #tpu.memory_space<vmem>> -> memref<80xi32, #tpu.memory_space<vmem>>
        %dma_start3A_284 = arith.constant 0 : i32
        %dma_start3A_285 = arith.constant 0 : i32
        %dma_start3A_286 = tpu.memref_slice %arg2[%dma_start3A_284, %dma_start3A_285] : memref<20000x128xf32, #tpu.memory_space<hbm>> -> memref<10000x128xf32, #tpu.memory_space<hbm>>
        %dma_start3A_287 = arith.constant 0 : i32
        %dma_start3A_288 = arith.constant 0 : i32
        %dma_start3A_289 = tpu.memref_slice %dma_start3A_286[%dma_start3A_287, %dma_start3A_288] : memref<10000x128xf32, #tpu.memory_space<hbm>> -> memref<10000x128xf32, #tpu.memory_space<hbm>>
        %dma_start3A_290 = tpu.memref_slice %arg11[%dma_start3A_278] : memref<4x!tpu.dma_semaphore, #tpu.memory_space<semaphore_mem>> -> memref<1x!tpu.dma_semaphore, #tpu.memory_space<semaphore_mem>>
        %dma_start3A_291 = tpu.memref_squeeze %dma_start3A_290 : memref<1x!tpu.dma_semaphore, #tpu.memory_space<semaphore_mem>> -> memref<!tpu.dma_semaphore, #tpu.memory_space<semaphore_mem>>
        tpu.enqueue_indirect_dma source(%dma_start3A_289 : memref<10000x128xf32, #tpu.memory_space<hbm>>) target(%dma_start3A_282 : memref<80x128xf32, #tpu.memory_space<vmem>>) offsets(%dma_start3A_283 : memref<80xi32, #tpu.memory_space<vmem>>) semaphore(%dma_start3A_291 : memref<!tpu.dma_semaphore, #tpu.memory_space<semaphore_mem>>)
      } else {
      }
      %add3A_232 = arith.constant 2 : i32
      %add3A_233 = arith.addi %add3A_190, %add3A_232 : i32
      %lt3A_234 = arith.cmpi slt, %add3A_233, %mul3A_110 : i32
      %convert_element_type3A_235 = arith.extui %lt3A_234 : i1 to i32
      %cond3A_236 = arith.constant 0 : i32
      %cond3A_237 = arith.cmpi ne, %convert_element_type3A_235, %cond3A_236 : i32
      scf.if %cond3A_237 {
        %mul3A_274 = arith.constant 80 : i32
        %mul3A_275 = arith.muli %add3A_233, %mul3A_274 : i32
        %dma_wait3A = arith.constant 2 : i32
        %dma_wait3A_276 = arith.constant 2 : i32
        %dma_wait3A_277 = arith.constant 0 : i32
        %dma_wait3A_278 = arith.constant 0 : i32
        %dma_wait3A_279 = tpu.memref_slice %arg9[%dma_wait3A, %dma_wait3A_277, %dma_wait3A_278] : memref<4x80x128xf32, #tpu.memory_space<vmem>> -> memref<1x80x128xf32, #tpu.memory_space<vmem>>
        %dma_wait3A_280 = tpu.memref_squeeze %dma_wait3A_279 : memref<1x80x128xf32, #tpu.memory_space<vmem>> -> memref<80x128xf32, #tpu.memory_space<vmem>>
        %dma_wait3A_281 = tpu.memref_slice %arg7[%mul3A_275] : memref<20160xi32, #tpu.memory_space<vmem>> -> memref<80xi32, #tpu.memory_space<vmem>>
        %dma_wait3A_282 = arith.constant 0 : i32
        %dma_wait3A_283 = arith.constant 0 : i32
        %dma_wait3A_284 = tpu.memref_slice %arg2[%dma_wait3A_282, %dma_wait3A_283] : memref<20000x128xf32, #tpu.memory_space<hbm>> -> memref<10000x128xf32, #tpu.memory_space<hbm>>
        %dma_wait3A_285 = arith.constant 0 : i32
        %dma_wait3A_286 = arith.constant 0 : i32
        %dma_wait3A_287 = tpu.memref_slice %dma_wait3A_284[%dma_wait3A_285, %dma_wait3A_286] : memref<10000x128xf32, #tpu.memory_space<hbm>> -> memref<10000x128xf32, #tpu.memory_space<hbm>>
        %dma_wait3A_288 = tpu.memref_slice %arg11[%dma_wait3A_276] : memref<4x!tpu.dma_semaphore, #tpu.memory_space<semaphore_mem>> -> memref<1x!tpu.dma_semaphore, #tpu.memory_space<semaphore_mem>>
        %dma_wait3A_289 = tpu.memref_squeeze %dma_wait3A_288 : memref<1x!tpu.dma_semaphore, #tpu.memory_space<semaphore_mem>> -> memref<!tpu.dma_semaphore, #tpu.memory_space<semaphore_mem>>
        tpu.wait_indirect_dma semaphore(%dma_wait3A_289 : memref<!tpu.dma_semaphore, #tpu.memory_space<semaphore_mem>>) src(%dma_wait3A_287 : memref<10000x128xf32, #tpu.memory_space<hbm>>) dst(%dma_wait3A_280 : memref<80x128xf32, #tpu.memory_space<vmem>>)
        %mul3A_290 = arith.constant 80 : i32
        %mul3A_291 = arith.muli %add3A_233, %mul3A_290 : i32
        %add3A_292 = arith.constant 0 : i32
        %add3A_293 = arith.addi %mul3A_291, %add3A_292 : i32
        %get3A = arith.index_cast %add3A_293 : i32 to index
        %get3A_294 = tpu.vector_load %arg8[%get3A] {strides = array<i32>} : memref<20160xi32, #tpu.memory_space<vmem>>, vector<16xi32>,
        %dma_start3A = arith.constant 2 : i32
        %dma_start3A_295 = arith.constant 2 : i32
        %dma_start3A_296 = arith.constant 0 : i32
        %dma_start3A_297 = arith.constant 0 : i32
        %dma_start3A_298 = tpu.memref_slice %arg9[%dma_start3A, %dma_start3A_296, %dma_start3A_297] : memref<4x80x128xf32, #tpu.memory_space<vmem>> -> memref<1x80x128xf32, #tpu.memory_space<vmem>>
        %dma_start3A_299 = tpu.memref_squeeze %dma_start3A_298 : memref<1x80x128xf32, #tpu.memory_space<vmem>> -> memref<80x128xf32, #tpu.memory_space<vmem>>
        %dma_start3A_300 = arith.constant 0 : i32
        %dma_start3A_301 = arith.constant 0 : i32
        %dma_start3A_302 = tpu.memref_slice %dma_start3A_299[%dma_start3A_300, %dma_start3A_301] : memref<80x128xf32, #tpu.memory_space<vmem>> -> memref<16x128xf32, #tpu.memory_space<vmem>>
        %dma_start3A_303 = arith.constant 0 : i32
        %dma_start3A_304 = arith.constant 0 : i32
        %dma_start3A_305 = tpu.memref_slice %arg10[%dma_start3A_303, %dma_start3A_304] : memref<5008x128xf32, #tpu.memory_space<vmem_shared>> -> memref<5008x128xf32, #tpu.memory_space<vmem_shared>>
        %dma_start3A_306 = tpu.memref_slice %arg12[%dma_start3A_295] : memref<4x!tpu.dma_semaphore, #tpu.memory_space<semaphore_mem>> -> memref<1x!tpu.dma_semaphore, #tpu.memory_space<semaphore_mem>>
        %dma_start3A_307 = tpu.memref_squeeze %dma_start3A_306 : memref<1x!tpu.dma_semaphore, #tpu.memory_space<semaphore_mem>> -> memref<!tpu.dma_semaphore, #tpu.memory_space<semaphore_mem>>
        tpu.enqueue_indirect_dma source(%dma_start3A_302 : memref<16x128xf32, #tpu.memory_space<vmem>>) target(%dma_start3A_305 : memref<5008x128xf32, #tpu.memory_space<vmem_shared>>) offsets(%get3A_294 : vector<16xi32>) semaphore(%dma_start3A_307 : memref<!tpu.dma_semaphore, #tpu.memory_space<semaphore_mem>>) {add = true}
        %mul3A_308 = arith.constant 80 : i32
        %mul3A_309 = arith.muli %add3A_233, %mul3A_308 : i32
        %add3A_310 = arith.constant 16 : i32
        %add3A_311 = arith.addi %mul3A_309, %add3A_310 : i32
        %get3A_312 = arith.index_cast %add3A_311 : i32 to index
        %get3A_313 = tpu.vector_load %arg8[%get3A_312] {strides = array<i32>} : memref<20160xi32, #tpu.memory_space<vmem>>, vector<16xi32>,
        %dma_start3A_314 = arith.constant 2 : i32
        %dma_start3A_315 = arith.constant 2 : i32
        %dma_start3A_316 = arith.constant 0 : i32
        %dma_start3A_317 = arith.constant 0 : i32
        %dma_start3A_318 = tpu.memref_slice %arg9[%dma_start3A_314, %dma_start3A_316, %dma_start3A_317] : memref<4x80x128xf32, #tpu.memory_space<vmem>> -> memref<1x80x128xf32, #tpu.memory_space<vmem>>
        %dma_start3A_319 = tpu.memref_squeeze %dma_start3A_318 : memref<1x80x128xf32, #tpu.memory_space<vmem>> -> memref<80x128xf32, #tpu.memory_space<vmem>>
        %dma_start3A_320 = arith.constant 16 : i32
        %dma_start3A_321 = arith.constant 0 : i32
        %dma_start3A_322 = tpu.memref_slice %dma_start3A_319[%dma_start3A_320, %dma_start3A_321] : memref<80x128xf32, #tpu.memory_space<vmem>> -> memref<16x128xf32, #tpu.memory_space<vmem>>
        %dma_start3A_323 = arith.constant 0 : i32
        %dma_start3A_324 = arith.constant 0 : i32
        %dma_start3A_325 = tpu.memref_slice %arg10[%dma_start3A_323, %dma_start3A_324] : memref<5008x128xf32, #tpu.memory_space<vmem_shared>> -> memref<5008x128xf32, #tpu.memory_space<vmem_shared>>
        %dma_start3A_326 = tpu.memref_slice %arg12[%dma_start3A_315] : memref<4x!tpu.dma_semaphore, #tpu.memory_space<semaphore_mem>> -> memref<1x!tpu.dma_semaphore, #tpu.memory_space<semaphore_mem>>
        %dma_start3A_327 = tpu.memref_squeeze %dma_start3A_326 : memref<1x!tpu.dma_semaphore, #tpu.memory_space<semaphore_mem>> -> memref<!tpu.dma_semaphore, #tpu.memory_space<semaphore_mem>>
        tpu.enqueue_indirect_dma source(%dma_start3A_322 : memref<16x128xf32, #tpu.memory_space<vmem>>) target(%dma_start3A_325 : memref<5008x128xf32, #tpu.memory_space<vmem_shared>>) offsets(%get3A_313 : vector<16xi32>) semaphore(%dma_start3A_327 : memref<!tpu.dma_semaphore, #tpu.memory_space<semaphore_mem>>) {add = true}
        %mul3A_328 = arith.constant 80 : i32
        %mul3A_329 = arith.muli %add3A_233, %mul3A_328 : i32
        %add3A_330 = arith.constant 32 : i32
        %add3A_331 = arith.addi %mul3A_329, %add3A_330 : i32
        %get3A_332 = arith.index_cast %add3A_331 : i32 to index
        %get3A_333 = tpu.vector_load %arg8[%get3A_332] {strides = array<i32>} : memref<20160xi32, #tpu.memory_space<vmem>>, vector<16xi32>,
        %dma_start3A_334 = arith.constant 2 : i32
        %dma_start3A_335 = arith.constant 2 : i32
        %dma_start3A_336 = arith.constant 0 : i32
        %dma_start3A_337 = arith.constant 0 : i32
        %dma_start3A_338 = tpu.memref_slice %arg9[%dma_start3A_334, %dma_start3A_336, %dma_start3A_337] : memref<4x80x128xf32, #tpu.memory_space<vmem>> -> memref<1x80x128xf32, #tpu.memory_space<vmem>>
        %dma_start3A_339 = tpu.memref_squeeze %dma_start3A_338 : memref<1x80x128xf32, #tpu.memory_space<vmem>> -> memref<80x128xf32, #tpu.memory_space<vmem>>
        %dma_start3A_340 = arith.constant 32 : i32
        %dma_start3A_341 = arith.constant 0 : i32
        %dma_start3A_342 = tpu.memref_slice %dma_start3A_339[%dma_start3A_340, %dma_start3A_341] : memref<80x128xf32, #tpu.memory_space<vmem>> -> memref<16x128xf32, #tpu.memory_space<vmem>>
        %dma_start3A_343 = arith.constant 0 : i32
        %dma_start3A_344 = arith.constant 0 : i32
        %dma_start3A_345 = tpu.memref_slice %arg10[%dma_start3A_343, %dma_start3A_344] : memref<5008x128xf32, #tpu.memory_space<vmem_shared>> -> memref<5008x128xf32, #tpu.memory_space<vmem_shared>>
        %dma_start3A_346 = tpu.memref_slice %arg12[%dma_start3A_335] : memref<4x!tpu.dma_semaphore, #tpu.memory_space<semaphore_mem>> -> memref<1x!tpu.dma_semaphore, #tpu.memory_space<semaphore_mem>>
        %dma_start3A_347 = tpu.memref_squeeze %dma_start3A_346 : memref<1x!tpu.dma_semaphore, #tpu.memory_space<semaphore_mem>> -> memref<!tpu.dma_semaphore, #tpu.memory_space<semaphore_mem>>
        tpu.enqueue_indirect_dma source(%dma_start3A_342 : memref<16x128xf32, #tpu.memory_space<vmem>>) target(%dma_start3A_345 : memref<5008x128xf32, #tpu.memory_space<vmem_shared>>) offsets(%get3A_333 : vector<16xi32>) semaphore(%dma_start3A_347 : memref<!tpu.dma_semaphore, #tpu.memory_space<semaphore_mem>>) {add = true}
        %mul3A_348 = arith.constant 80 : i32
        %mul3A_349 = arith.muli %add3A_233, %mul3A_348 : i32
        %add3A_350 = arith.constant 48 : i32
        %add3A_351 = arith.addi %mul3A_349, %add3A_350 : i32
        %get3A_352 = arith.index_cast %add3A_351 : i32 to index
        %get3A_353 = tpu.vector_load %arg8[%get3A_352] {strides = array<i32>} : memref<20160xi32, #tpu.memory_space<vmem>>, vector<16xi32>,
        %dma_start3A_354 = arith.constant 2 : i32
        %dma_start3A_355 = arith.constant 2 : i32
        %dma_start3A_356 = arith.constant 0 : i32
        %dma_start3A_357 = arith.constant 0 : i32
        %dma_start3A_358 = tpu.memref_slice %arg9[%dma_start3A_354, %dma_start3A_356, %dma_start3A_357] : memref<4x80x128xf32, #tpu.memory_space<vmem>> -> memref<1x80x128xf32, #tpu.memory_space<vmem>>
        %dma_start3A_359 = tpu.memref_squeeze %dma_start3A_358 : memref<1x80x128xf32, #tpu.memory_space<vmem>> -> memref<80x128xf32, #tpu.memory_space<vmem>>
        %dma_start3A_360 = arith.constant 48 : i32
        %dma_start3A_361 = arith.constant 0 : i32
        %dma_start3A_362 = tpu.memref_slice %dma_start3A_359[%dma_start3A_360, %dma_start3A_361] : memref<80x128xf32, #tpu.memory_space<vmem>> -> memref<16x128xf32, #tpu.memory_space<vmem>>
        %dma_start3A_363 = arith.constant 0 : i32
        %dma_start3A_364 = arith.constant 0 : i32
        %dma_start3A_365 = tpu.memref_slice %arg10[%dma_start3A_363, %dma_start3A_364] : memref<5008x128xf32, #tpu.memory_space<vmem_shared>> -> memref<5008x128xf32, #tpu.memory_space<vmem_shared>>
        %dma_start3A_366 = tpu.memref_slice %arg12[%dma_start3A_355] : memref<4x!tpu.dma_semaphore, #tpu.memory_space<semaphore_mem>> -> memref<1x!tpu.dma_semaphore, #tpu.memory_space<semaphore_mem>>
        %dma_start3A_367 = tpu.memref_squeeze %dma_start3A_366 : memref<1x!tpu.dma_semaphore, #tpu.memory_space<semaphore_mem>> -> memref<!tpu.dma_semaphore, #tpu.memory_space<semaphore_mem>>
        tpu.enqueue_indirect_dma source(%dma_start3A_362 : memref<16x128xf32, #tpu.memory_space<vmem>>) target(%dma_start3A_365 : memref<5008x128xf32, #tpu.memory_space<vmem_shared>>) offsets(%get3A_353 : vector<16xi32>) semaphore(%dma_start3A_367 : memref<!tpu.dma_semaphore, #tpu.memory_space<semaphore_mem>>) {add = true}
        %mul3A_368 = arith.constant 80 : i32
        %mul3A_369 = arith.muli %add3A_233, %mul3A_368 : i32
        %add3A_370 = arith.constant 64 : i32
        %add3A_371 = arith.addi %mul3A_369, %add3A_370 : i32
        %get3A_372 = arith.index_cast %add3A_371 : i32 to index
        %get3A_373 = tpu.vector_load %arg8[%get3A_372] {strides = array<i32>} : memref<20160xi32, #tpu.memory_space<vmem>>, vector<16xi32>,
        %dma_start3A_374 = arith.constant 2 : i32
        %dma_start3A_375 = arith.constant 2 : i32
        %dma_start3A_376 = arith.constant 0 : i32
        %dma_start3A_377 = arith.constant 0 : i32
        %dma_start3A_378 = tpu.memref_slice %arg9[%dma_start3A_374, %dma_start3A_376, %dma_start3A_377] : memref<4x80x128xf32, #tpu.memory_space<vmem>> -> memref<1x80x128xf32, #tpu.memory_space<vmem>>
        %dma_start3A_379 = tpu.memref_squeeze %dma_start3A_378 : memref<1x80x128xf32, #tpu.memory_space<vmem>> -> memref<80x128xf32, #tpu.memory_space<vmem>>
        %dma_start3A_380 = arith.constant 64 : i32
        %dma_start3A_381 = arith.constant 0 : i32
        %dma_start3A_382 = tpu.memref_slice %dma_start3A_379[%dma_start3A_380, %dma_start3A_381] : memref<80x128xf32, #tpu.memory_space<vmem>> -> memref<16x128xf32, #tpu.memory_space<vmem>>
        %dma_start3A_383 = arith.constant 0 : i32
        %dma_start3A_384 = arith.constant 0 : i32
        %dma_start3A_385 = tpu.memref_slice %arg10[%dma_start3A_383, %dma_start3A_384] : memref<5008x128xf32, #tpu.memory_space<vmem_shared>> -> memref<5008x128xf32, #tpu.memory_space<vmem_shared>>
        %dma_start3A_386 = tpu.memref_slice %arg12[%dma_start3A_375] : memref<4x!tpu.dma_semaphore, #tpu.memory_space<semaphore_mem>> -> memref<1x!tpu.dma_semaphore, #tpu.memory_space<semaphore_mem>>
        %dma_start3A_387 = tpu.memref_squeeze %dma_start3A_386 : memref<1x!tpu.dma_semaphore, #tpu.memory_space<semaphore_mem>> -> memref<!tpu.dma_semaphore, #tpu.memory_space<semaphore_mem>>
        tpu.enqueue_indirect_dma source(%dma_start3A_382 : memref<16x128xf32, #tpu.memory_space<vmem>>) target(%dma_start3A_385 : memref<5008x128xf32, #tpu.memory_space<vmem_shared>>) offsets(%get3A_373 : vector<16xi32>) semaphore(%dma_start3A_387 : memref<!tpu.dma_semaphore, #tpu.memory_space<semaphore_mem>>) {add = true}
      } else {
      }
      %ge3A_238 = arith.constant 2 : i32
      %ge3A_239 = arith.cmpi sge, %add3A_233, %ge3A_238 : i32
      %sub3A_240 = arith.constant 2 : i32
      %sub3A_241 = arith.subi %add3A_233, %sub3A_240 : i32
      %lt3A_242 = arith.cmpi slt, %sub3A_241, %mul3A_110 : i32
      %and3A_243 = arith.andi %ge3A_239, %lt3A_242 : i1
      %convert_element_type3A_244 = arith.extui %and3A_243 : i1 to i32
      %cond3A_245 = arith.constant 0 : i32
      %cond3A_246 = arith.cmpi ne, %convert_element_type3A_244, %cond3A_245 : i32
      scf.if %cond3A_246 {
        %sub3A_274 = arith.constant 2 : i32
        %sub3A_275 = arith.subi %add3A_233, %sub3A_274 : i32
        %dma_wait3A = arith.constant 0 : i32
        %dma_wait3A_276 = arith.constant 0 : i32
        %dma_wait3A_277 = arith.constant 0 : i32
        %dma_wait3A_278 = arith.constant 0 : i32
        %dma_wait3A_279 = tpu.memref_slice %arg9[%dma_wait3A, %dma_wait3A_277, %dma_wait3A_278] : memref<4x80x128xf32, #tpu.memory_space<vmem>> -> memref<1x80x128xf32, #tpu.memory_space<vmem>>
        %dma_wait3A_280 = tpu.memref_squeeze %dma_wait3A_279 : memref<1x80x128xf32, #tpu.memory_space<vmem>> -> memref<80x128xf32, #tpu.memory_space<vmem>>
        %dma_wait3A_281 = arith.constant 0 : i32
        %dma_wait3A_282 = arith.constant 0 : i32
        %dma_wait3A_283 = tpu.memref_slice %arg2[%dma_wait3A_281, %dma_wait3A_282] : memref<20000x128xf32, #tpu.memory_space<hbm>> -> memref<80x128xf32, #tpu.memory_space<hbm>>
        %dma_wait3A_284 = tpu.memref_slice %arg12[%dma_wait3A_276] : memref<4x!tpu.dma_semaphore, #tpu.memory_space<semaphore_mem>> -> memref<1x!tpu.dma_semaphore, #tpu.memory_space<semaphore_mem>>
        %dma_wait3A_285 = tpu.memref_squeeze %dma_wait3A_284 : memref<1x!tpu.dma_semaphore, #tpu.memory_space<semaphore_mem>> -> memref<!tpu.dma_semaphore, #tpu.memory_space<semaphore_mem>>
        %dma_wait3A_286 = arith.constant 0 : i32
        %dma_wait3A_287 = arith.constant 0 : i32
        %dma_wait3A_288 = tpu.memref_slice %arg9[%dma_wait3A, %dma_wait3A_286, %dma_wait3A_287] : memref<4x80x128xf32, #tpu.memory_space<vmem>> -> memref<1x80x128xf32, #tpu.memory_space<vmem>>
        %dma_wait3A_289 = tpu.memref_squeeze %dma_wait3A_288 : memref<1x80x128xf32, #tpu.memory_space<vmem>> -> memref<80x128xf32, #tpu.memory_space<vmem>>
        %dma_wait3A_290 = arith.constant 0 : i32
        %dma_wait3A_291 = arith.constant 0 : i32
        %dma_wait3A_292 = tpu.memref_slice %arg2[%dma_wait3A_290, %dma_wait3A_291] : memref<20000x128xf32, #tpu.memory_space<hbm>> -> memref<80x128xf32, #tpu.memory_space<hbm>>
        tpu.wait_dma2 semaphore(%dma_wait3A_285 : memref<!tpu.dma_semaphore, #tpu.memory_space<semaphore_mem>>) src(%dma_wait3A_292 : memref<80x128xf32, #tpu.memory_space<hbm>>) dst(%dma_wait3A_289 : memref<80x128xf32, #tpu.memory_space<vmem>>)
      } else {
      }
      %add3A_247 = arith.constant 2 : i32
      %add3A_248 = arith.addi %add3A_233, %add3A_247 : i32
      %lt3A_249 = arith.cmpi slt, %add3A_248, %mul3A_110 : i32
      %convert_element_type3A_250 = arith.extui %lt3A_249 : i1 to i32
      %cond3A_251 = arith.constant 0 : i32
      %cond3A_252 = arith.cmpi ne, %convert_element_type3A_250, %cond3A_251 : i32
      scf.if %cond3A_252 {
        %add3A_274 = arith.constant 2 : i32
        %add3A_275 = arith.addi %add3A_233, %add3A_274 : i32
        %mul3A_276 = arith.constant 80 : i32
        %mul3A_277 = arith.muli %add3A_275, %mul3A_276 : i32
        %dma_start3A = arith.constant 0 : i32
        %dma_start3A_278 = arith.constant 0 : i32
        %dma_start3A_279 = arith.constant 0 : i32
        %dma_start3A_280 = arith.constant 0 : i32
        %dma_start3A_281 = tpu.memref_slice %arg9[%dma_start3A, %dma_start3A_279, %dma_start3A_280] : memref<4x80x128xf32, #tpu.memory_space<vmem>> -> memref<1x80x128xf32, #tpu.memory_space<vmem>>
        %dma_start3A_282 = tpu.memref_squeeze %dma_start3A_281 : memref<1x80x128xf32, #tpu.memory_space<vmem>> -> memref<80x128xf32, #tpu.memory_space<vmem>>
        %dma_start3A_283 = tpu.memref_slice %arg7[%mul3A_277] : memref<20160xi32, #tpu.memory_space<vmem>> -> memref<80xi32, #tpu.memory_space<vmem>>
        %dma_start3A_284 = arith.constant 0 : i32
        %dma_start3A_285 = arith.constant 0 : i32
        %dma_start3A_286 = tpu.memref_slice %arg2[%dma_start3A_284, %dma_start3A_285] : memref<20000x128xf32, #tpu.memory_space<hbm>> -> memref<10000x128xf32, #tpu.memory_space<hbm>>
        %dma_start3A_287 = arith.constant 0 : i32
        %dma_start3A_288 = arith.constant 0 : i32
        %dma_start3A_289 = tpu.memref_slice %dma_start3A_286[%dma_start3A_287, %dma_start3A_288] : memref<10000x128xf32, #tpu.memory_space<hbm>> -> memref<10000x128xf32, #tpu.memory_space<hbm>>
        %dma_start3A_290 = tpu.memref_slice %arg11[%dma_start3A_278] : memref<4x!tpu.dma_semaphore, #tpu.memory_space<semaphore_mem>> -> memref<1x!tpu.dma_semaphore, #tpu.memory_space<semaphore_mem>>
        %dma_start3A_291 = tpu.memref_squeeze %dma_start3A_290 : memref<1x!tpu.dma_semaphore, #tpu.memory_space<semaphore_mem>> -> memref<!tpu.dma_semaphore, #tpu.memory_space<semaphore_mem>>
        tpu.enqueue_indirect_dma source(%dma_start3A_289 : memref<10000x128xf32, #tpu.memory_space<hbm>>) target(%dma_start3A_282 : memref<80x128xf32, #tpu.memory_space<vmem>>) offsets(%dma_start3A_283 : memref<80xi32, #tpu.memory_space<vmem>>) semaphore(%dma_start3A_291 : memref<!tpu.dma_semaphore, #tpu.memory_space<semaphore_mem>>)
      } else {
      }
      %add3A_253 = arith.constant 3 : i32
      %add3A_254 = arith.addi %add3A_190, %add3A_253 : i32
      %lt3A_255 = arith.cmpi slt, %add3A_254, %mul3A_110 : i32
      %convert_element_type3A_256 = arith.extui %lt3A_255 : i1 to i32
      %cond3A_257 = arith.constant 0 : i32
      %cond3A_258 = arith.cmpi ne, %convert_element_type3A_256, %cond3A_257 : i32
      scf.if %cond3A_258 {
        %mul3A_274 = arith.constant 80 : i32
        %mul3A_275 = arith.muli %add3A_254, %mul3A_274 : i32
        %dma_wait3A = arith.constant 3 : i32
        %dma_wait3A_276 = arith.constant 3 : i32
        %dma_wait3A_277 = arith.constant 0 : i32
        %dma_wait3A_278 = arith.constant 0 : i32
        %dma_wait3A_279 = tpu.memref_slice %arg9[%dma_wait3A, %dma_wait3A_277, %dma_wait3A_278] : memref<4x80x128xf32, #tpu.memory_space<vmem>> -> memref<1x80x128xf32, #tpu.memory_space<vmem>>
        %dma_wait3A_280 = tpu.memref_squeeze %dma_wait3A_279 : memref<1x80x128xf32, #tpu.memory_space<vmem>> -> memref<80x128xf32, #tpu.memory_space<vmem>>
        %dma_wait3A_281 = tpu.memref_slice %arg7[%mul3A_275] : memref<20160xi32, #tpu.memory_space<vmem>> -> memref<80xi32, #tpu.memory_space<vmem>>
        %dma_wait3A_282 = arith.constant 0 : i32
        %dma_wait3A_283 = arith.constant 0 : i32
        %dma_wait3A_284 = tpu.memref_slice %arg2[%dma_wait3A_282, %dma_wait3A_283] : memref<20000x128xf32, #tpu.memory_space<hbm>> -> memref<10000x128xf32, #tpu.memory_space<hbm>>
        %dma_wait3A_285 = arith.constant 0 : i32
        %dma_wait3A_286 = arith.constant 0 : i32
        %dma_wait3A_287 = tpu.memref_slice %dma_wait3A_284[%dma_wait3A_285, %dma_wait3A_286] : memref<10000x128xf32, #tpu.memory_space<hbm>> -> memref<10000x128xf32, #tpu.memory_space<hbm>>
        %dma_wait3A_288 = tpu.memref_slice %arg11[%dma_wait3A_276] : memref<4x!tpu.dma_semaphore, #tpu.memory_space<semaphore_mem>> -> memref<1x!tpu.dma_semaphore, #tpu.memory_space<semaphore_mem>>
        %dma_wait3A_289 = tpu.memref_squeeze %dma_wait3A_288 : memref<1x!tpu.dma_semaphore, #tpu.memory_space<semaphore_mem>> -> memref<!tpu.dma_semaphore, #tpu.memory_space<semaphore_mem>>
        tpu.wait_indirect_dma semaphore(%dma_wait3A_289 : memref<!tpu.dma_semaphore, #tpu.memory_space<semaphore_mem>>) src(%dma_wait3A_287 : memref<10000x128xf32, #tpu.memory_space<hbm>>) dst(%dma_wait3A_280 : memref<80x128xf32, #tpu.memory_space<vmem>>)
        %mul3A_290 = arith.constant 80 : i32
        %mul3A_291 = arith.muli %add3A_254, %mul3A_290 : i32
        %add3A_292 = arith.constant 0 : i32
        %add3A_293 = arith.addi %mul3A_291, %add3A_292 : i32
        %get3A = arith.index_cast %add3A_293 : i32 to index
        %get3A_294 = tpu.vector_load %arg8[%get3A] {strides = array<i32>} : memref<20160xi32, #tpu.memory_space<vmem>>, vector<16xi32>,
        %dma_start3A = arith.constant 3 : i32
        %dma_start3A_295 = arith.constant 3 : i32
        %dma_start3A_296 = arith.constant 0 : i32
        %dma_start3A_297 = arith.constant 0 : i32
        %dma_start3A_298 = tpu.memref_slice %arg9[%dma_start3A, %dma_start3A_296, %dma_start3A_297] : memref<4x80x128xf32, #tpu.memory_space<vmem>> -> memref<1x80x128xf32, #tpu.memory_space<vmem>>
        %dma_start3A_299 = tpu.memref_squeeze %dma_start3A_298 : memref<1x80x128xf32, #tpu.memory_space<vmem>> -> memref<80x128xf32, #tpu.memory_space<vmem>>
        %dma_start3A_300 = arith.constant 0 : i32
        %dma_start3A_301 = arith.constant 0 : i32
        %dma_start3A_302 = tpu.memref_slice %dma_start3A_299[%dma_start3A_300, %dma_start3A_301] : memref<80x128xf32, #tpu.memory_space<vmem>> -> memref<16x128xf32, #tpu.memory_space<vmem>>
        %dma_start3A_303 = arith.constant 0 : i32
        %dma_start3A_304 = arith.constant 0 : i32
        %dma_start3A_305 = tpu.memref_slice %arg10[%dma_start3A_303, %dma_start3A_304] : memref<5008x128xf32, #tpu.memory_space<vmem_shared>> -> memref<5008x128xf32, #tpu.memory_space<vmem_shared>>
        %dma_start3A_306 = tpu.memref_slice %arg12[%dma_start3A_295] : memref<4x!tpu.dma_semaphore, #tpu.memory_space<semaphore_mem>> -> memref<1x!tpu.dma_semaphore, #tpu.memory_space<semaphore_mem>>
        %dma_start3A_307 = tpu.memref_squeeze %dma_start3A_306 : memref<1x!tpu.dma_semaphore, #tpu.memory_space<semaphore_mem>> -> memref<!tpu.dma_semaphore, #tpu.memory_space<semaphore_mem>>
        tpu.enqueue_indirect_dma source(%dma_start3A_302 : memref<16x128xf32, #tpu.memory_space<vmem>>) target(%dma_start3A_305 : memref<5008x128xf32, #tpu.memory_space<vmem_shared>>) offsets(%get3A_294 : vector<16xi32>) semaphore(%dma_start3A_307 : memref<!tpu.dma_semaphore, #tpu.memory_space<semaphore_mem>>) {add = true}
        %mul3A_308 = arith.constant 80 : i32
        %mul3A_309 = arith.muli %add3A_254, %mul3A_308 : i32
        %add3A_310 = arith.constant 16 : i32
        %add3A_311 = arith.addi %mul3A_309, %add3A_310 : i32
        %get3A_312 = arith.index_cast %add3A_311 : i32 to index
        %get3A_313 = tpu.vector_load %arg8[%get3A_312] {strides = array<i32>} : memref<20160xi32, #tpu.memory_space<vmem>>, vector<16xi32>,
        %dma_start3A_314 = arith.constant 3 : i32
        %dma_start3A_315 = arith.constant 3 : i32
        %dma_start3A_316 = arith.constant 0 : i32
        %dma_start3A_317 = arith.constant 0 : i32
        %dma_start3A_318 = tpu.memref_slice %arg9[%dma_start3A_314, %dma_start3A_316, %dma_start3A_317] : memref<4x80x128xf32, #tpu.memory_space<vmem>> -> memref<1x80x128xf32, #tpu.memory_space<vmem>>
        %dma_start3A_319 = tpu.memref_squeeze %dma_start3A_318 : memref<1x80x128xf32, #tpu.memory_space<vmem>> -> memref<80x128xf32, #tpu.memory_space<vmem>>
        %dma_start3A_320 = arith.constant 16 : i32
        %dma_start3A_321 = arith.constant 0 : i32
        %dma_start3A_322 = tpu.memref_slice %dma_start3A_319[%dma_start3A_320, %dma_start3A_321] : memref<80x128xf32, #tpu.memory_space<vmem>> -> memref<16x128xf32, #tpu.memory_space<vmem>>
        %dma_start3A_323 = arith.constant 0 : i32
        %dma_start3A_324 = arith.constant 0 : i32
        %dma_start3A_325 = tpu.memref_slice %arg10[%dma_start3A_323, %dma_start3A_324] : memref<5008x128xf32, #tpu.memory_space<vmem_shared>> -> memref<5008x128xf32, #tpu.memory_space<vmem_shared>>
        %dma_start3A_326 = tpu.memref_slice %arg12[%dma_start3A_315] : memref<4x!tpu.dma_semaphore, #tpu.memory_space<semaphore_mem>> -> memref<1x!tpu.dma_semaphore, #tpu.memory_space<semaphore_mem>>
        %dma_start3A_327 = tpu.memref_squeeze %dma_start3A_326 : memref<1x!tpu.dma_semaphore, #tpu.memory_space<semaphore_mem>> -> memref<!tpu.dma_semaphore, #tpu.memory_space<semaphore_mem>>
        tpu.enqueue_indirect_dma source(%dma_start3A_322 : memref<16x128xf32, #tpu.memory_space<vmem>>) target(%dma_start3A_325 : memref<5008x128xf32, #tpu.memory_space<vmem_shared>>) offsets(%get3A_313 : vector<16xi32>) semaphore(%dma_start3A_327 : memref<!tpu.dma_semaphore, #tpu.memory_space<semaphore_mem>>) {add = true}
        %mul3A_328 = arith.constant 80 : i32
        %mul3A_329 = arith.muli %add3A_254, %mul3A_328 : i32
        %add3A_330 = arith.constant 32 : i32
        %add3A_331 = arith.addi %mul3A_329, %add3A_330 : i32
        %get3A_332 = arith.index_cast %add3A_331 : i32 to index
        %get3A_333 = tpu.vector_load %arg8[%get3A_332] {strides = array<i32>} : memref<20160xi32, #tpu.memory_space<vmem>>, vector<16xi32>,
        %dma_start3A_334 = arith.constant 3 : i32
        %dma_start3A_335 = arith.constant 3 : i32
        %dma_start3A_336 = arith.constant 0 : i32
        %dma_start3A_337 = arith.constant 0 : i32
        %dma_start3A_338 = tpu.memref_slice %arg9[%dma_start3A_334, %dma_start3A_336, %dma_start3A_337] : memref<4x80x128xf32, #tpu.memory_space<vmem>> -> memref<1x80x128xf32, #tpu.memory_space<vmem>>
        %dma_start3A_339 = tpu.memref_squeeze %dma_start3A_338 : memref<1x80x128xf32, #tpu.memory_space<vmem>> -> memref<80x128xf32, #tpu.memory_space<vmem>>
        %dma_start3A_340 = arith.constant 32 : i32
        %dma_start3A_341 = arith.constant 0 : i32
        %dma_start3A_342 = tpu.memref_slice %dma_start3A_339[%dma_start3A_340, %dma_start3A_341] : memref<80x128xf32, #tpu.memory_space<vmem>> -> memref<16x128xf32, #tpu.memory_space<vmem>>
        %dma_start3A_343 = arith.constant 0 : i32
        %dma_start3A_344 = arith.constant 0 : i32
        %dma_start3A_345 = tpu.memref_slice %arg10[%dma_start3A_343, %dma_start3A_344] : memref<5008x128xf32, #tpu.memory_space<vmem_shared>> -> memref<5008x128xf32, #tpu.memory_space<vmem_shared>>
        %dma_start3A_346 = tpu.memref_slice %arg12[%dma_start3A_335] : memref<4x!tpu.dma_semaphore, #tpu.memory_space<semaphore_mem>> -> memref<1x!tpu.dma_semaphore, #tpu.memory_space<semaphore_mem>>
        %dma_start3A_347 = tpu.memref_squeeze %dma_start3A_346 : memref<1x!tpu.dma_semaphore, #tpu.memory_space<semaphore_mem>> -> memref<!tpu.dma_semaphore, #tpu.memory_space<semaphore_mem>>
        tpu.enqueue_indirect_dma source(%dma_start3A_342 : memref<16x128xf32, #tpu.memory_space<vmem>>) target(%dma_start3A_345 : memref<5008x128xf32, #tpu.memory_space<vmem_shared>>) offsets(%get3A_333 : vector<16xi32>) semaphore(%dma_start3A_347 : memref<!tpu.dma_semaphore, #tpu.memory_space<semaphore_mem>>) {add = true}
        %mul3A_348 = arith.constant 80 : i32
        %mul3A_349 = arith.muli %add3A_254, %mul3A_348 : i32
        %add3A_350 = arith.constant 48 : i32
        %add3A_351 = arith.addi %mul3A_349, %add3A_350 : i32
        %get3A_352 = arith.index_cast %add3A_351 : i32 to index
        %get3A_353 = tpu.vector_load %arg8[%get3A_352] {strides = array<i32>} : memref<20160xi32, #tpu.memory_space<vmem>>, vector<16xi32>,
        %dma_start3A_354 = arith.constant 3 : i32
        %dma_start3A_355 = arith.constant 3 : i32
        %dma_start3A_356 = arith.constant 0 : i32
        %dma_start3A_357 = arith.constant 0 : i32
        %dma_start3A_358 = tpu.memref_slice %arg9[%dma_start3A_354, %dma_start3A_356, %dma_start3A_357] : memref<4x80x128xf32, #tpu.memory_space<vmem>> -> memref<1x80x128xf32, #tpu.memory_space<vmem>>
        %dma_start3A_359 = tpu.memref_squeeze %dma_start3A_358 : memref<1x80x128xf32, #tpu.memory_space<vmem>> -> memref<80x128xf32, #tpu.memory_space<vmem>>
        %dma_start3A_360 = arith.constant 48 : i32
        %dma_start3A_361 = arith.constant 0 : i32
        %dma_start3A_362 = tpu.memref_slice %dma_start3A_359[%dma_start3A_360, %dma_start3A_361] : memref<80x128xf32, #tpu.memory_space<vmem>> -> memref<16x128xf32, #tpu.memory_space<vmem>>
        %dma_start3A_363 = arith.constant 0 : i32
        %dma_start3A_364 = arith.constant 0 : i32
        %dma_start3A_365 = tpu.memref_slice %arg10[%dma_start3A_363, %dma_start3A_364] : memref<5008x128xf32, #tpu.memory_space<vmem_shared>> -> memref<5008x128xf32, #tpu.memory_space<vmem_shared>>
        %dma_start3A_366 = tpu.memref_slice %arg12[%dma_start3A_355] : memref<4x!tpu.dma_semaphore, #tpu.memory_space<semaphore_mem>> -> memref<1x!tpu.dma_semaphore, #tpu.memory_space<semaphore_mem>>
        %dma_start3A_367 = tpu.memref_squeeze %dma_start3A_366 : memref<1x!tpu.dma_semaphore, #tpu.memory_space<semaphore_mem>> -> memref<!tpu.dma_semaphore, #tpu.memory_space<semaphore_mem>>
        tpu.enqueue_indirect_dma source(%dma_start3A_362 : memref<16x128xf32, #tpu.memory_space<vmem>>) target(%dma_start3A_365 : memref<5008x128xf32, #tpu.memory_space<vmem_shared>>) offsets(%get3A_353 : vector<16xi32>) semaphore(%dma_start3A_367 : memref<!tpu.dma_semaphore, #tpu.memory_space<semaphore_mem>>) {add = true}
        %mul3A_368 = arith.constant 80 : i32
        %mul3A_369 = arith.muli %add3A_254, %mul3A_368 : i32
        %add3A_370 = arith.constant 64 : i32
        %add3A_371 = arith.addi %mul3A_369, %add3A_370 : i32
        %get3A_372 = arith.index_cast %add3A_371 : i32 to index
        %get3A_373 = tpu.vector_load %arg8[%get3A_372] {strides = array<i32>} : memref<20160xi32, #tpu.memory_space<vmem>>, vector<16xi32>,
        %dma_start3A_374 = arith.constant 3 : i32
        %dma_start3A_375 = arith.constant 3 : i32
        %dma_start3A_376 = arith.constant 0 : i32
        %dma_start3A_377 = arith.constant 0 : i32
        %dma_start3A_378 = tpu.memref_slice %arg9[%dma_start3A_374, %dma_start3A_376, %dma_start3A_377] : memref<4x80x128xf32, #tpu.memory_space<vmem>> -> memref<1x80x128xf32, #tpu.memory_space<vmem>>
        %dma_start3A_379 = tpu.memref_squeeze %dma_start3A_378 : memref<1x80x128xf32, #tpu.memory_space<vmem>> -> memref<80x128xf32, #tpu.memory_space<vmem>>
        %dma_start3A_380 = arith.constant 64 : i32
        %dma_start3A_381 = arith.constant 0 : i32
        %dma_start3A_382 = tpu.memref_slice %dma_start3A_379[%dma_start3A_380, %dma_start3A_381] : memref<80x128xf32, #tpu.memory_space<vmem>> -> memref<16x128xf32, #tpu.memory_space<vmem>>
        %dma_start3A_383 = arith.constant 0 : i32
        %dma_start3A_384 = arith.constant 0 : i32
        %dma_start3A_385 = tpu.memref_slice %arg10[%dma_start3A_383, %dma_start3A_384] : memref<5008x128xf32, #tpu.memory_space<vmem_shared>> -> memref<5008x128xf32, #tpu.memory_space<vmem_shared>>
        %dma_start3A_386 = tpu.memref_slice %arg12[%dma_start3A_375] : memref<4x!tpu.dma_semaphore, #tpu.memory_space<semaphore_mem>> -> memref<1x!tpu.dma_semaphore, #tpu.memory_space<semaphore_mem>>
        %dma_start3A_387 = tpu.memref_squeeze %dma_start3A_386 : memref<1x!tpu.dma_semaphore, #tpu.memory_space<semaphore_mem>> -> memref<!tpu.dma_semaphore, #tpu.memory_space<semaphore_mem>>
        tpu.enqueue_indirect_dma source(%dma_start3A_382 : memref<16x128xf32, #tpu.memory_space<vmem>>) target(%dma_start3A_385 : memref<5008x128xf32, #tpu.memory_space<vmem_shared>>) offsets(%get3A_373 : vector<16xi32>) semaphore(%dma_start3A_387 : memref<!tpu.dma_semaphore, #tpu.memory_space<semaphore_mem>>) {add = true}
      } else {
      }
      %ge3A_259 = arith.constant 2 : i32
      %ge3A_260 = arith.cmpi sge, %add3A_254, %ge3A_259 : i32
      %sub3A_261 = arith.constant 2 : i32
      %sub3A_262 = arith.subi %add3A_254, %sub3A_261 : i32
      %lt3A_263 = arith.cmpi slt, %sub3A_262, %mul3A_110 : i32
      %and3A_264 = arith.andi %ge3A_260, %lt3A_263 : i1
      %convert_element_type3A_265 = arith.extui %and3A_264 : i1 to i32
      %cond3A_266 = arith.constant 0 : i32
      %cond3A_267 = arith.cmpi ne, %convert_element_type3A_265, %cond3A_266 : i32
      scf.if %cond3A_267 {
        %sub3A_274 = arith.constant 2 : i32
        %sub3A_275 = arith.subi %add3A_254, %sub3A_274 : i32
        %dma_wait3A = arith.constant 1 : i32
        %dma_wait3A_276 = arith.constant 1 : i32
        %dma_wait3A_277 = arith.constant 0 : i32
        %dma_wait3A_278 = arith.constant 0 : i32
        %dma_wait3A_279 = tpu.memref_slice %arg9[%dma_wait3A, %dma_wait3A_277, %dma_wait3A_278] : memref<4x80x128xf32, #tpu.memory_space<vmem>> -> memref<1x80x128xf32, #tpu.memory_space<vmem>>
        %dma_wait3A_280 = tpu.memref_squeeze %dma_wait3A_279 : memref<1x80x128xf32, #tpu.memory_space<vmem>> -> memref<80x128xf32, #tpu.memory_space<vmem>>
        %dma_wait3A_281 = arith.constant 0 : i32
        %dma_wait3A_282 = arith.constant 0 : i32
        %dma_wait3A_283 = tpu.memref_slice %arg2[%dma_wait3A_281, %dma_wait3A_282] : memref<20000x128xf32, #tpu.memory_space<hbm>> -> memref<80x128xf32, #tpu.memory_space<hbm>>
        %dma_wait3A_284 = tpu.memref_slice %arg12[%dma_wait3A_276] : memref<4x!tpu.dma_semaphore, #tpu.memory_space<semaphore_mem>> -> memref<1x!tpu.dma_semaphore, #tpu.memory_space<semaphore_mem>>
        %dma_wait3A_285 = tpu.memref_squeeze %dma_wait3A_284 : memref<1x!tpu.dma_semaphore, #tpu.memory_space<semaphore_mem>> -> memref<!tpu.dma_semaphore, #tpu.memory_space<semaphore_mem>>
        %dma_wait3A_286 = arith.constant 0 : i32
        %dma_wait3A_287 = arith.constant 0 : i32
        %dma_wait3A_288 = tpu.memref_slice %arg9[%dma_wait3A, %dma_wait3A_286, %dma_wait3A_287] : memref<4x80x128xf32, #tpu.memory_space<vmem>> -> memref<1x80x128xf32, #tpu.memory_space<vmem>>
        %dma_wait3A_289 = tpu.memref_squeeze %dma_wait3A_288 : memref<1x80x128xf32, #tpu.memory_space<vmem>> -> memref<80x128xf32, #tpu.memory_space<vmem>>
        %dma_wait3A_290 = arith.constant 0 : i32
        %dma_wait3A_291 = arith.constant 0 : i32
        %dma_wait3A_292 = tpu.memref_slice %arg2[%dma_wait3A_290, %dma_wait3A_291] : memref<20000x128xf32, #tpu.memory_space<hbm>> -> memref<80x128xf32, #tpu.memory_space<hbm>>
        tpu.wait_dma2 semaphore(%dma_wait3A_285 : memref<!tpu.dma_semaphore, #tpu.memory_space<semaphore_mem>>) src(%dma_wait3A_292 : memref<80x128xf32, #tpu.memory_space<hbm>>) dst(%dma_wait3A_289 : memref<80x128xf32, #tpu.memory_space<vmem>>)
      } else {
      }
      %add3A_268 = arith.constant 2 : i32
      %add3A_269 = arith.addi %add3A_254, %add3A_268 : i32
      %lt3A_270 = arith.cmpi slt, %add3A_269, %mul3A_110 : i32
      %convert_element_type3A_271 = arith.extui %lt3A_270 : i1 to i32
      %cond3A_272 = arith.constant 0 : i32
      %cond3A_273 = arith.cmpi ne, %convert_element_type3A_271, %cond3A_272 : i32
      scf.if %cond3A_273 {
        %add3A_274 = arith.constant 2 : i32
        %add3A_275 = arith.addi %add3A_254, %add3A_274 : i32
        %mul3A_276 = arith.constant 80 : i32
        %mul3A_277 = arith.muli %add3A_275, %mul3A_276 : i32
        %dma_start3A = arith.constant 1 : i32
        %dma_start3A_278 = arith.constant 1 : i32
        %dma_start3A_279 = arith.constant 0 : i32
        %dma_start3A_280 = arith.constant 0 : i32
        %dma_start3A_281 = tpu.memref_slice %arg9[%dma_start3A, %dma_start3A_279, %dma_start3A_280] : memref<4x80x128xf32, #tpu.memory_space<vmem>> -> memref<1x80x128xf32, #tpu.memory_space<vmem>>
        %dma_start3A_282 = tpu.memref_squeeze %dma_start3A_281 : memref<1x80x128xf32, #tpu.memory_space<vmem>> -> memref<80x128xf32, #tpu.memory_space<vmem>>
        %dma_start3A_283 = tpu.memref_slice %arg7[%mul3A_277] : memref<20160xi32, #tpu.memory_space<vmem>> -> memref<80xi32, #tpu.memory_space<vmem>>
        %dma_start3A_284 = arith.constant 0 : i32
        %dma_start3A_285 = arith.constant 0 : i32
        %dma_start3A_286 = tpu.memref_slice %arg2[%dma_start3A_284, %dma_start3A_285] : memref<20000x128xf32, #tpu.memory_space<hbm>> -> memref<10000x128xf32, #tpu.memory_space<hbm>>
        %dma_start3A_287 = arith.constant 0 : i32
        %dma_start3A_288 = arith.constant 0 : i32
        %dma_start3A_289 = tpu.memref_slice %dma_start3A_286[%dma_start3A_287, %dma_start3A_288] : memref<10000x128xf32, #tpu.memory_space<hbm>> -> memref<10000x128xf32, #tpu.memory_space<hbm>>
        %dma_start3A_290 = tpu.memref_slice %arg11[%dma_start3A_278] : memref<4x!tpu.dma_semaphore, #tpu.memory_space<semaphore_mem>> -> memref<1x!tpu.dma_semaphore, #tpu.memory_space<semaphore_mem>>
        %dma_start3A_291 = tpu.memref_squeeze %dma_start3A_290 : memref<1x!tpu.dma_semaphore, #tpu.memory_space<semaphore_mem>> -> memref<!tpu.dma_semaphore, #tpu.memory_space<semaphore_mem>>
        tpu.enqueue_indirect_dma source(%dma_start3A_289 : memref<10000x128xf32, #tpu.memory_space<hbm>>) target(%dma_start3A_282 : memref<80x128xf32, #tpu.memory_space<vmem>>) offsets(%dma_start3A_283 : memref<80xi32, #tpu.memory_space<vmem>>) semaphore(%dma_start3A_291 : memref<!tpu.dma_semaphore, #tpu.memory_space<semaphore_mem>>)
      } else {
      }
    }
    %scan3A_125 = arith.constant 63 : i32
    %ge3A = arith.constant 251 : i32
    %ge3A_126 = arith.cmpi sge, %mul3A_110, %ge3A : i32
    %convert_element_type3A_127 = arith.extui %ge3A_126 : i1 to i32
    %cond3A_128 = arith.constant 0 : i32
    %cond3A_129 = arith.cmpi ne, %convert_element_type3A_127, %cond3A_128 : i32
    scf.if %cond3A_129 {
      %dma_wait3A = arith.constant 2 : i32
      %dma_wait3A_186 = arith.constant 2 : i32
      %dma_wait3A_187 = arith.constant 0 : i32
      %dma_wait3A_188 = arith.constant 0 : i32
      %dma_wait3A_189 = tpu.memref_slice %arg9[%dma_wait3A, %dma_wait3A_187, %dma_wait3A_188] : memref<4x80x128xf32, #tpu.memory_space<vmem>> -> memref<1x80x128xf32, #tpu.memory_space<vmem>>
      %dma_wait3A_190 = tpu.memref_squeeze %dma_wait3A_189 : memref<1x80x128xf32, #tpu.memory_space<vmem>> -> memref<80x128xf32, #tpu.memory_space<vmem>>
      %dma_wait3A_191 = arith.constant 0 : i32
      %dma_wait3A_192 = arith.constant 0 : i32
      %dma_wait3A_193 = tpu.memref_slice %arg2[%dma_wait3A_191, %dma_wait3A_192] : memref<20000x128xf32, #tpu.memory_space<hbm>> -> memref<80x128xf32, #tpu.memory_space<hbm>>
      %dma_wait3A_194 = tpu.memref_slice %arg12[%dma_wait3A_186] : memref<4x!tpu.dma_semaphore, #tpu.memory_space<semaphore_mem>> -> memref<1x!tpu.dma_semaphore, #tpu.memory_space<semaphore_mem>>
      %dma_wait3A_195 = tpu.memref_squeeze %dma_wait3A_194 : memref<1x!tpu.dma_semaphore, #tpu.memory_space<semaphore_mem>> -> memref<!tpu.dma_semaphore, #tpu.memory_space<semaphore_mem>>
      %dma_wait3A_196 = arith.constant 0 : i32
      %dma_wait3A_197 = arith.constant 0 : i32
      %dma_wait3A_198 = tpu.memref_slice %arg9[%dma_wait3A, %dma_wait3A_196, %dma_wait3A_197] : memref<4x80x128xf32, #tpu.memory_space<vmem>> -> memref<1x80x128xf32, #tpu.memory_space<vmem>>
      %dma_wait3A_199 = tpu.memref_squeeze %dma_wait3A_198 : memref<1x80x128xf32, #tpu.memory_space<vmem>> -> memref<80x128xf32, #tpu.memory_space<vmem>>
      %dma_wait3A_200 = arith.constant 0 : i32
      %dma_wait3A_201 = arith.constant 0 : i32
      %dma_wait3A_202 = tpu.memref_slice %arg2[%dma_wait3A_200, %dma_wait3A_201] : memref<20000x128xf32, #tpu.memory_space<hbm>> -> memref<80x128xf32, #tpu.memory_space<hbm>>
      tpu.wait_dma2 semaphore(%dma_wait3A_195 : memref<!tpu.dma_semaphore, #tpu.memory_space<semaphore_mem>>) src(%dma_wait3A_202 : memref<80x128xf32, #tpu.memory_space<hbm>>) dst(%dma_wait3A_199 : memref<80x128xf32, #tpu.memory_space<vmem>>)
    } else {
    }
    %eq3A = arith.constant 252 : i32
    %eq3A_130 = arith.cmpi eq, %mul3A_110, %eq3A : i32
    %convert_element_type3A_131 = arith.extui %eq3A_130 : i1 to i32
    %cond3A_132 = arith.constant 0 : i32
    %cond3A_133 = arith.cmpi ne, %convert_element_type3A_131, %cond3A_132 : i32
    scf.if %cond3A_133 {
      %dma_wait3A = arith.constant 3 : i32
      %dma_wait3A_186 = arith.constant 3 : i32
      %dma_wait3A_187 = arith.constant 0 : i32
      %dma_wait3A_188 = arith.constant 0 : i32
      %dma_wait3A_189 = tpu.memref_slice %arg9[%dma_wait3A, %dma_wait3A_187, %dma_wait3A_188] : memref<4x80x128xf32, #tpu.memory_space<vmem>> -> memref<1x80x128xf32, #tpu.memory_space<vmem>>
      %dma_wait3A_190 = tpu.memref_squeeze %dma_wait3A_189 : memref<1x80x128xf32, #tpu.memory_space<vmem>> -> memref<80x128xf32, #tpu.memory_space<vmem>>
      %dma_wait3A_191 = arith.constant 0 : i32
      %dma_wait3A_192 = arith.constant 0 : i32
      %dma_wait3A_193 = tpu.memref_slice %arg2[%dma_wait3A_191, %dma_wait3A_192] : memref<20000x128xf32, #tpu.memory_space<hbm>> -> memref<80x128xf32, #tpu.memory_space<hbm>>
      %dma_wait3A_194 = tpu.memref_slice %arg12[%dma_wait3A_186] : memref<4x!tpu.dma_semaphore, #tpu.memory_space<semaphore_mem>> -> memref<1x!tpu.dma_semaphore, #tpu.memory_space<semaphore_mem>>
      %dma_wait3A_195 = tpu.memref_squeeze %dma_wait3A_194 : memref<1x!tpu.dma_semaphore, #tpu.memory_space<semaphore_mem>> -> memref<!tpu.dma_semaphore, #tpu.memory_space<semaphore_mem>>
      %dma_wait3A_196 = arith.constant 0 : i32
      %dma_wait3A_197 = arith.constant 0 : i32
      %dma_wait3A_198 = tpu.memref_slice %arg9[%dma_wait3A, %dma_wait3A_196, %dma_wait3A_197] : memref<4x80x128xf32, #tpu.memory_space<vmem>> -> memref<1x80x128xf32, #tpu.memory_space<vmem>>
      %dma_wait3A_199 = tpu.memref_squeeze %dma_wait3A_198 : memref<1x80x128xf32, #tpu.memory_space<vmem>> -> memref<80x128xf32, #tpu.memory_space<vmem>>
      %dma_wait3A_200 = arith.constant 0 : i32
      %dma_wait3A_201 = arith.constant 0 : i32
      %dma_wait3A_202 = tpu.memref_slice %arg2[%dma_wait3A_200, %dma_wait3A_201] : memref<20000x128xf32, #tpu.memory_space<hbm>> -> memref<80x128xf32, #tpu.memory_space<hbm>>
      tpu.wait_dma2 semaphore(%dma_wait3A_195 : memref<!tpu.dma_semaphore, #tpu.memory_space<semaphore_mem>>) src(%dma_wait3A_202 : memref<80x128xf32, #tpu.memory_space<hbm>>) dst(%dma_wait3A_199 : memref<80x128xf32, #tpu.memory_space<vmem>>)
    } else {
    }
    %barrier3A_134 = arith.constant 0 : index
    tpu.barrier barrier_id(%barrier3A_134)
    %mul3A_135 = arith.constant 320 : i32
    %mul3A_136 = arith.muli %arg1, %mul3A_135 : i32
    %min3A_137 = arith.constant 4680 : i32
    %min3A_138 = arith.minsi %mul3A_136, %min3A_137 : i32
    %mul3A_139 = arith.constant 5000 : i32
    %mul3A_140 = arith.muli %arg0, %mul3A_139 : i32
    %add3A_141 = arith.constant 0 : i32
    %add3A_142 = arith.addi %add3A_141, %mul3A_140 : i32
    %add3A_143 = arith.addi %add3A_142, %min3A_138 : i32
    "tpu.region"() ({
      %run_scoped3A = tpu.sem_alloc : memref<!tpu.dma_semaphore, #tpu.memory_space<semaphore_mem>>
      %dma_start3A = arith.constant 0 : i32
      %dma_start3A_186 = tpu.memref_slice %arg6[%add3A_143, %dma_start3A] : memref<20000x128xf32, #tpu.memory_space<hbm>> -> memref<320x128xf32, #tpu.memory_space<hbm>>
      %dma_start3A_187 = arith.constant 0 : i32
      %dma_start3A_188 = tpu.memref_slice %arg10[%min3A_138, %dma_start3A_187] : memref<5008x128xf32, #tpu.memory_space<vmem_shared>> -> memref<320x128xf32, #tpu.memory_space<vmem_shared>>
      tpu.enqueue_dma source(%dma_start3A_188 : memref<320x128xf32, #tpu.memory_space<vmem_shared>>) target(%dma_start3A_186 : memref<320x128xf32, #tpu.memory_space<hbm>>) target_semaphore(%run_scoped3A : memref<!tpu.dma_semaphore, #tpu.memory_space<semaphore_mem>>)
      %dma_wait3A = arith.constant 0 : i32
      %dma_wait3A_189 = tpu.memref_slice %arg6[%add3A_143, %dma_wait3A] : memref<20000x128xf32, #tpu.memory_space<hbm>> -> memref<320x128xf32, #tpu.memory_space<hbm>>
      %dma_wait3A_190 = arith.constant 0 : i32
      %dma_wait3A_191 = tpu.memref_slice %arg10[%min3A_138, %dma_wait3A_190] : memref<5008x128xf32, #tpu.memory_space<vmem_shared>> -> memref<320x128xf32, #tpu.memory_space<vmem_shared>>
      tpu.wait_dma2 semaphore(%run_scoped3A : memref<!tpu.dma_semaphore, #tpu.memory_space<semaphore_mem>>) src(%dma_wait3A_191 : memref<320x128xf32, #tpu.memory_space<vmem_shared>>) dst(%dma_wait3A_189 : memref<320x128xf32, #tpu.memory_space<hbm>>)
      tpu.yield
    }) : () -> ()
    %barrier3A_144 = arith.constant 0 : index
    tpu.barrier barrier_id(%barrier3A_144)
    %mul3A_145 = arith.constant 320 : i32
    %mul3A_146 = arith.muli %arg1, %mul3A_145 : i32
    %min3A_147 = arith.constant 4688 : i32
    %min3A_148 = arith.minsi %mul3A_146, %min3A_147 : i32
    "tpu.region"() ({
      %run_scoped3A = tpu.sem_alloc : memref<!tpu.dma_semaphore, #tpu.memory_space<semaphore_mem>>
      %dma_start3A = arith.constant 0 : i32
      %dma_start3A_186 = tpu.memref_slice %arg10[%min3A_148, %dma_start3A] : memref<5008x128xf32, #tpu.memory_space<vmem_shared>> -> memref<320x128xf32, #tpu.memory_space<vmem_shared>>
      tpu.enqueue_dma source(%arg5 : memref<320x128xf32, #tpu.memory_space<hbm>>) target(%dma_start3A_186 : memref<320x128xf32, #tpu.memory_space<vmem_shared>>) target_semaphore(%run_scoped3A : memref<!tpu.dma_semaphore, #tpu.memory_space<semaphore_mem>>)
      %dma_wait3A = arith.constant 0 : i32
      %dma_wait3A_187 = tpu.memref_slice %arg10[%min3A_148, %dma_wait3A] : memref<5008x128xf32, #tpu.memory_space<vmem_shared>> -> memref<320x128xf32, #tpu.memory_space<vmem_shared>>
      tpu.wait_dma2 semaphore(%run_scoped3A : memref<!tpu.dma_semaphore, #tpu.memory_space<semaphore_mem>>) src(%arg5 : memref<320x128xf32, #tpu.memory_space<hbm>>) dst(%dma_wait3A_187 : memref<320x128xf32, #tpu.memory_space<vmem_shared>>)
      tpu.yield
    }) : () -> ()
    %barrier3A_149 = arith.constant 0 : index
    tpu.barrier barrier_id(%barrier3A_149)
    %gt3A_150 = arith.constant 0 : i32
    %gt3A_151 = arith.cmpi sgt, %mul3A_110, %gt3A_150 : i32
    %convert_element_type3A_152 = arith.extui %gt3A_151 : i1 to i32
    %cond3A_153 = arith.constant 0 : i32
    %cond3A_154 = arith.cmpi ne, %convert_element_type3A_152, %cond3A_153 : i32
    scf.if %cond3A_154 {
      %dma_start3A = arith.constant 0 : i32
      %dma_start3A_186 = arith.constant 0 : i32
      %dma_start3A_187 = arith.constant 0 : i32
      %dma_start3A_188 = arith.constant 0 : i32
      %dma_start3A_189 = tpu.memref_slice %arg9[%dma_start3A, %dma_start3A_187, %dma_start3A_188] : memref<4x80x128xf32, #tpu.memory_space<vmem>> -> memref<1x80x128xf32, #tpu.memory_space<vmem>>
      %dma_start3A_190 = tpu.memref_squeeze %dma_start3A_189 : memref<1x80x128xf32, #tpu.memory_space<vmem>> -> memref<80x128xf32, #tpu.memory_space<vmem>>
      %dma_start3A_191 = arith.constant 0 : i32
      %dma_start3A_192 = tpu.memref_slice %arg7[%dma_start3A_191] : memref<20160xi32, #tpu.memory_space<vmem>> -> memref<80xi32, #tpu.memory_space<vmem>>
      %dma_start3A_193 = arith.constant 10000 : i32
      %dma_start3A_194 = arith.constant 0 : i32
      %dma_start3A_195 = tpu.memref_slice %arg2[%dma_start3A_193, %dma_start3A_194] : memref<20000x128xf32, #tpu.memory_space<hbm>> -> memref<10000x128xf32, #tpu.memory_space<hbm>>
      %dma_start3A_196 = arith.constant 0 : i32
      %dma_start3A_197 = arith.constant 0 : i32
      %dma_start3A_198 = tpu.memref_slice %dma_start3A_195[%dma_start3A_196, %dma_start3A_197] : memref<10000x128xf32, #tpu.memory_space<hbm>> -> memref<10000x128xf32, #tpu.memory_space<hbm>>
      %dma_start3A_199 = tpu.memref_slice %arg11[%dma_start3A_186] : memref<4x!tpu.dma_semaphore, #tpu.memory_space<semaphore_mem>> -> memref<1x!tpu.dma_semaphore, #tpu.memory_space<semaphore_mem>>
      %dma_start3A_200 = tpu.memref_squeeze %dma_start3A_199 : memref<1x!tpu.dma_semaphore, #tpu.memory_space<semaphore_mem>> -> memref<!tpu.dma_semaphore, #tpu.memory_space<semaphore_mem>>
      tpu.enqueue_indirect_dma source(%dma_start3A_198 : memref<10000x128xf32, #tpu.memory_space<hbm>>) target(%dma_start3A_190 : memref<80x128xf32, #tpu.memory_space<vmem>>) offsets(%dma_start3A_192 : memref<80xi32, #tpu.memory_space<vmem>>) semaphore(%dma_start3A_200 : memref<!tpu.dma_semaphore, #tpu.memory_space<semaphore_mem>>)
    } else {
    }
    %gt3A_155 = arith.constant 1 : i32
    %gt3A_156 = arith.cmpi sgt, %mul3A_110, %gt3A_155 : i32
    %convert_element_type3A_157 = arith.extui %gt3A_156 : i1 to i32
    %cond3A_158 = arith.constant 0 : i32
    %cond3A_159 = arith.cmpi ne, %convert_element_type3A_157, %cond3A_158 : i32
    scf.if %cond3A_159 {
      %dma_start3A = arith.constant 1 : i32
      %dma_start3A_186 = arith.constant 1 : i32
      %dma_start3A_187 = arith.constant 0 : i32
      %dma_start3A_188 = arith.constant 0 : i32
      %dma_start3A_189 = tpu.memref_slice %arg9[%dma_start3A, %dma_start3A_187, %dma_start3A_188] : memref<4x80x128xf32, #tpu.memory_space<vmem>> -> memref<1x80x128xf32, #tpu.memory_space<vmem>>
      %dma_start3A_190 = tpu.memref_squeeze %dma_start3A_189 : memref<1x80x128xf32, #tpu.memory_space<vmem>> -> memref<80x128xf32, #tpu.memory_space<vmem>>
      %dma_start3A_191 = arith.constant 80 : i32
      %dma_start3A_192 = tpu.memref_slice %arg7[%dma_start3A_191] : memref<20160xi32, #tpu.memory_space<vmem>> -> memref<80xi32, #tpu.memory_space<vmem>>
      %dma_start3A_193 = arith.constant 10000 : i32
      %dma_start3A_194 = arith.constant 0 : i32
      %dma_start3A_195 = tpu.memref_slice %arg2[%dma_start3A_193, %dma_start3A_194] : memref<20000x128xf32, #tpu.memory_space<hbm>> -> memref<10000x128xf32, #tpu.memory_space<hbm>>
      %dma_start3A_196 = arith.constant 0 : i32
      %dma_start3A_197 = arith.constant 0 : i32
      %dma_start3A_198 = tpu.memref_slice %dma_start3A_195[%dma_start3A_196, %dma_start3A_197] : memref<10000x128xf32, #tpu.memory_space<hbm>> -> memref<10000x128xf32, #tpu.memory_space<hbm>>
      %dma_start3A_199 = tpu.memref_slice %arg11[%dma_start3A_186] : memref<4x!tpu.dma_semaphore, #tpu.memory_space<semaphore_mem>> -> memref<1x!tpu.dma_semaphore, #tpu.memory_space<semaphore_mem>>
      %dma_start3A_200 = tpu.memref_squeeze %dma_start3A_199 : memref<1x!tpu.dma_semaphore, #tpu.memory_space<semaphore_mem>> -> memref<!tpu.dma_semaphore, #tpu.memory_space<semaphore_mem>>
      tpu.enqueue_indirect_dma source(%dma_start3A_198 : memref<10000x128xf32, #tpu.memory_space<hbm>>) target(%dma_start3A_190 : memref<80x128xf32, #tpu.memory_space<vmem>>) offsets(%dma_start3A_192 : memref<80xi32, #tpu.memory_space<vmem>>) semaphore(%dma_start3A_200 : memref<!tpu.dma_semaphore, #tpu.memory_space<semaphore_mem>>)
    } else {
    }
    %scan3A_160 = arith.constant 0 : i32
    %scan3A_161 = arith.constant 63 : i32
    %scan3A_162 = arith.addi %scan3A_160, %scan3A_161 : i32
    %scan3A_163 = arith.constant 1 : i32
    scf.for %scan3A_186 = %scan3A_160 to %scan3A_162 step %scan3A_163  : i32 {
      %mul3A_187 = arith.constant 4 : i32
      %mul3A_188 = arith.muli %scan3A_186, %mul3A_187 : i32
      %add3A_189 = arith.constant 0 : i32
      %add3A_190 = arith.addi %add3A_189, %mul3A_188 : i32
      %add3A_191 = arith.constant 0 : i32
      %add3A_192 = arith.addi %add3A_190, %add3A_191 : i32
      %lt3A = arith.cmpi slt, %add3A_192, %mul3A_110 : i32
      %convert_element_type3A_193 = arith.extui %lt3A : i1 to i32
      %cond3A_194 = arith.constant 0 : i32
      %cond3A_195 = arith.cmpi ne, %convert_element_type3A_193, %cond3A_194 : i32
      scf.if %cond3A_195 {
        %mul3A_274 = arith.constant 80 : i32
        %mul3A_275 = arith.muli %add3A_192, %mul3A_274 : i32
        %dma_wait3A = arith.constant 0 : i32
        %dma_wait3A_276 = arith.constant 0 : i32
        %dma_wait3A_277 = arith.constant 0 : i32
        %dma_wait3A_278 = arith.constant 0 : i32
        %dma_wait3A_279 = tpu.memref_slice %arg9[%dma_wait3A, %dma_wait3A_277, %dma_wait3A_278] : memref<4x80x128xf32, #tpu.memory_space<vmem>> -> memref<1x80x128xf32, #tpu.memory_space<vmem>>
        %dma_wait3A_280 = tpu.memref_squeeze %dma_wait3A_279 : memref<1x80x128xf32, #tpu.memory_space<vmem>> -> memref<80x128xf32, #tpu.memory_space<vmem>>
        %dma_wait3A_281 = tpu.memref_slice %arg7[%mul3A_275] : memref<20160xi32, #tpu.memory_space<vmem>> -> memref<80xi32, #tpu.memory_space<vmem>>
        %dma_wait3A_282 = arith.constant 10000 : i32
        %dma_wait3A_283 = arith.constant 0 : i32
        %dma_wait3A_284 = tpu.memref_slice %arg2[%dma_wait3A_282, %dma_wait3A_283] : memref<20000x128xf32, #tpu.memory_space<hbm>> -> memref<10000x128xf32, #tpu.memory_space<hbm>>
        %dma_wait3A_285 = arith.constant 0 : i32
        %dma_wait3A_286 = arith.constant 0 : i32
        %dma_wait3A_287 = tpu.memref_slice %dma_wait3A_284[%dma_wait3A_285, %dma_wait3A_286] : memref<10000x128xf32, #tpu.memory_space<hbm>> -> memref<10000x128xf32, #tpu.memory_space<hbm>>
        %dma_wait3A_288 = tpu.memref_slice %arg11[%dma_wait3A_276] : memref<4x!tpu.dma_semaphore, #tpu.memory_space<semaphore_mem>> -> memref<1x!tpu.dma_semaphore, #tpu.memory_space<semaphore_mem>>
        %dma_wait3A_289 = tpu.memref_squeeze %dma_wait3A_288 : memref<1x!tpu.dma_semaphore, #tpu.memory_space<semaphore_mem>> -> memref<!tpu.dma_semaphore, #tpu.memory_space<semaphore_mem>>
        tpu.wait_indirect_dma semaphore(%dma_wait3A_289 : memref<!tpu.dma_semaphore, #tpu.memory_space<semaphore_mem>>) src(%dma_wait3A_287 : memref<10000x128xf32, #tpu.memory_space<hbm>>) dst(%dma_wait3A_280 : memref<80x128xf32, #tpu.memory_space<vmem>>)
        %mul3A_290 = arith.constant 80 : i32
        %mul3A_291 = arith.muli %add3A_192, %mul3A_290 : i32
        %add3A_292 = arith.constant 0 : i32
        %add3A_293 = arith.addi %mul3A_291, %add3A_292 : i32
        %get3A = arith.index_cast %add3A_293 : i32 to index
        %get3A_294 = tpu.vector_load %arg8[%get3A] {strides = array<i32>} : memref<20160xi32, #tpu.memory_space<vmem>>, vector<16xi32>,
        %dma_start3A = arith.constant 0 : i32
        %dma_start3A_295 = arith.constant 0 : i32
        %dma_start3A_296 = arith.constant 0 : i32
        %dma_start3A_297 = arith.constant 0 : i32
        %dma_start3A_298 = tpu.memref_slice %arg9[%dma_start3A, %dma_start3A_296, %dma_start3A_297] : memref<4x80x128xf32, #tpu.memory_space<vmem>> -> memref<1x80x128xf32, #tpu.memory_space<vmem>>
        %dma_start3A_299 = tpu.memref_squeeze %dma_start3A_298 : memref<1x80x128xf32, #tpu.memory_space<vmem>> -> memref<80x128xf32, #tpu.memory_space<vmem>>
        %dma_start3A_300 = arith.constant 0 : i32
        %dma_start3A_301 = arith.constant 0 : i32
        %dma_start3A_302 = tpu.memref_slice %dma_start3A_299[%dma_start3A_300, %dma_start3A_301] : memref<80x128xf32, #tpu.memory_space<vmem>> -> memref<16x128xf32, #tpu.memory_space<vmem>>
        %dma_start3A_303 = arith.constant 0 : i32
        %dma_start3A_304 = arith.constant 0 : i32
        %dma_start3A_305 = tpu.memref_slice %arg10[%dma_start3A_303, %dma_start3A_304] : memref<5008x128xf32, #tpu.memory_space<vmem_shared>> -> memref<5008x128xf32, #tpu.memory_space<vmem_shared>>
        %dma_start3A_306 = tpu.memref_slice %arg12[%dma_start3A_295] : memref<4x!tpu.dma_semaphore, #tpu.memory_space<semaphore_mem>> -> memref<1x!tpu.dma_semaphore, #tpu.memory_space<semaphore_mem>>
        %dma_start3A_307 = tpu.memref_squeeze %dma_start3A_306 : memref<1x!tpu.dma_semaphore, #tpu.memory_space<semaphore_mem>> -> memref<!tpu.dma_semaphore, #tpu.memory_space<semaphore_mem>>
        tpu.enqueue_indirect_dma source(%dma_start3A_302 : memref<16x128xf32, #tpu.memory_space<vmem>>) target(%dma_start3A_305 : memref<5008x128xf32, #tpu.memory_space<vmem_shared>>) offsets(%get3A_294 : vector<16xi32>) semaphore(%dma_start3A_307 : memref<!tpu.dma_semaphore, #tpu.memory_space<semaphore_mem>>) {add = true}
        %mul3A_308 = arith.constant 80 : i32
        %mul3A_309 = arith.muli %add3A_192, %mul3A_308 : i32
        %add3A_310 = arith.constant 16 : i32
        %add3A_311 = arith.addi %mul3A_309, %add3A_310 : i32
        %get3A_312 = arith.index_cast %add3A_311 : i32 to index
        %get3A_313 = tpu.vector_load %arg8[%get3A_312] {strides = array<i32>} : memref<20160xi32, #tpu.memory_space<vmem>>, vector<16xi32>,
        %dma_start3A_314 = arith.constant 0 : i32
        %dma_start3A_315 = arith.constant 0 : i32
        %dma_start3A_316 = arith.constant 0 : i32
        %dma_start3A_317 = arith.constant 0 : i32
        %dma_start3A_318 = tpu.memref_slice %arg9[%dma_start3A_314, %dma_start3A_316, %dma_start3A_317] : memref<4x80x128xf32, #tpu.memory_space<vmem>> -> memref<1x80x128xf32, #tpu.memory_space<vmem>>
        %dma_start3A_319 = tpu.memref_squeeze %dma_start3A_318 : memref<1x80x128xf32, #tpu.memory_space<vmem>> -> memref<80x128xf32, #tpu.memory_space<vmem>>
        %dma_start3A_320 = arith.constant 16 : i32
        %dma_start3A_321 = arith.constant 0 : i32
        %dma_start3A_322 = tpu.memref_slice %dma_start3A_319[%dma_start3A_320, %dma_start3A_321] : memref<80x128xf32, #tpu.memory_space<vmem>> -> memref<16x128xf32, #tpu.memory_space<vmem>>
        %dma_start3A_323 = arith.constant 0 : i32
        %dma_start3A_324 = arith.constant 0 : i32
        %dma_start3A_325 = tpu.memref_slice %arg10[%dma_start3A_323, %dma_start3A_324] : memref<5008x128xf32, #tpu.memory_space<vmem_shared>> -> memref<5008x128xf32, #tpu.memory_space<vmem_shared>>
        %dma_start3A_326 = tpu.memref_slice %arg12[%dma_start3A_315] : memref<4x!tpu.dma_semaphore, #tpu.memory_space<semaphore_mem>> -> memref<1x!tpu.dma_semaphore, #tpu.memory_space<semaphore_mem>>
        %dma_start3A_327 = tpu.memref_squeeze %dma_start3A_326 : memref<1x!tpu.dma_semaphore, #tpu.memory_space<semaphore_mem>> -> memref<!tpu.dma_semaphore, #tpu.memory_space<semaphore_mem>>
        tpu.enqueue_indirect_dma source(%dma_start3A_322 : memref<16x128xf32, #tpu.memory_space<vmem>>) target(%dma_start3A_325 : memref<5008x128xf32, #tpu.memory_space<vmem_shared>>) offsets(%get3A_313 : vector<16xi32>) semaphore(%dma_start3A_327 : memref<!tpu.dma_semaphore, #tpu.memory_space<semaphore_mem>>) {add = true}
        %mul3A_328 = arith.constant 80 : i32
        %mul3A_329 = arith.muli %add3A_192, %mul3A_328 : i32
        %add3A_330 = arith.constant 32 : i32
        %add3A_331 = arith.addi %mul3A_329, %add3A_330 : i32
        %get3A_332 = arith.index_cast %add3A_331 : i32 to index
        %get3A_333 = tpu.vector_load %arg8[%get3A_332] {strides = array<i32>} : memref<20160xi32, #tpu.memory_space<vmem>>, vector<16xi32>,
        %dma_start3A_334 = arith.constant 0 : i32
        %dma_start3A_335 = arith.constant 0 : i32
        %dma_start3A_336 = arith.constant 0 : i32
        %dma_start3A_337 = arith.constant 0 : i32
        %dma_start3A_338 = tpu.memref_slice %arg9[%dma_start3A_334, %dma_start3A_336, %dma_start3A_337] : memref<4x80x128xf32, #tpu.memory_space<vmem>> -> memref<1x80x128xf32, #tpu.memory_space<vmem>>
        %dma_start3A_339 = tpu.memref_squeeze %dma_start3A_338 : memref<1x80x128xf32, #tpu.memory_space<vmem>> -> memref<80x128xf32, #tpu.memory_space<vmem>>
        %dma_start3A_340 = arith.constant 32 : i32
        %dma_start3A_341 = arith.constant 0 : i32
        %dma_start3A_342 = tpu.memref_slice %dma_start3A_339[%dma_start3A_340, %dma_start3A_341] : memref<80x128xf32, #tpu.memory_space<vmem>> -> memref<16x128xf32, #tpu.memory_space<vmem>>
        %dma_start3A_343 = arith.constant 0 : i32
        %dma_start3A_344 = arith.constant 0 : i32
        %dma_start3A_345 = tpu.memref_slice %arg10[%dma_start3A_343, %dma_start3A_344] : memref<5008x128xf32, #tpu.memory_space<vmem_shared>> -> memref<5008x128xf32, #tpu.memory_space<vmem_shared>>
        %dma_start3A_346 = tpu.memref_slice %arg12[%dma_start3A_335] : memref<4x!tpu.dma_semaphore, #tpu.memory_space<semaphore_mem>> -> memref<1x!tpu.dma_semaphore, #tpu.memory_space<semaphore_mem>>
        %dma_start3A_347 = tpu.memref_squeeze %dma_start3A_346 : memref<1x!tpu.dma_semaphore, #tpu.memory_space<semaphore_mem>> -> memref<!tpu.dma_semaphore, #tpu.memory_space<semaphore_mem>>
        tpu.enqueue_indirect_dma source(%dma_start3A_342 : memref<16x128xf32, #tpu.memory_space<vmem>>) target(%dma_start3A_345 : memref<5008x128xf32, #tpu.memory_space<vmem_shared>>) offsets(%get3A_333 : vector<16xi32>) semaphore(%dma_start3A_347 : memref<!tpu.dma_semaphore, #tpu.memory_space<semaphore_mem>>) {add = true}
        %mul3A_348 = arith.constant 80 : i32
        %mul3A_349 = arith.muli %add3A_192, %mul3A_348 : i32
        %add3A_350 = arith.constant 48 : i32
        %add3A_351 = arith.addi %mul3A_349, %add3A_350 : i32
        %get3A_352 = arith.index_cast %add3A_351 : i32 to index
        %get3A_353 = tpu.vector_load %arg8[%get3A_352] {strides = array<i32>} : memref<20160xi32, #tpu.memory_space<vmem>>, vector<16xi32>,
        %dma_start3A_354 = arith.constant 0 : i32
        %dma_start3A_355 = arith.constant 0 : i32
        %dma_start3A_356 = arith.constant 0 : i32
        %dma_start3A_357 = arith.constant 0 : i32
        %dma_start3A_358 = tpu.memref_slice %arg9[%dma_start3A_354, %dma_start3A_356, %dma_start3A_357] : memref<4x80x128xf32, #tpu.memory_space<vmem>> -> memref<1x80x128xf32, #tpu.memory_space<vmem>>
        %dma_start3A_359 = tpu.memref_squeeze %dma_start3A_358 : memref<1x80x128xf32, #tpu.memory_space<vmem>> -> memref<80x128xf32, #tpu.memory_space<vmem>>
        %dma_start3A_360 = arith.constant 48 : i32
        %dma_start3A_361 = arith.constant 0 : i32
        %dma_start3A_362 = tpu.memref_slice %dma_start3A_359[%dma_start3A_360, %dma_start3A_361] : memref<80x128xf32, #tpu.memory_space<vmem>> -> memref<16x128xf32, #tpu.memory_space<vmem>>
        %dma_start3A_363 = arith.constant 0 : i32
        %dma_start3A_364 = arith.constant 0 : i32
        %dma_start3A_365 = tpu.memref_slice %arg10[%dma_start3A_363, %dma_start3A_364] : memref<5008x128xf32, #tpu.memory_space<vmem_shared>> -> memref<5008x128xf32, #tpu.memory_space<vmem_shared>>
        %dma_start3A_366 = tpu.memref_slice %arg12[%dma_start3A_355] : memref<4x!tpu.dma_semaphore, #tpu.memory_space<semaphore_mem>> -> memref<1x!tpu.dma_semaphore, #tpu.memory_space<semaphore_mem>>
        %dma_start3A_367 = tpu.memref_squeeze %dma_start3A_366 : memref<1x!tpu.dma_semaphore, #tpu.memory_space<semaphore_mem>> -> memref<!tpu.dma_semaphore, #tpu.memory_space<semaphore_mem>>
        tpu.enqueue_indirect_dma source(%dma_start3A_362 : memref<16x128xf32, #tpu.memory_space<vmem>>) target(%dma_start3A_365 : memref<5008x128xf32, #tpu.memory_space<vmem_shared>>) offsets(%get3A_353 : vector<16xi32>) semaphore(%dma_start3A_367 : memref<!tpu.dma_semaphore, #tpu.memory_space<semaphore_mem>>) {add = true}
        %mul3A_368 = arith.constant 80 : i32
        %mul3A_369 = arith.muli %add3A_192, %mul3A_368 : i32
        %add3A_370 = arith.constant 64 : i32
        %add3A_371 = arith.addi %mul3A_369, %add3A_370 : i32
        %get3A_372 = arith.index_cast %add3A_371 : i32 to index
        %get3A_373 = tpu.vector_load %arg8[%get3A_372] {strides = array<i32>} : memref<20160xi32, #tpu.memory_space<vmem>>, vector<16xi32>,
        %dma_start3A_374 = arith.constant 0 : i32
        %dma_start3A_375 = arith.constant 0 : i32
        %dma_start3A_376 = arith.constant 0 : i32
        %dma_start3A_377 = arith.constant 0 : i32
        %dma_start3A_378 = tpu.memref_slice %arg9[%dma_start3A_374, %dma_start3A_376, %dma_start3A_377] : memref<4x80x128xf32, #tpu.memory_space<vmem>> -> memref<1x80x128xf32, #tpu.memory_space<vmem>>
        %dma_start3A_379 = tpu.memref_squeeze %dma_start3A_378 : memref<1x80x128xf32, #tpu.memory_space<vmem>> -> memref<80x128xf32, #tpu.memory_space<vmem>>
        %dma_start3A_380 = arith.constant 64 : i32
        %dma_start3A_381 = arith.constant 0 : i32
        %dma_start3A_382 = tpu.memref_slice %dma_start3A_379[%dma_start3A_380, %dma_start3A_381] : memref<80x128xf32, #tpu.memory_space<vmem>> -> memref<16x128xf32, #tpu.memory_space<vmem>>
        %dma_start3A_383 = arith.constant 0 : i32
        %dma_start3A_384 = arith.constant 0 : i32
        %dma_start3A_385 = tpu.memref_slice %arg10[%dma_start3A_383, %dma_start3A_384] : memref<5008x128xf32, #tpu.memory_space<vmem_shared>> -> memref<5008x128xf32, #tpu.memory_space<vmem_shared>>
        %dma_start3A_386 = tpu.memref_slice %arg12[%dma_start3A_375] : memref<4x!tpu.dma_semaphore, #tpu.memory_space<semaphore_mem>> -> memref<1x!tpu.dma_semaphore, #tpu.memory_space<semaphore_mem>>
        %dma_start3A_387 = tpu.memref_squeeze %dma_start3A_386 : memref<1x!tpu.dma_semaphore, #tpu.memory_space<semaphore_mem>> -> memref<!tpu.dma_semaphore, #tpu.memory_space<semaphore_mem>>
        tpu.enqueue_indirect_dma source(%dma_start3A_382 : memref<16x128xf32, #tpu.memory_space<vmem>>) target(%dma_start3A_385 : memref<5008x128xf32, #tpu.memory_space<vmem_shared>>) offsets(%get3A_373 : vector<16xi32>) semaphore(%dma_start3A_387 : memref<!tpu.dma_semaphore, #tpu.memory_space<semaphore_mem>>) {add = true}
      } else {
      }
      %ge3A_196 = arith.constant 2 : i32
      %ge3A_197 = arith.cmpi sge, %add3A_192, %ge3A_196 : i32
      %sub3A_198 = arith.constant 2 : i32
      %sub3A_199 = arith.subi %add3A_192, %sub3A_198 : i32
      %lt3A_200 = arith.cmpi slt, %sub3A_199, %mul3A_110 : i32
      %and3A_201 = arith.andi %ge3A_197, %lt3A_200 : i1
      %convert_element_type3A_202 = arith.extui %and3A_201 : i1 to i32
      %cond3A_203 = arith.constant 0 : i32
      %cond3A_204 = arith.cmpi ne, %convert_element_type3A_202, %cond3A_203 : i32
      scf.if %cond3A_204 {
        %sub3A_274 = arith.constant 2 : i32
        %sub3A_275 = arith.subi %add3A_192, %sub3A_274 : i32
        %dma_wait3A = arith.constant 2 : i32
        %dma_wait3A_276 = arith.constant 2 : i32
        %dma_wait3A_277 = arith.constant 0 : i32
        %dma_wait3A_278 = arith.constant 0 : i32
        %dma_wait3A_279 = tpu.memref_slice %arg9[%dma_wait3A, %dma_wait3A_277, %dma_wait3A_278] : memref<4x80x128xf32, #tpu.memory_space<vmem>> -> memref<1x80x128xf32, #tpu.memory_space<vmem>>
        %dma_wait3A_280 = tpu.memref_squeeze %dma_wait3A_279 : memref<1x80x128xf32, #tpu.memory_space<vmem>> -> memref<80x128xf32, #tpu.memory_space<vmem>>
        %dma_wait3A_281 = arith.constant 0 : i32
        %dma_wait3A_282 = arith.constant 0 : i32
        %dma_wait3A_283 = tpu.memref_slice %arg2[%dma_wait3A_281, %dma_wait3A_282] : memref<20000x128xf32, #tpu.memory_space<hbm>> -> memref<80x128xf32, #tpu.memory_space<hbm>>
        %dma_wait3A_284 = tpu.memref_slice %arg12[%dma_wait3A_276] : memref<4x!tpu.dma_semaphore, #tpu.memory_space<semaphore_mem>> -> memref<1x!tpu.dma_semaphore, #tpu.memory_space<semaphore_mem>>
        %dma_wait3A_285 = tpu.memref_squeeze %dma_wait3A_284 : memref<1x!tpu.dma_semaphore, #tpu.memory_space<semaphore_mem>> -> memref<!tpu.dma_semaphore, #tpu.memory_space<semaphore_mem>>
        %dma_wait3A_286 = arith.constant 0 : i32
        %dma_wait3A_287 = arith.constant 0 : i32
        %dma_wait3A_288 = tpu.memref_slice %arg9[%dma_wait3A, %dma_wait3A_286, %dma_wait3A_287] : memref<4x80x128xf32, #tpu.memory_space<vmem>> -> memref<1x80x128xf32, #tpu.memory_space<vmem>>
        %dma_wait3A_289 = tpu.memref_squeeze %dma_wait3A_288 : memref<1x80x128xf32, #tpu.memory_space<vmem>> -> memref<80x128xf32, #tpu.memory_space<vmem>>
        %dma_wait3A_290 = arith.constant 0 : i32
        %dma_wait3A_291 = arith.constant 0 : i32
        %dma_wait3A_292 = tpu.memref_slice %arg2[%dma_wait3A_290, %dma_wait3A_291] : memref<20000x128xf32, #tpu.memory_space<hbm>> -> memref<80x128xf32, #tpu.memory_space<hbm>>
        tpu.wait_dma2 semaphore(%dma_wait3A_285 : memref<!tpu.dma_semaphore, #tpu.memory_space<semaphore_mem>>) src(%dma_wait3A_292 : memref<80x128xf32, #tpu.memory_space<hbm>>) dst(%dma_wait3A_289 : memref<80x128xf32, #tpu.memory_space<vmem>>)
      } else {
      }
      %add3A_205 = arith.constant 2 : i32
      %add3A_206 = arith.addi %add3A_192, %add3A_205 : i32
      %lt3A_207 = arith.cmpi slt, %add3A_206, %mul3A_110 : i32
      %convert_element_type3A_208 = arith.extui %lt3A_207 : i1 to i32
      %cond3A_209 = arith.constant 0 : i32
      %cond3A_210 = arith.cmpi ne, %convert_element_type3A_208, %cond3A_209 : i32
      scf.if %cond3A_210 {
        %add3A_274 = arith.constant 2 : i32
        %add3A_275 = arith.addi %add3A_192, %add3A_274 : i32
        %mul3A_276 = arith.constant 80 : i32
        %mul3A_277 = arith.muli %add3A_275, %mul3A_276 : i32
        %dma_start3A = arith.constant 2 : i32
        %dma_start3A_278 = arith.constant 2 : i32
        %dma_start3A_279 = arith.constant 0 : i32
        %dma_start3A_280 = arith.constant 0 : i32
        %dma_start3A_281 = tpu.memref_slice %arg9[%dma_start3A, %dma_start3A_279, %dma_start3A_280] : memref<4x80x128xf32, #tpu.memory_space<vmem>> -> memref<1x80x128xf32, #tpu.memory_space<vmem>>
        %dma_start3A_282 = tpu.memref_squeeze %dma_start3A_281 : memref<1x80x128xf32, #tpu.memory_space<vmem>> -> memref<80x128xf32, #tpu.memory_space<vmem>>
        %dma_start3A_283 = tpu.memref_slice %arg7[%mul3A_277] : memref<20160xi32, #tpu.memory_space<vmem>> -> memref<80xi32, #tpu.memory_space<vmem>>
        %dma_start3A_284 = arith.constant 10000 : i32
        %dma_start3A_285 = arith.constant 0 : i32
        %dma_start3A_286 = tpu.memref_slice %arg2[%dma_start3A_284, %dma_start3A_285] : memref<20000x128xf32, #tpu.memory_space<hbm>> -> memref<10000x128xf32, #tpu.memory_space<hbm>>
        %dma_start3A_287 = arith.constant 0 : i32
        %dma_start3A_288 = arith.constant 0 : i32
        %dma_start3A_289 = tpu.memref_slice %dma_start3A_286[%dma_start3A_287, %dma_start3A_288] : memref<10000x128xf32, #tpu.memory_space<hbm>> -> memref<10000x128xf32, #tpu.memory_space<hbm>>
        %dma_start3A_290 = tpu.memref_slice %arg11[%dma_start3A_278] : memref<4x!tpu.dma_semaphore, #tpu.memory_space<semaphore_mem>> -> memref<1x!tpu.dma_semaphore, #tpu.memory_space<semaphore_mem>>
        %dma_start3A_291 = tpu.memref_squeeze %dma_start3A_290 : memref<1x!tpu.dma_semaphore, #tpu.memory_space<semaphore_mem>> -> memref<!tpu.dma_semaphore, #tpu.memory_space<semaphore_mem>>
        tpu.enqueue_indirect_dma source(%dma_start3A_289 : memref<10000x128xf32, #tpu.memory_space<hbm>>) target(%dma_start3A_282 : memref<80x128xf32, #tpu.memory_space<vmem>>) offsets(%dma_start3A_283 : memref<80xi32, #tpu.memory_space<vmem>>) semaphore(%dma_start3A_291 : memref<!tpu.dma_semaphore, #tpu.memory_space<semaphore_mem>>)
      } else {
      }
      %add3A_211 = arith.constant 1 : i32
      %add3A_212 = arith.addi %add3A_190, %add3A_211 : i32
      %lt3A_213 = arith.cmpi slt, %add3A_212, %mul3A_110 : i32
      %convert_element_type3A_214 = arith.extui %lt3A_213 : i1 to i32
      %cond3A_215 = arith.constant 0 : i32
      %cond3A_216 = arith.cmpi ne, %convert_element_type3A_214, %cond3A_215 : i32
      scf.if %cond3A_216 {
        %mul3A_274 = arith.constant 80 : i32
        %mul3A_275 = arith.muli %add3A_212, %mul3A_274 : i32
        %dma_wait3A = arith.constant 1 : i32
        %dma_wait3A_276 = arith.constant 1 : i32
        %dma_wait3A_277 = arith.constant 0 : i32
        %dma_wait3A_278 = arith.constant 0 : i32
        %dma_wait3A_279 = tpu.memref_slice %arg9[%dma_wait3A, %dma_wait3A_277, %dma_wait3A_278] : memref<4x80x128xf32, #tpu.memory_space<vmem>> -> memref<1x80x128xf32, #tpu.memory_space<vmem>>
        %dma_wait3A_280 = tpu.memref_squeeze %dma_wait3A_279 : memref<1x80x128xf32, #tpu.memory_space<vmem>> -> memref<80x128xf32, #tpu.memory_space<vmem>>
        %dma_wait3A_281 = tpu.memref_slice %arg7[%mul3A_275] : memref<20160xi32, #tpu.memory_space<vmem>> -> memref<80xi32, #tpu.memory_space<vmem>>
        %dma_wait3A_282 = arith.constant 10000 : i32
        %dma_wait3A_283 = arith.constant 0 : i32
        %dma_wait3A_284 = tpu.memref_slice %arg2[%dma_wait3A_282, %dma_wait3A_283] : memref<20000x128xf32, #tpu.memory_space<hbm>> -> memref<10000x128xf32, #tpu.memory_space<hbm>>
        %dma_wait3A_285 = arith.constant 0 : i32
        %dma_wait3A_286 = arith.constant 0 : i32
        %dma_wait3A_287 = tpu.memref_slice %dma_wait3A_284[%dma_wait3A_285, %dma_wait3A_286] : memref<10000x128xf32, #tpu.memory_space<hbm>> -> memref<10000x128xf32, #tpu.memory_space<hbm>>
        %dma_wait3A_288 = tpu.memref_slice %arg11[%dma_wait3A_276] : memref<4x!tpu.dma_semaphore, #tpu.memory_space<semaphore_mem>> -> memref<1x!tpu.dma_semaphore, #tpu.memory_space<semaphore_mem>>
        %dma_wait3A_289 = tpu.memref_squeeze %dma_wait3A_288 : memref<1x!tpu.dma_semaphore, #tpu.memory_space<semaphore_mem>> -> memref<!tpu.dma_semaphore, #tpu.memory_space<semaphore_mem>>
        tpu.wait_indirect_dma semaphore(%dma_wait3A_289 : memref<!tpu.dma_semaphore, #tpu.memory_space<semaphore_mem>>) src(%dma_wait3A_287 : memref<10000x128xf32, #tpu.memory_space<hbm>>) dst(%dma_wait3A_280 : memref<80x128xf32, #tpu.memory_space<vmem>>)
        %mul3A_290 = arith.constant 80 : i32
        %mul3A_291 = arith.muli %add3A_212, %mul3A_290 : i32
        %add3A_292 = arith.constant 0 : i32
        %add3A_293 = arith.addi %mul3A_291, %add3A_292 : i32
        %get3A = arith.index_cast %add3A_293 : i32 to index
        %get3A_294 = tpu.vector_load %arg8[%get3A] {strides = array<i32>} : memref<20160xi32, #tpu.memory_space<vmem>>, vector<16xi32>,
        %dma_start3A = arith.constant 1 : i32
        %dma_start3A_295 = arith.constant 1 : i32
        %dma_start3A_296 = arith.constant 0 : i32
        %dma_start3A_297 = arith.constant 0 : i32
        %dma_start3A_298 = tpu.memref_slice %arg9[%dma_start3A, %dma_start3A_296, %dma_start3A_297] : memref<4x80x128xf32, #tpu.memory_space<vmem>> -> memref<1x80x128xf32, #tpu.memory_space<vmem>>
        %dma_start3A_299 = tpu.memref_squeeze %dma_start3A_298 : memref<1x80x128xf32, #tpu.memory_space<vmem>> -> memref<80x128xf32, #tpu.memory_space<vmem>>
        %dma_start3A_300 = arith.constant 0 : i32
        %dma_start3A_301 = arith.constant 0 : i32
        %dma_start3A_302 = tpu.memref_slice %dma_start3A_299[%dma_start3A_300, %dma_start3A_301] : memref<80x128xf32, #tpu.memory_space<vmem>> -> memref<16x128xf32, #tpu.memory_space<vmem>>
        %dma_start3A_303 = arith.constant 0 : i32
        %dma_start3A_304 = arith.constant 0 : i32
        %dma_start3A_305 = tpu.memref_slice %arg10[%dma_start3A_303, %dma_start3A_304] : memref<5008x128xf32, #tpu.memory_space<vmem_shared>> -> memref<5008x128xf32, #tpu.memory_space<vmem_shared>>
        %dma_start3A_306 = tpu.memref_slice %arg12[%dma_start3A_295] : memref<4x!tpu.dma_semaphore, #tpu.memory_space<semaphore_mem>> -> memref<1x!tpu.dma_semaphore, #tpu.memory_space<semaphore_mem>>
        %dma_start3A_307 = tpu.memref_squeeze %dma_start3A_306 : memref<1x!tpu.dma_semaphore, #tpu.memory_space<semaphore_mem>> -> memref<!tpu.dma_semaphore, #tpu.memory_space<semaphore_mem>>
        tpu.enqueue_indirect_dma source(%dma_start3A_302 : memref<16x128xf32, #tpu.memory_space<vmem>>) target(%dma_start3A_305 : memref<5008x128xf32, #tpu.memory_space<vmem_shared>>) offsets(%get3A_294 : vector<16xi32>) semaphore(%dma_start3A_307 : memref<!tpu.dma_semaphore, #tpu.memory_space<semaphore_mem>>) {add = true}
        %mul3A_308 = arith.constant 80 : i32
        %mul3A_309 = arith.muli %add3A_212, %mul3A_308 : i32
        %add3A_310 = arith.constant 16 : i32
        %add3A_311 = arith.addi %mul3A_309, %add3A_310 : i32
        %get3A_312 = arith.index_cast %add3A_311 : i32 to index
        %get3A_313 = tpu.vector_load %arg8[%get3A_312] {strides = array<i32>} : memref<20160xi32, #tpu.memory_space<vmem>>, vector<16xi32>,
        %dma_start3A_314 = arith.constant 1 : i32
        %dma_start3A_315 = arith.constant 1 : i32
        %dma_start3A_316 = arith.constant 0 : i32
        %dma_start3A_317 = arith.constant 0 : i32
        %dma_start3A_318 = tpu.memref_slice %arg9[%dma_start3A_314, %dma_start3A_316, %dma_start3A_317] : memref<4x80x128xf32, #tpu.memory_space<vmem>> -> memref<1x80x128xf32, #tpu.memory_space<vmem>>
        %dma_start3A_319 = tpu.memref_squeeze %dma_start3A_318 : memref<1x80x128xf32, #tpu.memory_space<vmem>> -> memref<80x128xf32, #tpu.memory_space<vmem>>
        %dma_start3A_320 = arith.constant 16 : i32
        %dma_start3A_321 = arith.constant 0 : i32
        %dma_start3A_322 = tpu.memref_slice %dma_start3A_319[%dma_start3A_320, %dma_start3A_321] : memref<80x128xf32, #tpu.memory_space<vmem>> -> memref<16x128xf32, #tpu.memory_space<vmem>>
        %dma_start3A_323 = arith.constant 0 : i32
        %dma_start3A_324 = arith.constant 0 : i32
        %dma_start3A_325 = tpu.memref_slice %arg10[%dma_start3A_323, %dma_start3A_324] : memref<5008x128xf32, #tpu.memory_space<vmem_shared>> -> memref<5008x128xf32, #tpu.memory_space<vmem_shared>>
        %dma_start3A_326 = tpu.memref_slice %arg12[%dma_start3A_315] : memref<4x!tpu.dma_semaphore, #tpu.memory_space<semaphore_mem>> -> memref<1x!tpu.dma_semaphore, #tpu.memory_space<semaphore_mem>>
        %dma_start3A_327 = tpu.memref_squeeze %dma_start3A_326 : memref<1x!tpu.dma_semaphore, #tpu.memory_space<semaphore_mem>> -> memref<!tpu.dma_semaphore, #tpu.memory_space<semaphore_mem>>
        tpu.enqueue_indirect_dma source(%dma_start3A_322 : memref<16x128xf32, #tpu.memory_space<vmem>>) target(%dma_start3A_325 : memref<5008x128xf32, #tpu.memory_space<vmem_shared>>) offsets(%get3A_313 : vector<16xi32>) semaphore(%dma_start3A_327 : memref<!tpu.dma_semaphore, #tpu.memory_space<semaphore_mem>>) {add = true}
        %mul3A_328 = arith.constant 80 : i32
        %mul3A_329 = arith.muli %add3A_212, %mul3A_328 : i32
        %add3A_330 = arith.constant 32 : i32
        %add3A_331 = arith.addi %mul3A_329, %add3A_330 : i32
        %get3A_332 = arith.index_cast %add3A_331 : i32 to index
        %get3A_333 = tpu.vector_load %arg8[%get3A_332] {strides = array<i32>} : memref<20160xi32, #tpu.memory_space<vmem>>, vector<16xi32>,
        %dma_start3A_334 = arith.constant 1 : i32
        %dma_start3A_335 = arith.constant 1 : i32
        %dma_start3A_336 = arith.constant 0 : i32
        %dma_start3A_337 = arith.constant 0 : i32
        %dma_start3A_338 = tpu.memref_slice %arg9[%dma_start3A_334, %dma_start3A_336, %dma_start3A_337] : memref<4x80x128xf32, #tpu.memory_space<vmem>> -> memref<1x80x128xf32, #tpu.memory_space<vmem>>
        %dma_start3A_339 = tpu.memref_squeeze %dma_start3A_338 : memref<1x80x128xf32, #tpu.memory_space<vmem>> -> memref<80x128xf32, #tpu.memory_space<vmem>>
        %dma_start3A_340 = arith.constant 32 : i32
        %dma_start3A_341 = arith.constant 0 : i32
        %dma_start3A_342 = tpu.memref_slice %dma_start3A_339[%dma_start3A_340, %dma_start3A_341] : memref<80x128xf32, #tpu.memory_space<vmem>> -> memref<16x128xf32, #tpu.memory_space<vmem>>
        %dma_start3A_343 = arith.constant 0 : i32
        %dma_start3A_344 = arith.constant 0 : i32
        %dma_start3A_345 = tpu.memref_slice %arg10[%dma_start3A_343, %dma_start3A_344] : memref<5008x128xf32, #tpu.memory_space<vmem_shared>> -> memref<5008x128xf32, #tpu.memory_space<vmem_shared>>
        %dma_start3A_346 = tpu.memref_slice %arg12[%dma_start3A_335] : memref<4x!tpu.dma_semaphore, #tpu.memory_space<semaphore_mem>> -> memref<1x!tpu.dma_semaphore, #tpu.memory_space<semaphore_mem>>
        %dma_start3A_347 = tpu.memref_squeeze %dma_start3A_346 : memref<1x!tpu.dma_semaphore, #tpu.memory_space<semaphore_mem>> -> memref<!tpu.dma_semaphore, #tpu.memory_space<semaphore_mem>>
        tpu.enqueue_indirect_dma source(%dma_start3A_342 : memref<16x128xf32, #tpu.memory_space<vmem>>) target(%dma_start3A_345 : memref<5008x128xf32, #tpu.memory_space<vmem_shared>>) offsets(%get3A_333 : vector<16xi32>) semaphore(%dma_start3A_347 : memref<!tpu.dma_semaphore, #tpu.memory_space<semaphore_mem>>) {add = true}
        %mul3A_348 = arith.constant 80 : i32
        %mul3A_349 = arith.muli %add3A_212, %mul3A_348 : i32
        %add3A_350 = arith.constant 48 : i32
        %add3A_351 = arith.addi %mul3A_349, %add3A_350 : i32
        %get3A_352 = arith.index_cast %add3A_351 : i32 to index
        %get3A_353 = tpu.vector_load %arg8[%get3A_352] {strides = array<i32>} : memref<20160xi32, #tpu.memory_space<vmem>>, vector<16xi32>,
        %dma_start3A_354 = arith.constant 1 : i32
        %dma_start3A_355 = arith.constant 1 : i32
        %dma_start3A_356 = arith.constant 0 : i32
        %dma_start3A_357 = arith.constant 0 : i32
        %dma_start3A_358 = tpu.memref_slice %arg9[%dma_start3A_354, %dma_start3A_356, %dma_start3A_357] : memref<4x80x128xf32, #tpu.memory_space<vmem>> -> memref<1x80x128xf32, #tpu.memory_space<vmem>>
        %dma_start3A_359 = tpu.memref_squeeze %dma_start3A_358 : memref<1x80x128xf32, #tpu.memory_space<vmem>> -> memref<80x128xf32, #tpu.memory_space<vmem>>
        %dma_start3A_360 = arith.constant 48 : i32
        %dma_start3A_361 = arith.constant 0 : i32
        %dma_start3A_362 = tpu.memref_slice %dma_start3A_359[%dma_start3A_360, %dma_start3A_361] : memref<80x128xf32, #tpu.memory_space<vmem>> -> memref<16x128xf32, #tpu.memory_space<vmem>>
        %dma_start3A_363 = arith.constant 0 : i32
        %dma_start3A_364 = arith.constant 0 : i32
        %dma_start3A_365 = tpu.memref_slice %arg10[%dma_start3A_363, %dma_start3A_364] : memref<5008x128xf32, #tpu.memory_space<vmem_shared>> -> memref<5008x128xf32, #tpu.memory_space<vmem_shared>>
        %dma_start3A_366 = tpu.memref_slice %arg12[%dma_start3A_355] : memref<4x!tpu.dma_semaphore, #tpu.memory_space<semaphore_mem>> -> memref<1x!tpu.dma_semaphore, #tpu.memory_space<semaphore_mem>>
        %dma_start3A_367 = tpu.memref_squeeze %dma_start3A_366 : memref<1x!tpu.dma_semaphore, #tpu.memory_space<semaphore_mem>> -> memref<!tpu.dma_semaphore, #tpu.memory_space<semaphore_mem>>
        tpu.enqueue_indirect_dma source(%dma_start3A_362 : memref<16x128xf32, #tpu.memory_space<vmem>>) target(%dma_start3A_365 : memref<5008x128xf32, #tpu.memory_space<vmem_shared>>) offsets(%get3A_353 : vector<16xi32>) semaphore(%dma_start3A_367 : memref<!tpu.dma_semaphore, #tpu.memory_space<semaphore_mem>>) {add = true}
        %mul3A_368 = arith.constant 80 : i32
        %mul3A_369 = arith.muli %add3A_212, %mul3A_368 : i32
        %add3A_370 = arith.constant 64 : i32
        %add3A_371 = arith.addi %mul3A_369, %add3A_370 : i32
        %get3A_372 = arith.index_cast %add3A_371 : i32 to index
        %get3A_373 = tpu.vector_load %arg8[%get3A_372] {strides = array<i32>} : memref<20160xi32, #tpu.memory_space<vmem>>, vector<16xi32>,
        %dma_start3A_374 = arith.constant 1 : i32
        %dma_start3A_375 = arith.constant 1 : i32
        %dma_start3A_376 = arith.constant 0 : i32
        %dma_start3A_377 = arith.constant 0 : i32
        %dma_start3A_378 = tpu.memref_slice %arg9[%dma_start3A_374, %dma_start3A_376, %dma_start3A_377] : memref<4x80x128xf32, #tpu.memory_space<vmem>> -> memref<1x80x128xf32, #tpu.memory_space<vmem>>
        %dma_start3A_379 = tpu.memref_squeeze %dma_start3A_378 : memref<1x80x128xf32, #tpu.memory_space<vmem>> -> memref<80x128xf32, #tpu.memory_space<vmem>>
        %dma_start3A_380 = arith.constant 64 : i32
        %dma_start3A_381 = arith.constant 0 : i32
        %dma_start3A_382 = tpu.memref_slice %dma_start3A_379[%dma_start3A_380, %dma_start3A_381] : memref<80x128xf32, #tpu.memory_space<vmem>> -> memref<16x128xf32, #tpu.memory_space<vmem>>
        %dma_start3A_383 = arith.constant 0 : i32
        %dma_start3A_384 = arith.constant 0 : i32
        %dma_start3A_385 = tpu.memref_slice %arg10[%dma_start3A_383, %dma_start3A_384] : memref<5008x128xf32, #tpu.memory_space<vmem_shared>> -> memref<5008x128xf32, #tpu.memory_space<vmem_shared>>
        %dma_start3A_386 = tpu.memref_slice %arg12[%dma_start3A_375] : memref<4x!tpu.dma_semaphore, #tpu.memory_space<semaphore_mem>> -> memref<1x!tpu.dma_semaphore, #tpu.memory_space<semaphore_mem>>
        %dma_start3A_387 = tpu.memref_squeeze %dma_start3A_386 : memref<1x!tpu.dma_semaphore, #tpu.memory_space<semaphore_mem>> -> memref<!tpu.dma_semaphore, #tpu.memory_space<semaphore_mem>>
        tpu.enqueue_indirect_dma source(%dma_start3A_382 : memref<16x128xf32, #tpu.memory_space<vmem>>) target(%dma_start3A_385 : memref<5008x128xf32, #tpu.memory_space<vmem_shared>>) offsets(%get3A_373 : vector<16xi32>) semaphore(%dma_start3A_387 : memref<!tpu.dma_semaphore, #tpu.memory_space<semaphore_mem>>) {add = true}
      } else {
      }
      %ge3A_217 = arith.constant 2 : i32
      %ge3A_218 = arith.cmpi sge, %add3A_212, %ge3A_217 : i32
      %sub3A_219 = arith.constant 2 : i32
      %sub3A_220 = arith.subi %add3A_212, %sub3A_219 : i32
      %lt3A_221 = arith.cmpi slt, %sub3A_220, %mul3A_110 : i32
      %and3A_222 = arith.andi %ge3A_218, %lt3A_221 : i1
      %convert_element_type3A_223 = arith.extui %and3A_222 : i1 to i32
      %cond3A_224 = arith.constant 0 : i32
      %cond3A_225 = arith.cmpi ne, %convert_element_type3A_223, %cond3A_224 : i32
      scf.if %cond3A_225 {
        %sub3A_274 = arith.constant 2 : i32
        %sub3A_275 = arith.subi %add3A_212, %sub3A_274 : i32
        %dma_wait3A = arith.constant 3 : i32
        %dma_wait3A_276 = arith.constant 3 : i32
        %dma_wait3A_277 = arith.constant 0 : i32
        %dma_wait3A_278 = arith.constant 0 : i32
        %dma_wait3A_279 = tpu.memref_slice %arg9[%dma_wait3A, %dma_wait3A_277, %dma_wait3A_278] : memref<4x80x128xf32, #tpu.memory_space<vmem>> -> memref<1x80x128xf32, #tpu.memory_space<vmem>>
        %dma_wait3A_280 = tpu.memref_squeeze %dma_wait3A_279 : memref<1x80x128xf32, #tpu.memory_space<vmem>> -> memref<80x128xf32, #tpu.memory_space<vmem>>
        %dma_wait3A_281 = arith.constant 0 : i32
        %dma_wait3A_282 = arith.constant 0 : i32
        %dma_wait3A_283 = tpu.memref_slice %arg2[%dma_wait3A_281, %dma_wait3A_282] : memref<20000x128xf32, #tpu.memory_space<hbm>> -> memref<80x128xf32, #tpu.memory_space<hbm>>
        %dma_wait3A_284 = tpu.memref_slice %arg12[%dma_wait3A_276] : memref<4x!tpu.dma_semaphore, #tpu.memory_space<semaphore_mem>> -> memref<1x!tpu.dma_semaphore, #tpu.memory_space<semaphore_mem>>
        %dma_wait3A_285 = tpu.memref_squeeze %dma_wait3A_284 : memref<1x!tpu.dma_semaphore, #tpu.memory_space<semaphore_mem>> -> memref<!tpu.dma_semaphore, #tpu.memory_space<semaphore_mem>>
        %dma_wait3A_286 = arith.constant 0 : i32
        %dma_wait3A_287 = arith.constant 0 : i32
        %dma_wait3A_288 = tpu.memref_slice %arg9[%dma_wait3A, %dma_wait3A_286, %dma_wait3A_287] : memref<4x80x128xf32, #tpu.memory_space<vmem>> -> memref<1x80x128xf32, #tpu.memory_space<vmem>>
        %dma_wait3A_289 = tpu.memref_squeeze %dma_wait3A_288 : memref<1x80x128xf32, #tpu.memory_space<vmem>> -> memref<80x128xf32, #tpu.memory_space<vmem>>
        %dma_wait3A_290 = arith.constant 0 : i32
        %dma_wait3A_291 = arith.constant 0 : i32
        %dma_wait3A_292 = tpu.memref_slice %arg2[%dma_wait3A_290, %dma_wait3A_291] : memref<20000x128xf32, #tpu.memory_space<hbm>> -> memref<80x128xf32, #tpu.memory_space<hbm>>
        tpu.wait_dma2 semaphore(%dma_wait3A_285 : memref<!tpu.dma_semaphore, #tpu.memory_space<semaphore_mem>>) src(%dma_wait3A_292 : memref<80x128xf32, #tpu.memory_space<hbm>>) dst(%dma_wait3A_289 : memref<80x128xf32, #tpu.memory_space<vmem>>)
      } else {
      }
      %add3A_226 = arith.constant 2 : i32
      %add3A_227 = arith.addi %add3A_212, %add3A_226 : i32
      %lt3A_228 = arith.cmpi slt, %add3A_227, %mul3A_110 : i32
      %convert_element_type3A_229 = arith.extui %lt3A_228 : i1 to i32
      %cond3A_230 = arith.constant 0 : i32
      %cond3A_231 = arith.cmpi ne, %convert_element_type3A_229, %cond3A_230 : i32
      scf.if %cond3A_231 {
        %add3A_274 = arith.constant 2 : i32
        %add3A_275 = arith.addi %add3A_212, %add3A_274 : i32
        %mul3A_276 = arith.constant 80 : i32
        %mul3A_277 = arith.muli %add3A_275, %mul3A_276 : i32
        %dma_start3A = arith.constant 3 : i32
        %dma_start3A_278 = arith.constant 3 : i32
        %dma_start3A_279 = arith.constant 0 : i32
        %dma_start3A_280 = arith.constant 0 : i32
        %dma_start3A_281 = tpu.memref_slice %arg9[%dma_start3A, %dma_start3A_279, %dma_start3A_280] : memref<4x80x128xf32, #tpu.memory_space<vmem>> -> memref<1x80x128xf32, #tpu.memory_space<vmem>>
        %dma_start3A_282 = tpu.memref_squeeze %dma_start3A_281 : memref<1x80x128xf32, #tpu.memory_space<vmem>> -> memref<80x128xf32, #tpu.memory_space<vmem>>
        %dma_start3A_283 = tpu.memref_slice %arg7[%mul3A_277] : memref<20160xi32, #tpu.memory_space<vmem>> -> memref<80xi32, #tpu.memory_space<vmem>>
        %dma_start3A_284 = arith.constant 10000 : i32
        %dma_start3A_285 = arith.constant 0 : i32
        %dma_start3A_286 = tpu.memref_slice %arg2[%dma_start3A_284, %dma_start3A_285] : memref<20000x128xf32, #tpu.memory_space<hbm>> -> memref<10000x128xf32, #tpu.memory_space<hbm>>
        %dma_start3A_287 = arith.constant 0 : i32
        %dma_start3A_288 = arith.constant 0 : i32
        %dma_start3A_289 = tpu.memref_slice %dma_start3A_286[%dma_start3A_287, %dma_start3A_288] : memref<10000x128xf32, #tpu.memory_space<hbm>> -> memref<10000x128xf32, #tpu.memory_space<hbm>>
        %dma_start3A_290 = tpu.memref_slice %arg11[%dma_start3A_278] : memref<4x!tpu.dma_semaphore, #tpu.memory_space<semaphore_mem>> -> memref<1x!tpu.dma_semaphore, #tpu.memory_space<semaphore_mem>>
        %dma_start3A_291 = tpu.memref_squeeze %dma_start3A_290 : memref<1x!tpu.dma_semaphore, #tpu.memory_space<semaphore_mem>> -> memref<!tpu.dma_semaphore, #tpu.memory_space<semaphore_mem>>
        tpu.enqueue_indirect_dma source(%dma_start3A_289 : memref<10000x128xf32, #tpu.memory_space<hbm>>) target(%dma_start3A_282 : memref<80x128xf32, #tpu.memory_space<vmem>>) offsets(%dma_start3A_283 : memref<80xi32, #tpu.memory_space<vmem>>) semaphore(%dma_start3A_291 : memref<!tpu.dma_semaphore, #tpu.memory_space<semaphore_mem>>)
      } else {
      }
      %add3A_232 = arith.constant 2 : i32
      %add3A_233 = arith.addi %add3A_190, %add3A_232 : i32
      %lt3A_234 = arith.cmpi slt, %add3A_233, %mul3A_110 : i32
      %convert_element_type3A_235 = arith.extui %lt3A_234 : i1 to i32
      %cond3A_236 = arith.constant 0 : i32
      %cond3A_237 = arith.cmpi ne, %convert_element_type3A_235, %cond3A_236 : i32
      scf.if %cond3A_237 {
        %mul3A_274 = arith.constant 80 : i32
        %mul3A_275 = arith.muli %add3A_233, %mul3A_274 : i32
        %dma_wait3A = arith.constant 2 : i32
        %dma_wait3A_276 = arith.constant 2 : i32
        %dma_wait3A_277 = arith.constant 0 : i32
        %dma_wait3A_278 = arith.constant 0 : i32
        %dma_wait3A_279 = tpu.memref_slice %arg9[%dma_wait3A, %dma_wait3A_277, %dma_wait3A_278] : memref<4x80x128xf32, #tpu.memory_space<vmem>> -> memref<1x80x128xf32, #tpu.memory_space<vmem>>
        %dma_wait3A_280 = tpu.memref_squeeze %dma_wait3A_279 : memref<1x80x128xf32, #tpu.memory_space<vmem>> -> memref<80x128xf32, #tpu.memory_space<vmem>>
        %dma_wait3A_281 = tpu.memref_slice %arg7[%mul3A_275] : memref<20160xi32, #tpu.memory_space<vmem>> -> memref<80xi32, #tpu.memory_space<vmem>>
        %dma_wait3A_282 = arith.constant 10000 : i32
        %dma_wait3A_283 = arith.constant 0 : i32
        %dma_wait3A_284 = tpu.memref_slice %arg2[%dma_wait3A_282, %dma_wait3A_283] : memref<20000x128xf32, #tpu.memory_space<hbm>> -> memref<10000x128xf32, #tpu.memory_space<hbm>>
        %dma_wait3A_285 = arith.constant 0 : i32
        %dma_wait3A_286 = arith.constant 0 : i32
        %dma_wait3A_287 = tpu.memref_slice %dma_wait3A_284[%dma_wait3A_285, %dma_wait3A_286] : memref<10000x128xf32, #tpu.memory_space<hbm>> -> memref<10000x128xf32, #tpu.memory_space<hbm>>
        %dma_wait3A_288 = tpu.memref_slice %arg11[%dma_wait3A_276] : memref<4x!tpu.dma_semaphore, #tpu.memory_space<semaphore_mem>> -> memref<1x!tpu.dma_semaphore, #tpu.memory_space<semaphore_mem>>
        %dma_wait3A_289 = tpu.memref_squeeze %dma_wait3A_288 : memref<1x!tpu.dma_semaphore, #tpu.memory_space<semaphore_mem>> -> memref<!tpu.dma_semaphore, #tpu.memory_space<semaphore_mem>>
        tpu.wait_indirect_dma semaphore(%dma_wait3A_289 : memref<!tpu.dma_semaphore, #tpu.memory_space<semaphore_mem>>) src(%dma_wait3A_287 : memref<10000x128xf32, #tpu.memory_space<hbm>>) dst(%dma_wait3A_280 : memref<80x128xf32, #tpu.memory_space<vmem>>)
        %mul3A_290 = arith.constant 80 : i32
        %mul3A_291 = arith.muli %add3A_233, %mul3A_290 : i32
        %add3A_292 = arith.constant 0 : i32
        %add3A_293 = arith.addi %mul3A_291, %add3A_292 : i32
        %get3A = arith.index_cast %add3A_293 : i32 to index
        %get3A_294 = tpu.vector_load %arg8[%get3A] {strides = array<i32>} : memref<20160xi32, #tpu.memory_space<vmem>>, vector<16xi32>,
        %dma_start3A = arith.constant 2 : i32
        %dma_start3A_295 = arith.constant 2 : i32
        %dma_start3A_296 = arith.constant 0 : i32
        %dma_start3A_297 = arith.constant 0 : i32
        %dma_start3A_298 = tpu.memref_slice %arg9[%dma_start3A, %dma_start3A_296, %dma_start3A_297] : memref<4x80x128xf32, #tpu.memory_space<vmem>> -> memref<1x80x128xf32, #tpu.memory_space<vmem>>
        %dma_start3A_299 = tpu.memref_squeeze %dma_start3A_298 : memref<1x80x128xf32, #tpu.memory_space<vmem>> -> memref<80x128xf32, #tpu.memory_space<vmem>>
        %dma_start3A_300 = arith.constant 0 : i32
        %dma_start3A_301 = arith.constant 0 : i32
        %dma_start3A_302 = tpu.memref_slice %dma_start3A_299[%dma_start3A_300, %dma_start3A_301] : memref<80x128xf32, #tpu.memory_space<vmem>> -> memref<16x128xf32, #tpu.memory_space<vmem>>
        %dma_start3A_303 = arith.constant 0 : i32
        %dma_start3A_304 = arith.constant 0 : i32
        %dma_start3A_305 = tpu.memref_slice %arg10[%dma_start3A_303, %dma_start3A_304] : memref<5008x128xf32, #tpu.memory_space<vmem_shared>> -> memref<5008x128xf32, #tpu.memory_space<vmem_shared>>
        %dma_start3A_306 = tpu.memref_slice %arg12[%dma_start3A_295] : memref<4x!tpu.dma_semaphore, #tpu.memory_space<semaphore_mem>> -> memref<1x!tpu.dma_semaphore, #tpu.memory_space<semaphore_mem>>
        %dma_start3A_307 = tpu.memref_squeeze %dma_start3A_306 : memref<1x!tpu.dma_semaphore, #tpu.memory_space<semaphore_mem>> -> memref<!tpu.dma_semaphore, #tpu.memory_space<semaphore_mem>>
        tpu.enqueue_indirect_dma source(%dma_start3A_302 : memref<16x128xf32, #tpu.memory_space<vmem>>) target(%dma_start3A_305 : memref<5008x128xf32, #tpu.memory_space<vmem_shared>>) offsets(%get3A_294 : vector<16xi32>) semaphore(%dma_start3A_307 : memref<!tpu.dma_semaphore, #tpu.memory_space<semaphore_mem>>) {add = true}
        %mul3A_308 = arith.constant 80 : i32
        %mul3A_309 = arith.muli %add3A_233, %mul3A_308 : i32
        %add3A_310 = arith.constant 16 : i32
        %add3A_311 = arith.addi %mul3A_309, %add3A_310 : i32
        %get3A_312 = arith.index_cast %add3A_311 : i32 to index
        %get3A_313 = tpu.vector_load %arg8[%get3A_312] {strides = array<i32>} : memref<20160xi32, #tpu.memory_space<vmem>>, vector<16xi32>,
        %dma_start3A_314 = arith.constant 2 : i32
        %dma_start3A_315 = arith.constant 2 : i32
        %dma_start3A_316 = arith.constant 0 : i32
        %dma_start3A_317 = arith.constant 0 : i32
        %dma_start3A_318 = tpu.memref_slice %arg9[%dma_start3A_314, %dma_start3A_316, %dma_start3A_317] : memref<4x80x128xf32, #tpu.memory_space<vmem>> -> memref<1x80x128xf32, #tpu.memory_space<vmem>>
        %dma_start3A_319 = tpu.memref_squeeze %dma_start3A_318 : memref<1x80x128xf32, #tpu.memory_space<vmem>> -> memref<80x128xf32, #tpu.memory_space<vmem>>
        %dma_start3A_320 = arith.constant 16 : i32
        %dma_start3A_321 = arith.constant 0 : i32
        %dma_start3A_322 = tpu.memref_slice %dma_start3A_319[%dma_start3A_320, %dma_start3A_321] : memref<80x128xf32, #tpu.memory_space<vmem>> -> memref<16x128xf32, #tpu.memory_space<vmem>>
        %dma_start3A_323 = arith.constant 0 : i32
        %dma_start3A_324 = arith.constant 0 : i32
        %dma_start3A_325 = tpu.memref_slice %arg10[%dma_start3A_323, %dma_start3A_324] : memref<5008x128xf32, #tpu.memory_space<vmem_shared>> -> memref<5008x128xf32, #tpu.memory_space<vmem_shared>>
        %dma_start3A_326 = tpu.memref_slice %arg12[%dma_start3A_315] : memref<4x!tpu.dma_semaphore, #tpu.memory_space<semaphore_mem>> -> memref<1x!tpu.dma_semaphore, #tpu.memory_space<semaphore_mem>>
        %dma_start3A_327 = tpu.memref_squeeze %dma_start3A_326 : memref<1x!tpu.dma_semaphore, #tpu.memory_space<semaphore_mem>> -> memref<!tpu.dma_semaphore, #tpu.memory_space<semaphore_mem>>
        tpu.enqueue_indirect_dma source(%dma_start3A_322 : memref<16x128xf32, #tpu.memory_space<vmem>>) target(%dma_start3A_325 : memref<5008x128xf32, #tpu.memory_space<vmem_shared>>) offsets(%get3A_313 : vector<16xi32>) semaphore(%dma_start3A_327 : memref<!tpu.dma_semaphore, #tpu.memory_space<semaphore_mem>>) {add = true}
        %mul3A_328 = arith.constant 80 : i32
        %mul3A_329 = arith.muli %add3A_233, %mul3A_328 : i32
        %add3A_330 = arith.constant 32 : i32
        %add3A_331 = arith.addi %mul3A_329, %add3A_330 : i32
        %get3A_332 = arith.index_cast %add3A_331 : i32 to index
        %get3A_333 = tpu.vector_load %arg8[%get3A_332] {strides = array<i32>} : memref<20160xi32, #tpu.memory_space<vmem>>, vector<16xi32>,
        %dma_start3A_334 = arith.constant 2 : i32
        %dma_start3A_335 = arith.constant 2 : i32
        %dma_start3A_336 = arith.constant 0 : i32
        %dma_start3A_337 = arith.constant 0 : i32
        %dma_start3A_338 = tpu.memref_slice %arg9[%dma_start3A_334, %dma_start3A_336, %dma_start3A_337] : memref<4x80x128xf32, #tpu.memory_space<vmem>> -> memref<1x80x128xf32, #tpu.memory_space<vmem>>
        %dma_start3A_339 = tpu.memref_squeeze %dma_start3A_338 : memref<1x80x128xf32, #tpu.memory_space<vmem>> -> memref<80x128xf32, #tpu.memory_space<vmem>>
        %dma_start3A_340 = arith.constant 32 : i32
        %dma_start3A_341 = arith.constant 0 : i32
        %dma_start3A_342 = tpu.memref_slice %dma_start3A_339[%dma_start3A_340, %dma_start3A_341] : memref<80x128xf32, #tpu.memory_space<vmem>> -> memref<16x128xf32, #tpu.memory_space<vmem>>
        %dma_start3A_343 = arith.constant 0 : i32
        %dma_start3A_344 = arith.constant 0 : i32
        %dma_start3A_345 = tpu.memref_slice %arg10[%dma_start3A_343, %dma_start3A_344] : memref<5008x128xf32, #tpu.memory_space<vmem_shared>> -> memref<5008x128xf32, #tpu.memory_space<vmem_shared>>
        %dma_start3A_346 = tpu.memref_slice %arg12[%dma_start3A_335] : memref<4x!tpu.dma_semaphore, #tpu.memory_space<semaphore_mem>> -> memref<1x!tpu.dma_semaphore, #tpu.memory_space<semaphore_mem>>
        %dma_start3A_347 = tpu.memref_squeeze %dma_start3A_346 : memref<1x!tpu.dma_semaphore, #tpu.memory_space<semaphore_mem>> -> memref<!tpu.dma_semaphore, #tpu.memory_space<semaphore_mem>>
        tpu.enqueue_indirect_dma source(%dma_start3A_342 : memref<16x128xf32, #tpu.memory_space<vmem>>) target(%dma_start3A_345 : memref<5008x128xf32, #tpu.memory_space<vmem_shared>>) offsets(%get3A_333 : vector<16xi32>) semaphore(%dma_start3A_347 : memref<!tpu.dma_semaphore, #tpu.memory_space<semaphore_mem>>) {add = true}
        %mul3A_348 = arith.constant 80 : i32
        %mul3A_349 = arith.muli %add3A_233, %mul3A_348 : i32
        %add3A_350 = arith.constant 48 : i32
        %add3A_351 = arith.addi %mul3A_349, %add3A_350 : i32
        %get3A_352 = arith.index_cast %add3A_351 : i32 to index
        %get3A_353 = tpu.vector_load %arg8[%get3A_352] {strides = array<i32>} : memref<20160xi32, #tpu.memory_space<vmem>>, vector<16xi32>,
        %dma_start3A_354 = arith.constant 2 : i32
        %dma_start3A_355 = arith.constant 2 : i32
        %dma_start3A_356 = arith.constant 0 : i32
        %dma_start3A_357 = arith.constant 0 : i32
        %dma_start3A_358 = tpu.memref_slice %arg9[%dma_start3A_354, %dma_start3A_356, %dma_start3A_357] : memref<4x80x128xf32, #tpu.memory_space<vmem>> -> memref<1x80x128xf32, #tpu.memory_space<vmem>>
        %dma_start3A_359 = tpu.memref_squeeze %dma_start3A_358 : memref<1x80x128xf32, #tpu.memory_space<vmem>> -> memref<80x128xf32, #tpu.memory_space<vmem>>
        %dma_start3A_360 = arith.constant 48 : i32
        %dma_start3A_361 = arith.constant 0 : i32
        %dma_start3A_362 = tpu.memref_slice %dma_start3A_359[%dma_start3A_360, %dma_start3A_361] : memref<80x128xf32, #tpu.memory_space<vmem>> -> memref<16x128xf32, #tpu.memory_space<vmem>>
        %dma_start3A_363 = arith.constant 0 : i32
        %dma_start3A_364 = arith.constant 0 : i32
        %dma_start3A_365 = tpu.memref_slice %arg10[%dma_start3A_363, %dma_start3A_364] : memref<5008x128xf32, #tpu.memory_space<vmem_shared>> -> memref<5008x128xf32, #tpu.memory_space<vmem_shared>>
        %dma_start3A_366 = tpu.memref_slice %arg12[%dma_start3A_355] : memref<4x!tpu.dma_semaphore, #tpu.memory_space<semaphore_mem>> -> memref<1x!tpu.dma_semaphore, #tpu.memory_space<semaphore_mem>>
        %dma_start3A_367 = tpu.memref_squeeze %dma_start3A_366 : memref<1x!tpu.dma_semaphore, #tpu.memory_space<semaphore_mem>> -> memref<!tpu.dma_semaphore, #tpu.memory_space<semaphore_mem>>
        tpu.enqueue_indirect_dma source(%dma_start3A_362 : memref<16x128xf32, #tpu.memory_space<vmem>>) target(%dma_start3A_365 : memref<5008x128xf32, #tpu.memory_space<vmem_shared>>) offsets(%get3A_353 : vector<16xi32>) semaphore(%dma_start3A_367 : memref<!tpu.dma_semaphore, #tpu.memory_space<semaphore_mem>>) {add = true}
        %mul3A_368 = arith.constant 80 : i32
        %mul3A_369 = arith.muli %add3A_233, %mul3A_368 : i32
        %add3A_370 = arith.constant 64 : i32
        %add3A_371 = arith.addi %mul3A_369, %add3A_370 : i32
        %get3A_372 = arith.index_cast %add3A_371 : i32 to index
        %get3A_373 = tpu.vector_load %arg8[%get3A_372] {strides = array<i32>} : memref<20160xi32, #tpu.memory_space<vmem>>, vector<16xi32>,
        %dma_start3A_374 = arith.constant 2 : i32
        %dma_start3A_375 = arith.constant 2 : i32
        %dma_start3A_376 = arith.constant 0 : i32
        %dma_start3A_377 = arith.constant 0 : i32
        %dma_start3A_378 = tpu.memref_slice %arg9[%dma_start3A_374, %dma_start3A_376, %dma_start3A_377] : memref<4x80x128xf32, #tpu.memory_space<vmem>> -> memref<1x80x128xf32, #tpu.memory_space<vmem>>
        %dma_start3A_379 = tpu.memref_squeeze %dma_start3A_378 : memref<1x80x128xf32, #tpu.memory_space<vmem>> -> memref<80x128xf32, #tpu.memory_space<vmem>>
        %dma_start3A_380 = arith.constant 64 : i32
        %dma_start3A_381 = arith.constant 0 : i32
        %dma_start3A_382 = tpu.memref_slice %dma_start3A_379[%dma_start3A_380, %dma_start3A_381] : memref<80x128xf32, #tpu.memory_space<vmem>> -> memref<16x128xf32, #tpu.memory_space<vmem>>
        %dma_start3A_383 = arith.constant 0 : i32
        %dma_start3A_384 = arith.constant 0 : i32
        %dma_start3A_385 = tpu.memref_slice %arg10[%dma_start3A_383, %dma_start3A_384] : memref<5008x128xf32, #tpu.memory_space<vmem_shared>> -> memref<5008x128xf32, #tpu.memory_space<vmem_shared>>
        %dma_start3A_386 = tpu.memref_slice %arg12[%dma_start3A_375] : memref<4x!tpu.dma_semaphore, #tpu.memory_space<semaphore_mem>> -> memref<1x!tpu.dma_semaphore, #tpu.memory_space<semaphore_mem>>
        %dma_start3A_387 = tpu.memref_squeeze %dma_start3A_386 : memref<1x!tpu.dma_semaphore, #tpu.memory_space<semaphore_mem>> -> memref<!tpu.dma_semaphore, #tpu.memory_space<semaphore_mem>>
        tpu.enqueue_indirect_dma source(%dma_start3A_382 : memref<16x128xf32, #tpu.memory_space<vmem>>) target(%dma_start3A_385 : memref<5008x128xf32, #tpu.memory_space<vmem_shared>>) offsets(%get3A_373 : vector<16xi32>) semaphore(%dma_start3A_387 : memref<!tpu.dma_semaphore, #tpu.memory_space<semaphore_mem>>) {add = true}
      } else {
      }
      %ge3A_238 = arith.constant 2 : i32
      %ge3A_239 = arith.cmpi sge, %add3A_233, %ge3A_238 : i32
      %sub3A_240 = arith.constant 2 : i32
      %sub3A_241 = arith.subi %add3A_233, %sub3A_240 : i32
      %lt3A_242 = arith.cmpi slt, %sub3A_241, %mul3A_110 : i32
      %and3A_243 = arith.andi %ge3A_239, %lt3A_242 : i1
      %convert_element_type3A_244 = arith.extui %and3A_243 : i1 to i32
      %cond3A_245 = arith.constant 0 : i32
      %cond3A_246 = arith.cmpi ne, %convert_element_type3A_244, %cond3A_245 : i32
      scf.if %cond3A_246 {
        %sub3A_274 = arith.constant 2 : i32
        %sub3A_275 = arith.subi %add3A_233, %sub3A_274 : i32
        %dma_wait3A = arith.constant 0 : i32
        %dma_wait3A_276 = arith.constant 0 : i32
        %dma_wait3A_277 = arith.constant 0 : i32
        %dma_wait3A_278 = arith.constant 0 : i32
        %dma_wait3A_279 = tpu.memref_slice %arg9[%dma_wait3A, %dma_wait3A_277, %dma_wait3A_278] : memref<4x80x128xf32, #tpu.memory_space<vmem>> -> memref<1x80x128xf32, #tpu.memory_space<vmem>>
        %dma_wait3A_280 = tpu.memref_squeeze %dma_wait3A_279 : memref<1x80x128xf32, #tpu.memory_space<vmem>> -> memref<80x128xf32, #tpu.memory_space<vmem>>
        %dma_wait3A_281 = arith.constant 0 : i32
        %dma_wait3A_282 = arith.constant 0 : i32
        %dma_wait3A_283 = tpu.memref_slice %arg2[%dma_wait3A_281, %dma_wait3A_282] : memref<20000x128xf32, #tpu.memory_space<hbm>> -> memref<80x128xf32, #tpu.memory_space<hbm>>
        %dma_wait3A_284 = tpu.memref_slice %arg12[%dma_wait3A_276] : memref<4x!tpu.dma_semaphore, #tpu.memory_space<semaphore_mem>> -> memref<1x!tpu.dma_semaphore, #tpu.memory_space<semaphore_mem>>
        %dma_wait3A_285 = tpu.memref_squeeze %dma_wait3A_284 : memref<1x!tpu.dma_semaphore, #tpu.memory_space<semaphore_mem>> -> memref<!tpu.dma_semaphore, #tpu.memory_space<semaphore_mem>>
        %dma_wait3A_286 = arith.constant 0 : i32
        %dma_wait3A_287 = arith.constant 0 : i32
        %dma_wait3A_288 = tpu.memref_slice %arg9[%dma_wait3A, %dma_wait3A_286, %dma_wait3A_287] : memref<4x80x128xf32, #tpu.memory_space<vmem>> -> memref<1x80x128xf32, #tpu.memory_space<vmem>>
        %dma_wait3A_289 = tpu.memref_squeeze %dma_wait3A_288 : memref<1x80x128xf32, #tpu.memory_space<vmem>> -> memref<80x128xf32, #tpu.memory_space<vmem>>
        %dma_wait3A_290 = arith.constant 0 : i32
        %dma_wait3A_291 = arith.constant 0 : i32
        %dma_wait3A_292 = tpu.memref_slice %arg2[%dma_wait3A_290, %dma_wait3A_291] : memref<20000x128xf32, #tpu.memory_space<hbm>> -> memref<80x128xf32, #tpu.memory_space<hbm>>
        tpu.wait_dma2 semaphore(%dma_wait3A_285 : memref<!tpu.dma_semaphore, #tpu.memory_space<semaphore_mem>>) src(%dma_wait3A_292 : memref<80x128xf32, #tpu.memory_space<hbm>>) dst(%dma_wait3A_289 : memref<80x128xf32, #tpu.memory_space<vmem>>)
      } else {
      }
      %add3A_247 = arith.constant 2 : i32
      %add3A_248 = arith.addi %add3A_233, %add3A_247 : i32
      %lt3A_249 = arith.cmpi slt, %add3A_248, %mul3A_110 : i32
      %convert_element_type3A_250 = arith.extui %lt3A_249 : i1 to i32
      %cond3A_251 = arith.constant 0 : i32
      %cond3A_252 = arith.cmpi ne, %convert_element_type3A_250, %cond3A_251 : i32
      scf.if %cond3A_252 {
        %add3A_274 = arith.constant 2 : i32
        %add3A_275 = arith.addi %add3A_233, %add3A_274 : i32
        %mul3A_276 = arith.constant 80 : i32
        %mul3A_277 = arith.muli %add3A_275, %mul3A_276 : i32
        %dma_start3A = arith.constant 0 : i32
        %dma_start3A_278 = arith.constant 0 : i32
        %dma_start3A_279 = arith.constant 0 : i32
        %dma_start3A_280 = arith.constant 0 : i32
        %dma_start3A_281 = tpu.memref_slice %arg9[%dma_start3A, %dma_start3A_279, %dma_start3A_280] : memref<4x80x128xf32, #tpu.memory_space<vmem>> -> memref<1x80x128xf32, #tpu.memory_space<vmem>>
        %dma_start3A_282 = tpu.memref_squeeze %dma_start3A_281 : memref<1x80x128xf32, #tpu.memory_space<vmem>> -> memref<80x128xf32, #tpu.memory_space<vmem>>
        %dma_start3A_283 = tpu.memref_slice %arg7[%mul3A_277] : memref<20160xi32, #tpu.memory_space<vmem>> -> memref<80xi32, #tpu.memory_space<vmem>>
        %dma_start3A_284 = arith.constant 10000 : i32
        %dma_start3A_285 = arith.constant 0 : i32
        %dma_start3A_286 = tpu.memref_slice %arg2[%dma_start3A_284, %dma_start3A_285] : memref<20000x128xf32, #tpu.memory_space<hbm>> -> memref<10000x128xf32, #tpu.memory_space<hbm>>
        %dma_start3A_287 = arith.constant 0 : i32
        %dma_start3A_288 = arith.constant 0 : i32
        %dma_start3A_289 = tpu.memref_slice %dma_start3A_286[%dma_start3A_287, %dma_start3A_288] : memref<10000x128xf32, #tpu.memory_space<hbm>> -> memref<10000x128xf32, #tpu.memory_space<hbm>>
        %dma_start3A_290 = tpu.memref_slice %arg11[%dma_start3A_278] : memref<4x!tpu.dma_semaphore, #tpu.memory_space<semaphore_mem>> -> memref<1x!tpu.dma_semaphore, #tpu.memory_space<semaphore_mem>>
        %dma_start3A_291 = tpu.memref_squeeze %dma_start3A_290 : memref<1x!tpu.dma_semaphore, #tpu.memory_space<semaphore_mem>> -> memref<!tpu.dma_semaphore, #tpu.memory_space<semaphore_mem>>
        tpu.enqueue_indirect_dma source(%dma_start3A_289 : memref<10000x128xf32, #tpu.memory_space<hbm>>) target(%dma_start3A_282 : memref<80x128xf32, #tpu.memory_space<vmem>>) offsets(%dma_start3A_283 : memref<80xi32, #tpu.memory_space<vmem>>) semaphore(%dma_start3A_291 : memref<!tpu.dma_semaphore, #tpu.memory_space<semaphore_mem>>)
      } else {
      }
      %add3A_253 = arith.constant 3 : i32
      %add3A_254 = arith.addi %add3A_190, %add3A_253 : i32
      %lt3A_255 = arith.cmpi slt, %add3A_254, %mul3A_110 : i32
      %convert_element_type3A_256 = arith.extui %lt3A_255 : i1 to i32
      %cond3A_257 = arith.constant 0 : i32
      %cond3A_258 = arith.cmpi ne, %convert_element_type3A_256, %cond3A_257 : i32
      scf.if %cond3A_258 {
        %mul3A_274 = arith.constant 80 : i32
        %mul3A_275 = arith.muli %add3A_254, %mul3A_274 : i32
        %dma_wait3A = arith.constant 3 : i32
        %dma_wait3A_276 = arith.constant 3 : i32
        %dma_wait3A_277 = arith.constant 0 : i32
        %dma_wait3A_278 = arith.constant 0 : i32
        %dma_wait3A_279 = tpu.memref_slice %arg9[%dma_wait3A, %dma_wait3A_277, %dma_wait3A_278] : memref<4x80x128xf32, #tpu.memory_space<vmem>> -> memref<1x80x128xf32, #tpu.memory_space<vmem>>
        %dma_wait3A_280 = tpu.memref_squeeze %dma_wait3A_279 : memref<1x80x128xf32, #tpu.memory_space<vmem>> -> memref<80x128xf32, #tpu.memory_space<vmem>>
        %dma_wait3A_281 = tpu.memref_slice %arg7[%mul3A_275] : memref<20160xi32, #tpu.memory_space<vmem>> -> memref<80xi32, #tpu.memory_space<vmem>>
        %dma_wait3A_282 = arith.constant 10000 : i32
        %dma_wait3A_283 = arith.constant 0 : i32
        %dma_wait3A_284 = tpu.memref_slice %arg2[%dma_wait3A_282, %dma_wait3A_283] : memref<20000x128xf32, #tpu.memory_space<hbm>> -> memref<10000x128xf32, #tpu.memory_space<hbm>>
        %dma_wait3A_285 = arith.constant 0 : i32
        %dma_wait3A_286 = arith.constant 0 : i32
        %dma_wait3A_287 = tpu.memref_slice %dma_wait3A_284[%dma_wait3A_285, %dma_wait3A_286] : memref<10000x128xf32, #tpu.memory_space<hbm>> -> memref<10000x128xf32, #tpu.memory_space<hbm>>
        %dma_wait3A_288 = tpu.memref_slice %arg11[%dma_wait3A_276] : memref<4x!tpu.dma_semaphore, #tpu.memory_space<semaphore_mem>> -> memref<1x!tpu.dma_semaphore, #tpu.memory_space<semaphore_mem>>
        %dma_wait3A_289 = tpu.memref_squeeze %dma_wait3A_288 : memref<1x!tpu.dma_semaphore, #tpu.memory_space<semaphore_mem>> -> memref<!tpu.dma_semaphore, #tpu.memory_space<semaphore_mem>>
        tpu.wait_indirect_dma semaphore(%dma_wait3A_289 : memref<!tpu.dma_semaphore, #tpu.memory_space<semaphore_mem>>) src(%dma_wait3A_287 : memref<10000x128xf32, #tpu.memory_space<hbm>>) dst(%dma_wait3A_280 : memref<80x128xf32, #tpu.memory_space<vmem>>)
        %mul3A_290 = arith.constant 80 : i32
        %mul3A_291 = arith.muli %add3A_254, %mul3A_290 : i32
        %add3A_292 = arith.constant 0 : i32
        %add3A_293 = arith.addi %mul3A_291, %add3A_292 : i32
        %get3A = arith.index_cast %add3A_293 : i32 to index
        %get3A_294 = tpu.vector_load %arg8[%get3A] {strides = array<i32>} : memref<20160xi32, #tpu.memory_space<vmem>>, vector<16xi32>,
        %dma_start3A = arith.constant 3 : i32
        %dma_start3A_295 = arith.constant 3 : i32
        %dma_start3A_296 = arith.constant 0 : i32
        %dma_start3A_297 = arith.constant 0 : i32
        %dma_start3A_298 = tpu.memref_slice %arg9[%dma_start3A, %dma_start3A_296, %dma_start3A_297] : memref<4x80x128xf32, #tpu.memory_space<vmem>> -> memref<1x80x128xf32, #tpu.memory_space<vmem>>
        %dma_start3A_299 = tpu.memref_squeeze %dma_start3A_298 : memref<1x80x128xf32, #tpu.memory_space<vmem>> -> memref<80x128xf32, #tpu.memory_space<vmem>>
        %dma_start3A_300 = arith.constant 0 : i32
        %dma_start3A_301 = arith.constant 0 : i32
        %dma_start3A_302 = tpu.memref_slice %dma_start3A_299[%dma_start3A_300, %dma_start3A_301] : memref<80x128xf32, #tpu.memory_space<vmem>> -> memref<16x128xf32, #tpu.memory_space<vmem>>
        %dma_start3A_303 = arith.constant 0 : i32
        %dma_start3A_304 = arith.constant 0 : i32
        %dma_start3A_305 = tpu.memref_slice %arg10[%dma_start3A_303, %dma_start3A_304] : memref<5008x128xf32, #tpu.memory_space<vmem_shared>> -> memref<5008x128xf32, #tpu.memory_space<vmem_shared>>
        %dma_start3A_306 = tpu.memref_slice %arg12[%dma_start3A_295] : memref<4x!tpu.dma_semaphore, #tpu.memory_space<semaphore_mem>> -> memref<1x!tpu.dma_semaphore, #tpu.memory_space<semaphore_mem>>
        %dma_start3A_307 = tpu.memref_squeeze %dma_start3A_306 : memref<1x!tpu.dma_semaphore, #tpu.memory_space<semaphore_mem>> -> memref<!tpu.dma_semaphore, #tpu.memory_space<semaphore_mem>>
        tpu.enqueue_indirect_dma source(%dma_start3A_302 : memref<16x128xf32, #tpu.memory_space<vmem>>) target(%dma_start3A_305 : memref<5008x128xf32, #tpu.memory_space<vmem_shared>>) offsets(%get3A_294 : vector<16xi32>) semaphore(%dma_start3A_307 : memref<!tpu.dma_semaphore, #tpu.memory_space<semaphore_mem>>) {add = true}
        %mul3A_308 = arith.constant 80 : i32
        %mul3A_309 = arith.muli %add3A_254, %mul3A_308 : i32
        %add3A_310 = arith.constant 16 : i32
        %add3A_311 = arith.addi %mul3A_309, %add3A_310 : i32
        %get3A_312 = arith.index_cast %add3A_311 : i32 to index
        %get3A_313 = tpu.vector_load %arg8[%get3A_312] {strides = array<i32>} : memref<20160xi32, #tpu.memory_space<vmem>>, vector<16xi32>,
        %dma_start3A_314 = arith.constant 3 : i32
        %dma_start3A_315 = arith.constant 3 : i32
        %dma_start3A_316 = arith.constant 0 : i32
        %dma_start3A_317 = arith.constant 0 : i32
        %dma_start3A_318 = tpu.memref_slice %arg9[%dma_start3A_314, %dma_start3A_316, %dma_start3A_317] : memref<4x80x128xf32, #tpu.memory_space<vmem>> -> memref<1x80x128xf32, #tpu.memory_space<vmem>>
        %dma_start3A_319 = tpu.memref_squeeze %dma_start3A_318 : memref<1x80x128xf32, #tpu.memory_space<vmem>> -> memref<80x128xf32, #tpu.memory_space<vmem>>
        %dma_start3A_320 = arith.constant 16 : i32
        %dma_start3A_321 = arith.constant 0 : i32
        %dma_start3A_322 = tpu.memref_slice %dma_start3A_319[%dma_start3A_320, %dma_start3A_321] : memref<80x128xf32, #tpu.memory_space<vmem>> -> memref<16x128xf32, #tpu.memory_space<vmem>>
        %dma_start3A_323 = arith.constant 0 : i32
        %dma_start3A_324 = arith.constant 0 : i32
        %dma_start3A_325 = tpu.memref_slice %arg10[%dma_start3A_323, %dma_start3A_324] : memref<5008x128xf32, #tpu.memory_space<vmem_shared>> -> memref<5008x128xf32, #tpu.memory_space<vmem_shared>>
        %dma_start3A_326 = tpu.memref_slice %arg12[%dma_start3A_315] : memref<4x!tpu.dma_semaphore, #tpu.memory_space<semaphore_mem>> -> memref<1x!tpu.dma_semaphore, #tpu.memory_space<semaphore_mem>>
        %dma_start3A_327 = tpu.memref_squeeze %dma_start3A_326 : memref<1x!tpu.dma_semaphore, #tpu.memory_space<semaphore_mem>> -> memref<!tpu.dma_semaphore, #tpu.memory_space<semaphore_mem>>
        tpu.enqueue_indirect_dma source(%dma_start3A_322 : memref<16x128xf32, #tpu.memory_space<vmem>>) target(%dma_start3A_325 : memref<5008x128xf32, #tpu.memory_space<vmem_shared>>) offsets(%get3A_313 : vector<16xi32>) semaphore(%dma_start3A_327 : memref<!tpu.dma_semaphore, #tpu.memory_space<semaphore_mem>>) {add = true}
        %mul3A_328 = arith.constant 80 : i32
        %mul3A_329 = arith.muli %add3A_254, %mul3A_328 : i32
        %add3A_330 = arith.constant 32 : i32
        %add3A_331 = arith.addi %mul3A_329, %add3A_330 : i32
        %get3A_332 = arith.index_cast %add3A_331 : i32 to index
        %get3A_333 = tpu.vector_load %arg8[%get3A_332] {strides = array<i32>} : memref<20160xi32, #tpu.memory_space<vmem>>, vector<16xi32>,
        %dma_start3A_334 = arith.constant 3 : i32
        %dma_start3A_335 = arith.constant 3 : i32
        %dma_start3A_336 = arith.constant 0 : i32
        %dma_start3A_337 = arith.constant 0 : i32
        %dma_start3A_338 = tpu.memref_slice %arg9[%dma_start3A_334, %dma_start3A_336, %dma_start3A_337] : memref<4x80x128xf32, #tpu.memory_space<vmem>> -> memref<1x80x128xf32, #tpu.memory_space<vmem>>
        %dma_start3A_339 = tpu.memref_squeeze %dma_start3A_338 : memref<1x80x128xf32, #tpu.memory_space<vmem>> -> memref<80x128xf32, #tpu.memory_space<vmem>>
        %dma_start3A_340 = arith.constant 32 : i32
        %dma_start3A_341 = arith.constant 0 : i32
        %dma_start3A_342 = tpu.memref_slice %dma_start3A_339[%dma_start3A_340, %dma_start3A_341] : memref<80x128xf32, #tpu.memory_space<vmem>> -> memref<16x128xf32, #tpu.memory_space<vmem>>
        %dma_start3A_343 = arith.constant 0 : i32
        %dma_start3A_344 = arith.constant 0 : i32
        %dma_start3A_345 = tpu.memref_slice %arg10[%dma_start3A_343, %dma_start3A_344] : memref<5008x128xf32, #tpu.memory_space<vmem_shared>> -> memref<5008x128xf32, #tpu.memory_space<vmem_shared>>
        %dma_start3A_346 = tpu.memref_slice %arg12[%dma_start3A_335] : memref<4x!tpu.dma_semaphore, #tpu.memory_space<semaphore_mem>> -> memref<1x!tpu.dma_semaphore, #tpu.memory_space<semaphore_mem>>
        %dma_start3A_347 = tpu.memref_squeeze %dma_start3A_346 : memref<1x!tpu.dma_semaphore, #tpu.memory_space<semaphore_mem>> -> memref<!tpu.dma_semaphore, #tpu.memory_space<semaphore_mem>>
        tpu.enqueue_indirect_dma source(%dma_start3A_342 : memref<16x128xf32, #tpu.memory_space<vmem>>) target(%dma_start3A_345 : memref<5008x128xf32, #tpu.memory_space<vmem_shared>>) offsets(%get3A_333 : vector<16xi32>) semaphore(%dma_start3A_347 : memref<!tpu.dma_semaphore, #tpu.memory_space<semaphore_mem>>) {add = true}
        %mul3A_348 = arith.constant 80 : i32
        %mul3A_349 = arith.muli %add3A_254, %mul3A_348 : i32
        %add3A_350 = arith.constant 48 : i32
        %add3A_351 = arith.addi %mul3A_349, %add3A_350 : i32
        %get3A_352 = arith.index_cast %add3A_351 : i32 to index
        %get3A_353 = tpu.vector_load %arg8[%get3A_352] {strides = array<i32>} : memref<20160xi32, #tpu.memory_space<vmem>>, vector<16xi32>,
        %dma_start3A_354 = arith.constant 3 : i32
        %dma_start3A_355 = arith.constant 3 : i32
        %dma_start3A_356 = arith.constant 0 : i32
        %dma_start3A_357 = arith.constant 0 : i32
        %dma_start3A_358 = tpu.memref_slice %arg9[%dma_start3A_354, %dma_start3A_356, %dma_start3A_357] : memref<4x80x128xf32, #tpu.memory_space<vmem>> -> memref<1x80x128xf32, #tpu.memory_space<vmem>>
        %dma_start3A_359 = tpu.memref_squeeze %dma_start3A_358 : memref<1x80x128xf32, #tpu.memory_space<vmem>> -> memref<80x128xf32, #tpu.memory_space<vmem>>
        %dma_start3A_360 = arith.constant 48 : i32
        %dma_start3A_361 = arith.constant 0 : i32
        %dma_start3A_362 = tpu.memref_slice %dma_start3A_359[%dma_start3A_360, %dma_start3A_361] : memref<80x128xf32, #tpu.memory_space<vmem>> -> memref<16x128xf32, #tpu.memory_space<vmem>>
        %dma_start3A_363 = arith.constant 0 : i32
        %dma_start3A_364 = arith.constant 0 : i32
        %dma_start3A_365 = tpu.memref_slice %arg10[%dma_start3A_363, %dma_start3A_364] : memref<5008x128xf32, #tpu.memory_space<vmem_shared>> -> memref<5008x128xf32, #tpu.memory_space<vmem_shared>>
        %dma_start3A_366 = tpu.memref_slice %arg12[%dma_start3A_355] : memref<4x!tpu.dma_semaphore, #tpu.memory_space<semaphore_mem>> -> memref<1x!tpu.dma_semaphore, #tpu.memory_space<semaphore_mem>>
        %dma_start3A_367 = tpu.memref_squeeze %dma_start3A_366 : memref<1x!tpu.dma_semaphore, #tpu.memory_space<semaphore_mem>> -> memref<!tpu.dma_semaphore, #tpu.memory_space<semaphore_mem>>
        tpu.enqueue_indirect_dma source(%dma_start3A_362 : memref<16x128xf32, #tpu.memory_space<vmem>>) target(%dma_start3A_365 : memref<5008x128xf32, #tpu.memory_space<vmem_shared>>) offsets(%get3A_353 : vector<16xi32>) semaphore(%dma_start3A_367 : memref<!tpu.dma_semaphore, #tpu.memory_space<semaphore_mem>>) {add = true}
        %mul3A_368 = arith.constant 80 : i32
        %mul3A_369 = arith.muli %add3A_254, %mul3A_368 : i32
        %add3A_370 = arith.constant 64 : i32
        %add3A_371 = arith.addi %mul3A_369, %add3A_370 : i32
        %get3A_372 = arith.index_cast %add3A_371 : i32 to index
        %get3A_373 = tpu.vector_load %arg8[%get3A_372] {strides = array<i32>} : memref<20160xi32, #tpu.memory_space<vmem>>, vector<16xi32>,
        %dma_start3A_374 = arith.constant 3 : i32
        %dma_start3A_375 = arith.constant 3 : i32
        %dma_start3A_376 = arith.constant 0 : i32
        %dma_start3A_377 = arith.constant 0 : i32
        %dma_start3A_378 = tpu.memref_slice %arg9[%dma_start3A_374, %dma_start3A_376, %dma_start3A_377] : memref<4x80x128xf32, #tpu.memory_space<vmem>> -> memref<1x80x128xf32, #tpu.memory_space<vmem>>
        %dma_start3A_379 = tpu.memref_squeeze %dma_start3A_378 : memref<1x80x128xf32, #tpu.memory_space<vmem>> -> memref<80x128xf32, #tpu.memory_space<vmem>>
        %dma_start3A_380 = arith.constant 64 : i32
        %dma_start3A_381 = arith.constant 0 : i32
        %dma_start3A_382 = tpu.memref_slice %dma_start3A_379[%dma_start3A_380, %dma_start3A_381] : memref<80x128xf32, #tpu.memory_space<vmem>> -> memref<16x128xf32, #tpu.memory_space<vmem>>
        %dma_start3A_383 = arith.constant 0 : i32
        %dma_start3A_384 = arith.constant 0 : i32
        %dma_start3A_385 = tpu.memref_slice %arg10[%dma_start3A_383, %dma_start3A_384] : memref<5008x128xf32, #tpu.memory_space<vmem_shared>> -> memref<5008x128xf32, #tpu.memory_space<vmem_shared>>
        %dma_start3A_386 = tpu.memref_slice %arg12[%dma_start3A_375] : memref<4x!tpu.dma_semaphore, #tpu.memory_space<semaphore_mem>> -> memref<1x!tpu.dma_semaphore, #tpu.memory_space<semaphore_mem>>
        %dma_start3A_387 = tpu.memref_squeeze %dma_start3A_386 : memref<1x!tpu.dma_semaphore, #tpu.memory_space<semaphore_mem>> -> memref<!tpu.dma_semaphore, #tpu.memory_space<semaphore_mem>>
        tpu.enqueue_indirect_dma source(%dma_start3A_382 : memref<16x128xf32, #tpu.memory_space<vmem>>) target(%dma_start3A_385 : memref<5008x128xf32, #tpu.memory_space<vmem_shared>>) offsets(%get3A_373 : vector<16xi32>) semaphore(%dma_start3A_387 : memref<!tpu.dma_semaphore, #tpu.memory_space<semaphore_mem>>) {add = true}
      } else {
      }
      %ge3A_259 = arith.constant 2 : i32
      %ge3A_260 = arith.cmpi sge, %add3A_254, %ge3A_259 : i32
      %sub3A_261 = arith.constant 2 : i32
      %sub3A_262 = arith.subi %add3A_254, %sub3A_261 : i32
      %lt3A_263 = arith.cmpi slt, %sub3A_262, %mul3A_110 : i32
      %and3A_264 = arith.andi %ge3A_260, %lt3A_263 : i1
      %convert_element_type3A_265 = arith.extui %and3A_264 : i1 to i32
      %cond3A_266 = arith.constant 0 : i32
      %cond3A_267 = arith.cmpi ne, %convert_element_type3A_265, %cond3A_266 : i32
      scf.if %cond3A_267 {
        %sub3A_274 = arith.constant 2 : i32
        %sub3A_275 = arith.subi %add3A_254, %sub3A_274 : i32
        %dma_wait3A = arith.constant 1 : i32
        %dma_wait3A_276 = arith.constant 1 : i32
        %dma_wait3A_277 = arith.constant 0 : i32
        %dma_wait3A_278 = arith.constant 0 : i32
        %dma_wait3A_279 = tpu.memref_slice %arg9[%dma_wait3A, %dma_wait3A_277, %dma_wait3A_278] : memref<4x80x128xf32, #tpu.memory_space<vmem>> -> memref<1x80x128xf32, #tpu.memory_space<vmem>>
        %dma_wait3A_280 = tpu.memref_squeeze %dma_wait3A_279 : memref<1x80x128xf32, #tpu.memory_space<vmem>> -> memref<80x128xf32, #tpu.memory_space<vmem>>
        %dma_wait3A_281 = arith.constant 0 : i32
        %dma_wait3A_282 = arith.constant 0 : i32
        %dma_wait3A_283 = tpu.memref_slice %arg2[%dma_wait3A_281, %dma_wait3A_282] : memref<20000x128xf32, #tpu.memory_space<hbm>> -> memref<80x128xf32, #tpu.memory_space<hbm>>
        %dma_wait3A_284 = tpu.memref_slice %arg12[%dma_wait3A_276] : memref<4x!tpu.dma_semaphore, #tpu.memory_space<semaphore_mem>> -> memref<1x!tpu.dma_semaphore, #tpu.memory_space<semaphore_mem>>
        %dma_wait3A_285 = tpu.memref_squeeze %dma_wait3A_284 : memref<1x!tpu.dma_semaphore, #tpu.memory_space<semaphore_mem>> -> memref<!tpu.dma_semaphore, #tpu.memory_space<semaphore_mem>>
        %dma_wait3A_286 = arith.constant 0 : i32
        %dma_wait3A_287 = arith.constant 0 : i32
        %dma_wait3A_288 = tpu.memref_slice %arg9[%dma_wait3A, %dma_wait3A_286, %dma_wait3A_287] : memref<4x80x128xf32, #tpu.memory_space<vmem>> -> memref<1x80x128xf32, #tpu.memory_space<vmem>>
        %dma_wait3A_289 = tpu.memref_squeeze %dma_wait3A_288 : memref<1x80x128xf32, #tpu.memory_space<vmem>> -> memref<80x128xf32, #tpu.memory_space<vmem>>
        %dma_wait3A_290 = arith.constant 0 : i32
        %dma_wait3A_291 = arith.constant 0 : i32
        %dma_wait3A_292 = tpu.memref_slice %arg2[%dma_wait3A_290, %dma_wait3A_291] : memref<20000x128xf32, #tpu.memory_space<hbm>> -> memref<80x128xf32, #tpu.memory_space<hbm>>
        tpu.wait_dma2 semaphore(%dma_wait3A_285 : memref<!tpu.dma_semaphore, #tpu.memory_space<semaphore_mem>>) src(%dma_wait3A_292 : memref<80x128xf32, #tpu.memory_space<hbm>>) dst(%dma_wait3A_289 : memref<80x128xf32, #tpu.memory_space<vmem>>)
      } else {
      }
      %add3A_268 = arith.constant 2 : i32
      %add3A_269 = arith.addi %add3A_254, %add3A_268 : i32
      %lt3A_270 = arith.cmpi slt, %add3A_269, %mul3A_110 : i32
      %convert_element_type3A_271 = arith.extui %lt3A_270 : i1 to i32
      %cond3A_272 = arith.constant 0 : i32
      %cond3A_273 = arith.cmpi ne, %convert_element_type3A_271, %cond3A_272 : i32
      scf.if %cond3A_273 {
        %add3A_274 = arith.constant 2 : i32
        %add3A_275 = arith.addi %add3A_254, %add3A_274 : i32
        %mul3A_276 = arith.constant 80 : i32
        %mul3A_277 = arith.muli %add3A_275, %mul3A_276 : i32
        %dma_start3A = arith.constant 1 : i32
        %dma_start3A_278 = arith.constant 1 : i32
        %dma_start3A_279 = arith.constant 0 : i32
        %dma_start3A_280 = arith.constant 0 : i32
        %dma_start3A_281 = tpu.memref_slice %arg9[%dma_start3A, %dma_start3A_279, %dma_start3A_280] : memref<4x80x128xf32, #tpu.memory_space<vmem>> -> memref<1x80x128xf32, #tpu.memory_space<vmem>>
        %dma_start3A_282 = tpu.memref_squeeze %dma_start3A_281 : memref<1x80x128xf32, #tpu.memory_space<vmem>> -> memref<80x128xf32, #tpu.memory_space<vmem>>
        %dma_start3A_283 = tpu.memref_slice %arg7[%mul3A_277] : memref<20160xi32, #tpu.memory_space<vmem>> -> memref<80xi32, #tpu.memory_space<vmem>>
        %dma_start3A_284 = arith.constant 10000 : i32
        %dma_start3A_285 = arith.constant 0 : i32
        %dma_start3A_286 = tpu.memref_slice %arg2[%dma_start3A_284, %dma_start3A_285] : memref<20000x128xf32, #tpu.memory_space<hbm>> -> memref<10000x128xf32, #tpu.memory_space<hbm>>
        %dma_start3A_287 = arith.constant 0 : i32
        %dma_start3A_288 = arith.constant 0 : i32
        %dma_start3A_289 = tpu.memref_slice %dma_start3A_286[%dma_start3A_287, %dma_start3A_288] : memref<10000x128xf32, #tpu.memory_space<hbm>> -> memref<10000x128xf32, #tpu.memory_space<hbm>>
        %dma_start3A_290 = tpu.memref_slice %arg11[%dma_start3A_278] : memref<4x!tpu.dma_semaphore, #tpu.memory_space<semaphore_mem>> -> memref<1x!tpu.dma_semaphore, #tpu.memory_space<semaphore_mem>>
        %dma_start3A_291 = tpu.memref_squeeze %dma_start3A_290 : memref<1x!tpu.dma_semaphore, #tpu.memory_space<semaphore_mem>> -> memref<!tpu.dma_semaphore, #tpu.memory_space<semaphore_mem>>
        tpu.enqueue_indirect_dma source(%dma_start3A_289 : memref<10000x128xf32, #tpu.memory_space<hbm>>) target(%dma_start3A_282 : memref<80x128xf32, #tpu.memory_space<vmem>>) offsets(%dma_start3A_283 : memref<80xi32, #tpu.memory_space<vmem>>) semaphore(%dma_start3A_291 : memref<!tpu.dma_semaphore, #tpu.memory_space<semaphore_mem>>)
      } else {
      }
    }
    %scan3A_164 = arith.constant 63 : i32
    %ge3A_165 = arith.constant 251 : i32
    %ge3A_166 = arith.cmpi sge, %mul3A_110, %ge3A_165 : i32
    %convert_element_type3A_167 = arith.extui %ge3A_166 : i1 to i32
    %cond3A_168 = arith.constant 0 : i32
    %cond3A_169 = arith.cmpi ne, %convert_element_type3A_167, %cond3A_168 : i32
    scf.if %cond3A_169 {
      %dma_wait3A = arith.constant 2 : i32
      %dma_wait3A_186 = arith.constant 2 : i32
      %dma_wait3A_187 = arith.constant 0 : i32
      %dma_wait3A_188 = arith.constant 0 : i32
      %dma_wait3A_189 = tpu.memref_slice %arg9[%dma_wait3A, %dma_wait3A_187, %dma_wait3A_188] : memref<4x80x128xf32, #tpu.memory_space<vmem>> -> memref<1x80x128xf32, #tpu.memory_space<vmem>>
      %dma_wait3A_190 = tpu.memref_squeeze %dma_wait3A_189 : memref<1x80x128xf32, #tpu.memory_space<vmem>> -> memref<80x128xf32, #tpu.memory_space<vmem>>
      %dma_wait3A_191 = arith.constant 0 : i32
      %dma_wait3A_192 = arith.constant 0 : i32
      %dma_wait3A_193 = tpu.memref_slice %arg2[%dma_wait3A_191, %dma_wait3A_192] : memref<20000x128xf32, #tpu.memory_space<hbm>> -> memref<80x128xf32, #tpu.memory_space<hbm>>
      %dma_wait3A_194 = tpu.memref_slice %arg12[%dma_wait3A_186] : memref<4x!tpu.dma_semaphore, #tpu.memory_space<semaphore_mem>> -> memref<1x!tpu.dma_semaphore, #tpu.memory_space<semaphore_mem>>
      %dma_wait3A_195 = tpu.memref_squeeze %dma_wait3A_194 : memref<1x!tpu.dma_semaphore, #tpu.memory_space<semaphore_mem>> -> memref<!tpu.dma_semaphore, #tpu.memory_space<semaphore_mem>>
      %dma_wait3A_196 = arith.constant 0 : i32
      %dma_wait3A_197 = arith.constant 0 : i32
      %dma_wait3A_198 = tpu.memref_slice %arg9[%dma_wait3A, %dma_wait3A_196, %dma_wait3A_197] : memref<4x80x128xf32, #tpu.memory_space<vmem>> -> memref<1x80x128xf32, #tpu.memory_space<vmem>>
      %dma_wait3A_199 = tpu.memref_squeeze %dma_wait3A_198 : memref<1x80x128xf32, #tpu.memory_space<vmem>> -> memref<80x128xf32, #tpu.memory_space<vmem>>
      %dma_wait3A_200 = arith.constant 0 : i32
      %dma_wait3A_201 = arith.constant 0 : i32
      %dma_wait3A_202 = tpu.memref_slice %arg2[%dma_wait3A_200, %dma_wait3A_201] : memref<20000x128xf32, #tpu.memory_space<hbm>> -> memref<80x128xf32, #tpu.memory_space<hbm>>
      tpu.wait_dma2 semaphore(%dma_wait3A_195 : memref<!tpu.dma_semaphore, #tpu.memory_space<semaphore_mem>>) src(%dma_wait3A_202 : memref<80x128xf32, #tpu.memory_space<hbm>>) dst(%dma_wait3A_199 : memref<80x128xf32, #tpu.memory_space<vmem>>)
    } else {
    }
    %eq3A_170 = arith.constant 252 : i32
    %eq3A_171 = arith.cmpi eq, %mul3A_110, %eq3A_170 : i32
    %convert_element_type3A_172 = arith.extui %eq3A_171 : i1 to i32
    %cond3A_173 = arith.constant 0 : i32
    %cond3A_174 = arith.cmpi ne, %convert_element_type3A_172, %cond3A_173 : i32
    scf.if %cond3A_174 {
      %dma_wait3A = arith.constant 3 : i32
      %dma_wait3A_186 = arith.constant 3 : i32
      %dma_wait3A_187 = arith.constant 0 : i32
      %dma_wait3A_188 = arith.constant 0 : i32
      %dma_wait3A_189 = tpu.memref_slice %arg9[%dma_wait3A, %dma_wait3A_187, %dma_wait3A_188] : memref<4x80x128xf32, #tpu.memory_space<vmem>> -> memref<1x80x128xf32, #tpu.memory_space<vmem>>
      %dma_wait3A_190 = tpu.memref_squeeze %dma_wait3A_189 : memref<1x80x128xf32, #tpu.memory_space<vmem>> -> memref<80x128xf32, #tpu.memory_space<vmem>>
      %dma_wait3A_191 = arith.constant 0 : i32
      %dma_wait3A_192 = arith.constant 0 : i32
      %dma_wait3A_193 = tpu.memref_slice %arg2[%dma_wait3A_191, %dma_wait3A_192] : memref<20000x128xf32, #tpu.memory_space<hbm>> -> memref<80x128xf32, #tpu.memory_space<hbm>>
      %dma_wait3A_194 = tpu.memref_slice %arg12[%dma_wait3A_186] : memref<4x!tpu.dma_semaphore, #tpu.memory_space<semaphore_mem>> -> memref<1x!tpu.dma_semaphore, #tpu.memory_space<semaphore_mem>>
      %dma_wait3A_195 = tpu.memref_squeeze %dma_wait3A_194 : memref<1x!tpu.dma_semaphore, #tpu.memory_space<semaphore_mem>> -> memref<!tpu.dma_semaphore, #tpu.memory_space<semaphore_mem>>
      %dma_wait3A_196 = arith.constant 0 : i32
      %dma_wait3A_197 = arith.constant 0 : i32
      %dma_wait3A_198 = tpu.memref_slice %arg9[%dma_wait3A, %dma_wait3A_196, %dma_wait3A_197] : memref<4x80x128xf32, #tpu.memory_space<vmem>> -> memref<1x80x128xf32, #tpu.memory_space<vmem>>
      %dma_wait3A_199 = tpu.memref_squeeze %dma_wait3A_198 : memref<1x80x128xf32, #tpu.memory_space<vmem>> -> memref<80x128xf32, #tpu.memory_space<vmem>>
      %dma_wait3A_200 = arith.constant 0 : i32
      %dma_wait3A_201 = arith.constant 0 : i32
      %dma_wait3A_202 = tpu.memref_slice %arg2[%dma_wait3A_200, %dma_wait3A_201] : memref<20000x128xf32, #tpu.memory_space<hbm>> -> memref<80x128xf32, #tpu.memory_space<hbm>>
      tpu.wait_dma2 semaphore(%dma_wait3A_195 : memref<!tpu.dma_semaphore, #tpu.memory_space<semaphore_mem>>) src(%dma_wait3A_202 : memref<80x128xf32, #tpu.memory_space<hbm>>) dst(%dma_wait3A_199 : memref<80x128xf32, #tpu.memory_space<vmem>>)
    } else {
    }
    %barrier3A_175 = arith.constant 0 : index
    tpu.barrier barrier_id(%barrier3A_175)
    %mul3A_176 = arith.constant 320 : i32
    %mul3A_177 = arith.muli %arg1, %mul3A_176 : i32
    %min3A_178 = arith.constant 4680 : i32
    %min3A_179 = arith.minsi %mul3A_177, %min3A_178 : i32
    %mul3A_180 = arith.constant 5000 : i32
    %mul3A_181 = arith.muli %arg0, %mul3A_180 : i32
    %add3A_182 = arith.constant 10000 : i32
    %add3A_183 = arith.addi %add3A_182, %mul3A_181 : i32
    %add3A_184 = arith.addi %add3A_183, %min3A_179 : i32
    "tpu.region"() ({
      %run_scoped3A = tpu.sem_alloc : memref<!tpu.dma_semaphore, #tpu.memory_space<semaphore_mem>>
      %dma_start3A = arith.constant 0 : i32
      %dma_start3A_186 = tpu.memref_slice %arg6[%add3A_184, %dma_start3A] : memref<20000x128xf32, #tpu.memory_space<hbm>> -> memref<320x128xf32, #tpu.memory_space<hbm>>
      %dma_start3A_187 = arith.constant 0 : i32
      %dma_start3A_188 = tpu.memref_slice %arg10[%min3A_179, %dma_start3A_187] : memref<5008x128xf32, #tpu.memory_space<vmem_shared>> -> memref<320x128xf32, #tpu.memory_space<vmem_shared>>
      tpu.enqueue_dma source(%dma_start3A_188 : memref<320x128xf32, #tpu.memory_space<vmem_shared>>) target(%dma_start3A_186 : memref<320x128xf32, #tpu.memory_space<hbm>>) target_semaphore(%run_scoped3A : memref<!tpu.dma_semaphore, #tpu.memory_space<semaphore_mem>>)
      %dma_wait3A = arith.constant 0 : i32
      %dma_wait3A_189 = tpu.memref_slice %arg6[%add3A_184, %dma_wait3A] : memref<20000x128xf32, #tpu.memory_space<hbm>> -> memref<320x128xf32, #tpu.memory_space<hbm>>
      %dma_wait3A_190 = arith.constant 0 : i32
      %dma_wait3A_191 = tpu.memref_slice %arg10[%min3A_179, %dma_wait3A_190] : memref<5008x128xf32, #tpu.memory_space<vmem_shared>> -> memref<320x128xf32, #tpu.memory_space<vmem_shared>>
      tpu.wait_dma2 semaphore(%run_scoped3A : memref<!tpu.dma_semaphore, #tpu.memory_space<semaphore_mem>>) src(%dma_wait3A_191 : memref<320x128xf32, #tpu.memory_space<vmem_shared>>) dst(%dma_wait3A_189 : memref<320x128xf32, #tpu.memory_space<hbm>>)
      tpu.yield
    }) : () -> ()
    %barrier3A_185 = arith.constant 0 : index
    tpu.barrier barrier_id(%barrier3A_185)
    return
  }
}

module attributes {stable_mosaic.version = 14 : i64} {
  func.func @_mlp_in_body(%arg0: i32, %arg1: i32, %arg2: memref<5000x128xf32, #tpu.memory_space<vmem>>, %arg3: memref<5000x128xf32, #tpu.memory_space<vmem>>, %arg4: memref<1x1xf32, #tpu.memory_space<smem>>, %arg5: memref<128x128xf32, #tpu.memory_space<vmem>>, %arg6: memref<1x128xf32, #tpu.memory_space<vmem>>, %arg7: memref<5000x128xf32, #tpu.memory_space<vmem>>, %arg8: memref<1x2x128xf32, #tpu.memory_space<vmem>>) attributes {dimension_semantics = [#tpu.dimension_semantics<arbitrary>, #tpu.dimension_semantics<arbitrary>], iteration_bounds = array<i64: 2, 2>, scalar_prefetch = 0 : i64, scratch_operands = 0 : i64, tpu.core_type = #tpu.core_type<tc>, window_params = [{transform_indices = @transform_0, window_bounds = array<i64: 5000, 128>}, {transform_indices = @transform_1, window_bounds = array<i64: 5000, 128>}, {transform_indices = @transform_2, window_bounds = array<i64: 1, 1>}, {pipeline_mode = #tpu.pipeline_mode<synchronous>, transform_indices = @transform_3, window_bounds = array<i64: 128, 128>}, {pipeline_mode = #tpu.pipeline_mode<synchronous>, transform_indices = @transform_4, window_bounds = array<i64: 1, 128>}, {transform_indices = @transform_5, window_bounds = array<i64: 5000, 128>}, {transform_indices = @transform_6, window_bounds = array<i64: 1, 2, 128>}]} {
    %get3A = arith.constant 0 : index
    %get3A_0 = arith.constant 0 : index
    %get3A_1 = vector.load %arg2[%get3A, %get3A_0] : memref<5000x128xf32, #tpu.memory_space<vmem>>, vector<5000x128xf32>
    %get3A_2 = arith.constant 0 : index
    %get3A_3 = arith.constant 0 : index
    %get3A_4 = memref.load %arg4[%get3A_2, %get3A_3] : memref<1x1xf32, #tpu.memory_space<smem>>
    %add3A = arith.constant 1.000000e+00 : f32
    %add3A_5 = arith.addf %add3A, %get3A_4 : f32
    %get3A_6 = arith.constant 0 : index
    %get3A_7 = arith.constant 0 : index
    %get3A_8 = vector.load %arg3[%get3A_6, %get3A_7] : memref<5000x128xf32, #tpu.memory_space<vmem>>, vector<5000x128xf32>
    %mul3A = vector.broadcast %add3A_5 : f32 to vector<5000x128xf32>
    %mul3A_9 = arith.mulf %mul3A, %get3A_8 : vector<5000x128xf32>
    %add3A_10 = arith.addf %get3A_1, %mul3A_9 : vector<5000x128xf32>
    %get3A_11 = arith.constant 0 : index
    %get3A_12 = arith.constant 0 : index
    %get3A_13 = vector.load %arg5[%get3A_11, %get3A_12] : memref<128x128xf32, #tpu.memory_space<vmem>>, vector<128x128xf32>
    %dot_general3A = arith.constant dense<0.000000e+00> : vector<5000x128xf32>
    %dot_general3A_14 = tpu.matmul %add3A_10, %get3A_13, %dot_general3A {dimension_numbers = #tpu.dot_dimension_numbers<[1], [0], [0], [1], [0, 0, 1, 1], [], []>, transpose_lhs_hint = false} : vector<5000x128xf32>, vector<128x128xf32>, vector<5000x128xf32> -> vector<5000x128xf32>
    %get3A_15 = arith.constant 0 : index
    %get3A_16 = arith.constant 0 : index
    %get3A_17 = vector.load %arg6[%get3A_15, %get3A_16] : memref<1x128xf32, #tpu.memory_space<vmem>>, vector<1x128xf32>
    %add3A_18 = vector.broadcast %get3A_17 : vector<1x128xf32> to vector<5000x128xf32>
    %add3A_19 = arith.addf %dot_general3A_14, %add3A_18 : vector<5000x128xf32>
    %swap3A = arith.constant 0 : index
    %swap3A_20 = arith.constant 0 : index
    %swap3A_21 = vector.load %arg7[%swap3A, %swap3A_20] : memref<5000x128xf32, #tpu.memory_space<vmem>>, vector<5000x128xf32>
    tpu.vector_store %arg7[%swap3A, %swap3A_20], %add3A_19 {strides = array<i32>} : memref<5000x128xf32, #tpu.memory_space<vmem>>, vector<5000x128xf32>,
    %eq3A = arith.constant 0 : i32
    %eq3A_22 = arith.cmpi eq, %arg1, %eq3A : i32
    %convert_element_type3A = arith.extui %eq3A_22 : i1 to i32
    %cond3A = arith.constant 0 : i32
    %cond3A_23 = arith.cmpi ne, %convert_element_type3A, %cond3A : i32
    scf.if %cond3A_23 {
      %broadcast_in_dim3A_39 = arith.constant 0.000000e+00 : f32
      %broadcast_in_dim3A_40 = vector.broadcast %broadcast_in_dim3A_39 : f32 to vector<1x2x128xf32>
      %swap3A_41 = arith.constant 0 : index
      %swap3A_42 = arith.constant 0 : index
      %swap3A_43 = arith.constant 0 : index
      %swap3A_44 = vector.load %arg8[%swap3A_41, %swap3A_42, %swap3A_43] : memref<1x2x128xf32, #tpu.memory_space<vmem>>, vector<1x2x128xf32>
      tpu.vector_store %arg8[%swap3A_41, %swap3A_42, %swap3A_43], %broadcast_in_dim3A_40 {strides = array<i32>} : memref<1x2x128xf32, #tpu.memory_space<vmem>>, vector<1x2x128xf32>,
    } else {
    }
    %get3A_24 = arith.constant 0 : index
    %get3A_25 = arith.constant 0 : index
    %get3A_26 = arith.constant 0 : index
    %get3A_27 = vector.load %arg8[%get3A_24, %get3A_25, %get3A_26] : memref<1x2x128xf32, #tpu.memory_space<vmem>>, vector<1x2x128xf32>
    %reduce_sum3A = arith.constant dense<0.000000e+00> : vector<128xf32>
    %reduce_sum3A_28 = vector.multi_reduction <add>, %add3A_19, %reduce_sum3A [0] : vector<5000x128xf32> to vector<128xf32>
    %mul3A_29 = arith.mulf %add3A_19, %add3A_19 : vector<5000x128xf32>
    %reduce_sum3A_30 = arith.constant dense<0.000000e+00> : vector<128xf32>
    %reduce_sum3A_31 = vector.multi_reduction <add>, %mul3A_29, %reduce_sum3A_30 [0] : vector<5000x128xf32> to vector<128xf32>
    %stack3A = vector.shape_cast %reduce_sum3A_28 : vector<128xf32> to vector<1x128xf32>
    %stack3A_32 = vector.shape_cast %reduce_sum3A_31 : vector<128xf32> to vector<1x128xf32>
    %stack3A_33 = tpu.concatenate %stack3A, %stack3A_32 in 0 : vector<1x128xf32>, vector<1x128xf32> -> vector<2x128xf32>
    %broadcast_in_dim3A = vector.shape_cast %stack3A_33 : vector<2x128xf32> to vector<1x2x128xf32>
    %add3A_34 = arith.addf %get3A_27, %broadcast_in_dim3A : vector<1x2x128xf32>
    %swap3A_35 = arith.constant 0 : index
    %swap3A_36 = arith.constant 0 : index
    %swap3A_37 = arith.constant 0 : index
    %swap3A_38 = vector.load %arg8[%swap3A_35, %swap3A_36, %swap3A_37] : memref<1x2x128xf32, #tpu.memory_space<vmem>>, vector<1x2x128xf32>
    tpu.vector_store %arg8[%swap3A_35, %swap3A_36, %swap3A_37], %add3A_34 {strides = array<i32>} : memref<1x2x128xf32, #tpu.memory_space<vmem>>, vector<1x2x128xf32>,
    return
  }
  func.func @transform_0(%arg0: i32, %arg1: i32) -> (i32, i32) {
    %mul3A = arith.constant 2 : i32
    %mul3A_0 = arith.muli %arg0, %mul3A : i32
    %add3A = arith.addi %mul3A_0, %arg1 : i32
    %c0_i32 = arith.constant 0 : i32
    %c0_i32_1 = arith.constant 0 : i32
    return %add3A, %c0_i32 : i32, i32
  }
  func.func @transform_1(%arg0: i32, %arg1: i32) -> (i32, i32) {
    %mul3A = arith.constant 2 : i32
    %mul3A_0 = arith.muli %arg0, %mul3A : i32
    %add3A = arith.addi %mul3A_0, %arg1 : i32
    %c0_i32 = arith.constant 0 : i32
    %c0_i32_1 = arith.constant 0 : i32
    return %add3A, %c0_i32 : i32, i32
  }
  func.func @transform_2(%arg0: i32, %arg1: i32) -> (i32, i32) {
    %c0_i32 = arith.constant 0 : i32
    %c0_i32_0 = arith.constant 0 : i32
    %c0_i32_1 = arith.constant 0 : i32
    return %c0_i32, %c0_i32_0 : i32, i32
  }
  func.func @transform_3(%arg0: i32, %arg1: i32) -> (i32, i32) {
    %c0_i32 = arith.constant 0 : i32
    %c0_i32_0 = arith.constant 0 : i32
    %c0_i32_1 = arith.constant 0 : i32
    return %c0_i32, %c0_i32_0 : i32, i32
  }
  func.func @transform_4(%arg0: i32, %arg1: i32) -> (i32, i32) {
    %c0_i32 = arith.constant 0 : i32
    %c0_i32_0 = arith.constant 0 : i32
    %c0_i32_1 = arith.constant 0 : i32
    return %c0_i32, %c0_i32_0 : i32, i32
  }
  func.func @transform_5(%arg0: i32, %arg1: i32) -> (i32, i32) {
    %mul3A = arith.constant 2 : i32
    %mul3A_0 = arith.muli %arg0, %mul3A : i32
    %add3A = arith.addi %mul3A_0, %arg1 : i32
    %c0_i32 = arith.constant 0 : i32
    %c0_i32_1 = arith.constant 0 : i32
    return %add3A, %c0_i32 : i32, i32
  }
  func.func @transform_6(%arg0: i32, %arg1: i32) -> (i32, i32, i32) {
    %c0_i32 = arith.constant 0 : i32
    %c0_i32_0 = arith.constant 0 : i32
    %c0_i32_1 = arith.constant 0 : i32
    return %arg0, %c0_i32, %c0_i32_0 : i32, i32, i32
  }
}

module attributes {stable_mosaic.version = 14 : i64} {
  func.func @_mlp_mid_body(%arg0: i32, %arg1: i32, %arg2: memref<5000x128xf32, #tpu.memory_space<vmem>>, %arg3: memref<1x2x128xf32, #tpu.memory_space<vmem>>, %arg4: memref<1x128xf32, #tpu.memory_space<vmem>>, %arg5: memref<1x128xf32, #tpu.memory_space<vmem>>, %arg6: memref<128x128xf32, #tpu.memory_space<vmem>>, %arg7: memref<1x128xf32, #tpu.memory_space<vmem>>, %arg8: memref<5000x128xf32, #tpu.memory_space<vmem>>, %arg9: memref<1x2x128xf32, #tpu.memory_space<vmem>>) attributes {dimension_semantics = [#tpu.dimension_semantics<arbitrary>, #tpu.dimension_semantics<arbitrary>], iteration_bounds = array<i64: 2, 2>, scalar_prefetch = 0 : i64, scratch_operands = 0 : i64, tpu.core_type = #tpu.core_type<tc>, window_params = [{transform_indices = @transform_0, window_bounds = array<i64: 5000, 128>}, {transform_indices = @transform_1, window_bounds = array<i64: 1, 2, 128>}, {pipeline_mode = #tpu.pipeline_mode<synchronous>, transform_indices = @transform_2, window_bounds = array<i64: 1, 128>}, {pipeline_mode = #tpu.pipeline_mode<synchronous>, transform_indices = @transform_3, window_bounds = array<i64: 1, 128>}, {pipeline_mode = #tpu.pipeline_mode<synchronous>, transform_indices = @transform_4, window_bounds = array<i64: 128, 128>}, {pipeline_mode = #tpu.pipeline_mode<synchronous>, transform_indices = @transform_5, window_bounds = array<i64: 1, 128>}, {transform_indices = @transform_6, window_bounds = array<i64: 5000, 128>}, {transform_indices = @transform_7, window_bounds = array<i64: 1, 2, 128>}]} {
    %get3A = arith.constant 0 : index
    %get3A_0 = arith.constant 0 : index
    %get3A_1 = vector.load %arg2[%get3A, %get3A_0] : memref<5000x128xf32, #tpu.memory_space<vmem>>, vector<5000x128xf32>
    %get3A_2 = arith.constant 0 : index
    %get3A_3 = arith.constant 0 : index
    %get3A_4 = arith.constant 0 : index
    %get3A_5 = vector.load %arg3[%get3A_2, %get3A_3, %get3A_4] : memref<1x2x128xf32, #tpu.memory_space<vmem>>, vector<1x2x128xf32>
    %get3A_6 = arith.constant 0 : index
    %get3A_7 = arith.constant 0 : index
    %get3A_8 = vector.load %arg4[%get3A_6, %get3A_7] : memref<1x128xf32, #tpu.memory_space<vmem>>, vector<1x128xf32>
    %get3A_9 = arith.constant 0 : index
    %get3A_10 = arith.constant 0 : index
    %get3A_11 = vector.load %arg5[%get3A_9, %get3A_10] : memref<1x128xf32, #tpu.memory_space<vmem>>, vector<1x128xf32>
    %slice3A = vector.extract_strided_slice %get3A_5 {offsets = [0, 0, 0], sizes = [1, 1, 128], strides = [1, 1, 1]} : vector<1x2x128xf32> to vector<1x1x128xf32>
    %squeeze3A = vector.shape_cast %slice3A : vector<1x1x128xf32> to vector<1x128xf32>
    %mul3A = arith.constant 9.99999974E-5 : f32
    %mul3A_12 = vector.broadcast %mul3A : f32 to vector<1x128xf32>
    %mul3A_13 = arith.mulf %squeeze3A, %mul3A_12 : vector<1x128xf32>
    %slice3A_14 = vector.extract_strided_slice %get3A_5 {offsets = [0, 1, 0], sizes = [1, 1, 128], strides = [1, 1, 1]} : vector<1x2x128xf32> to vector<1x1x128xf32>
    %squeeze3A_15 = vector.shape_cast %slice3A_14 : vector<1x1x128xf32> to vector<1x128xf32>
    %mul3A_16 = arith.constant 9.99999974E-5 : f32
    %mul3A_17 = vector.broadcast %mul3A_16 : f32 to vector<1x128xf32>
    %mul3A_18 = arith.mulf %squeeze3A_15, %mul3A_17 : vector<1x128xf32>
    %mul3A_19 = arith.mulf %mul3A_13, %mul3A_13 : vector<1x128xf32>
    %sub3A = arith.subf %mul3A_18, %mul3A_19 : vector<1x128xf32>
    %add3A = arith.constant 9.99999974E-6 : f32
    %add3A_20 = vector.broadcast %add3A : f32 to vector<1x128xf32>
    %add3A_21 = arith.addf %sub3A, %add3A_20 : vector<1x128xf32>
    %rsqrt3A = math.rsqrt %add3A_21 : vector<1x128xf32>
    %sub3A_22 = vector.broadcast %mul3A_13 : vector<1x128xf32> to vector<5000x128xf32>
    %sub3A_23 = arith.subf %get3A_1, %sub3A_22 : vector<5000x128xf32>
    %mul3A_24 = arith.mulf %rsqrt3A, %get3A_8 : vector<1x128xf32>
    %mul3A_25 = vector.broadcast %mul3A_24 : vector<1x128xf32> to vector<5000x128xf32>
    %mul3A_26 = arith.mulf %sub3A_23, %mul3A_25 : vector<5000x128xf32>
    %add3A_27 = vector.broadcast %get3A_11 : vector<1x128xf32> to vector<5000x128xf32>
    %add3A_28 = arith.addf %mul3A_26, %add3A_27 : vector<5000x128xf32>
    %max3A = arith.constant 0.000000e+00 : f32
    %max3A_29 = vector.broadcast %max3A : f32 to vector<5000x128xf32>
    %max3A_30 = arith.maximumf %add3A_28, %max3A_29 : vector<5000x128xf32>
    %get3A_31 = arith.constant 0 : index
    %get3A_32 = arith.constant 0 : index
    %get3A_33 = vector.load %arg6[%get3A_31, %get3A_32] : memref<128x128xf32, #tpu.memory_space<vmem>>, vector<128x128xf32>
    %dot_general3A = arith.constant dense<0.000000e+00> : vector<5000x128xf32>
    %dot_general3A_34 = tpu.matmul %max3A_30, %get3A_33, %dot_general3A {dimension_numbers = #tpu.dot_dimension_numbers<[1], [0], [0], [1], [0, 0, 1, 1], [], []>, transpose_lhs_hint = false} : vector<5000x128xf32>, vector<128x128xf32>, vector<5000x128xf32> -> vector<5000x128xf32>
    %get3A_35 = arith.constant 0 : index
    %get3A_36 = arith.constant 0 : index
    %get3A_37 = vector.load %arg7[%get3A_35, %get3A_36] : memref<1x128xf32, #tpu.memory_space<vmem>>, vector<1x128xf32>
    %add3A_38 = vector.broadcast %get3A_37 : vector<1x128xf32> to vector<5000x128xf32>
    %add3A_39 = arith.addf %dot_general3A_34, %add3A_38 : vector<5000x128xf32>
    %swap3A = arith.constant 0 : index
    %swap3A_40 = arith.constant 0 : index
    %swap3A_41 = vector.load %arg8[%swap3A, %swap3A_40] : memref<5000x128xf32, #tpu.memory_space<vmem>>, vector<5000x128xf32>
    tpu.vector_store %arg8[%swap3A, %swap3A_40], %add3A_39 {strides = array<i32>} : memref<5000x128xf32, #tpu.memory_space<vmem>>, vector<5000x128xf32>,
    %eq3A = arith.constant 0 : i32
    %eq3A_42 = arith.cmpi eq, %arg1, %eq3A : i32
    %convert_element_type3A = arith.extui %eq3A_42 : i1 to i32
    %cond3A = arith.constant 0 : i32
    %cond3A_43 = arith.cmpi ne, %convert_element_type3A, %cond3A : i32
    scf.if %cond3A_43 {
      %broadcast_in_dim3A_59 = arith.constant 0.000000e+00 : f32
      %broadcast_in_dim3A_60 = vector.broadcast %broadcast_in_dim3A_59 : f32 to vector<1x2x128xf32>
      %swap3A_61 = arith.constant 0 : index
      %swap3A_62 = arith.constant 0 : index
      %swap3A_63 = arith.constant 0 : index
      %swap3A_64 = vector.load %arg9[%swap3A_61, %swap3A_62, %swap3A_63] : memref<1x2x128xf32, #tpu.memory_space<vmem>>, vector<1x2x128xf32>
      tpu.vector_store %arg9[%swap3A_61, %swap3A_62, %swap3A_63], %broadcast_in_dim3A_60 {strides = array<i32>} : memref<1x2x128xf32, #tpu.memory_space<vmem>>, vector<1x2x128xf32>,
    } else {
    }
    %get3A_44 = arith.constant 0 : index
    %get3A_45 = arith.constant 0 : index
    %get3A_46 = arith.constant 0 : index
    %get3A_47 = vector.load %arg9[%get3A_44, %get3A_45, %get3A_46] : memref<1x2x128xf32, #tpu.memory_space<vmem>>, vector<1x2x128xf32>
    %reduce_sum3A = arith.constant dense<0.000000e+00> : vector<128xf32>
    %reduce_sum3A_48 = vector.multi_reduction <add>, %add3A_39, %reduce_sum3A [0] : vector<5000x128xf32> to vector<128xf32>
    %mul3A_49 = arith.mulf %add3A_39, %add3A_39 : vector<5000x128xf32>
    %reduce_sum3A_50 = arith.constant dense<0.000000e+00> : vector<128xf32>
    %reduce_sum3A_51 = vector.multi_reduction <add>, %mul3A_49, %reduce_sum3A_50 [0] : vector<5000x128xf32> to vector<128xf32>
    %stack3A = vector.shape_cast %reduce_sum3A_48 : vector<128xf32> to vector<1x128xf32>
    %stack3A_52 = vector.shape_cast %reduce_sum3A_51 : vector<128xf32> to vector<1x128xf32>
    %stack3A_53 = tpu.concatenate %stack3A, %stack3A_52 in 0 : vector<1x128xf32>, vector<1x128xf32> -> vector<2x128xf32>
    %broadcast_in_dim3A = vector.shape_cast %stack3A_53 : vector<2x128xf32> to vector<1x2x128xf32>
    %add3A_54 = arith.addf %get3A_47, %broadcast_in_dim3A : vector<1x2x128xf32>
    %swap3A_55 = arith.constant 0 : index
    %swap3A_56 = arith.constant 0 : index
    %swap3A_57 = arith.constant 0 : index
    %swap3A_58 = vector.load %arg9[%swap3A_55, %swap3A_56, %swap3A_57] : memref<1x2x128xf32, #tpu.memory_space<vmem>>, vector<1x2x128xf32>
    tpu.vector_store %arg9[%swap3A_55, %swap3A_56, %swap3A_57], %add3A_54 {strides = array<i32>} : memref<1x2x128xf32, #tpu.memory_space<vmem>>, vector<1x2x128xf32>,
    return
  }
  func.func @transform_0(%arg0: i32, %arg1: i32) -> (i32, i32) {
    %mul3A = arith.constant 2 : i32
    %mul3A_0 = arith.muli %arg0, %mul3A : i32
    %add3A = arith.addi %mul3A_0, %arg1 : i32
    %c0_i32 = arith.constant 0 : i32
    %c0_i32_1 = arith.constant 0 : i32
    return %add3A, %c0_i32 : i32, i32
  }
  func.func @transform_1(%arg0: i32, %arg1: i32) -> (i32, i32, i32) {
    %c0_i32 = arith.constant 0 : i32
    %c0_i32_0 = arith.constant 0 : i32
    %c0_i32_1 = arith.constant 0 : i32
    return %arg0, %c0_i32, %c0_i32_0 : i32, i32, i32
  }
  func.func @transform_2(%arg0: i32, %arg1: i32) -> (i32, i32) {
    %c0_i32 = arith.constant 0 : i32
    %c0_i32_0 = arith.constant 0 : i32
    %c0_i32_1 = arith.constant 0 : i32
    return %c0_i32, %c0_i32_0 : i32, i32
  }
  func.func @transform_3(%arg0: i32, %arg1: i32) -> (i32, i32) {
    %c0_i32 = arith.constant 0 : i32
    %c0_i32_0 = arith.constant 0 : i32
    %c0_i32_1 = arith.constant 0 : i32
    return %c0_i32, %c0_i32_0 : i32, i32
  }
  func.func @transform_4(%arg0: i32, %arg1: i32) -> (i32, i32) {
    %c0_i32 = arith.constant 0 : i32
    %c0_i32_0 = arith.constant 0 : i32
    %c0_i32_1 = arith.constant 0 : i32
    return %c0_i32, %c0_i32_0 : i32, i32
  }
  func.func @transform_5(%arg0: i32, %arg1: i32) -> (i32, i32) {
    %c0_i32 = arith.constant 0 : i32
    %c0_i32_0 = arith.constant 0 : i32
    %c0_i32_1 = arith.constant 0 : i32
    return %c0_i32, %c0_i32_0 : i32, i32
  }
  func.func @transform_6(%arg0: i32, %arg1: i32) -> (i32, i32) {
    %mul3A = arith.constant 2 : i32
    %mul3A_0 = arith.muli %arg0, %mul3A : i32
    %add3A = arith.addi %mul3A_0, %arg1 : i32
    %c0_i32 = arith.constant 0 : i32
    %c0_i32_1 = arith.constant 0 : i32
    return %add3A, %c0_i32 : i32, i32
  }
  func.func @transform_7(%arg0: i32, %arg1: i32) -> (i32, i32, i32) {
    %c0_i32 = arith.constant 0 : i32
    %c0_i32_0 = arith.constant 0 : i32
    %c0_i32_1 = arith.constant 0 : i32
    return %arg0, %c0_i32, %c0_i32_0 : i32, i32, i32
  }
}

module attributes {stable_mosaic.version = 14 : i64} {
  func.func @_bnrelu_body(%arg0: i32, %arg1: i32, %arg2: memref<5000x128xf32, #tpu.memory_space<vmem>>, %arg3: memref<1x2x128xf32, #tpu.memory_space<vmem>>, %arg4: memref<1x128xf32, #tpu.memory_space<vmem>>, %arg5: memref<1x128xf32, #tpu.memory_space<vmem>>, %arg6: memref<5000x128xf32, #tpu.memory_space<vmem>>) attributes {dimension_semantics = [#tpu.dimension_semantics<arbitrary>, #tpu.dimension_semantics<arbitrary>], iteration_bounds = array<i64: 2, 2>, scalar_prefetch = 0 : i64, scratch_operands = 0 : i64, tpu.core_type = #tpu.core_type<tc>, window_params = [{transform_indices = @transform_0, window_bounds = array<i64: 5000, 128>}, {transform_indices = @transform_1, window_bounds = array<i64: 1, 2, 128>}, {pipeline_mode = #tpu.pipeline_mode<synchronous>, transform_indices = @transform_2, window_bounds = array<i64: 1, 128>}, {pipeline_mode = #tpu.pipeline_mode<synchronous>, transform_indices = @transform_3, window_bounds = array<i64: 1, 128>}, {transform_indices = @transform_4, window_bounds = array<i64: 5000, 128>}]} {
    %get3A = arith.constant 0 : index
    %get3A_0 = arith.constant 0 : index
    %get3A_1 = vector.load %arg2[%get3A, %get3A_0] : memref<5000x128xf32, #tpu.memory_space<vmem>>, vector<5000x128xf32>
    %get3A_2 = arith.constant 0 : index
    %get3A_3 = arith.constant 0 : index
    %get3A_4 = arith.constant 0 : index
    %get3A_5 = vector.load %arg3[%get3A_2, %get3A_3, %get3A_4] : memref<1x2x128xf32, #tpu.memory_space<vmem>>, vector<1x2x128xf32>
    %get3A_6 = arith.constant 0 : index
    %get3A_7 = arith.constant 0 : index
    %get3A_8 = vector.load %arg4[%get3A_6, %get3A_7] : memref<1x128xf32, #tpu.memory_space<vmem>>, vector<1x128xf32>
    %get3A_9 = arith.constant 0 : index
    %get3A_10 = arith.constant 0 : index
    %get3A_11 = vector.load %arg5[%get3A_9, %get3A_10] : memref<1x128xf32, #tpu.memory_space<vmem>>, vector<1x128xf32>
    %slice3A = vector.extract_strided_slice %get3A_5 {offsets = [0, 0, 0], sizes = [1, 1, 128], strides = [1, 1, 1]} : vector<1x2x128xf32> to vector<1x1x128xf32>
    %squeeze3A = vector.shape_cast %slice3A : vector<1x1x128xf32> to vector<1x128xf32>
    %mul3A = arith.constant 9.99999974E-5 : f32
    %mul3A_12 = vector.broadcast %mul3A : f32 to vector<1x128xf32>
    %mul3A_13 = arith.mulf %squeeze3A, %mul3A_12 : vector<1x128xf32>
    %slice3A_14 = vector.extract_strided_slice %get3A_5 {offsets = [0, 1, 0], sizes = [1, 1, 128], strides = [1, 1, 1]} : vector<1x2x128xf32> to vector<1x1x128xf32>
    %squeeze3A_15 = vector.shape_cast %slice3A_14 : vector<1x1x128xf32> to vector<1x128xf32>
    %mul3A_16 = arith.constant 9.99999974E-5 : f32
    %mul3A_17 = vector.broadcast %mul3A_16 : f32 to vector<1x128xf32>
    %mul3A_18 = arith.mulf %squeeze3A_15, %mul3A_17 : vector<1x128xf32>
    %mul3A_19 = arith.mulf %mul3A_13, %mul3A_13 : vector<1x128xf32>
    %sub3A = arith.subf %mul3A_18, %mul3A_19 : vector<1x128xf32>
    %add3A = arith.constant 9.99999974E-6 : f32
    %add3A_20 = vector.broadcast %add3A : f32 to vector<1x128xf32>
    %add3A_21 = arith.addf %sub3A, %add3A_20 : vector<1x128xf32>
    %rsqrt3A = math.rsqrt %add3A_21 : vector<1x128xf32>
    %sub3A_22 = vector.broadcast %mul3A_13 : vector<1x128xf32> to vector<5000x128xf32>
    %sub3A_23 = arith.subf %get3A_1, %sub3A_22 : vector<5000x128xf32>
    %mul3A_24 = arith.mulf %rsqrt3A, %get3A_8 : vector<1x128xf32>
    %mul3A_25 = vector.broadcast %mul3A_24 : vector<1x128xf32> to vector<5000x128xf32>
    %mul3A_26 = arith.mulf %sub3A_23, %mul3A_25 : vector<5000x128xf32>
    %add3A_27 = vector.broadcast %get3A_11 : vector<1x128xf32> to vector<5000x128xf32>
    %add3A_28 = arith.addf %mul3A_26, %add3A_27 : vector<5000x128xf32>
    %max3A = arith.constant 0.000000e+00 : f32
    %max3A_29 = vector.broadcast %max3A : f32 to vector<5000x128xf32>
    %max3A_30 = arith.maximumf %add3A_28, %max3A_29 : vector<5000x128xf32>
    %swap3A = arith.constant 0 : index
    %swap3A_31 = arith.constant 0 : index
    %swap3A_32 = vector.load %arg6[%swap3A, %swap3A_31] : memref<5000x128xf32, #tpu.memory_space<vmem>>, vector<5000x128xf32>
    tpu.vector_store %arg6[%swap3A, %swap3A_31], %max3A_30 {strides = array<i32>} : memref<5000x128xf32, #tpu.memory_space<vmem>>, vector<5000x128xf32>,
    return
  }
  func.func @transform_0(%arg0: i32, %arg1: i32) -> (i32, i32) {
    %mul3A = arith.constant 2 : i32
    %mul3A_0 = arith.muli %arg0, %mul3A : i32
    %add3A = arith.addi %mul3A_0, %arg1 : i32
    %c0_i32 = arith.constant 0 : i32
    %c0_i32_1 = arith.constant 0 : i32
    return %add3A, %c0_i32 : i32, i32
  }
  func.func @transform_1(%arg0: i32, %arg1: i32) -> (i32, i32, i32) {
    %c0_i32 = arith.constant 0 : i32
    %c0_i32_0 = arith.constant 0 : i32
    %c0_i32_1 = arith.constant 0 : i32
    return %arg0, %c0_i32, %c0_i32_0 : i32, i32, i32
  }
  func.func @transform_2(%arg0: i32, %arg1: i32) -> (i32, i32) {
    %c0_i32 = arith.constant 0 : i32
    %c0_i32_0 = arith.constant 0 : i32
    %c0_i32_1 = arith.constant 0 : i32
    return %c0_i32, %c0_i32_0 : i32, i32
  }
  func.func @transform_3(%arg0: i32, %arg1: i32) -> (i32, i32) {
    %c0_i32 = arith.constant 0 : i32
    %c0_i32_0 = arith.constant 0 : i32
    %c0_i32_1 = arith.constant 0 : i32
    return %c0_i32, %c0_i32_0 : i32, i32
  }
  func.func @transform_4(%arg0: i32, %arg1: i32) -> (i32, i32) {
    %mul3A = arith.constant 2 : i32
    %mul3A_0 = arith.muli %arg0, %mul3A : i32
    %add3A = arith.addi %mul3A_0, %arg1 : i32
    %c0_i32 = arith.constant 0 : i32
    %c0_i32_1 = arith.constant 0 : i32
    return %add3A, %c0_i32 : i32, i32
  }
}

module attributes {stable_mosaic.version = 14 : i64} {
  func.func @_readout_body(%arg0: i32, %arg1: i32, %arg2: memref<5000x128xf32, #tpu.memory_space<vmem>>, %arg3: memref<1x2x128xf32, #tpu.memory_space<vmem>>, %arg4: memref<1x128xf32, #tpu.memory_space<vmem>>, %arg5: memref<1x128xf32, #tpu.memory_space<vmem>>, %arg6: memref<5000x128xf32, #tpu.memory_space<vmem>>, %arg7: memref<5000x128xf32, #tpu.memory_space<vmem>>, %arg8: memref<128x128xf32, #tpu.memory_space<vmem>>, %arg9: memref<1x128xf32, #tpu.memory_space<vmem>>) attributes {dimension_semantics = [#tpu.dimension_semantics<arbitrary>, #tpu.dimension_semantics<arbitrary>], iteration_bounds = array<i64: 2, 2>, scalar_prefetch = 0 : i64, scratch_operands = 0 : i64, tpu.core_type = #tpu.core_type<tc>, window_params = [{transform_indices = @transform_0, window_bounds = array<i64: 5000, 128>}, {transform_indices = @transform_1, window_bounds = array<i64: 1, 2, 128>}, {pipeline_mode = #tpu.pipeline_mode<synchronous>, transform_indices = @transform_2, window_bounds = array<i64: 1, 128>}, {pipeline_mode = #tpu.pipeline_mode<synchronous>, transform_indices = @transform_3, window_bounds = array<i64: 1, 128>}, {transform_indices = @transform_4, window_bounds = array<i64: 5000, 128>}, {transform_indices = @transform_5, window_bounds = array<i64: 5000, 128>}, {pipeline_mode = #tpu.pipeline_mode<synchronous>, transform_indices = @transform_6, window_bounds = array<i64: 128, 128>}, {pipeline_mode = #tpu.pipeline_mode<synchronous>, transform_indices = @transform_7, window_bounds = array<i64: 1, 128>}]} {
    %get3A = arith.constant 0 : index
    %get3A_0 = arith.constant 0 : index
    %get3A_1 = vector.load %arg2[%get3A, %get3A_0] : memref<5000x128xf32, #tpu.memory_space<vmem>>, vector<5000x128xf32>
    %get3A_2 = arith.constant 0 : index
    %get3A_3 = arith.constant 0 : index
    %get3A_4 = arith.constant 0 : index
    %get3A_5 = vector.load %arg3[%get3A_2, %get3A_3, %get3A_4] : memref<1x2x128xf32, #tpu.memory_space<vmem>>, vector<1x2x128xf32>
    %get3A_6 = arith.constant 0 : index
    %get3A_7 = arith.constant 0 : index
    %get3A_8 = vector.load %arg4[%get3A_6, %get3A_7] : memref<1x128xf32, #tpu.memory_space<vmem>>, vector<1x128xf32>
    %get3A_9 = arith.constant 0 : index
    %get3A_10 = arith.constant 0 : index
    %get3A_11 = vector.load %arg5[%get3A_9, %get3A_10] : memref<1x128xf32, #tpu.memory_space<vmem>>, vector<1x128xf32>
    %slice3A = vector.extract_strided_slice %get3A_5 {offsets = [0, 0, 0], sizes = [1, 1, 128], strides = [1, 1, 1]} : vector<1x2x128xf32> to vector<1x1x128xf32>
    %squeeze3A = vector.shape_cast %slice3A : vector<1x1x128xf32> to vector<1x128xf32>
    %mul3A = arith.constant 9.99999974E-5 : f32
    %mul3A_12 = vector.broadcast %mul3A : f32 to vector<1x128xf32>
    %mul3A_13 = arith.mulf %squeeze3A, %mul3A_12 : vector<1x128xf32>
    %slice3A_14 = vector.extract_strided_slice %get3A_5 {offsets = [0, 1, 0], sizes = [1, 1, 128], strides = [1, 1, 1]} : vector<1x2x128xf32> to vector<1x1x128xf32>
    %squeeze3A_15 = vector.shape_cast %slice3A_14 : vector<1x1x128xf32> to vector<1x128xf32>
    %mul3A_16 = arith.constant 9.99999974E-5 : f32
    %mul3A_17 = vector.broadcast %mul3A_16 : f32 to vector<1x128xf32>
    %mul3A_18 = arith.mulf %squeeze3A_15, %mul3A_17 : vector<1x128xf32>
    %mul3A_19 = arith.mulf %mul3A_13, %mul3A_13 : vector<1x128xf32>
    %sub3A = arith.subf %mul3A_18, %mul3A_19 : vector<1x128xf32>
    %add3A = arith.constant 9.99999974E-6 : f32
    %add3A_20 = vector.broadcast %add3A : f32 to vector<1x128xf32>
    %add3A_21 = arith.addf %sub3A, %add3A_20 : vector<1x128xf32>
    %rsqrt3A = math.rsqrt %add3A_21 : vector<1x128xf32>
    %sub3A_22 = vector.broadcast %mul3A_13 : vector<1x128xf32> to vector<5000x128xf32>
    %sub3A_23 = arith.subf %get3A_1, %sub3A_22 : vector<5000x128xf32>
    %mul3A_24 = arith.mulf %rsqrt3A, %get3A_8 : vector<1x128xf32>
    %mul3A_25 = vector.broadcast %mul3A_24 : vector<1x128xf32> to vector<5000x128xf32>
    %mul3A_26 = arith.mulf %sub3A_23, %mul3A_25 : vector<5000x128xf32>
    %add3A_27 = vector.broadcast %get3A_11 : vector<1x128xf32> to vector<5000x128xf32>
    %add3A_28 = arith.addf %mul3A_26, %add3A_27 : vector<5000x128xf32>
    %max3A = arith.constant 0.000000e+00 : f32
    %max3A_29 = vector.broadcast %max3A : f32 to vector<5000x128xf32>
    %max3A_30 = arith.maximumf %add3A_28, %max3A_29 : vector<5000x128xf32>
    %swap3A = arith.constant 0 : index
    %swap3A_31 = arith.constant 0 : index
    %swap3A_32 = vector.load %arg7[%swap3A, %swap3A_31] : memref<5000x128xf32, #tpu.memory_space<vmem>>, vector<5000x128xf32>
    tpu.vector_store %arg7[%swap3A, %swap3A_31], %max3A_30 {strides = array<i32>} : memref<5000x128xf32, #tpu.memory_space<vmem>>, vector<5000x128xf32>,
    %eq3A = arith.constant 0 : i32
    %eq3A_33 = arith.cmpi eq, %arg0, %eq3A : i32
    %eq3A_34 = arith.constant 0 : i32
    %eq3A_35 = arith.cmpi eq, %arg1, %eq3A_34 : i32
    %and3A = arith.andi %eq3A_33, %eq3A_35 : i1
    %convert_element_type3A = arith.extui %and3A : i1 to i32
    %cond3A = arith.constant 0 : i32
    %cond3A_36 = arith.cmpi ne, %convert_element_type3A, %cond3A : i32
    scf.if %cond3A_36 {
      %broadcast_in_dim3A = arith.constant 0.000000e+00 : f32
      %broadcast_in_dim3A_42 = vector.broadcast %broadcast_in_dim3A : f32 to vector<128x128xf32>
      %swap3A_43 = arith.constant 0 : index
      %swap3A_44 = arith.constant 0 : index
      %swap3A_45 = vector.load %arg8[%swap3A_43, %swap3A_44] : memref<128x128xf32, #tpu.memory_space<vmem>>, vector<128x128xf32>
      tpu.vector_store %arg8[%swap3A_43, %swap3A_44], %broadcast_in_dim3A_42 {strides = array<i32>} : memref<128x128xf32, #tpu.memory_space<vmem>>, vector<128x128xf32>,
      %broadcast_in_dim3A_46 = arith.constant 0.000000e+00 : f32
      %broadcast_in_dim3A_47 = vector.broadcast %broadcast_in_dim3A_46 : f32 to vector<1x128xf32>
      %swap3A_48 = arith.constant 0 : index
      %swap3A_49 = arith.constant 0 : index
      %swap3A_50 = vector.load %arg9[%swap3A_48, %swap3A_49] : memref<1x128xf32, #tpu.memory_space<vmem>>, vector<1x128xf32>
      tpu.vector_store %arg9[%swap3A_48, %swap3A_49], %broadcast_in_dim3A_47 {strides = array<i32>} : memref<1x128xf32, #tpu.memory_space<vmem>>, vector<1x128xf32>,
    } else {
    }
    %eq3A_37 = arith.constant 0 : i32
    %eq3A_38 = arith.cmpi eq, %arg0, %eq3A_37 : i32
    %convert_element_type3A_39 = arith.extui %eq3A_38 : i1 to i32
    %cond3A_40 = arith.constant 0 : i32
    %cond3A_41 = arith.cmpi ne, %convert_element_type3A_39, %cond3A_40 : i32
    scf.if %cond3A_41 {
      %get3A_42 = arith.constant 0 : index
      %get3A_43 = arith.constant 0 : index
      %get3A_44 = vector.load %arg6[%get3A_42, %get3A_43] : memref<5000x128xf32, #tpu.memory_space<vmem>>, vector<5000x128xf32>
      %get3A_45 = arith.constant 0 : index
      %get3A_46 = arith.constant 0 : index
      %get3A_47 = vector.load %arg8[%get3A_45, %get3A_46] : memref<128x128xf32, #tpu.memory_space<vmem>>, vector<128x128xf32>
      %dot_general3A = arith.constant dense<0.000000e+00> : vector<128x128xf32>
      %dot_general3A_48 = tpu.matmul %max3A_30, %get3A_44, %dot_general3A {dimension_numbers = #tpu.dot_dimension_numbers<[0], [0], [1], [1], [0, 1, 1, 1], [], []>, transpose_lhs_hint = false} : vector<5000x128xf32>, vector<5000x128xf32>, vector<128x128xf32> -> vector<128x128xf32>
      %add3A_49 = arith.addf %get3A_47, %dot_general3A_48 : vector<128x128xf32>
      %swap3A_50 = arith.constant 0 : index
      %swap3A_51 = arith.constant 0 : index
      %swap3A_52 = vector.load %arg8[%swap3A_50, %swap3A_51] : memref<128x128xf32, #tpu.memory_space<vmem>>, vector<128x128xf32>
      tpu.vector_store %arg8[%swap3A_50, %swap3A_51], %add3A_49 {strides = array<i32>} : memref<128x128xf32, #tpu.memory_space<vmem>>, vector<128x128xf32>,
      %get3A_53 = arith.constant 0 : index
      %get3A_54 = arith.constant 0 : index
      %get3A_55 = vector.load %arg9[%get3A_53, %get3A_54] : memref<1x128xf32, #tpu.memory_space<vmem>>, vector<1x128xf32>
      %reduce_sum3A = arith.constant dense<0.000000e+00> : vector<128xf32>
      %reduce_sum3A_56 = vector.multi_reduction <add>, %get3A_44, %reduce_sum3A [0] : vector<5000x128xf32> to vector<128xf32>
      %broadcast_in_dim3A = vector.shape_cast %reduce_sum3A_56 : vector<128xf32> to vector<1x128xf32>
      %add3A_57 = arith.addf %get3A_55, %broadcast_in_dim3A : vector<1x128xf32>
      %swap3A_58 = arith.constant 0 : index
      %swap3A_59 = arith.constant 0 : index
      %swap3A_60 = vector.load %arg9[%swap3A_58, %swap3A_59] : memref<1x128xf32, #tpu.memory_space<vmem>>, vector<1x128xf32>
      tpu.vector_store %arg9[%swap3A_58, %swap3A_59], %add3A_57 {strides = array<i32>} : memref<1x128xf32, #tpu.memory_space<vmem>>, vector<1x128xf32>,
    } else {
    }
    return
  }
  func.func @transform_0(%arg0: i32, %arg1: i32) -> (i32, i32) {
    %mul3A = arith.constant 2 : i32
    %mul3A_0 = arith.muli %arg0, %mul3A : i32
    %add3A = arith.addi %mul3A_0, %arg1 : i32
    %c0_i32 = arith.constant 0 : i32
    %c0_i32_1 = arith.constant 0 : i32
    return %add3A, %c0_i32 : i32, i32
  }
  func.func @transform_1(%arg0: i32, %arg1: i32) -> (i32, i32, i32) {
    %c0_i32 = arith.constant 0 : i32
    %c0_i32_0 = arith.constant 0 : i32
    %c0_i32_1 = arith.constant 0 : i32
    return %arg0, %c0_i32, %c0_i32_0 : i32, i32, i32
  }
  func.func @transform_2(%arg0: i32, %arg1: i32) -> (i32, i32) {
    %c0_i32 = arith.constant 0 : i32
    %c0_i32_0 = arith.constant 0 : i32
    %c0_i32_1 = arith.constant 0 : i32
    return %c0_i32, %c0_i32_0 : i32, i32
  }
  func.func @transform_3(%arg0: i32, %arg1: i32) -> (i32, i32) {
    %c0_i32 = arith.constant 0 : i32
    %c0_i32_0 = arith.constant 0 : i32
    %c0_i32_1 = arith.constant 0 : i32
    return %c0_i32, %c0_i32_0 : i32, i32
  }
  func.func @transform_4(%arg0: i32, %arg1: i32) -> (i32, i32) {
    %c0_i32 = arith.constant 0 : i32
    %c0_i32_0 = arith.constant 0 : i32
    return %arg1, %c0_i32 : i32, i32
  }
  func.func @transform_5(%arg0: i32, %arg1: i32) -> (i32, i32) {
    %mul3A = arith.constant 2 : i32
    %mul3A_0 = arith.muli %arg0, %mul3A : i32
    %add3A = arith.addi %mul3A_0, %arg1 : i32
    %c0_i32 = arith.constant 0 : i32
    %c0_i32_1 = arith.constant 0 : i32
    return %add3A, %c0_i32 : i32, i32
  }
  func.func @transform_6(%arg0: i32, %arg1: i32) -> (i32, i32) {
    %c0_i32 = arith.constant 0 : i32
    %c0_i32_0 = arith.constant 0 : i32
    %c0_i32_1 = arith.constant 0 : i32
    return %c0_i32, %c0_i32_0 : i32, i32
  }
  func.func @transform_7(%arg0: i32, %arg1: i32) -> (i32, i32) {
    %c0_i32 = arith.constant 0 : i32
    %c0_i32_0 = arith.constant 0 : i32
    %c0_i32_1 = arith.constant 0 : i32
    return %c0_i32, %c0_i32_0 : i32, i32
  }
}

module attributes {stable_mosaic.version = 14 : i64} {
  func.func @_loss_body(%arg0: i32, %arg1: i32, %arg2: memref<5000x128xf32, #tpu.memory_space<vmem>>, %arg3: memref<5000x128xf32, #tpu.memory_space<vmem>>, %arg4: memref<128x128xf32, #tpu.memory_space<vmem>>, %arg5: memref<1x128xf32, #tpu.memory_space<vmem>>, %arg6: memref<128x128xf32, #tpu.memory_space<vmem>>, %arg7: memref<1x1xf32, #tpu.memory_space<smem>>, %arg8: memref<2x128xf32, #tpu.memory_space<vmem>>, %arg9: memref<1x1xf32, #tpu.memory_space<smem>>) attributes {dimension_semantics = [#tpu.dimension_semantics<arbitrary>, #tpu.dimension_semantics<arbitrary>], iteration_bounds = array<i64: 2, 2>, scalar_prefetch = 0 : i64, scratch_operands = 0 : i64, tpu.core_type = #tpu.core_type<tc>, window_params = [{transform_indices = @transform_0, window_bounds = array<i64: 5000, 128>}, {transform_indices = @transform_1, window_bounds = array<i64: 5000, 128>}, {pipeline_mode = #tpu.pipeline_mode<synchronous>, transform_indices = @transform_2, window_bounds = array<i64: 128, 128>}, {pipeline_mode = #tpu.pipeline_mode<synchronous>, transform_indices = @transform_3, window_bounds = array<i64: 1, 128>}, {pipeline_mode = #tpu.pipeline_mode<synchronous>, transform_indices = @transform_4, window_bounds = array<i64: 128, 128>}, {transform_indices = @transform_5, window_bounds = array<i64: 1, 1>}, {pipeline_mode = #tpu.pipeline_mode<synchronous>, transform_indices = @transform_6, window_bounds = array<i64: 2, 128>}, {transform_indices = @transform_7, window_bounds = array<i64: 1, 1>}]} {
    %get3A = arith.constant 0 : index
    %get3A_0 = arith.constant 0 : index
    %get3A_1 = vector.load %arg5[%get3A, %get3A_0] : memref<1x128xf32, #tpu.memory_space<vmem>>, vector<1x128xf32>
    %get3A_2 = arith.constant 0 : index
    %get3A_3 = arith.constant 0 : index
    %get3A_4 = vector.load %arg4[%get3A_2, %get3A_3] : memref<128x128xf32, #tpu.memory_space<vmem>>, vector<128x128xf32>
    %div3A = vector.broadcast %get3A_1 : vector<1x128xf32> to vector<128x128xf32>
    %div3A_5 = arith.divf %get3A_4, %div3A : vector<128x128xf32>
    %neg3A = arith.constant 0.000000e+00 : f32
    %neg3A_6 = vector.broadcast %neg3A : f32 to vector<128x128xf32>
    %neg3A_7 = arith.subf %neg3A_6, %div3A_5 : vector<128x128xf32>
    %exp3A = math.exp %neg3A_7 : vector<128x128xf32>
    %add3A = arith.constant 1.000000e+00 : f32
    %add3A_8 = vector.broadcast %add3A : f32 to vector<128x128xf32>
    %add3A_9 = arith.addf %add3A_8, %exp3A : vector<128x128xf32>
    %div3A_10 = arith.constant 1.000000e+00 : f32
    %div3A_11 = vector.broadcast %div3A_10 : f32 to vector<128x128xf32>
    %div3A_12 = arith.divf %div3A_11, %add3A_9 : vector<128x128xf32>
    %get3A_13 = arith.constant 0 : index
    %get3A_14 = arith.constant 0 : index
    %get3A_15 = vector.load %arg2[%get3A_13, %get3A_14] : memref<5000x128xf32, #tpu.memory_space<vmem>>, vector<5000x128xf32>
    %get3A_16 = arith.constant 0 : index
    %get3A_17 = arith.constant 0 : index
    %get3A_18 = vector.load %arg6[%get3A_16, %get3A_17] : memref<128x128xf32, #tpu.memory_space<vmem>>, vector<128x128xf32>
    %dot_general3A = arith.constant dense<0.000000e+00> : vector<5000x128xf32>
    %dot_general3A_19 = tpu.matmul %get3A_15, %get3A_18, %dot_general3A {dimension_numbers = #tpu.dot_dimension_numbers<[1], [0], [0], [1], [0, 0, 1, 1], [], []>, transpose_lhs_hint = false} : vector<5000x128xf32>, vector<128x128xf32>, vector<5000x128xf32> -> vector<5000x128xf32>
    %dot_general3A_20 = arith.constant dense<0.000000e+00> : vector<5000x128xf32>
    %dot_general3A_21 = tpu.matmul %dot_general3A_19, %div3A_12, %dot_general3A_20 {dimension_numbers = #tpu.dot_dimension_numbers<[1], [0], [0], [1], [0, 0, 1, 1], [], []>, transpose_lhs_hint = false} : vector<5000x128xf32>, vector<128x128xf32>, vector<5000x128xf32> -> vector<5000x128xf32>
    %get3A_22 = arith.constant 0 : index
    %get3A_23 = arith.constant 0 : index
    %get3A_24 = memref.load %arg7[%get3A_22, %get3A_23] : memref<1x1xf32, #tpu.memory_space<smem>>
    %add3A_25 = vector.broadcast %get3A_24 : f32 to vector<5000x128xf32>
    %add3A_26 = arith.addf %dot_general3A_21, %add3A_25 : vector<5000x128xf32>
    %eq3A = arith.constant 0 : i32
    %eq3A_27 = arith.cmpi eq, %arg0, %eq3A : i32
    %neg3A_28 = arith.constant 0.000000e+00 : f32
    %neg3A_29 = vector.broadcast %neg3A_28 : f32 to vector<5000x128xf32>
    %neg3A_30 = arith.subf %neg3A_29, %add3A_26 : vector<5000x128xf32>
    %select_n3A = arith.select %eq3A_27, %neg3A_30, %add3A_26 : vector<5000x128xf32>
    %max3A = arith.constant 0.000000e+00 : f32
    %max3A_31 = vector.broadcast %max3A : f32 to vector<5000x128xf32>
    %max3A_32 = arith.maximumf %select_n3A, %max3A_31 : vector<5000x128xf32>
    %abs3A = math.absf %select_n3A : vector<5000x128xf32>
    %neg3A_33 = arith.constant 0.000000e+00 : f32
    %neg3A_34 = vector.broadcast %neg3A_33 : f32 to vector<5000x128xf32>
    %neg3A_35 = arith.subf %neg3A_34, %abs3A : vector<5000x128xf32>
    %exp3A_36 = math.exp %neg3A_35 : vector<5000x128xf32>
    %add3A_37 = arith.constant 1.000000e+00 : f32
    %add3A_38 = vector.broadcast %add3A_37 : f32 to vector<5000x128xf32>
    %add3A_39 = arith.addf %add3A_38, %exp3A_36 : vector<5000x128xf32>
    %log3A = math.log %add3A_39 : vector<5000x128xf32>
    %add3A_40 = arith.addf %max3A_32, %log3A : vector<5000x128xf32>
    %get3A_41 = arith.constant 0 : index
    %get3A_42 = arith.constant 0 : index
    %get3A_43 = vector.load %arg3[%get3A_41, %get3A_42] : memref<5000x128xf32, #tpu.memory_space<vmem>>, vector<5000x128xf32>
    %mul3A = arith.mulf %get3A_43, %add3A_40 : vector<5000x128xf32>
    %reduce_sum3A = arith.constant dense<0.000000e+00> : vector<128xf32>
    %reduce_sum3A_44 = vector.multi_reduction <add>, %mul3A, %reduce_sum3A [0] : vector<5000x128xf32> to vector<128xf32>
    %broadcast_in_dim3A = vector.shape_cast %reduce_sum3A_44 : vector<128xf32> to vector<1x128xf32>
    %eq3A_45 = arith.constant 0 : i32
    %eq3A_46 = arith.cmpi eq, %arg0, %eq3A_45 : i32
    %eq3A_47 = arith.constant 0 : i32
    %eq3A_48 = arith.cmpi eq, %arg1, %eq3A_47 : i32
    %and3A = arith.andi %eq3A_46, %eq3A_48 : i1
    %convert_element_type3A = arith.extui %and3A : i1 to i32
    %cond3A = arith.constant 0 : i32
    %cond3A_49 = arith.cmpi ne, %convert_element_type3A, %cond3A : i32
    scf.if %cond3A_49 {
      %broadcast_in_dim3A_68 = arith.constant 0.000000e+00 : f32
      %broadcast_in_dim3A_69 = vector.broadcast %broadcast_in_dim3A_68 : f32 to vector<2x128xf32>
      %swap3A = arith.constant 0 : index
      %swap3A_70 = arith.constant 0 : index
      %swap3A_71 = vector.load %arg8[%swap3A, %swap3A_70] : memref<2x128xf32, #tpu.memory_space<vmem>>, vector<2x128xf32>
      tpu.vector_store %arg8[%swap3A, %swap3A_70], %broadcast_in_dim3A_69 {strides = array<i32>} : memref<2x128xf32, #tpu.memory_space<vmem>>, vector<2x128xf32>,
    } else {
    }
    %eq3A_50 = arith.constant 0 : i32
    %eq3A_51 = arith.cmpi eq, %arg0, %eq3A_50 : i32
    %convert_element_type3A_52 = arith.extui %eq3A_51 : i1 to i32
    %cond3A_53 = arith.constant 0 : i32
    %cond3A_54 = arith.cmpi ne, %convert_element_type3A_52, %cond3A_53 : i32
    scf.if %cond3A_54 {
      %get3A_68 = arith.constant 0 : index
      %get3A_69 = arith.constant 0 : index
      %get3A_70 = vector.load %arg8[%get3A_68, %get3A_69] : memref<2x128xf32, #tpu.memory_space<vmem>>, vector<1x128xf32>
      %add3A_71 = arith.addf %get3A_70, %broadcast_in_dim3A : vector<1x128xf32>
      %swap3A = arith.constant 0 : index
      %swap3A_72 = arith.constant 0 : index
      %swap3A_73 = vector.load %arg8[%swap3A, %swap3A_72] : memref<2x128xf32, #tpu.memory_space<vmem>>, vector<1x128xf32>
      tpu.vector_store %arg8[%swap3A, %swap3A_72], %add3A_71 {strides = array<i32>} : memref<2x128xf32, #tpu.memory_space<vmem>>, vector<1x128xf32>,
    } else {
    }
    %eq3A_55 = arith.constant 1 : i32
    %eq3A_56 = arith.cmpi eq, %arg0, %eq3A_55 : i32
    %convert_element_type3A_57 = arith.extui %eq3A_56 : i1 to i32
    %cond3A_58 = arith.constant 0 : i32
    %cond3A_59 = arith.cmpi ne, %convert_element_type3A_57, %cond3A_58 : i32
    scf.if %cond3A_59 {
      %get3A_68 = arith.constant 1 : index
      %get3A_69 = arith.constant 0 : index
      %get3A_70 = vector.load %arg8[%get3A_68, %get3A_69] : memref<2x128xf32, #tpu.memory_space<vmem>>, vector<1x128xf32>
      %add3A_71 = arith.addf %get3A_70, %broadcast_in_dim3A : vector<1x128xf32>
      %swap3A = arith.constant 1 : index
      %swap3A_72 = arith.constant 0 : index
      %swap3A_73 = vector.load %arg8[%swap3A, %swap3A_72] : memref<2x128xf32, #tpu.memory_space<vmem>>, vector<1x128xf32>
      tpu.vector_store %arg8[%swap3A, %swap3A_72], %add3A_71 {strides = array<i32>} : memref<2x128xf32, #tpu.memory_space<vmem>>, vector<1x128xf32>,
    } else {
    }
    %eq3A_60 = arith.constant 1 : i32
    %eq3A_61 = arith.cmpi eq, %arg0, %eq3A_60 : i32
    %eq3A_62 = arith.constant 1 : i32
    %eq3A_63 = arith.cmpi eq, %arg1, %eq3A_62 : i32
    %and3A_64 = arith.andi %eq3A_61, %eq3A_63 : i1
    %convert_element_type3A_65 = arith.extui %and3A_64 : i1 to i32
    %cond3A_66 = arith.constant 0 : i32
    %cond3A_67 = arith.cmpi ne, %convert_element_type3A_65, %cond3A_66 : i32
    scf.if %cond3A_67 {
      %get3A_68 = arith.constant 0 : index
      %get3A_69 = arith.constant 0 : index
      %get3A_70 = vector.load %arg8[%get3A_68, %get3A_69] : memref<2x128xf32, #tpu.memory_space<vmem>>, vector<2x128xf32>
      %slice3A = vector.extract_strided_slice %get3A_70 {offsets = [0, 0], sizes = [1, 128], strides = [1, 1]} : vector<2x128xf32> to vector<1x128xf32>
      %slice3A_71 = vector.extract_strided_slice %get3A_70 {offsets = [1, 0], sizes = [1, 128], strides = [1, 1]} : vector<2x128xf32> to vector<1x128xf32>
      %add3A_72 = arith.addf %slice3A, %slice3A_71 : vector<1x128xf32>
      %mul3A_73 = arith.constant 2.000000e+00 : f32
      %mul3A_74 = vector.broadcast %mul3A_73 : f32 to vector<1x128xf32>
      %mul3A_75 = arith.mulf %mul3A_74, %get3A_1 : vector<1x128xf32>
      %div3A_76 = arith.divf %add3A_72, %mul3A_75 : vector<1x128xf32>
      %iota3A = tpu.iota {dimensions = array<i32: 1>} : vector<1x128xi32>
      %lt3A = arith.constant 10 : i32
      %lt3A_77 = vector.broadcast %lt3A : i32 to vector<1x128xi32>
      %lt3A_78 = arith.cmpi slt, %iota3A, %lt3A_77 : vector<1x128xi32>
      %jit3A = arith.constant 0.000000e+00 : f32
      %broadcast_in_dim3A_79 = vector.broadcast %jit3A : f32 to vector<1x128xf32>
      %select_n3A_80 = arith.select %lt3A_78, %div3A_76, %broadcast_in_dim3A_79 : vector<1x128xi1>, vector<1x128xf32>
      %reduce_sum3A_81 = vector.shape_cast %select_n3A_80 : vector<1x128xf32> to vector<1x1x128xf32>
      %reduce_sum3A_82 = arith.constant dense<0.000000e+00> : vector<1xf32>
      %reduce_sum3A_83 = vector.multi_reduction <add>, %reduce_sum3A_81, %reduce_sum3A_82 [1, 2] : vector<1x1x128xf32> to vector<1xf32>
      %reduce_sum3A_84 = vector.shape_cast %reduce_sum3A_83 : vector<1xf32> to vector<1x1x1xf32>
      %reduce_sum3A_85 = vector.extract %reduce_sum3A_84[0, 0, 0] : f32 from vector<1x1x1xf32>
      %mul3A_86 = arith.constant 1.000000e-01 : f32
      %mul3A_87 = arith.mulf %reduce_sum3A_85, %mul3A_86 : f32
      %swap3A = arith.constant 0 : index
      %swap3A_88 = arith.constant 0 : index
      %swap3A_89 = memref.load %arg9[%swap3A, %swap3A_88] : memref<1x1xf32, #tpu.memory_space<smem>>
      memref.store %mul3A_87, %arg9[%swap3A, %swap3A_88] : memref<1x1xf32, #tpu.memory_space<smem>>
    } else {
    }
    return
  }
  func.func @transform_0(%arg0: i32, %arg1: i32) -> (i32, i32) {
    %mul3A = arith.constant 2 : i32
    %mul3A_0 = arith.muli %arg0, %mul3A : i32
    %add3A = arith.addi %mul3A_0, %arg1 : i32
    %c0_i32 = arith.constant 0 : i32
    %c0_i32_1 = arith.constant 0 : i32
    return %add3A, %c0_i32 : i32, i32
  }
  func.func @transform_1(%arg0: i32, %arg1: i32) -> (i32, i32) {
    %c0_i32 = arith.constant 0 : i32
    %c0_i32_0 = arith.constant 0 : i32
    return %arg1, %c0_i32 : i32, i32
  }
  func.func @transform_2(%arg0: i32, %arg1: i32) -> (i32, i32) {
    %c0_i32 = arith.constant 0 : i32
    %c0_i32_0 = arith.constant 0 : i32
    %c0_i32_1 = arith.constant 0 : i32
    return %c0_i32, %c0_i32_0 : i32, i32
  }
  func.func @transform_3(%arg0: i32, %arg1: i32) -> (i32, i32) {
    %c0_i32 = arith.constant 0 : i32
    %c0_i32_0 = arith.constant 0 : i32
    %c0_i32_1 = arith.constant 0 : i32
    return %c0_i32, %c0_i32_0 : i32, i32
  }
  func.func @transform_4(%arg0: i32, %arg1: i32) -> (i32, i32) {
    %c0_i32 = arith.constant 0 : i32
    %c0_i32_0 = arith.constant 0 : i32
    %c0_i32_1 = arith.constant 0 : i32
    return %c0_i32, %c0_i32_0 : i32, i32
  }
  func.func @transform_5(%arg0: i32, %arg1: i32) -> (i32, i32) {
    %c0_i32 = arith.constant 0 : i32
    %c0_i32_0 = arith.constant 0 : i32
    %c0_i32_1 = arith.constant 0 : i32
    return %c0_i32, %c0_i32_0 : i32, i32
  }
  func.func @transform_6(%arg0: i32, %arg1: i32) -> (i32, i32) {
    %c0_i32 = arith.constant 0 : i32
    %c0_i32_0 = arith.constant 0 : i32
    %c0_i32_1 = arith.constant 0 : i32
    return %c0_i32, %c0_i32_0 : i32, i32
  }
  func.func @transform_7(%arg0: i32, %arg1: i32) -> (i32, i32) {
    %c0_i32 = arith.constant 0 : i32
    %c0_i32_0 = arith.constant 0 : i32
    %c0_i32_1 = arith.constant 0 : i32
    return %c0_i32, %c0_i32_0 : i32, i32
  }
}

</mosaic_0001>

<sc_bundles>
// kernel: gin_segment_sum.4.cloned.1.call-start
scs
__scs_entry_jumppad:
0x0: {  	(pc) =	sbr.rel $0x88, $3  }
0x1: {  	(tag) =	ssettag $0x0;
	lr =	simm.s32 $0x1  }
0x2: {  	[smem:$0x3F92] =	sst lr;
	_ =	strace $0xD0000000  }
0x3: {  	_ = 	snop  }
0x4: {  	_ = 	snop  }
0x5: {  	_ = 	snop  }
0x6: {  	_ = 	snop  }
0x7: {  	_ = 	snop  }
__scs_overlays_trampoline_lowered:
0x8: {  	[smem:$0x3FA1] =	sst s0  }
0x9: {  	[smem:$0x3FA2] =	sst s1  }
0xa: {  	[smem:$0x3FA3] =	sst s2  }
0xb: {  	[smem:$0x3FA4] =	sst s3  }
0xc: {  	[smem:$0x3FA5] =	sst s4  }
0xd: {  	[smem:$0x3FA6] =	sst s5  }
0xe: {  	[smem:$0x3FA7] =	sst s6  }
0xf: {  	[smem:$0x3FA8] =	sst s7  }
0x10: {  	[smem:$0x3FA9] =	sst s8  }
0x11: {  	[smem:$0x3FAA] =	sst s9;
	s0 =	simm.s32 @!p0 $0x0  }
0x12: {  	s1 =	sld [smem:$0x3F90];
	s0 =	simm.s32 @p0 $0x1  }
0x13: {  	[smem:$0x3FAB] =	sst s0;
	s0 =	simm.s32 @!p1 $0x0  }
0x14: {  	s2 =	sld [smem:$0x3F8F];
	s0 =	simm.s32 @p1 $0x1  }
0x15: {  	[smem:$0x3FAC] =	sst s0;
	s0 =	simm.s32 @!p2 $0x0  }
0x16: {  	s3 =	sld [smem:$0x3FDB];
	s0 =	simm.s32 @p2 $0x1  }
0x17: {  	s4 =	simm.s32 $0x1BF5;
	[smem:$0x3FAE] =	sst s0  }
0x18: {  	s0 =	sld [smem:$0x3F91];
	_ =	swait.ge [sflag:s4], $0x0  }
0x19: {  	s7 =	sld [smem:$0x3F92]  }
0x1a: {  	s8 =	sadd.s32 $0xFFFFE003, lr  }
0x1b: {  	s9 =	sadd.s32 $0xFFFFFEF7, lr;
	s5 =	simm.s32 $0xFFFFFFFF;
	p2 =	slt.u32 s8, $0xFFFFF086  }
0x1c: {  	p1 =	slt.u32 s9, $0xF7A;
	s5 =	simm.s32 @!p2 $0x0  }
0x1d: {  	s5 =	simm.s32 @p1 $0x1;
	p0 =	seq.s32 s7, s2  }
0x1e: {  	s7 =	smul.u32 @!p0 $0xF7A, s2;
	p2 =	seq.s32 @!p0 s5, $0x0  }
0x1f: {  	s9 =	smul.u32 $0xF7A, s1;
	s8 =	simm.s32 @!p0 $0x1BF5;
	p2 =	por !p2, p0  }
0x20: {  	[sflag:s8] =	ssyncset.s32 @!p0 $0xFFFFF086;
	s6 =	sadd.s32 @!p0 s3, s7;
	s7 =	simm.s32 @!p0 $0x108  }
0x21: {  	s3 =	sadd.s32 s3, s9;
	s6 =	sadd.s32 @!p0 $0x88, s6;
	s7 =	simm.s32 @p2 $0x1082  }
0x22: {  	[simem:s7], [sflag:s8] =	dma.local @!p0 [hbm:s6], $0xF7A  }
0x23: {  	s9 =	sor.u32 $0xD0000000, s2;
	s6 =	simm.s32 $0x108;
	_ =	swait.ge @!p0 [sflag:s8], $0x0  }
0x24: {  	s3 =	sadd.s32 $0x88, s3;
	s6 =	simm.s32 @!p1 $0x1082;
	[sflag:s4] =	ssyncset.s32 $0xFFFFF086  }
0x25: {  	[simem:s6], [sflag:s4] =	dma.local [hbm:s3], $0xF7A  }
0x26: {  	[smem:$0x3F92] =	sst s1;
	(tag) =	ssettag s2;
	_ =	strace s9  }
0x27: {  	s1 =	sld [smem:$0x3FA2]  }
0x28: {  	s2 =	sld [smem:$0x3FA3]  }
0x29: {  	s4 =	sld [smem:$0x3FA5]  }
0x2a: {  	p0 =	seq.s32 s5, $0x0;
	s5 =	sld [smem:$0x3FA6]  }
0x2b: {  	s6 =	sld [smem:$0x3FA7]  }
0x2c: {  	s7 =	sld [smem:$0x3FA8]  }
0x2d: {  	s3 =	simm.s32 $0x108;
	s8 =	sld [smem:$0x3FA9]  }
0x2e: {  	s3 =	simm.s32 @!p0 $0x1082;
	s9 =	sld [smem:$0x3FAA]  }
0x2f: {  	lr =	sadd.s32 s0, s3;
	s0 =	sld [smem:$0x3FA1]  }
0x30: {  	s3 =	sld [smem:$0x3FA4]  }
0x31: {  	[smem:$0x3FAD] =	sst s10  }
0x32: {  	s10 =	sld [smem:$0x3FAB];
	_ =	sdelay $0x3  }
0x33: {  	p0 =	seq.s32 s10, $0x1;
	s10 =	sld [smem:$0x3FAD];
	_ =	sdelay $0x3  }
0x34: {  	[smem:$0x3FAD] =	sst s10  }
0x35: {  	s10 =	sld [smem:$0x3FAC];
	_ =	sdelay $0x3  }
0x36: {  	p1 =	seq.s32 s10, $0x1;
	s10 =	sld [smem:$0x3FAD];
	_ =	sdelay $0x3  }
0x37: {  	[smem:$0x3FAD] =	sst s10  }
0x38: {  	s10 =	sld [smem:$0x3FAE]  }
0x39: {  	_ = 	snop;
	(pc) =	sbr.ind lr, $3  }
0x3a: {  	_ = 	snop  }
0x3b: {  	_ = 	snop  }
0x3c: {  	p2 =	seq.s32 s10, $0x1;
	s10 =	sld [smem:$0x3FAD]  }
0x3d: {  	_ =	shalt  }
0x3e: {  	_ =	shalt  }
0x3f: {  	_ =	shalt  }
0x40: {  	_ =	shalt  }
0x41: {  	_ =	shalt  }
0x42: {  	_ =	shalt  }
0x43: {  	_ =	shalt  }
0x44: {  	_ =	shalt  }
0x45: {  	_ =	shalt  }
0x46: {  	_ =	shalt  }
0x47: {  	_ =	shalt  }
0x48: {  	_ =	shalt  }
0x49: {  	_ =	shalt  }
0x4a: {  	_ =	shalt  }
0x4b: {  	_ =	shalt  }
0x4c: {  	_ =	shalt  }
0x4d: {  	_ =	shalt  }
0x4e: {  	_ =	shalt  }
0x4f: {  	_ =	shalt  }
0x50: {  	_ =	shalt  }
0x51: {  	_ =	shalt  }
0x52: {  	_ =	shalt  }
0x53: {  	_ =	shalt  }
0x54: {  	_ =	shalt  }
0x55: {  	_ =	shalt  }
0x56: {  	_ =	shalt  }
0x57: {  	_ =	shalt  }
0x58: {  	_ =	shalt  }
0x59: {  	_ =	shalt  }
0x5a: {  	_ =	shalt  }
0x5b: {  	_ =	shalt  }
0x5c: {  	_ =	shalt  }
0x5d: {  	_ =	shalt  }
0x5e: {  	_ =	shalt  }
0x5f: {  	_ =	shalt  }
0x60: {  	_ =	shalt  }
0x61: {  	_ =	shalt  }
0x62: {  	_ =	shalt  }
0x63: {  	_ =	shalt  }
0x64: {  	_ =	shalt  }
0x65: {  	_ =	shalt  }
0x66: {  	_ =	shalt  }
0x67: {  	_ =	shalt  }
0x68: {  	_ =	shalt  }
0x69: {  	_ =	shalt  }
0x6a: {  	_ =	shalt  }
0x6b: {  	_ =	shalt  }
0x6c: {  	_ =	shalt  }
0x6d: {  	_ =	shalt  }
0x6e: {  	_ =	shalt  }
0x6f: {  	_ =	shalt  }
0x70: {  	_ =	shalt  }
0x71: {  	_ =	shalt  }
0x72: {  	_ =	shalt  }
0x73: {  	_ =	shalt  }
0x74: {  	_ =	shalt  }
0x75: {  	_ =	shalt  }
0x76: {  	_ =	shalt  }
0x77: {  	_ =	shalt  }
0x78: {  	_ =	shalt  }
0x79: {  	_ =	shalt  }
0x7a: {  	_ =	shalt  }
0x7b: {  	_ =	shalt  }
0x7c: {  	_ =	shalt  }
0x7d: {  	_ =	shalt  }
0x7e: {  	_ =	shalt  }
0x7f: {  	_ =	shalt  }
0x80: {  	_ =	shalt  }
0x81: {  	_ =	shalt  }
0x82: {  	_ =	shalt  }
0x83: {  	_ =	shalt  }
0x84: {  	_ =	shalt  }
0x85: {  	_ =	shalt  }
0x86: {  	_ =	shalt  }
0x87: {  	_ =	shalt  }
.Lfunc_end0:
.L_simem_size_0:
called_computation_lowered:
.L_overlay_start_0:
0x88: {  	s2 =	sld [smem:$0x3FD9]  }
0x89: {  	s3 =	sld [smem:$0x3FFE];
	_ =	sdelay $0x1  }
0x8a: {  	s1 =	srdreg.scid  }
0x8b: {  	s0 =	sand.u32 $0x1, s1  }
0x8c: {  	s16 =	sshll.u32 s0, $0xA;
	s2 =	sadd.s32 s3, s2  }
0x8d: {  	s2 =	sadd.s32 s2, s16  }
0x8e: {  	[smem:$0x3FB9] =	sst s2  }
0x8f: {  	_ = 	snop  }
0x90: {  	(tm) =	ssettm $0x1  }
0x91: {  	s17 =	sld [smem:$0x3FFB];
	_ =	sdelay $0x3  }
0x92: {  	_ =	strace s17  }
0x93: {  	s2 =	sld [smem:$0x3FFC];
	_ =	sdelay $0x3  }
0x94: {  	_ =	strace s2  }
0x95: {  	s2 =	sld [smem:$0x3FFD];
	_ =	sdelay $0x3  }
0x96: {  	_ =	strace s2  }
0x97: {  	_ =	strace $0x8FFFFFFF  }
0x98: {  	s18 =	sld [smem:$0x3FDB];
	_ =	sdelay $0x1  }
0x99: {  	s19 =	simm.s32 $_scs_section_size  }
0x9a: {  	s4 =	simm.s32 $_size__tile_overlayer_lowered;
	s5 =	simm.s32 $_tile_overlayer_lowered  }
0x9b: {  	s22 =	simm.s32 $0x1BFF;
	s21 =	sshll.u32 s5, $0x1;
	s2 =	sadd.s32 s19, s18  }
0x9c: {  	s6 =	simm.s32 $0x0;
	s20 =	sshll.u32 s4, $0x1;
	s4 =	sadd.s32 s21, s2  }
0x9d: {  	[timem:s6], [sflag:s22] =	dma.local [hbm:s4], s20  }
0x9e: {  	_ =	swait.ge [sflag:s22], s20  }
0x9f: {  	s3 =	ssub.s32 $0x0, s20;
	[sflag:s22] =	ssyncset.done $0x0  }
0xa0: {  	[sflag:s22] =	ssyncadd.s32 s3;
	_ =	sdelay $0x1  }
0xa1: {  	s23 =	simm.s32 $0x1B8B  }
0xa2: {  	_ =	swait.ge [sflag:s23], $0x1  }
0xa3: {  	[sflag:s23] =	ssyncset.done $0x0  }
0xa4: {  	s25 =	simm.s32 $0x1B8E;
	s24 =	sld [smem:$0x3FFE];
	[sflag:s23] =	ssyncadd.s32 $0xFFFFFFFF  }
0xa5: {  	s26 =	simm.s32 $execute0_lowered;
	[smem:$0x3FD2] =	sst s25  }
0xa6: {  	s4 =	sshll.u32 s26, $0x1;
	_ =	strace $0x80000046;
	[dreg:$0x1] =	wrdreg $0xFFFFFFFF  }
0xa7: {  	s28 =	simm.s32 $_size_execute0_lowered;
	s2 =	sadd.s32 s2, s4;
	[dreg:$0x0] =	wrdreg $0x0  }
0xa8: {  	s4 =	sshll.u32 s28, $0x1;
	[dreg:$0x2] =	wrdreg s2  }
0xa9: {  	[dreg:$0x3] =	wrdreg s4  }
0xaa: {  	[dreg:$0x4] =	wrdreg $0xC0  }
0xab: {  	_ =	task [dreg:s6], $0x5FFFF  }
0xac: {  	[dreg:$0x1] =	wrdreg $0xFFFFFFFF  }
0xad: {  	[dreg:$0x0] =	wrdreg $0x60  }
0xae: {  	[dreg:$0x2] =	wrdreg s24  }
0xaf: {  	[dreg:$0x3] =	wrdreg $0x13E000  }
0xb0: {  	[dreg:$0x4] =	wrdreg $0x9  }
0xb1: {  	_ =	task.clear_ibuf [dreg:s6], $0x5FFFF;
	_ =	strace $0x90000046  }
0xb2: {  	s29 =	simm.s32 $0x9;
	_ =	strace $0x80000048  }
0xb3: {  	_ =	swait.ge [sflag:s29], $0x1  }
0xb4: {  	[sflag:s29] =	ssyncadd.s32 $0xFFFFFFFF  }
0xb5: {  	_ =	strace $0x90000048  }
0xb6: {  	_ =	sfence  }
0xb7: {  	s30 =	sld [smem:$0x0];
	_ =	sdelay $0x2  }
0xb8: {  	s31 =	sshll.u32 s1, $0xD;
	s1 =	sshrl.u32 s1, $0x2  }
0xb9: {  	s3 =	sand.u32 $0x4000, s31;
	s1 =	sadd.s32 s1, s30  }
0xba: {  	s0 =	sor.u32 s3, s0;
	s1 =	sshll.u32 s1, $0x11  }
0xbb: {  	s0 =	sor.u32 s1, s0  }
0xbc: {  	s0 =	sadd.s32 $0x8F2B, s0  }
0xbd: {  	[sflag:s0] =	ssyncadd.remote.s32 $0x1  }
0xbe: {  	_ =	sfence.sel $0xFFFF  }
0xbf: {  	[dreg:$0x0] =	wrdreg $0xFFFFFFFF;
	(pc) =	sbr.abs _section_cstart, $3  }
0xc0: {  	[dreg:$0x1] =	wrdreg $0xFFFFFFFF  }
0xc1: {  	_ =	task.clear_ibuf [dreg:s6], $0x2FFFF;
	_ =	strace $0x9FFFFFFF  }
0xc2: {  	(tm) =	ssettm $0x7FFFFFFF  }
0xc3: {  	_ =	shalt  }
tec
execute0_lowered:
.L_overlay_start_1:
0x0: {  	(tag) =	ssettag $0x1  }
0x1: {  	s11 =	rddreg [dreg:$0x0];
	s0 =	srdreg.scid  }
0x2: {  	s2 =	rddreg [dreg:$0x1];
	s1 =	stileid.u32  }
0x3: {  	s3 =	simm.s32 $0x0;
	s15 =	simm.s32 $0x400;
	s16 =	simm.s32 $0x9  }
0x4: {  	s17 =	simm.s32 $0x4F00;
	s6 =	sand.u32 $0x1, s0;
	s0 =	rddreg [dreg:$0x2]  }
0x5: {  	s19 =	simm.s32 $0x0;
	s5 =	sshrl.u32 s1, $0x3;
	[smem:$0x7FF] =	sst s3  }
0x6: {  	s7 =	sshll.u32 s1, $0x7;
	s9 =	smul.u32 $0x140, s1;
	s18 =	sshll.u32 s1, $0x6  }
0x7: {  	s4 =	sshll.u32 s6, $0x4;
	s5 =	smul.u32 $0x27800, s5;
	_ =	strace $0x80000047  }
0x8: {  	s7 =	sand.u32 $0x380, s7;
	s28 =	smul.u32 $0x1388, s6;
	s6 =	ssub.s32 $0x2, s6  }
0x9: {  	s18 =	sor.u32 $0x1C09, s18;
	s4 =	sor.u32 s1, s4;
	s10 =	smin.u32 s9, $0x1248  }
0xa: {  	s29 =	sshrl.u32 s6, $0x1;
	s9 =	smin.u32 s9, $0x1250;
	s4 =	sshrl.u32 s4, $0x3  }
0xb: {  	s5 =	sor.u32 s7, s5;
	s14 =	ssub.s32 s6, s29;
	s30 =	sshll.u32 s9, $0x7  }
0xc: {  	s31 =	sshll.u32 s10, $0x7;
	s8 =	smul.u32 $0x27800, s4;
	s5 =	sshrl.u32 s5, $0x3  }
0xd: {  	s4 =	sadd.s32 $0x22E00, s11;
	s9 =	sadd.s32 s31, s2;
	s12 =	sadd.s32 s5, s11  }
0xe: {  	s5 =	sadd.s32 $0x71000, s11;
	s7 =	sor.u32 s7, s8;
	s8 =	sadd.s32 s28, s10  }
0xf: {  	s6 =	sadd.s32 $0x19000, s12;
	s7 =	sshrl.u32 s7, $0x3;
	s8 =	sshll.u32 s8, $0x4  }
0x10: {  	s7 =	sadd.s32 s7, s11;
	s13 =	sadd.s32 s8, s11;
	s8 =	sadd.s32 s30, s2  }
0x11: {  	s11 =	sadd.s32 $0x49F00, s11;
	s7 =	sadd.s32 $0x5400, s7;
	s10 =	sadd.s32 $0x72400, s13  }
0x12: {  	v0 =	vimm.s32 $0x0;
	v1 =	vimm.s32 $0x1388;
	s12 =	sadd.s32 $0x99500, s13;
	s13 =	smax.u32 s14, $0x1;
	s14 =	simm.s32 $0x80  }
.LBB2_1:
0x13: {  	[tilespmem:s3], [sflag:$0x9] =	stream.strided.gather [hbm4b:s6+s14], $0x4F00, s15, s14, $0x38;
	[tilespmem:$0x1DA80] =	vst v63  }
0x14: {  	_ =	swait.ge [sflag:s16], $0x4F00  }
0x15: {  	[sflag:s16] =	ssyncset.done $0x0  }
0x16: {  	[sflag:s16] =	ssyncadd.s32 $0xFFFFB100  }
0x17: {  	[tilespmem:s17], [sflag:$0x9] =	stream.strided.gather [hbm4b:s7+s14], $0x4F00, s15, s14, $0x38;
	[tilespmem:$0x1DA80] =	vst v63  }
0x18: {  	_ =	swait.ge [sflag:s16], $0x4F00  }
0x19: {  	[sflag:s16] =	ssyncset.done $0x0  }
0x1a: {  	s20 =	simm.s32 $0x0;
	[sflag:s16] =	ssyncadd.s32 $0xFFFFB100  }
0x1b: {  	v2 =	vld [tilespmem:s20+$0x4F00];
	_ =	sdelay $0x4  }
0x1c: {  	vm0 =	vne.s32 v2, $0x1388  }
0x1d: {  	v3 =	vsel vm0, $0x1, v0  }
0x1e: {  	(xrf0) =	vadd.scan.msk.s32 $0xffff, v3;
	_ =	sdelay $0x3  }
0x1f: {  	v3 =	vld [tilespmem:s20+$0x0];
	_ =	sdelay $0x1  }
0x20: {  	v4, _, _ =	vpop (xrf0)  }
0x21: {  	(v2sf) =	vpush v4, $0xF  }
0x22: {  	[tilespmem:s3+$0x4F00] =	vst.msk vm0, v2  }
0x23: {  	s22 =	simm.s32 $0x10;
	s21 =	simm.s32 $0x80;
	s20 =	simm.s32 $0x0;
	[tilespmem:s3+$0x0] =	vst.msk vm0, v3  }
.LBB2_2:
0x24: {  	p0 =	sne.s32 s21, $0x13AC0;
	v2 =	vld [tilespmem:s22+$0x4F00];
	_ =	sdelay $0x4  }
0x25: {  	vm0 =	vne.s32 v2, $0x1388  }
0x26: {  	v3 =	vsel vm0, $0x1, v0  }
0x27: {  	(xrf0) =	vadd.scan.msk.s32 $0xffff, v3;
	_ =	sdelay $0x2  }
0x28: {  	v3 =	vld [tilespmem:s22+$0x0];
	_ =	sdelay $0x1  }
.Ltmp0:
0x29: {  	s22 =	spop (v2sf);
	(pc) =	sbr.rel @p0 .LBB2_2-.Ltmp0, $4  }
0x2a: {  	v4, _, _ =	vpop (xrf0);
	s20 =	sadd.s32 s20, s22  }
0x2b: {  	[tilespmem:s20+$0x4F00] =	vst.msk vm0, v2;
	(v2sf) =	vpush v4, $0xF  }
0x2c: {  	[tilespmem:s20+$0x0] =	vst.msk vm0, v3  }
0x2d: {  	s22 =	sshra.s32 s21, $0x2;
	s21 =	sadd.s32 $0x40, s21  }
0x2e: {  	v2 =	vld [tilespmem:s22+$0x4F00];
	_ =	sdelay $0x4  }
0x2f: {  	vm0 =	vne.s32 v2, $0x1388  }
0x30: {  	v3 =	vsel vm0, $0x1, v0  }
0x31: {  	(xrf0) =	vadd.scan.msk.s32 $0xffff, v3;
	_ =	sdelay $0x5  }
0x32: {  	v3, _, _ =	vpop (xrf0)  }
0x33: {  	(v2sf) =	vpush v3, $0xF;
	_ =	sdelay $0xa  }
0x34: {  	v3 =	vld [tilespmem:s22+$0x0];
	_ =	sdelay $0x1  }
0x35: {  	s21 =	spop (v2sf)  }
0x36: {  	s20 =	sadd.s32 s20, s21  }
0x37: {  	[tilespmem:s20+$0x4F00] =	vst.msk vm0, v2;
	s30 =	spop (v2sf)  }
0x38: {  	[tilespmem:s20+$0x0] =	vst.msk vm0, v3;
	s20 =	sadd.s32 s20, s30  }
0x39: {  	[tilespmem:s20+$0x4F00] =	vst v1  }
0x3a: {  	[tilespmem:s20+$0x0] =	vst v0  }
0x3b: {  	[tilespmem:s20+$0x4F10] =	vst v1  }
0x3c: {  	[tilespmem:s20+$0x10] =	vst v0  }
0x3d: {  	[tilespmem:s20+$0x4F20] =	vst v1  }
0x3e: {  	[tilespmem:s20+$0x20] =	vst v0  }
0x3f: {  	[tilespmem:s20+$0x4F30] =	vst v1  }
0x40: {  	[tilespmem:s20+$0x30] =	vst v0  }
0x41: {  	[tilespmem:s20+$0x4F40] =	vst v1  }
0x42: {  	[tilespmem:s20+$0x40] =	vst v0  }
0x43: {  	[tilespmem:s20+$0x4F50] =	vst v1  }
0x44: {  	[tilespmem:s20+$0x50] =	vst v0  }
0x45: {  	s21 =	sadd.s32 $0x9F, s20;
	[tilespmem:s20+$0x4F60] =	vst v1  }
0x46: {  	[tilespmem:s20+$0x60] =	vst v0;
	s31 =	smulhi.u32 $0x66666667, s21;
	s23 =	sshra.s32 s21, $0x1F  }
0x47: {  	[tilespmem:s20+$0x4F70] =	vst v1;
	s23 =	smul.u32 $0x66666667, s23  }
0x48: {  	[tilespmem:s20+$0x70] =	vst v0  }
0x49: {  	[tilespmem:s20+$0x4F80] =	vst v1;
	s22 =	sadd.s32 s23, s31  }
0x4a: {  	[tilespmem:s20+$0x80] =	vst v0;
	s23 =	sshrl.u32 s22, $0x1F;
	s22 =	sshra.s32 s22, $0x6  }
0x4b: {  	s24 =	ssub.s32 $0xFFFFFF61, s20;
	[tilespmem:s20+$0x4F90] =	vst v1;
	s22 =	sadd.s32 s23, s22  }
0x4c: {  	[tilespmem:s20+$0x90] =	vst v0;
	p0 =	slt.s32 s21, $0x1;
	s21 =	sshrl.u32 s8, $0x3;
	s23 =	smul.u32 $0xFFFFFF60, s22  }
0x4d: {  	[spmem:s21], [sflag:s18] =	dma.local [hbm:s5], $0x1400  }
0x4e: {  	p1 =	sne.s32 s23, s24  }
0x4f: {  	p0 =	por !p0, !p1  }
0x50: {  	s20 =	simm.s32 $0x1;
	_ =	swait.ge [sflag:s16], $0x1400;
	p0 =	por !p0, !p0  }
0x51: {  	[sflag:s16] =	ssyncset.done $0x0;
	s20 =	simm.s32 @!p0 $0x0  }
0x52: {  	[sflag:s16] =	ssyncadd.s32 $0xFFFFEC00;
	s22 =	ssub.s32 s22, s20  }
0x53: {  	[bflag:$0x0] =	sbarrier.arrive $0xFFFF;
	p0 =	slt.s32 s22, $0x1  }
0x54: {  	s20 =	simm.s32 @!p0 $0x50;
	s23 =	simm.s32 @!p0 $0x0;
	s24 =	simm.s32 @!p0 $0x9E00  }
0x55: {  	[tilespmem:s24], [sflag:$0x1] =	stream.indirect.gather @!p0 [hbm4b:s4+s20], $0x80, s23, s20, $0xb8;
	[tilespmem:$0x1DA80] =	vst v63  }
0x56: {  	s25 =	simm.s32 $0x0;
	s23 =	simm.s32 @!p0 $0xC600  }
0x57: {  	[tilespmem:s23], [sflag:$0x2] =	stream.indirect.gather @!p0 [hbm4b:s4+s20], $0x80, s20, s20, $0xb8;
	[tilespmem:$0x1DA80] =	vst v63  }
0x58: {  	s24 =	simm.s32 $0x4FA0;
	s20 =	sshll.u32 s22, $0x1;
	s23 =	simm.s32 $0x190  }
.LBB2_4:
0x59: {  	p1 =	sge.s32 s25, s20  }
0x5a: {  	s26 =	simm.s32 @!p1 $0x1  }
0x5b: {  	_ =	swait.ge @!p1 [sflag:s26], $0x2800  }
0x5c: {  	[sflag:s26] =	ssyncset.done @!p1 $0x0  }
0x5d: {  	[sflag:s26] =	ssyncadd.s32 @!p1 $0xFFFFD800  }
0x5e: {  	v2 =	vld @!p1 [tilespmem:s24+$0xFFFFFF60];
	_ =	sdelay $0x6  }
0x5f: {  	vm0 =	vmmov @!p1 $0xffff;
	s26 =	simm.s32 @!p1 $0x9E00  }
0x60: {  	[spmem:s2] =	stream.indirect_vreg.scatter.add.f32 @!p1 [tilespmem:s26], [sflag:$0x5], $0x80, v2, vm0, $0xb8;
	[tilespmem:$0x1DA80] =	vst v63  }
0x61: {  	v2 =	vld @!p1 [tilespmem:s24+$0xFFFFFF70];
	_ =	sdelay $0x6  }
0x62: {  	s26 =	simm.s32 @!p1 $0xA600  }
0x63: {  	[spmem:s2] =	stream.indirect_vreg.scatter.add.f32 @!p1 [tilespmem:s26], [sflag:$0x5], $0x80, v2, vm0, $0xb8;
	[tilespmem:$0x1DA80] =	vst v63  }
0x64: {  	v2 =	vld @!p1 [tilespmem:s24+$0xFFFFFF80];
	_ =	sdelay $0x6  }
0x65: {  	s26 =	simm.s32 @!p1 $0xAE00  }
0x66: {  	[spmem:s2] =	stream.indirect_vreg.scatter.add.f32 @!p1 [tilespmem:s26], [sflag:$0x5], $0x80, v2, vm0, $0xb8;
	[tilespmem:$0x1DA80] =	vst v63  }
0x67: {  	v2 =	vld @!p1 [tilespmem:s24+$0xFFFFFF90];
	_ =	sdelay $0x6  }
0x68: {  	s26 =	simm.s32 @!p1 $0xB600  }
0x69: {  	[spmem:s2] =	stream.indirect_vreg.scatter.add.f32 @!p1 [tilespmem:s26], [sflag:$0x5], $0x80, v2, vm0, $0xb8;
	[tilespmem:$0x1DA80] =	vst v63  }
0x6a: {  	v2 =	vld @!p1 [tilespmem:s24+$0xFFFFFFA0];
	_ =	sdelay $0x4  }
0x6b: {  	p2 =	sne.s32 s25, $0x0;
	p3 =	sle.s32 s25, s20  }
0x6c: {  	p2 =	por !p2, !p3  }
0x6d: {  	p4 =	por !p2, !p2;
	s26 =	simm.s32 @!p1 $0xBE00  }
0x6e: {  	[spmem:s2] =	stream.indirect_vreg.scatter.add.f32 @!p1 [tilespmem:s26], [sflag:$0x5], $0x80, v2, vm0, $0xb8;
	[tilespmem:$0x1DA80] =	vst v63  }
0x6f: {  	s28 =	sadd.s32 $0x2, s25;
	s26 =	simm.s32 @p4 $0x7  }
0x70: {  	p3 =	sge.s32 s28, s20;
	_ =	swait.ge @p4 [sflag:s26], $0x2800  }
0x71: {  	s28 =	simm.s32 @!p3 $0x50;
	[sflag:s26] =	ssyncset.done @p4 $0x0  }
0x72: {  	s29 =	simm.s32 @!p3 $0xEE00;
	[sflag:s26] =	ssyncadd.s32 @p4 $0xFFFFD800;
	s26 =	sadd.s32 @!p3 $0xFFFFFF10, s23  }
0x73: {  	[tilespmem:s29], [sflag:$0x3] =	stream.indirect.gather @!p3 [hbm4b:s4+s28], $0x80, s26, s28, $0xb8;
	[tilespmem:$0x1DA80] =	vst v63  }
0x74: {  	s28 =	sadd.s32 $0x1, s25  }
0x75: {  	p2 =	sge.s32 s28, s20  }
0x76: {  	s26 =	simm.s32 @!p2 $0x2  }
0x77: {  	_ =	swait.ge @!p2 [sflag:s26], $0x2800  }
0x78: {  	[sflag:s26] =	ssyncset.done @!p2 $0x0  }
0x79: {  	[sflag:s26] =	ssyncadd.s32 @!p2 $0xFFFFD800  }
0x7a: {  	v2 =	vld @!p2 [tilespmem:s24+$0xFFFFFFB0];
	_ =	sdelay $0x6  }
0x7b: {  	vm0 =	vmmov @!p2 $0xffff;
	s26 =	simm.s32 @!p2 $0xC600  }
0x7c: {  	[spmem:s2] =	stream.indirect_vreg.scatter.add.f32 @!p2 [tilespmem:s26], [sflag:$0x6], $0x80, v2, vm0, $0xb8;
	[tilespmem:$0x1DA80] =	vst v63  }
0x7d: {  	v2 =	vld @!p2 [tilespmem:s24+$0xFFFFFFC0];
	_ =	sdelay $0x6  }
0x7e: {  	s26 =	simm.s32 @!p2 $0xCE00  }
0x7f: {  	[spmem:s2] =	stream.indirect_vreg.scatter.add.f32 @!p2 [tilespmem:s26], [sflag:$0x6], $0x80, v2, vm0, $0xb8;
	[tilespmem:$0x1DA80] =	vst v63  }
0x80: {  	v2 =	vld @!p2 [tilespmem:s24+$0xFFFFFFD0];
	_ =	sdelay $0x6  }
0x81: {  	s26 =	simm.s32 @!p2 $0xD600  }
0x82: {  	[spmem:s2] =	stream.indirect_vreg.scatter.add.f32 @!p2 [tilespmem:s26], [sflag:$0x6], $0x80, v2, vm0, $0xb8;
	[tilespmem:$0x1DA80] =	vst v63  }
0x83: {  	v2 =	vld @!p2 [tilespmem:s24+$0xFFFFFFE0];
	_ =	sdelay $0x6  }
0x84: {  	s26 =	simm.s32 @!p2 $0xDE00  }
0x85: {  	[spmem:s2] =	stream.indirect_vreg.scatter.add.f32 @!p2 [tilespmem:s26], [sflag:$0x6], $0x80, v2, vm0, $0xb8;
	[tilespmem:$0x1DA80] =	vst v63  }
0x86: {  	v2 =	vld @!p2 [tilespmem:s24+$0xFFFFFFF0];
	_ =	sdelay $0x6  }
0x87: {  	s26 =	simm.s32 @!p2 $0xE600  }
0x88: {  	[spmem:s2] =	stream.indirect_vreg.scatter.add.f32 @!p2 [tilespmem:s26], [sflag:$0x6], $0x80, v2, vm0, $0xb8;
	[tilespmem:$0x1DA80] =	vst v63  }
0x89: {  	s26 =	simm.s32 @p4 $0x8  }
0x8a: {  	_ =	swait.ge @p4 [sflag:s26], $0x2800  }
0x8b: {  	s30 =	sadd.s32 $0x3, s25;
	[sflag:s26] =	ssyncset.done @p4 $0x0  }
0x8c: {  	[sflag:s26] =	ssyncadd.s32 @p4 $0xFFFFD800;
	p4 =	sge.s32 s30, s20  }
0x8d: {  	s26 =	sadd.s32 @!p4 $0xFFFFFF60, s23;
	s28 =	simm.s32 @!p4 $0x50;
	s30 =	simm.s32 @!p4 $0x11600  }
0x8e: {  	[tilespmem:s30], [sflag:$0x4] =	stream.indirect.gather @!p4 [hbm4b:s4+s28], $0x80, s26, s28, $0xb8;
	[tilespmem:$0x1DA80] =	vst v63  }
0x8f: {  	s26 =	simm.s32 @!p3 $0x3  }
0x90: {  	_ =	swait.ge @!p3 [sflag:s26], $0x2800  }
0x91: {  	[sflag:s26] =	ssyncset.done @!p3 $0x0  }
0x92: {  	[sflag:s26] =	ssyncadd.s32 @!p3 $0xFFFFD800  }
0x93: {  	v2 =	vld @!p3 [tilespmem:s24+$0x0];
	_ =	sdelay $0x6  }
0x94: {  	vm0 =	vmmov @!p3 $0xffff  }
0x95: {  	[spmem:s2] =	stream.indirect_vreg.scatter.add.f32 @!p3 [tilespmem:s29], [sflag:$0x7], $0x80, v2, vm0, $0xb8;
	[tilespmem:$0x1DA80] =	vst v63  }
0x96: {  	v2 =	vld @!p3 [tilespmem:s24+$0x10];
	_ =	sdelay $0x6  }
0x97: {  	s26 =	simm.s32 @!p3 $0xF600  }
0x98: {  	[spmem:s2] =	stream.indirect_vreg.scatter.add.f32 @!p3 [tilespmem:s26], [sflag:$0x7], $0x80, v2, vm0, $0xb8;
	[tilespmem:$0x1DA80] =	vst v63  }
0x99: {  	v2 =	vld @!p3 [tilespmem:s24+$0x20];
	_ =	sdelay $0x6  }
0x9a: {  	s26 =	simm.s32 @!p3 $0xFE00  }
0x9b: {  	[spmem:s2] =	stream.indirect_vreg.scatter.add.f32 @!p3 [tilespmem:s26], [sflag:$0x7], $0x80, v2, vm0, $0xb8;
	[tilespmem:$0x1DA80] =	vst v63  }
0x9c: {  	v2 =	vld @!p3 [tilespmem:s24+$0x30];
	_ =	sdelay $0x6  }
0x9d: {  	s26 =	simm.s32 @!p3 $0x10600  }
0x9e: {  	[spmem:s2] =	stream.indirect_vreg.scatter.add.f32 @!p3 [tilespmem:s26], [sflag:$0x7], $0x80, v2, vm0, $0xb8;
	[tilespmem:$0x1DA80] =	vst v63  }
0x9f: {  	v2 =	vld @!p3 [tilespmem:s24+$0x40];
	_ =	sdelay $0x6  }
0xa0: {  	s26 =	simm.s32 @!p3 $0x10E00  }
0xa1: {  	[spmem:s2] =	stream.indirect_vreg.scatter.add.f32 @!p3 [tilespmem:s26], [sflag:$0x7], $0x80, v2, vm0, $0xb8;
	[tilespmem:$0x1DA80] =	vst v63  }
0xa2: {  	s26 =	simm.s32 @!p1 $0x5  }
0xa3: {  	_ =	swait.ge @!p1 [sflag:s26], $0x2800  }
0xa4: {  	s28 =	sadd.s32 $0x4, s25;
	[sflag:s26] =	ssyncset.done @!p1 $0x0  }
0xa5: {  	[sflag:s26] =	ssyncadd.s32 @!p1 $0xFFFFD800;
	p1 =	sge.s32 s28, s20  }
0xa6: {  	s26 =	sadd.s32 @!p1 $0xFFFFFFB0, s23;
	s29 =	simm.s32 @!p1 $0x50;
	s31 =	simm.s32 @!p1 $0x9E00  }
0xa7: {  	[tilespmem:s31], [sflag:$0x1] =	stream.indirect.gather @!p1 [hbm4b:s4+s29], $0x80, s26, s29, $0xb8;
	[tilespmem:$0x1DA80] =	vst v63  }
0xa8: {  	s26 =	simm.s32 @!p4 $0x4  }
0xa9: {  	_ =	swait.ge @!p4 [sflag:s26], $0x2800  }
0xaa: {  	[sflag:s26] =	ssyncset.done @!p4 $0x0  }
0xab: {  	[sflag:s26] =	ssyncadd.s32 @!p4 $0xFFFFD800  }
0xac: {  	v2 =	vld @!p4 [tilespmem:s24+$0x50];
	_ =	sdelay $0x6  }
0xad: {  	vm0 =	vmmov @!p4 $0xffff  }
0xae: {  	[spmem:s2] =	stream.indirect_vreg.scatter.add.f32 @!p4 [tilespmem:s30], [sflag:$0x8], $0x80, v2, vm0, $0xb8;
	[tilespmem:$0x1DA80] =	vst v63  }
0xaf: {  	v2 =	vld @!p4 [tilespmem:s24+$0x60];
	_ =	sdelay $0x6  }
0xb0: {  	s26 =	simm.s32 @!p4 $0x11E00  }
0xb1: {  	[spmem:s2] =	stream.indirect_vreg.scatter.add.f32 @!p4 [tilespmem:s26], [sflag:$0x8], $0x80, v2, vm0, $0xb8;
	[tilespmem:$0x1DA80] =	vst v63  }
0xb2: {  	v2 =	vld @!p4 [tilespmem:s24+$0x70];
	_ =	sdelay $0x6  }
0xb3: {  	s26 =	simm.s32 @!p4 $0x12600  }
0xb4: {  	[spmem:s2] =	stream.indirect_vreg.scatter.add.f32 @!p4 [tilespmem:s26], [sflag:$0x8], $0x80, v2, vm0, $0xb8;
	[tilespmem:$0x1DA80] =	vst v63  }
0xb5: {  	v2 =	vld @!p4 [tilespmem:s24+$0x80];
	_ =	sdelay $0x6  }
0xb6: {  	s26 =	simm.s32 @!p4 $0x12E00  }
0xb7: {  	[spmem:s2] =	stream.indirect_vreg.scatter.add.f32 @!p4 [tilespmem:s26], [sflag:$0x8], $0x80, v2, vm0, $0xb8;
	[tilespmem:$0x1DA80] =	vst v63  }
0xb8: {  	v2 =	vld @!p4 [tilespmem:s24+$0x90];
	_ =	sdelay $0x6  }
0xb9: {  	s26 =	simm.s32 @!p4 $0x13600  }
0xba: {  	[spmem:s2] =	stream.indirect_vreg.scatter.add.f32 @!p4 [tilespmem:s26], [sflag:$0x8], $0x80, v2, vm0, $0xb8;
	[tilespmem:$0x1DA80] =	vst v63  }
0xbb: {  	s26 =	simm.s32 @!p2 $0x6  }
0xbc: {  	s31 =	sadd.s32 $0x5, s25;
	_ =	swait.ge @!p2 [sflag:s26], $0x2800  }
0xbd: {  	p1 =	sge.s32 s31, s20;
	[sflag:s26] =	ssyncset.done @!p2 $0x0  }
0xbe: {  	s25 =	simm.s32 @!p1 $0x50;
	[sflag:s26] =	ssyncadd.s32 @!p2 $0xFFFFD800;
	s26 =	simm.s32 @!p1 $0xC600  }
0xbf: {  	[tilespmem:s26], [sflag:$0x2] =	stream.indirect.gather @!p1 [hbm4b:s4+s25], $0x80, s23, s25, $0xb8;
	[tilespmem:$0x1DA80] =	vst v63  }
0xc0: {  	p1 =	sne.s32 s28, $0xFC  }
.Ltmp1:
0xc1: {  	_ = 	snop;
	(pc) =	sbr.rel @p1 .LBB2_4-.Ltmp1, $2  }
0xc2: {  	_ =	sdelay $0x2  }
0xc3: {  	s24 =	sadd.s32 $0x140, s24;
	s23 =	sadd.s32 $0x140, s23;
	s25 =	smov.u32 s28  }
0xc4: {  	p1 =	slt.s32 s22, $0x7E  }
0xc5: {  	s23 =	simm.s32 @!p1 $0x7  }
0xc6: {  	p2 =	sne.s32 @!p1 s22, $0x7E;
	_ =	swait.ge @!p1 [sflag:s23], $0x2800  }
0xc7: {  	p3 =	por p2, p1;
	[sflag:s23] =	ssyncset.done @!p1 $0x0  }
0xc8: {  	s22 =	simm.s32 @!p3 $0x8;
	[sflag:s23] =	ssyncadd.s32 @!p1 $0xFFFFD800  }
0xc9: {  	_ =	swait.ge @!p3 [sflag:s22], $0x2800  }
0xca: {  	[sflag:s22] =	ssyncset.done @!p3 $0x0  }
0xcb: {  	[sflag:s22] =	ssyncadd.s32 @!p3 $0xFFFFD800  }
0xcc: {  	s22 =	sshrl.u32 s9, $0x3;
	[bflag:$0x0] =	sbarrier.arrive $0xFFFF  }
0xcd: {  	[hbm:s10], [sflag:s18] =	dma.local [spmem:s22], $0x1400  }
0xce: {  	_ =	swait.ge [sflag:s16], $0x1400  }
0xcf: {  	[sflag:s16] =	ssyncset.done $0x0  }
0xd0: {  	[sflag:s16] =	ssyncadd.s32 $0xFFFFEC00  }
0xd1: {  	[bflag:$0x0] =	sbarrier.arrive $0xFFFF  }
0xd2: {  	[spmem:s21], [sflag:s18] =	dma.local [hbm:s5], $0x1400  }
0xd3: {  	s24 =	simm.s32 @!p0 $0x9E00;
	p4 =	por @!p1 $0x0, $0x0;
	_ =	swait.ge [sflag:s16], $0x1400  }
0xd4: {  	p2 =	por !p2, p1;
	p3 =	por @!p3 $0x1, $0x1;
	[sflag:s16] =	ssyncset.done $0x0  }
0xd5: {  	s23 =	simm.s32 @!p0 $0x0;
	p3 =	por @!p2 p4, p4;
	[sflag:s16] =	ssyncadd.s32 $0xFFFFEC00  }
0xd6: {  	p2 =	por $0x0, $0x0;
	s21 =	simm.s32 @!p0 $0x50;
	[bflag:$0x0] =	sbarrier.arrive $0xFFFF  }
0xd7: {  	[tilespmem:s24], [sflag:$0x1] =	stream.indirect.gather @!p0 [hbm4b:s11+s21], $0x80, s23, s21, $0xb8;
	[tilespmem:$0x1DA80] =	vst v63  }
0xd8: {  	p2 =	por @!p1 p3, p3;
	s23 =	simm.s32 @!p0 $0xC600  }
0xd9: {  	[tilespmem:s23], [sflag:$0x2] =	stream.indirect.gather @!p0 [hbm4b:s11+s21], $0x80, s21, s21, $0xb8;
	[tilespmem:$0x1DA80] =	vst v63  }
0xda: {  	s24 =	simm.s32 $0x0;
	s21 =	simm.s32 $0x190;
	s23 =	simm.s32 $0x4FA0  }
.LBB2_6:
0xdb: {  	p0 =	sge.s32 s24, s20  }
0xdc: {  	s25 =	simm.s32 @!p0 $0x1  }
0xdd: {  	_ =	swait.ge @!p0 [sflag:s25], $0x2800  }
0xde: {  	[sflag:s25] =	ssyncset.done @!p0 $0x0  }
0xdf: {  	[sflag:s25] =	ssyncadd.s32 @!p0 $0xFFFFD800  }
0xe0: {  	v2 =	vld @!p0 [tilespmem:s23+$0xFFFFFF60];
	_ =	sdelay $0x6  }
0xe1: {  	vm0 =	vmmov @!p0 $0xffff;
	s25 =	simm.s32 @!p0 $0x9E00  }
0xe2: {  	[spmem:s2] =	stream.indirect_vreg.scatter.add.f32 @!p0 [tilespmem:s25], [sflag:$0x5], $0x80, v2, vm0, $0xb8;
	[tilespmem:$0x1DA80] =	vst v63  }
0xe3: {  	v2 =	vld @!p0 [tilespmem:s23+$0xFFFFFF70];
	_ =	sdelay $0x6  }
0xe4: {  	s25 =	simm.s32 @!p0 $0xA600  }
0xe5: {  	[spmem:s2] =	stream.indirect_vreg.scatter.add.f32 @!p0 [tilespmem:s25], [sflag:$0x5], $0x80, v2, vm0, $0xb8;
	[tilespmem:$0x1DA80] =	vst v63  }
0xe6: {  	v2 =	vld @!p0 [tilespmem:s23+$0xFFFFFF80];
	_ =	sdelay $0x6  }
0xe7: {  	s25 =	simm.s32 @!p0 $0xAE00  }
0xe8: {  	[spmem:s2] =	stream.indirect_vreg.scatter.add.f32 @!p0 [tilespmem:s25], [sflag:$0x5], $0x80, v2, vm0, $0xb8;
	[tilespmem:$0x1DA80] =	vst v63  }
0xe9: {  	v2 =	vld @!p0 [tilespmem:s23+$0xFFFFFF90];
	_ =	sdelay $0x6  }
0xea: {  	s25 =	simm.s32 @!p0 $0xB600  }
0xeb: {  	[spmem:s2] =	stream.indirect_vreg.scatter.add.f32 @!p0 [tilespmem:s25], [sflag:$0x5], $0x80, v2, vm0, $0xb8;
	[tilespmem:$0x1DA80] =	vst v63  }
0xec: {  	v2 =	vld @!p0 [tilespmem:s23+$0xFFFFFFA0];
	_ =	sdelay $0x4  }
0xed: {  	p3 =	sne.s32 s24, $0x0;
	p4 =	sle.s32 s24, s20  }
0xee: {  	p3 =	por !p3, !p4  }
0xef: {  	p5 =	por !p3, !p3;
	s25 =	simm.s32 @!p0 $0xBE00  }
0xf0: {  	[spmem:s2] =	stream.indirect_vreg.scatter.add.f32 @!p0 [tilespmem:s25], [sflag:$0x5], $0x80, v2, vm0, $0xb8;
	[tilespmem:$0x1DA80] =	vst v63  }
0xf1: {  	s26 =	sadd.s32 $0x2, s24;
	s25 =	simm.s32 @p5 $0x7  }
0xf2: {  	s29 =	sadd.s32 $0x1, s24;
	p4 =	sge.s32 s26, s20;
	_ =	swait.ge @p5 [sflag:s25], $0x2800  }
0xf3: {  	s26 =	simm.s32 @!p4 $0x50;
	s28 =	simm.s32 @!p4 $0xEE00;
	[sflag:s25] =	ssyncset.done @p5 $0x0  }
0xf4: {  	p3 =	sge.s32 s29, s20;
	[sflag:s25] =	ssyncadd.s32 @p5 $0xFFFFD800;
	s25 =	sadd.s32 @!p4 $0xFFFFFF10, s21  }
0xf5: {  	[tilespmem:s28], [sflag:$0x3] =	stream.indirect.gather @!p4 [hbm4b:s11+s26], $0x80, s25, s26, $0xb8;
	[tilespmem:$0x1DA80] =	vst v63  }
0xf6: {  	s25 =	simm.s32 @!p3 $0x2  }
0xf7: {  	_ =	swait.ge @!p3 [sflag:s25], $0x2800  }
0xf8: {  	[sflag:s25] =	ssyncset.done @!p3 $0x0  }
0xf9: {  	[sflag:s25] =	ssyncadd.s32 @!p3 $0xFFFFD800  }
0xfa: {  	v2 =	vld @!p3 [tilespmem:s23+$0xFFFFFFB0];
	_ =	sdelay $0x6  }
0xfb: {  	vm0 =	vmmov @!p3 $0xffff;
	s25 =	simm.s32 @!p3 $0xC600  }
0xfc: {  	[spmem:s2] =	stream.indirect_vreg.scatter.add.f32 @!p3 [tilespmem:s25], [sflag:$0x6], $0x80, v2, vm0, $0xb8;
	[tilespmem:$0x1DA80] =	vst v63  }
0xfd: {  	v2 =	vld @!p3 [tilespmem:s23+$0xFFFFFFC0];
	_ =	sdelay $0x6  }
0xfe: {  	s25 =	simm.s32 @!p3 $0xCE00  }
0xff: {  	[spmem:s2] =	stream.indirect_vreg.scatter.add.f32 @!p3 [tilespmem:s25], [sflag:$0x6], $0x80, v2, vm0, $0xb8;
	[tilespmem:$0x1DA80] =	vst v63  }
0x100: {  	v2 =	vld @!p3 [tilespmem:s23+$0xFFFFFFD0];
	_ =	sdelay $0x6  }
0x101: {  	s25 =	simm.s32 @!p3 $0xD600  }
0x102: {  	[spmem:s2] =	stream.indirect_vreg.scatter.add.f32 @!p3 [tilespmem:s25], [sflag:$0x6], $0x80, v2, vm0, $0xb8;
	[tilespmem:$0x1DA80] =	vst v63  }
0x103: {  	v2 =	vld @!p3 [tilespmem:s23+$0xFFFFFFE0];
	_ =	sdelay $0x6  }
0x104: {  	s25 =	simm.s32 @!p3 $0xDE00  }
0x105: {  	[spmem:s2] =	stream.indirect_vreg.scatter.add.f32 @!p3 [tilespmem:s25], [sflag:$0x6], $0x80, v2, vm0, $0xb8;
	[tilespmem:$0x1DA80] =	vst v63  }
0x106: {  	v2 =	vld @!p3 [tilespmem:s23+$0xFFFFFFF0];
	_ =	sdelay $0x6  }
0x107: {  	s25 =	simm.s32 @!p3 $0xE600  }
0x108: {  	[spmem:s2] =	stream.indirect_vreg.scatter.add.f32 @!p3 [tilespmem:s25], [sflag:$0x6], $0x80, v2, vm0, $0xb8;
	[tilespmem:$0x1DA80] =	vst v63  }
0x109: {  	s25 =	simm.s32 @p5 $0x8  }
0x10a: {  	_ =	swait.ge @p5 [sflag:s25], $0x2800  }
0x10b: {  	s30 =	sadd.s32 $0x3, s24;
	[sflag:s25] =	ssyncset.done @p5 $0x0  }
0x10c: {  	[sflag:s25] =	ssyncadd.s32 @p5 $0xFFFFD800;
	p5 =	sge.s32 s30, s20  }
0x10d: {  	s25 =	sadd.s32 @!p5 $0xFFFFFF60, s21;
	s26 =	simm.s32 @!p5 $0x50;
	s29 =	simm.s32 @!p5 $0x11600  }
0x10e: {  	[tilespmem:s29], [sflag:$0x4] =	stream.indirect.gather @!p5 [hbm4b:s11+s26], $0x80, s25, s26, $0xb8;
	[tilespmem:$0x1DA80] =	vst v63  }
0x10f: {  	s25 =	simm.s32 @!p4 $0x3  }
0x110: {  	_ =	swait.ge @!p4 [sflag:s25], $0x2800  }
0x111: {  	[sflag:s25] =	ssyncset.done @!p4 $0x0  }
0x112: {  	[sflag:s25] =	ssyncadd.s32 @!p4 $0xFFFFD800  }
0x113: {  	v2 =	vld @!p4 [tilespmem:s23+$0x0];
	_ =	sdelay $0x6  }
0x114: {  	vm0 =	vmmov @!p4 $0xffff  }
0x115: {  	[spmem:s2] =	stream.indirect_vreg.scatter.add.f32 @!p4 [tilespmem:s28], [sflag:$0x7], $0x80, v2, vm0, $0xb8;
	[tilespmem:$0x1DA80] =	vst v63  }
0x116: {  	v2 =	vld @!p4 [tilespmem:s23+$0x10];
	_ =	sdelay $0x6  }
0x117: {  	s25 =	simm.s32 @!p4 $0xF600  }
0x118: {  	[spmem:s2] =	stream.indirect_vreg.scatter.add.f32 @!p4 [tilespmem:s25], [sflag:$0x7], $0x80, v2, vm0, $0xb8;
	[tilespmem:$0x1DA80] =	vst v63  }
0x119: {  	v2 =	vld @!p4 [tilespmem:s23+$0x20];
	_ =	sdelay $0x6  }
0x11a: {  	s25 =	simm.s32 @!p4 $0xFE00  }
0x11b: {  	[spmem:s2] =	stream.indirect_vreg.scatter.add.f32 @!p4 [tilespmem:s25], [sflag:$0x7], $0x80, v2, vm0, $0xb8;
	[tilespmem:$0x1DA80] =	vst v63  }
0x11c: {  	v2 =	vld @!p4 [tilespmem:s23+$0x30];
	_ =	sdelay $0x6  }
0x11d: {  	s25 =	simm.s32 @!p4 $0x10600  }
0x11e: {  	[spmem:s2] =	stream.indirect_vreg.scatter.add.f32 @!p4 [tilespmem:s25], [sflag:$0x7], $0x80, v2, vm0, $0xb8;
	[tilespmem:$0x1DA80] =	vst v63  }
0x11f: {  	v2 =	vld @!p4 [tilespmem:s23+$0x40];
	_ =	sdelay $0x6  }
0x120: {  	s25 =	simm.s32 @!p4 $0x10E00  }
0x121: {  	[spmem:s2] =	stream.indirect_vreg.scatter.add.f32 @!p4 [tilespmem:s25], [sflag:$0x7], $0x80, v2, vm0, $0xb8;
	[tilespmem:$0x1DA80] =	vst v63  }
0x122: {  	s25 =	simm.s32 @!p0 $0x5  }
0x123: {  	_ =	swait.ge @!p0 [sflag:s25], $0x2800  }
0x124: {  	s26 =	sadd.s32 $0x4, s24;
	[sflag:s25] =	ssyncset.done @!p0 $0x0  }
0x125: {  	[sflag:s25] =	ssyncadd.s32 @!p0 $0xFFFFD800;
	p0 =	sge.s32 s26, s20  }
0x126: {  	s25 =	sadd.s32 @!p0 $0xFFFFFFB0, s21;
	s28 =	simm.s32 @!p0 $0x50;
	s30 =	simm.s32 @!p0 $0x9E00  }
0x127: {  	[tilespmem:s30], [sflag:$0x1] =	stream.indirect.gather @!p0 [hbm4b:s11+s28], $0x80, s25, s28, $0xb8;
	[tilespmem:$0x1DA80] =	vst v63  }
0x128: {  	s25 =	simm.s32 @!p5 $0x4  }
0x129: {  	_ =	swait.ge @!p5 [sflag:s25], $0x2800  }
0x12a: {  	[sflag:s25] =	ssyncset.done @!p5 $0x0  }
0x12b: {  	[sflag:s25] =	ssyncadd.s32 @!p5 $0xFFFFD800  }
0x12c: {  	v2 =	vld @!p5 [tilespmem:s23+$0x50];
	_ =	sdelay $0x6  }
0x12d: {  	vm0 =	vmmov @!p5 $0xffff  }
0x12e: {  	[spmem:s2] =	stream.indirect_vreg.scatter.add.f32 @!p5 [tilespmem:s29], [sflag:$0x8], $0x80, v2, vm0, $0xb8;
	[tilespmem:$0x1DA80] =	vst v63  }
0x12f: {  	v2 =	vld @!p5 [tilespmem:s23+$0x60];
	_ =	sdelay $0x6  }
0x130: {  	s25 =	simm.s32 @!p5 $0x11E00  }
0x131: {  	[spmem:s2] =	stream.indirect_vreg.scatter.add.f32 @!p5 [tilespmem:s25], [sflag:$0x8], $0x80, v2, vm0, $0xb8;
	[tilespmem:$0x1DA80] =	vst v63  }
0x132: {  	v2 =	vld @!p5 [tilespmem:s23+$0x70];
	_ =	sdelay $0x6  }
0x133: {  	s25 =	simm.s32 @!p5 $0x12600  }
0x134: {  	[spmem:s2] =	stream.indirect_vreg.scatter.add.f32 @!p5 [tilespmem:s25], [sflag:$0x8], $0x80, v2, vm0, $0xb8;
	[tilespmem:$0x1DA80] =	vst v63  }
0x135: {  	v2 =	vld @!p5 [tilespmem:s23+$0x80];
	_ =	sdelay $0x6  }
0x136: {  	s25 =	simm.s32 @!p5 $0x12E00  }
0x137: {  	[spmem:s2] =	stream.indirect_vreg.scatter.add.f32 @!p5 [tilespmem:s25], [sflag:$0x8], $0x80, v2, vm0, $0xb8;
	[tilespmem:$0x1DA80] =	vst v63  }
0x138: {  	v2 =	vld @!p5 [tilespmem:s23+$0x90];
	_ =	sdelay $0x6  }
0x139: {  	s25 =	simm.s32 @!p5 $0x13600  }
0x13a: {  	[spmem:s2] =	stream.indirect_vreg.scatter.add.f32 @!p5 [tilespmem:s25], [sflag:$0x8], $0x80, v2, vm0, $0xb8;
	[tilespmem:$0x1DA80] =	vst v63  }
0x13b: {  	s25 =	simm.s32 @!p3 $0x6  }
0x13c: {  	s31 =	sadd.s32 $0x5, s24;
	_ =	swait.ge @!p3 [sflag:s25], $0x2800  }
0x13d: {  	p0 =	sge.s32 s31, s20;
	[sflag:s25] =	ssyncset.done @!p3 $0x0  }
0x13e: {  	s24 =	simm.s32 @!p0 $0x50;
	[sflag:s25] =	ssyncadd.s32 @!p3 $0xFFFFD800;
	s25 =	simm.s32 @!p0 $0xC600  }
0x13f: {  	[tilespmem:s25], [sflag:$0x2] =	stream.indirect.gather @!p0 [hbm4b:s11+s24], $0x80, s21, s24, $0xb8;
	[tilespmem:$0x1DA80] =	vst v63  }
0x140: {  	p0 =	sne.s32 s26, $0xFC  }
.Ltmp2:
0x141: {  	_ = 	snop;
	(pc) =	sbr.rel @p0 .LBB2_6-.Ltmp2, $2  }
0x142: {  	_ =	sdelay $0x2  }
0x143: {  	s23 =	sadd.s32 $0x140, s23;
	s21 =	sadd.s32 $0x140, s21;
	s24 =	smov.u32 s26  }
0x144: {  	s20 =	simm.s32 @!p1 $0x7  }
0x145: {  	_ =	swait.ge @!p1 [sflag:s20], $0x2800  }
0x146: {  	[sflag:s20] =	ssyncset.done @!p1 $0x0  }
0x147: {  	[sflag:s20] =	ssyncadd.s32 @!p1 $0xFFFFD800;
	s20 =	simm.s32 @p2 $0x8  }
0x148: {  	_ =	swait.ge @p2 [sflag:s20], $0x2800  }
0x149: {  	[sflag:s20] =	ssyncset.done @p2 $0x0  }
0x14a: {  	s19 =	sadd.s32 $0x1, s19;
	[sflag:s20] =	ssyncadd.s32 @p2 $0xFFFFD800  }
0x14b: {  	p0 =	sne.s32 s19, s13;
	[bflag:$0x0] =	sbarrier.arrive $0xFFFF  }
0x14c: {  	[hbm:s12], [sflag:s18] =	dma.local [spmem:s22], $0x1400  }
.Ltmp3:
0x14d: {  	_ =	swait.ge [sflag:s16], $0x1400;
	(pc) =	sbr.rel @p0 .LBB2_1-.Ltmp3, $3  }
0x14e: {  	[sflag:s16] =	ssyncset.done $0x0  }
0x14f: {  	[sflag:s16] =	ssyncadd.s32 $0xFFFFEC00  }
0x150: {  	[bflag:$0x0] =	sbarrier.arrive $0xFFFF;
	_ =	sdelay $0x1  }
0x151: {  	_ =	sfence.sel $0x180000  }
0x152: {  	[bflag:$0x0] =	sbarrier.arrive $0xFFFF  }
0x153: {  	p0 =	sne.s32 s1, $0x0;
	_ =	strace $0x90000047  }
0x154: {  	s0 =	sadd.s32 @!p0 $0x100000, s0;
	[bflag:$0x2] =	sbarrier.arrive $0xFFFF  }
0x155: {  	[sflag:s0] =	ssyncadd.tile.s32 @!p0 $0x1;
	_ =	shalt  }
.Lfunc_end2:
_tile_overlayer_lowered:
.L_overlay_start_2:
0x156: {  	(tag) =	ssettag $0x2  }
0x157: {  	s0 =	rddreg [dreg:$0x0];
	s2 =	stileid.u32  }
0x158: {  	s1 =	rddreg [dreg:$0x1];
	p0 =	sne.s32 s2, $0x0  }
0x159: {  	s3 =	rddreg [dreg:$0x2];
	[bflag:$0x3] =	sbarrier.arrive $0xFFFF;
	s2 =	simm.s32 @!p0 $0x1C09  }
0x15a: {  	[timem:s3], [sflag:s2] =	dma.local @!p0 [hbm:s0], s1  }
0x15b: {  	s0 =	simm.s32 @!p0 $0x9  }
0x15c: {  	_ =	swait.ge @!p0 [sflag:s0], s1  }
0x15d: {  	s1 =	ssub.s32 @!p0 $0x0, s1;
	[sflag:s0] =	ssyncset.done @!p0 $0x0  }
0x15e: {  	[sflag:s0] =	ssyncadd.s32 @!p0 s1  }
0x15f: {  	[bflag:$0x3] =	sbarrier.arrive $0xFFFF  }
0x160: {  	_ =	shalt  }

// kernel: gin_segment_sum.7.cloned.1.call-start
scs
__scs_entry_jumppad:
0x0: {  	(pc) =	sbr.rel $0x88, $3  }
0x1: {  	(tag) =	ssettag $0x0;
	lr =	simm.s32 $0x1  }
0x2: {  	[smem:$0x3F92] =	sst lr;
	_ =	strace $0xD0000000  }
0x3: {  	_ = 	snop  }
0x4: {  	_ = 	snop  }
0x5: {  	_ = 	snop  }
0x6: {  	_ = 	snop  }
0x7: {  	_ = 	snop  }
__scs_overlays_trampoline_lowered:
0x8: {  	[smem:$0x3FA1] =	sst s0  }
0x9: {  	[smem:$0x3FA2] =	sst s1  }
0xa: {  	[smem:$0x3FA3] =	sst s2  }
0xb: {  	[smem:$0x3FA4] =	sst s3  }
0xc: {  	[smem:$0x3FA5] =	sst s4  }
0xd: {  	[smem:$0x3FA6] =	sst s5  }
0xe: {  	[smem:$0x3FA7] =	sst s6  }
0xf: {  	[smem:$0x3FA8] =	sst s7  }
0x10: {  	[smem:$0x3FA9] =	sst s8  }
0x11: {  	[smem:$0x3FAA] =	sst s9;
	s0 =	simm.s32 @!p0 $0x0  }
0x12: {  	s1 =	sld [smem:$0x3F90];
	s0 =	simm.s32 @p0 $0x1  }
0x13: {  	[smem:$0x3FAB] =	sst s0;
	s0 =	simm.s32 @!p1 $0x0  }
0x14: {  	s2 =	sld [smem:$0x3F8F];
	s0 =	simm.s32 @p1 $0x1  }
0x15: {  	[smem:$0x3FAC] =	sst s0;
	s0 =	simm.s32 @!p2 $0x0  }
0x16: {  	s3 =	sld [smem:$0x3FDB];
	s0 =	simm.s32 @p2 $0x1  }
0x17: {  	s4 =	simm.s32 $0x1BF5;
	[smem:$0x3FAE] =	sst s0  }
0x18: {  	s0 =	sld [smem:$0x3F91];
	_ =	swait.ge [sflag:s4], $0x0  }
0x19: {  	s7 =	sld [smem:$0x3F92]  }
0x1a: {  	s8 =	sadd.s32 $0xFFFFE003, lr  }
0x1b: {  	s9 =	sadd.s32 $0xFFFFFEF7, lr;
	s5 =	simm.s32 $0xFFFFFFFF;
	p2 =	slt.u32 s8, $0xFFFFF086  }
0x1c: {  	p1 =	slt.u32 s9, $0xF7A;
	s5 =	simm.s32 @!p2 $0x0  }
0x1d: {  	s5 =	simm.s32 @p1 $0x1;
	p0 =	seq.s32 s7, s2  }
0x1e: {  	s7 =	smul.u32 @!p0 $0xF7A, s2;
	p2 =	seq.s32 @!p0 s5, $0x0  }
0x1f: {  	s9 =	smul.u32 $0xF7A, s1;
	s8 =	simm.s32 @!p0 $0x1BF5;
	p2 =	por !p2, p0  }
0x20: {  	[sflag:s8] =	ssyncset.s32 @!p0 $0xFFFFF086;
	s6 =	sadd.s32 @!p0 s3, s7;
	s7 =	simm.s32 @!p0 $0x108  }
0x21: {  	s3 =	sadd.s32 s3, s9;
	s6 =	sadd.s32 @!p0 $0x88, s6;
	s7 =	simm.s32 @p2 $0x1082  }
0x22: {  	[simem:s7], [sflag:s8] =	dma.local @!p0 [hbm:s6], $0xF7A  }
0x23: {  	s9 =	sor.u32 $0xD0000000, s2;
	s6 =	simm.s32 $0x108;
	_ =	swait.ge @!p0 [sflag:s8], $0x0  }
0x24: {  	s3 =	sadd.s32 $0x88, s3;
	s6 =	simm.s32 @!p1 $0x1082;
	[sflag:s4] =	ssyncset.s32 $0xFFFFF086  }
0x25: {  	[simem:s6], [sflag:s4] =	dma.local [hbm:s3], $0xF7A  }
0x26: {  	[smem:$0x3F92] =	sst s1;
	(tag) =	ssettag s2;
	_ =	strace s9  }
0x27: {  	s1 =	sld [smem:$0x3FA2]  }
0x28: {  	s2 =	sld [smem:$0x3FA3]  }
0x29: {  	s4 =	sld [smem:$0x3FA5]  }
0x2a: {  	p0 =	seq.s32 s5, $0x0;
	s5 =	sld [smem:$0x3FA6]  }
0x2b: {  	s6 =	sld [smem:$0x3FA7]  }
0x2c: {  	s7 =	sld [smem:$0x3FA8]  }
0x2d: {  	s3 =	simm.s32 $0x108;
	s8 =	sld [smem:$0x3FA9]  }
0x2e: {  	s3 =	simm.s32 @!p0 $0x1082;
	s9 =	sld [smem:$0x3FAA]  }
0x2f: {  	lr =	sadd.s32 s0, s3;
	s0 =	sld [smem:$0x3FA1]  }
0x30: {  	s3 =	sld [smem:$0x3FA4]  }
0x31: {  	[smem:$0x3FAD] =	sst s10  }
0x32: {  	s10 =	sld [smem:$0x3FAB];
	_ =	sdelay $0x3  }
0x33: {  	p0 =	seq.s32 s10, $0x1;
	s10 =	sld [smem:$0x3FAD];
	_ =	sdelay $0x3  }
0x34: {  	[smem:$0x3FAD] =	sst s10  }
0x35: {  	s10 =	sld [smem:$0x3FAC];
	_ =	sdelay $0x3  }
0x36: {  	p1 =	seq.s32 s10, $0x1;
	s10 =	sld [smem:$0x3FAD];
	_ =	sdelay $0x3  }
0x37: {  	[smem:$0x3FAD] =	sst s10  }
0x38: {  	s10 =	sld [smem:$0x3FAE]  }
0x39: {  	_ = 	snop;
	(pc) =	sbr.ind lr, $3  }
0x3a: {  	_ = 	snop  }
0x3b: {  	_ = 	snop  }
0x3c: {  	p2 =	seq.s32 s10, $0x1;
	s10 =	sld [smem:$0x3FAD]  }
0x3d: {  	_ =	shalt  }
0x3e: {  	_ =	shalt  }
0x3f: {  	_ =	shalt  }
0x40: {  	_ =	shalt  }
0x41: {  	_ =	shalt  }
0x42: {  	_ =	shalt  }
0x43: {  	_ =	shalt  }
0x44: {  	_ =	shalt  }
0x45: {  	_ =	shalt  }
0x46: {  	_ =	shalt  }
0x47: {  	_ =	shalt  }
0x48: {  	_ =	shalt  }
0x49: {  	_ =	shalt  }
0x4a: {  	_ =	shalt  }
0x4b: {  	_ =	shalt  }
0x4c: {  	_ =	shalt  }
0x4d: {  	_ =	shalt  }
0x4e: {  	_ =	shalt  }
0x4f: {  	_ =	shalt  }
0x50: {  	_ =	shalt  }
0x51: {  	_ =	shalt  }
0x52: {  	_ =	shalt  }
0x53: {  	_ =	shalt  }
0x54: {  	_ =	shalt  }
0x55: {  	_ =	shalt  }
0x56: {  	_ =	shalt  }
0x57: {  	_ =	shalt  }
0x58: {  	_ =	shalt  }
0x59: {  	_ =	shalt  }
0x5a: {  	_ =	shalt  }
0x5b: {  	_ =	shalt  }
0x5c: {  	_ =	shalt  }
0x5d: {  	_ =	shalt  }
0x5e: {  	_ =	shalt  }
0x5f: {  	_ =	shalt  }
0x60: {  	_ =	shalt  }
0x61: {  	_ =	shalt  }
0x62: {  	_ =	shalt  }
0x63: {  	_ =	shalt  }
0x64: {  	_ =	shalt  }
0x65: {  	_ =	shalt  }
0x66: {  	_ =	shalt  }
0x67: {  	_ =	shalt  }
0x68: {  	_ =	shalt  }
0x69: {  	_ =	shalt  }
0x6a: {  	_ =	shalt  }
0x6b: {  	_ =	shalt  }
0x6c: {  	_ =	shalt  }
0x6d: {  	_ =	shalt  }
0x6e: {  	_ =	shalt  }
0x6f: {  	_ =	shalt  }
0x70: {  	_ =	shalt  }
0x71: {  	_ =	shalt  }
0x72: {  	_ =	shalt  }
0x73: {  	_ =	shalt  }
0x74: {  	_ =	shalt  }
0x75: {  	_ =	shalt  }
0x76: {  	_ =	shalt  }
0x77: {  	_ =	shalt  }
0x78: {  	_ =	shalt  }
0x79: {  	_ =	shalt  }
0x7a: {  	_ =	shalt  }
0x7b: {  	_ =	shalt  }
0x7c: {  	_ =	shalt  }
0x7d: {  	_ =	shalt  }
0x7e: {  	_ =	shalt  }
0x7f: {  	_ =	shalt  }
0x80: {  	_ =	shalt  }
0x81: {  	_ =	shalt  }
0x82: {  	_ =	shalt  }
0x83: {  	_ =	shalt  }
0x84: {  	_ =	shalt  }
0x85: {  	_ =	shalt  }
0x86: {  	_ =	shalt  }
0x87: {  	_ =	shalt  }
.Lfunc_end0:
.L_simem_size_0:
called_computation.1_lowered:
.L_overlay_start_0:
0x88: {  	s2 =	sld [smem:$0x3FD9]  }
0x89: {  	s3 =	sld [smem:$0x3FFE];
	_ =	sdelay $0x1  }
0x8a: {  	s1 =	srdreg.scid  }
0x8b: {  	s0 =	sand.u32 $0x1, s1  }
0x8c: {  	s16 =	sshll.u32 s0, $0xA;
	s2 =	sadd.s32 s3, s2  }
0x8d: {  	s2 =	sadd.s32 s2, s16  }
0x8e: {  	[smem:$0x3FB9] =	sst s2  }
0x8f: {  	_ = 	snop  }
0x90: {  	(tm) =	ssettm $0x1  }
0x91: {  	s17 =	sld [smem:$0x3FFB];
	_ =	sdelay $0x3  }
0x92: {  	_ =	strace s17  }
0x93: {  	s2 =	sld [smem:$0x3FFC];
	_ =	sdelay $0x3  }
0x94: {  	_ =	strace s2  }
0x95: {  	s2 =	sld [smem:$0x3FFD];
	_ =	sdelay $0x3  }
0x96: {  	_ =	strace s2  }
0x97: {  	_ =	strace $0x8FFFFFFF  }
0x98: {  	s18 =	sld [smem:$0x3FDB];
	_ =	sdelay $0x1  }
0x99: {  	s19 =	simm.s32 $_scs_section_size  }
0x9a: {  	s4 =	simm.s32 $_size__tile_overlayer_lowered;
	s5 =	simm.s32 $_tile_overlayer_lowered  }
0x9b: {  	s22 =	simm.s32 $0x1BFF;
	s21 =	sshll.u32 s5, $0x1;
	s2 =	sadd.s32 s19, s18  }
0x9c: {  	s6 =	simm.s32 $0x0;
	s20 =	sshll.u32 s4, $0x1;
	s4 =	sadd.s32 s21, s2  }
0x9d: {  	[timem:s6], [sflag:s22] =	dma.local [hbm:s4], s20  }
0x9e: {  	_ =	swait.ge [sflag:s22], s20  }
0x9f: {  	s3 =	ssub.s32 $0x0, s20;
	[sflag:s22] =	ssyncset.done $0x0  }
0xa0: {  	[sflag:s22] =	ssyncadd.s32 s3;
	_ =	sdelay $0x1  }
0xa1: {  	s23 =	simm.s32 $0x1B8B  }
0xa2: {  	_ =	swait.ge [sflag:s23], $0x1  }
0xa3: {  	[sflag:s23] =	ssyncset.done $0x0  }
0xa4: {  	s25 =	simm.s32 $0x1B8E;
	s24 =	sld [smem:$0x3FFE];
	[sflag:s23] =	ssyncadd.s32 $0xFFFFFFFF  }
0xa5: {  	s26 =	simm.s32 $execute0_lowered;
	[smem:$0x3FD2] =	sst s25  }
0xa6: {  	s4 =	sshll.u32 s26, $0x1;
	_ =	strace $0x80000049;
	[dreg:$0x1] =	wrdreg $0xFFFFFFFF  }
0xa7: {  	s28 =	simm.s32 $_size_execute0_lowered;
	s2 =	sadd.s32 s2, s4;
	[dreg:$0x0] =	wrdreg $0x0  }
0xa8: {  	s4 =	sshll.u32 s28, $0x1;
	[dreg:$0x2] =	wrdreg s2  }
0xa9: {  	[dreg:$0x3] =	wrdreg s4  }
0xaa: {  	[dreg:$0x4] =	wrdreg $0xC0  }
0xab: {  	_ =	task [dreg:s6], $0x5FFFF  }
0xac: {  	[dreg:$0x1] =	wrdreg $0xFFFFFFFF  }
0xad: {  	[dreg:$0x0] =	wrdreg $0x60  }
0xae: {  	[dreg:$0x2] =	wrdreg s24  }
0xaf: {  	[dreg:$0x3] =	wrdreg $0x13E000  }
0xb0: {  	[dreg:$0x4] =	wrdreg $0x9  }
0xb1: {  	_ =	task.clear_ibuf [dreg:s6], $0x5FFFF;
	_ =	strace $0x90000049  }
0xb2: {  	s29 =	simm.s32 $0x9;
	_ =	strace $0x8000004B  }
0xb3: {  	_ =	swait.ge [sflag:s29], $0x1  }
0xb4: {  	[sflag:s29] =	ssyncadd.s32 $0xFFFFFFFF  }
0xb5: {  	_ =	strace $0x9000004B  }
0xb6: {  	_ =	sfence  }
0xb7: {  	s30 =	sld [smem:$0x0];
	_ =	sdelay $0x2  }
0xb8: {  	s31 =	sshll.u32 s1, $0xD;
	s1 =	sshrl.u32 s1, $0x2  }
0xb9: {  	s3 =	sand.u32 $0x4000, s31;
	s1 =	sadd.s32 s1, s30  }
0xba: {  	s0 =	sor.u32 s3, s0;
	s1 =	sshll.u32 s1, $0x11  }
0xbb: {  	s0 =	sor.u32 s1, s0  }
0xbc: {  	s0 =	sadd.s32 $0x8F2B, s0  }
0xbd: {  	[sflag:s0] =	ssyncadd.remote.s32 $0x1  }
0xbe: {  	_ =	sfence.sel $0xFFFF  }
0xbf: {  	[dreg:$0x0] =	wrdreg $0xFFFFFFFF;
	(pc) =	sbr.abs _section_cstart, $3  }
0xc0: {  	[dreg:$0x1] =	wrdreg $0xFFFFFFFF  }
0xc1: {  	_ =	task.clear_ibuf [dreg:s6], $0x2FFFF;
	_ =	strace $0x9FFFFFFF  }
0xc2: {  	(tm) =	ssettm $0x7FFFFFFF  }
0xc3: {  	_ =	shalt  }
tec
execute0_lowered:
.L_overlay_start_1:
0x0: {  	(tag) =	ssettag $0x1  }
0x1: {  	s11 =	rddreg [dreg:$0x0];
	s0 =	srdreg.scid  }
0x2: {  	s2 =	rddreg [dreg:$0x1];
	s1 =	stileid.u32  }
0x3: {  	s3 =	simm.s32 $0x0;
	s15 =	simm.s32 $0x400;
	s16 =	simm.s32 $0x9  }
0x4: {  	s17 =	simm.s32 $0x4F00;
	s6 =	sand.u32 $0x1, s0;
	s0 =	rddreg [dreg:$0x2]  }
0x5: {  	s19 =	simm.s32 $0x0;
	s5 =	sshrl.u32 s1, $0x3;
	[smem:$0x7FF] =	sst s3  }
0x6: {  	s7 =	sshll.u32 s1, $0x7;
	s9 =	smul.u32 $0x140, s1;
	s18 =	sshll.u32 s1, $0x6  }
0x7: {  	s4 =	sshll.u32 s6, $0x4;
	s5 =	smul.u32 $0x27800, s5;
	_ =	strace $0x8000004A  }
0x8: {  	s7 =	sand.u32 $0x380, s7;
	s28 =	smul.u32 $0x1388, s6;
	s6 =	ssub.s32 $0x2, s6  }
0x9: {  	s18 =	sor.u32 $0x1C09, s18;
	s4 =	sor.u32 s1, s4;
	s10 =	smin.u32 s9, $0x1248  }
0xa: {  	s29 =	sshrl.u32 s6, $0x1;
	s9 =	smin.u32 s9, $0x1250;
	s4 =	sshrl.u32 s4, $0x3  }
0xb: {  	s5 =	sor.u32 s7, s5;
	s14 =	ssub.s32 s6, s29;
	s30 =	sshll.u32 s9, $0x7  }
0xc: {  	s31 =	sshll.u32 s10, $0x7;
	s8 =	smul.u32 $0x27800, s4;
	s5 =	sshrl.u32 s5, $0x3  }
0xd: {  	s4 =	sadd.s32 $0x22E00, s11;
	s9 =	sadd.s32 s31, s2;
	s12 =	sadd.s32 s5, s11  }
0xe: {  	s5 =	sadd.s32 $0x71000, s11;
	s7 =	sor.u32 s7, s8;
	s8 =	sadd.s32 s28, s10  }
0xf: {  	s6 =	sadd.s32 $0x19000, s12;
	s7 =	sshrl.u32 s7, $0x3;
	s8 =	sshll.u32 s8, $0x4  }
0x10: {  	s7 =	sadd.s32 s7, s11;
	s13 =	sadd.s32 s8, s11;
	s8 =	sadd.s32 s30, s2  }
0x11: {  	s11 =	sadd.s32 $0x49F00, s11;
	s7 =	sadd.s32 $0x5400, s7;
	s10 =	sadd.s32 $0x72400, s13  }
0x12: {  	v0 =	vimm.s32 $0x0;
	v1 =	vimm.s32 $0x1388;
	s12 =	sadd.s32 $0x99500, s13;
	s13 =	smax.u32 s14, $0x1;
	s14 =	simm.s32 $0x80  }
.LBB2_1:
0x13: {  	[tilespmem:s3], [sflag:$0x9] =	stream.strided.gather [hbm4b:s6+s14], $0x4F00, s15, s14, $0x38;
	[tilespmem:$0x1DA80] =	vst v63  }
0x14: {  	_ =	swait.ge [sflag:s16], $0x4F00  }
0x15: {  	[sflag:s16] =	ssyncset.done $0x0  }
0x16: {  	[sflag:s16] =	ssyncadd.s32 $0xFFFFB100  }
0x17: {  	[tilespmem:s17], [sflag:$0x9] =	stream.strided.gather [hbm4b:s7+s14], $0x4F00, s15, s14, $0x38;
	[tilespmem:$0x1DA80] =	vst v63  }
0x18: {  	_ =	swait.ge [sflag:s16], $0x4F00  }
0x19: {  	[sflag:s16] =	ssyncset.done $0x0  }
0x1a: {  	s20 =	simm.s32 $0x0;
	[sflag:s16] =	ssyncadd.s32 $0xFFFFB100  }
0x1b: {  	v2 =	vld [tilespmem:s20+$0x4F00];
	_ =	sdelay $0x4  }
0x1c: {  	vm0 =	vne.s32 v2, $0x1388  }
0x1d: {  	v3 =	vsel vm0, $0x1, v0  }
0x1e: {  	(xrf0) =	vadd.scan.msk.s32 $0xffff, v3;
	_ =	sdelay $0x3  }
0x1f: {  	v3 =	vld [tilespmem:s20+$0x0];
	_ =	sdelay $0x1  }
0x20: {  	v4, _, _ =	vpop (xrf0)  }
0x21: {  	(v2sf) =	vpush v4, $0xF  }
0x22: {  	[tilespmem:s3+$0x4F00] =	vst.msk vm0, v2  }
0x23: {  	s22 =	simm.s32 $0x10;
	s21 =	simm.s32 $0x80;
	s20 =	simm.s32 $0x0;
	[tilespmem:s3+$0x0] =	vst.msk vm0, v3  }
.LBB2_2:
0x24: {  	p0 =	sne.s32 s21, $0x13AC0;
	v2 =	vld [tilespmem:s22+$0x4F00];
	_ =	sdelay $0x4  }
0x25: {  	vm0 =	vne.s32 v2, $0x1388  }
0x26: {  	v3 =	vsel vm0, $0x1, v0  }
0x27: {  	(xrf0) =	vadd.scan.msk.s32 $0xffff, v3;
	_ =	sdelay $0x2  }
0x28: {  	v3 =	vld [tilespmem:s22+$0x0];
	_ =	sdelay $0x1  }
.Ltmp0:
0x29: {  	s22 =	spop (v2sf);
	(pc) =	sbr.rel @p0 .LBB2_2-.Ltmp0, $4  }
0x2a: {  	v4, _, _ =	vpop (xrf0);
	s20 =	sadd.s32 s20, s22  }
0x2b: {  	[tilespmem:s20+$0x4F00] =	vst.msk vm0, v2;
	(v2sf) =	vpush v4, $0xF  }
0x2c: {  	[tilespmem:s20+$0x0] =	vst.msk vm0, v3  }
0x2d: {  	s22 =	sshra.s32 s21, $0x2;
	s21 =	sadd.s32 $0x40, s21  }
0x2e: {  	v2 =	vld [tilespmem:s22+$0x4F00];
	_ =	sdelay $0x4  }
0x2f: {  	vm0 =	vne.s32 v2, $0x1388  }
0x30: {  	v3 =	vsel vm0, $0x1, v0  }
0x31: {  	(xrf0) =	vadd.scan.msk.s32 $0xffff, v3;
	_ =	sdelay $0x5  }
0x32: {  	v3, _, _ =	vpop (xrf0)  }
0x33: {  	(v2sf) =	vpush v3, $0xF;
	_ =	sdelay $0xa  }
0x34: {  	v3 =	vld [tilespmem:s22+$0x0];
	_ =	sdelay $0x1  }
0x35: {  	s21 =	spop (v2sf)  }
0x36: {  	s20 =	sadd.s32 s20, s21  }
0x37: {  	[tilespmem:s20+$0x4F00] =	vst.msk vm0, v2;
	s30 =	spop (v2sf)  }
0x38: {  	[tilespmem:s20+$0x0] =	vst.msk vm0, v3;
	s20 =	sadd.s32 s20, s30  }
0x39: {  	[tilespmem:s20+$0x4F00] =	vst v1  }
0x3a: {  	[tilespmem:s20+$0x0] =	vst v0  }
0x3b: {  	[tilespmem:s20+$0x4F10] =	vst v1  }
0x3c: {  	[tilespmem:s20+$0x10] =	vst v0  }
0x3d: {  	[tilespmem:s20+$0x4F20] =	vst v1  }
0x3e: {  	[tilespmem:s20+$0x20] =	vst v0  }
0x3f: {  	[tilespmem:s20+$0x4F30] =	vst v1  }
0x40: {  	[tilespmem:s20+$0x30] =	vst v0  }
0x41: {  	[tilespmem:s20+$0x4F40] =	vst v1  }
0x42: {  	[tilespmem:s20+$0x40] =	vst v0  }
0x43: {  	[tilespmem:s20+$0x4F50] =	vst v1  }
0x44: {  	[tilespmem:s20+$0x50] =	vst v0  }
0x45: {  	s21 =	sadd.s32 $0x9F, s20;
	[tilespmem:s20+$0x4F60] =	vst v1  }
0x46: {  	[tilespmem:s20+$0x60] =	vst v0;
	s31 =	smulhi.u32 $0x66666667, s21;
	s23 =	sshra.s32 s21, $0x1F  }
0x47: {  	[tilespmem:s20+$0x4F70] =	vst v1;
	s23 =	smul.u32 $0x66666667, s23  }
0x48: {  	[tilespmem:s20+$0x70] =	vst v0  }
0x49: {  	[tilespmem:s20+$0x4F80] =	vst v1;
	s22 =	sadd.s32 s23, s31  }
0x4a: {  	[tilespmem:s20+$0x80] =	vst v0;
	s23 =	sshrl.u32 s22, $0x1F;
	s22 =	sshra.s32 s22, $0x6  }
0x4b: {  	s24 =	ssub.s32 $0xFFFFFF61, s20;
	[tilespmem:s20+$0x4F90] =	vst v1;
	s22 =	sadd.s32 s23, s22  }
0x4c: {  	[tilespmem:s20+$0x90] =	vst v0;
	p0 =	slt.s32 s21, $0x1;
	s21 =	sshrl.u32 s8, $0x3;
	s23 =	smul.u32 $0xFFFFFF60, s22  }
0x4d: {  	[spmem:s21], [sflag:s18] =	dma.local [hbm:s5], $0x1400  }
0x4e: {  	p1 =	sne.s32 s23, s24  }
0x4f: {  	p0 =	por !p0, !p1  }
0x50: {  	s20 =	simm.s32 $0x1;
	_ =	swait.ge [sflag:s16], $0x1400;
	p0 =	por !p0, !p0  }
0x51: {  	[sflag:s16] =	ssyncset.done $0x0;
	s20 =	simm.s32 @!p0 $0x0  }
0x52: {  	[sflag:s16] =	ssyncadd.s32 $0xFFFFEC00;
	s22 =	ssub.s32 s22, s20  }
0x53: {  	[bflag:$0x0] =	sbarrier.arrive $0xFFFF;
	p0 =	slt.s32 s22, $0x1  }
0x54: {  	s20 =	simm.s32 @!p0 $0x50;
	s23 =	simm.s32 @!p0 $0x0;
	s24 =	simm.s32 @!p0 $0x9E00  }
0x55: {  	[tilespmem:s24], [sflag:$0x1] =	stream.indirect.gather @!p0 [hbm4b:s4+s20], $0x80, s23, s20, $0xb8;
	[tilespmem:$0x1DA80] =	vst v63  }
0x56: {  	s25 =	simm.s32 $0x0;
	s23 =	simm.s32 @!p0 $0xC600  }
0x57: {  	[tilespmem:s23], [sflag:$0x2] =	stream.indirect.gather @!p0 [hbm4b:s4+s20], $0x80, s20, s20, $0xb8;
	[tilespmem:$0x1DA80] =	vst v63  }
0x58: {  	s24 =	simm.s32 $0x4FA0;
	s20 =	sshll.u32 s22, $0x1;
	s23 =	simm.s32 $0x190  }
.LBB2_4:
0x59: {  	p1 =	sge.s32 s25, s20  }
0x5a: {  	s26 =	simm.s32 @!p1 $0x1  }
0x5b: {  	_ =	swait.ge @!p1 [sflag:s26], $0x2800  }
0x5c: {  	[sflag:s26] =	ssyncset.done @!p1 $0x0  }
0x5d: {  	[sflag:s26] =	ssyncadd.s32 @!p1 $0xFFFFD800  }
0x5e: {  	v2 =	vld @!p1 [tilespmem:s24+$0xFFFFFF60];
	_ =	sdelay $0x6  }
0x5f: {  	vm0 =	vmmov @!p1 $0xffff;
	s26 =	simm.s32 @!p1 $0x9E00  }
0x60: {  	[spmem:s2] =	stream.indirect_vreg.scatter.add.f32 @!p1 [tilespmem:s26], [sflag:$0x5], $0x80, v2, vm0, $0xb8;
	[tilespmem:$0x1DA80] =	vst v63  }
0x61: {  	v2 =	vld @!p1 [tilespmem:s24+$0xFFFFFF70];
	_ =	sdelay $0x6  }
0x62: {  	s26 =	simm.s32 @!p1 $0xA600  }
0x63: {  	[spmem:s2] =	stream.indirect_vreg.scatter.add.f32 @!p1 [tilespmem:s26], [sflag:$0x5], $0x80, v2, vm0, $0xb8;
	[tilespmem:$0x1DA80] =	vst v63  }
0x64: {  	v2 =	vld @!p1 [tilespmem:s24+$0xFFFFFF80];
	_ =	sdelay $0x6  }
0x65: {  	s26 =	simm.s32 @!p1 $0xAE00  }
0x66: {  	[spmem:s2] =	stream.indirect_vreg.scatter.add.f32 @!p1 [tilespmem:s26], [sflag:$0x5], $0x80, v2, vm0, $0xb8;
	[tilespmem:$0x1DA80] =	vst v63  }
0x67: {  	v2 =	vld @!p1 [tilespmem:s24+$0xFFFFFF90];
	_ =	sdelay $0x6  }
0x68: {  	s26 =	simm.s32 @!p1 $0xB600  }
0x69: {  	[spmem:s2] =	stream.indirect_vreg.scatter.add.f32 @!p1 [tilespmem:s26], [sflag:$0x5], $0x80, v2, vm0, $0xb8;
	[tilespmem:$0x1DA80] =	vst v63  }
0x6a: {  	v2 =	vld @!p1 [tilespmem:s24+$0xFFFFFFA0];
	_ =	sdelay $0x4  }
0x6b: {  	p2 =	sne.s32 s25, $0x0;
	p3 =	sle.s32 s25, s20  }
0x6c: {  	p2 =	por !p2, !p3  }
0x6d: {  	p4 =	por !p2, !p2;
	s26 =	simm.s32 @!p1 $0xBE00  }
0x6e: {  	[spmem:s2] =	stream.indirect_vreg.scatter.add.f32 @!p1 [tilespmem:s26], [sflag:$0x5], $0x80, v2, vm0, $0xb8;
	[tilespmem:$0x1DA80] =	vst v63  }
0x6f: {  	s28 =	sadd.s32 $0x2, s25;
	s26 =	simm.s32 @p4 $0x7  }
0x70: {  	p3 =	sge.s32 s28, s20;
	_ =	swait.ge @p4 [sflag:s26], $0x2800  }
0x71: {  	s28 =	simm.s32 @!p3 $0x50;
	[sflag:s26] =	ssyncset.done @p4 $0x0  }
0x72: {  	s29 =	simm.s32 @!p3 $0xEE00;
	[sflag:s26] =	ssyncadd.s32 @p4 $0xFFFFD800;
	s26 =	sadd.s32 @!p3 $0xFFFFFF10, s23  }
0x73: {  	[tilespmem:s29], [sflag:$0x3] =	stream.indirect.gather @!p3 [hbm4b:s4+s28], $0x80, s26, s28, $0xb8;
	[tilespmem:$0x1DA80] =	vst v63  }
0x74: {  	s28 =	sadd.s32 $0x1, s25  }
0x75: {  	p2 =	sge.s32 s28, s20  }
0x76: {  	s26 =	simm.s32 @!p2 $0x2  }
0x77: {  	_ =	swait.ge @!p2 [sflag:s26], $0x2800  }
0x78: {  	[sflag:s26] =	ssyncset.done @!p2 $0x0  }
0x79: {  	[sflag:s26] =	ssyncadd.s32 @!p2 $0xFFFFD800  }
0x7a: {  	v2 =	vld @!p2 [tilespmem:s24+$0xFFFFFFB0];
	_ =	sdelay $0x6  }
0x7b: {  	vm0 =	vmmov @!p2 $0xffff;
	s26 =	simm.s32 @!p2 $0xC600  }
0x7c: {  	[spmem:s2] =	stream.indirect_vreg.scatter.add.f32 @!p2 [tilespmem:s26], [sflag:$0x6], $0x80, v2, vm0, $0xb8;
	[tilespmem:$0x1DA80] =	vst v63  }
0x7d: {  	v2 =	vld @!p2 [tilespmem:s24+$0xFFFFFFC0];
	_ =	sdelay $0x6  }
0x7e: {  	s26 =	simm.s32 @!p2 $0xCE00  }
0x7f: {  	[spmem:s2] =	stream.indirect_vreg.scatter.add.f32 @!p2 [tilespmem:s26], [sflag:$0x6], $0x80, v2, vm0, $0xb8;
	[tilespmem:$0x1DA80] =	vst v63  }
0x80: {  	v2 =	vld @!p2 [tilespmem:s24+$0xFFFFFFD0];
	_ =	sdelay $0x6  }
0x81: {  	s26 =	simm.s32 @!p2 $0xD600  }
0x82: {  	[spmem:s2] =	stream.indirect_vreg.scatter.add.f32 @!p2 [tilespmem:s26], [sflag:$0x6], $0x80, v2, vm0, $0xb8;
	[tilespmem:$0x1DA80] =	vst v63  }
0x83: {  	v2 =	vld @!p2 [tilespmem:s24+$0xFFFFFFE0];
	_ =	sdelay $0x6  }
0x84: {  	s26 =	simm.s32 @!p2 $0xDE00  }
0x85: {  	[spmem:s2] =	stream.indirect_vreg.scatter.add.f32 @!p2 [tilespmem:s26], [sflag:$0x6], $0x80, v2, vm0, $0xb8;
	[tilespmem:$0x1DA80] =	vst v63  }
0x86: {  	v2 =	vld @!p2 [tilespmem:s24+$0xFFFFFFF0];
	_ =	sdelay $0x6  }
0x87: {  	s26 =	simm.s32 @!p2 $0xE600  }
0x88: {  	[spmem:s2] =	stream.indirect_vreg.scatter.add.f32 @!p2 [tilespmem:s26], [sflag:$0x6], $0x80, v2, vm0, $0xb8;
	[tilespmem:$0x1DA80] =	vst v63  }
0x89: {  	s26 =	simm.s32 @p4 $0x8  }
0x8a: {  	_ =	swait.ge @p4 [sflag:s26], $0x2800  }
0x8b: {  	s30 =	sadd.s32 $0x3, s25;
	[sflag:s26] =	ssyncset.done @p4 $0x0  }
0x8c: {  	[sflag:s26] =	ssyncadd.s32 @p4 $0xFFFFD800;
	p4 =	sge.s32 s30, s20  }
0x8d: {  	s26 =	sadd.s32 @!p4 $0xFFFFFF60, s23;
	s28 =	simm.s32 @!p4 $0x50;
	s30 =	simm.s32 @!p4 $0x11600  }
0x8e: {  	[tilespmem:s30], [sflag:$0x4] =	stream.indirect.gather @!p4 [hbm4b:s4+s28], $0x80, s26, s28, $0xb8;
	[tilespmem:$0x1DA80] =	vst v63  }
0x8f: {  	s26 =	simm.s32 @!p3 $0x3  }
0x90: {  	_ =	swait.ge @!p3 [sflag:s26], $0x2800  }
0x91: {  	[sflag:s26] =	ssyncset.done @!p3 $0x0  }
0x92: {  	[sflag:s26] =	ssyncadd.s32 @!p3 $0xFFFFD800  }
0x93: {  	v2 =	vld @!p3 [tilespmem:s24+$0x0];
	_ =	sdelay $0x6  }
0x94: {  	vm0 =	vmmov @!p3 $0xffff  }
0x95: {  	[spmem:s2] =	stream.indirect_vreg.scatter.add.f32 @!p3 [tilespmem:s29], [sflag:$0x7], $0x80, v2, vm0, $0xb8;
	[tilespmem:$0x1DA80] =	vst v63  }
0x96: {  	v2 =	vld @!p3 [tilespmem:s24+$0x10];
	_ =	sdelay $0x6  }
0x97: {  	s26 =	simm.s32 @!p3 $0xF600  }
0x98: {  	[spmem:s2] =	stream.indirect_vreg.scatter.add.f32 @!p3 [tilespmem:s26], [sflag:$0x7], $0x80, v2, vm0, $0xb8;
	[tilespmem:$0x1DA80] =	vst v63  }
0x99: {  	v2 =	vld @!p3 [tilespmem:s24+$0x20];
	_ =	sdelay $0x6  }
0x9a: {  	s26 =	simm.s32 @!p3 $0xFE00  }
0x9b: {  	[spmem:s2] =	stream.indirect_vreg.scatter.add.f32 @!p3 [tilespmem:s26], [sflag:$0x7], $0x80, v2, vm0, $0xb8;
	[tilespmem:$0x1DA80] =	vst v63  }
0x9c: {  	v2 =	vld @!p3 [tilespmem:s24+$0x30];
	_ =	sdelay $0x6  }
0x9d: {  	s26 =	simm.s32 @!p3 $0x10600  }
0x9e: {  	[spmem:s2] =	stream.indirect_vreg.scatter.add.f32 @!p3 [tilespmem:s26], [sflag:$0x7], $0x80, v2, vm0, $0xb8;
	[tilespmem:$0x1DA80] =	vst v63  }
0x9f: {  	v2 =	vld @!p3 [tilespmem:s24+$0x40];
	_ =	sdelay $0x6  }
0xa0: {  	s26 =	simm.s32 @!p3 $0x10E00  }
0xa1: {  	[spmem:s2] =	stream.indirect_vreg.scatter.add.f32 @!p3 [tilespmem:s26], [sflag:$0x7], $0x80, v2, vm0, $0xb8;
	[tilespmem:$0x1DA80] =	vst v63  }
0xa2: {  	s26 =	simm.s32 @!p1 $0x5  }
0xa3: {  	_ =	swait.ge @!p1 [sflag:s26], $0x2800  }
0xa4: {  	s28 =	sadd.s32 $0x4, s25;
	[sflag:s26] =	ssyncset.done @!p1 $0x0  }
0xa5: {  	[sflag:s26] =	ssyncadd.s32 @!p1 $0xFFFFD800;
	p1 =	sge.s32 s28, s20  }
0xa6: {  	s26 =	sadd.s32 @!p1 $0xFFFFFFB0, s23;
	s29 =	simm.s32 @!p1 $0x50;
	s31 =	simm.s32 @!p1 $0x9E00  }
0xa7: {  	[tilespmem:s31], [sflag:$0x1] =	stream.indirect.gather @!p1 [hbm4b:s4+s29], $0x80, s26, s29, $0xb8;
	[tilespmem:$0x1DA80] =	vst v63  }
0xa8: {  	s26 =	simm.s32 @!p4 $0x4  }
0xa9: {  	_ =	swait.ge @!p4 [sflag:s26], $0x2800  }
0xaa: {  	[sflag:s26] =	ssyncset.done @!p4 $0x0  }
0xab: {  	[sflag:s26] =	ssyncadd.s32 @!p4 $0xFFFFD800  }
0xac: {  	v2 =	vld @!p4 [tilespmem:s24+$0x50];
	_ =	sdelay $0x6  }
0xad: {  	vm0 =	vmmov @!p4 $0xffff  }
0xae: {  	[spmem:s2] =	stream.indirect_vreg.scatter.add.f32 @!p4 [tilespmem:s30], [sflag:$0x8], $0x80, v2, vm0, $0xb8;
	[tilespmem:$0x1DA80] =	vst v63  }
0xaf: {  	v2 =	vld @!p4 [tilespmem:s24+$0x60];
	_ =	sdelay $0x6  }
0xb0: {  	s26 =	simm.s32 @!p4 $0x11E00  }
0xb1: {  	[spmem:s2] =	stream.indirect_vreg.scatter.add.f32 @!p4 [tilespmem:s26], [sflag:$0x8], $0x80, v2, vm0, $0xb8;
	[tilespmem:$0x1DA80] =	vst v63  }
0xb2: {  	v2 =	vld @!p4 [tilespmem:s24+$0x70];
	_ =	sdelay $0x6  }
0xb3: {  	s26 =	simm.s32 @!p4 $0x12600  }
0xb4: {  	[spmem:s2] =	stream.indirect_vreg.scatter.add.f32 @!p4 [tilespmem:s26], [sflag:$0x8], $0x80, v2, vm0, $0xb8;
	[tilespmem:$0x1DA80] =	vst v63  }
0xb5: {  	v2 =	vld @!p4 [tilespmem:s24+$0x80];
	_ =	sdelay $0x6  }
0xb6: {  	s26 =	simm.s32 @!p4 $0x12E00  }
0xb7: {  	[spmem:s2] =	stream.indirect_vreg.scatter.add.f32 @!p4 [tilespmem:s26], [sflag:$0x8], $0x80, v2, vm0, $0xb8;
	[tilespmem:$0x1DA80] =	vst v63  }
0xb8: {  	v2 =	vld @!p4 [tilespmem:s24+$0x90];
	_ =	sdelay $0x6  }
0xb9: {  	s26 =	simm.s32 @!p4 $0x13600  }
0xba: {  	[spmem:s2] =	stream.indirect_vreg.scatter.add.f32 @!p4 [tilespmem:s26], [sflag:$0x8], $0x80, v2, vm0, $0xb8;
	[tilespmem:$0x1DA80] =	vst v63  }
0xbb: {  	s26 =	simm.s32 @!p2 $0x6  }
0xbc: {  	s31 =	sadd.s32 $0x5, s25;
	_ =	swait.ge @!p2 [sflag:s26], $0x2800  }
0xbd: {  	p1 =	sge.s32 s31, s20;
	[sflag:s26] =	ssyncset.done @!p2 $0x0  }
0xbe: {  	s25 =	simm.s32 @!p1 $0x50;
	[sflag:s26] =	ssyncadd.s32 @!p2 $0xFFFFD800;
	s26 =	simm.s32 @!p1 $0xC600  }
0xbf: {  	[tilespmem:s26], [sflag:$0x2] =	stream.indirect.gather @!p1 [hbm4b:s4+s25], $0x80, s23, s25, $0xb8;
	[tilespmem:$0x1DA80] =	vst v63  }
0xc0: {  	p1 =	sne.s32 s28, $0xFC  }
.Ltmp1:
0xc1: {  	_ = 	snop;
	(pc) =	sbr.rel @p1 .LBB2_4-.Ltmp1, $2  }
0xc2: {  	_ =	sdelay $0x2  }
0xc3: {  	s24 =	sadd.s32 $0x140, s24;
	s23 =	sadd.s32 $0x140, s23;
	s25 =	smov.u32 s28  }
0xc4: {  	p1 =	slt.s32 s22, $0x7E  }
0xc5: {  	s23 =	simm.s32 @!p1 $0x7  }
0xc6: {  	p2 =	sne.s32 @!p1 s22, $0x7E;
	_ =	swait.ge @!p1 [sflag:s23], $0x2800  }
0xc7: {  	p3 =	por p2, p1;
	[sflag:s23] =	ssyncset.done @!p1 $0x0  }
0xc8: {  	s22 =	simm.s32 @!p3 $0x8;
	[sflag:s23] =	ssyncadd.s32 @!p1 $0xFFFFD800  }
0xc9: {  	_ =	swait.ge @!p3 [sflag:s22], $0x2800  }
0xca: {  	[sflag:s22] =	ssyncset.done @!p3 $0x0  }
0xcb: {  	[sflag:s22] =	ssyncadd.s32 @!p3 $0xFFFFD800  }
0xcc: {  	s22 =	sshrl.u32 s9, $0x3;
	[bflag:$0x0] =	sbarrier.arrive $0xFFFF  }
0xcd: {  	[hbm:s10], [sflag:s18] =	dma.local [spmem:s22], $0x1400  }
0xce: {  	_ =	swait.ge [sflag:s16], $0x1400  }
0xcf: {  	[sflag:s16] =	ssyncset.done $0x0  }
0xd0: {  	[sflag:s16] =	ssyncadd.s32 $0xFFFFEC00  }
0xd1: {  	[bflag:$0x0] =	sbarrier.arrive $0xFFFF  }
0xd2: {  	[spmem:s21], [sflag:s18] =	dma.local [hbm:s5], $0x1400  }
0xd3: {  	s24 =	simm.s32 @!p0 $0x9E00;
	p4 =	por @!p1 $0x0, $0x0;
	_ =	swait.ge [sflag:s16], $0x1400  }
0xd4: {  	p2 =	por !p2, p1;
	p3 =	por @!p3 $0x1, $0x1;
	[sflag:s16] =	ssyncset.done $0x0  }
0xd5: {  	s23 =	simm.s32 @!p0 $0x0;
	p3 =	por @!p2 p4, p4;
	[sflag:s16] =	ssyncadd.s32 $0xFFFFEC00  }
0xd6: {  	p2 =	por $0x0, $0x0;
	s21 =	simm.s32 @!p0 $0x50;
	[bflag:$0x0] =	sbarrier.arrive $0xFFFF  }
0xd7: {  	[tilespmem:s24], [sflag:$0x1] =	stream.indirect.gather @!p0 [hbm4b:s11+s21], $0x80, s23, s21, $0xb8;
	[tilespmem:$0x1DA80] =	vst v63  }
0xd8: {  	p2 =	por @!p1 p3, p3;
	s23 =	simm.s32 @!p0 $0xC600  }
0xd9: {  	[tilespmem:s23], [sflag:$0x2] =	stream.indirect.gather @!p0 [hbm4b:s11+s21], $0x80, s21, s21, $0xb8;
	[tilespmem:$0x1DA80] =	vst v63  }
0xda: {  	s24 =	simm.s32 $0x0;
	s21 =	simm.s32 $0x190;
	s23 =	simm.s32 $0x4FA0  }
.LBB2_6:
0xdb: {  	p0 =	sge.s32 s24, s20  }
0xdc: {  	s25 =	simm.s32 @!p0 $0x1  }
0xdd: {  	_ =	swait.ge @!p0 [sflag:s25], $0x2800  }
0xde: {  	[sflag:s25] =	ssyncset.done @!p0 $0x0  }
0xdf: {  	[sflag:s25] =	ssyncadd.s32 @!p0 $0xFFFFD800  }
0xe0: {  	v2 =	vld @!p0 [tilespmem:s23+$0xFFFFFF60];
	_ =	sdelay $0x6  }
0xe1: {  	vm0 =	vmmov @!p0 $0xffff;
	s25 =	simm.s32 @!p0 $0x9E00  }
0xe2: {  	[spmem:s2] =	stream.indirect_vreg.scatter.add.f32 @!p0 [tilespmem:s25], [sflag:$0x5], $0x80, v2, vm0, $0xb8;
	[tilespmem:$0x1DA80] =	vst v63  }
0xe3: {  	v2 =	vld @!p0 [tilespmem:s23+$0xFFFFFF70];
	_ =	sdelay $0x6  }
0xe4: {  	s25 =	simm.s32 @!p0 $0xA600  }
0xe5: {  	[spmem:s2] =	stream.indirect_vreg.scatter.add.f32 @!p0 [tilespmem:s25], [sflag:$0x5], $0x80, v2, vm0, $0xb8;
	[tilespmem:$0x1DA80] =	vst v63  }
0xe6: {  	v2 =	vld @!p0 [tilespmem:s23+$0xFFFFFF80];
	_ =	sdelay $0x6  }
0xe7: {  	s25 =	simm.s32 @!p0 $0xAE00  }
0xe8: {  	[spmem:s2] =	stream.indirect_vreg.scatter.add.f32 @!p0 [tilespmem:s25], [sflag:$0x5], $0x80, v2, vm0, $0xb8;
	[tilespmem:$0x1DA80] =	vst v63  }
0xe9: {  	v2 =	vld @!p0 [tilespmem:s23+$0xFFFFFF90];
	_ =	sdelay $0x6  }
0xea: {  	s25 =	simm.s32 @!p0 $0xB600  }
0xeb: {  	[spmem:s2] =	stream.indirect_vreg.scatter.add.f32 @!p0 [tilespmem:s25], [sflag:$0x5], $0x80, v2, vm0, $0xb8;
	[tilespmem:$0x1DA80] =	vst v63  }
0xec: {  	v2 =	vld @!p0 [tilespmem:s23+$0xFFFFFFA0];
	_ =	sdelay $0x4  }
0xed: {  	p3 =	sne.s32 s24, $0x0;
	p4 =	sle.s32 s24, s20  }
0xee: {  	p3 =	por !p3, !p4  }
0xef: {  	p5 =	por !p3, !p3;
	s25 =	simm.s32 @!p0 $0xBE00  }
0xf0: {  	[spmem:s2] =	stream.indirect_vreg.scatter.add.f32 @!p0 [tilespmem:s25], [sflag:$0x5], $0x80, v2, vm0, $0xb8;
	[tilespmem:$0x1DA80] =	vst v63  }
0xf1: {  	s26 =	sadd.s32 $0x2, s24;
	s25 =	simm.s32 @p5 $0x7  }
0xf2: {  	s29 =	sadd.s32 $0x1, s24;
	p4 =	sge.s32 s26, s20;
	_ =	swait.ge @p5 [sflag:s25], $0x2800  }
0xf3: {  	s26 =	simm.s32 @!p4 $0x50;
	s28 =	simm.s32 @!p4 $0xEE00;
	[sflag:s25] =	ssyncset.done @p5 $0x0  }
0xf4: {  	p3 =	sge.s32 s29, s20;
	[sflag:s25] =	ssyncadd.s32 @p5 $0xFFFFD800;
	s25 =	sadd.s32 @!p4 $0xFFFFFF10, s21  }
0xf5: {  	[tilespmem:s28], [sflag:$0x3] =	stream.indirect.gather @!p4 [hbm4b:s11+s26], $0x80, s25, s26, $0xb8;
	[tilespmem:$0x1DA80] =	vst v63  }
0xf6: {  	s25 =	simm.s32 @!p3 $0x2  }
0xf7: {  	_ =	swait.ge @!p3 [sflag:s25], $0x2800  }
0xf8: {  	[sflag:s25] =	ssyncset.done @!p3 $0x0  }
0xf9: {  	[sflag:s25] =	ssyncadd.s32 @!p3 $0xFFFFD800  }
0xfa: {  	v2 =	vld @!p3 [tilespmem:s23+$0xFFFFFFB0];
	_ =	sdelay $0x6  }
0xfb: {  	vm0 =	vmmov @!p3 $0xffff;
	s25 =	simm.s32 @!p3 $0xC600  }
0xfc: {  	[spmem:s2] =	stream.indirect_vreg.scatter.add.f32 @!p3 [tilespmem:s25], [sflag:$0x6], $0x80, v2, vm0, $0xb8;
	[tilespmem:$0x1DA80] =	vst v63  }
0xfd: {  	v2 =	vld @!p3 [tilespmem:s23+$0xFFFFFFC0];
	_ =	sdelay $0x6  }
0xfe: {  	s25 =	simm.s32 @!p3 $0xCE00  }
0xff: {  	[spmem:s2] =	stream.indirect_vreg.scatter.add.f32 @!p3 [tilespmem:s25], [sflag:$0x6], $0x80, v2, vm0, $0xb8;
	[tilespmem:$0x1DA80] =	vst v63  }
0x100: {  	v2 =	vld @!p3 [tilespmem:s23+$0xFFFFFFD0];
	_ =	sdelay $0x6  }
0x101: {  	s25 =	simm.s32 @!p3 $0xD600  }
0x102: {  	[spmem:s2] =	stream.indirect_vreg.scatter.add.f32 @!p3 [tilespmem:s25], [sflag:$0x6], $0x80, v2, vm0, $0xb8;
	[tilespmem:$0x1DA80] =	vst v63  }
0x103: {  	v2 =	vld @!p3 [tilespmem:s23+$0xFFFFFFE0];
	_ =	sdelay $0x6  }
0x104: {  	s25 =	simm.s32 @!p3 $0xDE00  }
0x105: {  	[spmem:s2] =	stream.indirect_vreg.scatter.add.f32 @!p3 [tilespmem:s25], [sflag:$0x6], $0x80, v2, vm0, $0xb8;
	[tilespmem:$0x1DA80] =	vst v63  }
0x106: {  	v2 =	vld @!p3 [tilespmem:s23+$0xFFFFFFF0];
	_ =	sdelay $0x6  }
0x107: {  	s25 =	simm.s32 @!p3 $0xE600  }
0x108: {  	[spmem:s2] =	stream.indirect_vreg.scatter.add.f32 @!p3 [tilespmem:s25], [sflag:$0x6], $0x80, v2, vm0, $0xb8;
	[tilespmem:$0x1DA80] =	vst v63  }
0x109: {  	s25 =	simm.s32 @p5 $0x8  }
0x10a: {  	_ =	swait.ge @p5 [sflag:s25], $0x2800  }
0x10b: {  	s30 =	sadd.s32 $0x3, s24;
	[sflag:s25] =	ssyncset.done @p5 $0x0  }
0x10c: {  	[sflag:s25] =	ssyncadd.s32 @p5 $0xFFFFD800;
	p5 =	sge.s32 s30, s20  }
0x10d: {  	s25 =	sadd.s32 @!p5 $0xFFFFFF60, s21;
	s26 =	simm.s32 @!p5 $0x50;
	s29 =	simm.s32 @!p5 $0x11600  }
0x10e: {  	[tilespmem:s29], [sflag:$0x4] =	stream.indirect.gather @!p5 [hbm4b:s11+s26], $0x80, s25, s26, $0xb8;
	[tilespmem:$0x1DA80] =	vst v63  }
0x10f: {  	s25 =	simm.s32 @!p4 $0x3  }
0x110: {  	_ =	swait.ge @!p4 [sflag:s25], $0x2800  }
0x111: {  	[sflag:s25] =	ssyncset.done @!p4 $0x0  }
0x112: {  	[sflag:s25] =	ssyncadd.s32 @!p4 $0xFFFFD800  }
0x113: {  	v2 =	vld @!p4 [tilespmem:s23+$0x0];
	_ =	sdelay $0x6  }
0x114: {  	vm0 =	vmmov @!p4 $0xffff  }
0x115: {  	[spmem:s2] =	stream.indirect_vreg.scatter.add.f32 @!p4 [tilespmem:s28], [sflag:$0x7], $0x80, v2, vm0, $0xb8;
	[tilespmem:$0x1DA80] =	vst v63  }
0x116: {  	v2 =	vld @!p4 [tilespmem:s23+$0x10];
	_ =	sdelay $0x6  }
0x117: {  	s25 =	simm.s32 @!p4 $0xF600  }
0x118: {  	[spmem:s2] =	stream.indirect_vreg.scatter.add.f32 @!p4 [tilespmem:s25], [sflag:$0x7], $0x80, v2, vm0, $0xb8;
	[tilespmem:$0x1DA80] =	vst v63  }
0x119: {  	v2 =	vld @!p4 [tilespmem:s23+$0x20];
	_ =	sdelay $0x6  }
0x11a: {  	s25 =	simm.s32 @!p4 $0xFE00  }
0x11b: {  	[spmem:s2] =	stream.indirect_vreg.scatter.add.f32 @!p4 [tilespmem:s25], [sflag:$0x7], $0x80, v2, vm0, $0xb8;
	[tilespmem:$0x1DA80] =	vst v63  }
0x11c: {  	v2 =	vld @!p4 [tilespmem:s23+$0x30];
	_ =	sdelay $0x6  }
0x11d: {  	s25 =	simm.s32 @!p4 $0x10600  }
0x11e: {  	[spmem:s2] =	stream.indirect_vreg.scatter.add.f32 @!p4 [tilespmem:s25], [sflag:$0x7], $0x80, v2, vm0, $0xb8;
	[tilespmem:$0x1DA80] =	vst v63  }
0x11f: {  	v2 =	vld @!p4 [tilespmem:s23+$0x40];
	_ =	sdelay $0x6  }
0x120: {  	s25 =	simm.s32 @!p4 $0x10E00  }
0x121: {  	[spmem:s2] =	stream.indirect_vreg.scatter.add.f32 @!p4 [tilespmem:s25], [sflag:$0x7], $0x80, v2, vm0, $0xb8;
	[tilespmem:$0x1DA80] =	vst v63  }
0x122: {  	s25 =	simm.s32 @!p0 $0x5  }
0x123: {  	_ =	swait.ge @!p0 [sflag:s25], $0x2800  }
0x124: {  	s26 =	sadd.s32 $0x4, s24;
	[sflag:s25] =	ssyncset.done @!p0 $0x0  }
0x125: {  	[sflag:s25] =	ssyncadd.s32 @!p0 $0xFFFFD800;
	p0 =	sge.s32 s26, s20  }
0x126: {  	s25 =	sadd.s32 @!p0 $0xFFFFFFB0, s21;
	s28 =	simm.s32 @!p0 $0x50;
	s30 =	simm.s32 @!p0 $0x9E00  }
0x127: {  	[tilespmem:s30], [sflag:$0x1] =	stream.indirect.gather @!p0 [hbm4b:s11+s28], $0x80, s25, s28, $0xb8;
	[tilespmem:$0x1DA80] =	vst v63  }
0x128: {  	s25 =	simm.s32 @!p5 $0x4  }
0x129: {  	_ =	swait.ge @!p5 [sflag:s25], $0x2800  }
0x12a: {  	[sflag:s25] =	ssyncset.done @!p5 $0x0  }
0x12b: {  	[sflag:s25] =	ssyncadd.s32 @!p5 $0xFFFFD800  }
0x12c: {  	v2 =	vld @!p5 [tilespmem:s23+$0x50];
	_ =	sdelay $0x6  }
0x12d: {  	vm0 =	vmmov @!p5 $0xffff  }
0x12e: {  	[spmem:s2] =	stream.indirect_vreg.scatter.add.f32 @!p5 [tilespmem:s29], [sflag:$0x8], $0x80, v2, vm0, $0xb8;
	[tilespmem:$0x1DA80] =	vst v63  }
0x12f: {  	v2 =	vld @!p5 [tilespmem:s23+$0x60];
	_ =	sdelay $0x6  }
0x130: {  	s25 =	simm.s32 @!p5 $0x11E00  }
0x131: {  	[spmem:s2] =	stream.indirect_vreg.scatter.add.f32 @!p5 [tilespmem:s25], [sflag:$0x8], $0x80, v2, vm0, $0xb8;
	[tilespmem:$0x1DA80] =	vst v63  }
0x132: {  	v2 =	vld @!p5 [tilespmem:s23+$0x70];
	_ =	sdelay $0x6  }
0x133: {  	s25 =	simm.s32 @!p5 $0x12600  }
0x134: {  	[spmem:s2] =	stream.indirect_vreg.scatter.add.f32 @!p5 [tilespmem:s25], [sflag:$0x8], $0x80, v2, vm0, $0xb8;
	[tilespmem:$0x1DA80] =	vst v63  }
0x135: {  	v2 =	vld @!p5 [tilespmem:s23+$0x80];
	_ =	sdelay $0x6  }
0x136: {  	s25 =	simm.s32 @!p5 $0x12E00  }
0x137: {  	[spmem:s2] =	stream.indirect_vreg.scatter.add.f32 @!p5 [tilespmem:s25], [sflag:$0x8], $0x80, v2, vm0, $0xb8;
	[tilespmem:$0x1DA80] =	vst v63  }
0x138: {  	v2 =	vld @!p5 [tilespmem:s23+$0x90];
	_ =	sdelay $0x6  }
0x139: {  	s25 =	simm.s32 @!p5 $0x13600  }
0x13a: {  	[spmem:s2] =	stream.indirect_vreg.scatter.add.f32 @!p5 [tilespmem:s25], [sflag:$0x8], $0x80, v2, vm0, $0xb8;
	[tilespmem:$0x1DA80] =	vst v63  }
0x13b: {  	s25 =	simm.s32 @!p3 $0x6  }
0x13c: {  	s31 =	sadd.s32 $0x5, s24;
	_ =	swait.ge @!p3 [sflag:s25], $0x2800  }
0x13d: {  	p0 =	sge.s32 s31, s20;
	[sflag:s25] =	ssyncset.done @!p3 $0x0  }
0x13e: {  	s24 =	simm.s32 @!p0 $0x50;
	[sflag:s25] =	ssyncadd.s32 @!p3 $0xFFFFD800;
	s25 =	simm.s32 @!p0 $0xC600  }
0x13f: {  	[tilespmem:s25], [sflag:$0x2] =	stream.indirect.gather @!p0 [hbm4b:s11+s24], $0x80, s21, s24, $0xb8;
	[tilespmem:$0x1DA80] =	vst v63  }
0x140: {  	p0 =	sne.s32 s26, $0xFC  }
.Ltmp2:
0x141: {  	_ = 	snop;
	(pc) =	sbr.rel @p0 .LBB2_6-.Ltmp2, $2  }
0x142: {  	_ =	sdelay $0x2  }
0x143: {  	s23 =	sadd.s32 $0x140, s23;
	s21 =	sadd.s32 $0x140, s21;
	s24 =	smov.u32 s26  }
0x144: {  	s20 =	simm.s32 @!p1 $0x7  }
0x145: {  	_ =	swait.ge @!p1 [sflag:s20], $0x2800  }
0x146: {  	[sflag:s20] =	ssyncset.done @!p1 $0x0  }
0x147: {  	[sflag:s20] =	ssyncadd.s32 @!p1 $0xFFFFD800;
	s20 =	simm.s32 @p2 $0x8  }
0x148: {  	_ =	swait.ge @p2 [sflag:s20], $0x2800  }
0x149: {  	[sflag:s20] =	ssyncset.done @p2 $0x0  }
0x14a: {  	s19 =	sadd.s32 $0x1, s19;
	[sflag:s20] =	ssyncadd.s32 @p2 $0xFFFFD800  }
0x14b: {  	p0 =	sne.s32 s19, s13;
	[bflag:$0x0] =	sbarrier.arrive $0xFFFF  }
0x14c: {  	[hbm:s12], [sflag:s18] =	dma.local [spmem:s22], $0x1400  }
.Ltmp3:
0x14d: {  	_ =	swait.ge [sflag:s16], $0x1400;
	(pc) =	sbr.rel @p0 .LBB2_1-.Ltmp3, $3  }
0x14e: {  	[sflag:s16] =	ssyncset.done $0x0  }
0x14f: {  	[sflag:s16] =	ssyncadd.s32 $0xFFFFEC00  }
0x150: {  	[bflag:$0x0] =	sbarrier.arrive $0xFFFF;
	_ =	sdelay $0x1  }
0x151: {  	_ =	sfence.sel $0x180000  }
0x152: {  	[bflag:$0x0] =	sbarrier.arrive $0xFFFF  }
0x153: {  	p0 =	sne.s32 s1, $0x0;
	_ =	strace $0x9000004A  }
0x154: {  	s0 =	sadd.s32 @!p0 $0x100000, s0;
	[bflag:$0x2] =	sbarrier.arrive $0xFFFF  }
0x155: {  	[sflag:s0] =	ssyncadd.tile.s32 @!p0 $0x1;
	_ =	shalt  }
.Lfunc_end2:
_tile_overlayer_lowered:
.L_overlay_start_2:
0x156: {  	(tag) =	ssettag $0x2  }
0x157: {  	s0 =	rddreg [dreg:$0x0];
	s2 =	stileid.u32  }
0x158: {  	s1 =	rddreg [dreg:$0x1];
	p0 =	sne.s32 s2, $0x0  }
0x159: {  	s3 =	rddreg [dreg:$0x2];
	[bflag:$0x3] =	sbarrier.arrive $0xFFFF;
	s2 =	simm.s32 @!p0 $0x1C09  }
0x15a: {  	[timem:s3], [sflag:s2] =	dma.local @!p0 [hbm:s0], s1  }
0x15b: {  	s0 =	simm.s32 @!p0 $0x9  }
0x15c: {  	_ =	swait.ge @!p0 [sflag:s0], s1  }
0x15d: {  	s1 =	ssub.s32 @!p0 $0x0, s1;
	[sflag:s0] =	ssyncset.done @!p0 $0x0  }
0x15e: {  	[sflag:s0] =	ssyncadd.s32 @!p0 s1  }
0x15f: {  	[bflag:$0x3] =	sbarrier.arrive $0xFFFF  }
0x160: {  	_ =	shalt  }

</sc_bundles>
